<compile_context>
chip_gen: v7x
topology: tpu7x:2x2x1
jax: 0.10.2.dev20260603
libtpu: 0.0.44.dev20260713+nightly
codegen_flags: <defaults>
</compile_context>

<pallas_src>
import functools

import jax
import jax.numpy as jnp
from jax import lax
from jax.experimental import pallas as pl
from jax.experimental.pallas import tpu as pltpu
from jax.experimental.pallas import tpu_sc as plsc

N = 10000
N_PAD = 10240
E = 320000
W128 = 128
NS = 16
NC = 2
STRIPE = N_PAD // NS
CHUNK = 64
CHUNKS_COL = 320
HALF_COL = CHUNKS_COL // 2
CHUNKS_EDGE = 160
STG = 80
E_PAD = NS * CHUNKS_COL * CHUNK
DST_SINK = N

_mesh = plsc.VectorSubcoreMesh(core_axis_name="c", subcore_axis_name="s")


def _fill_ones(buf, rows):
    @pl.loop(0, rows)
    def _fill(i):
        for k in range(8):
            buf[i, pl.ds(16 * k, 16)] = jnp.full((16,), 1.0, jnp.float32)


@functools.partial(
    pl.kernel,
    out_type=(jax.ShapeDtypeStruct((N_PAD, W128), jnp.float32),
              jax.ShapeDtypeStruct((N_PAD, W128), jnp.float32)),
    mesh=_mesh,
    scratch_types=[
        pltpu.VMEM((STG, CHUNK), jnp.int32),
        pltpu.VMEM((CHUNK, W128), jnp.float32),
        pltpu.VMEM_SHARED((N_PAD, W128), jnp.float32),
        pltpu.SemaphoreType.DMA,
    ],
)
def _deg_kernel(dst3, zeros, p0, p1, dstbuf, ones_buf, acc, ssem):
    cid = lax.axis_index("c")
    sid = lax.axis_index("s")
    r0 = sid * STRIPE
    wid = cid * NS + sid

    _fill_ones(ones_buf, CHUNK)

    @pl.when(cid == 0)
    def _init0():
        for k in range(STRIPE // CHUNK):
            pltpu.sync_copy(ones_buf, acc.at[pl.ds(r0 + k * CHUNK, CHUNK)])

    @pl.when(cid == 1)
    def _init1():
        pltpu.sync_copy(zeros, acc.at[pl.ds(r0, STRIPE)])

    plsc.subcore_barrier()

    for h in range(CHUNKS_EDGE // STG):
        pltpu.sync_copy(dst3.at[wid].at[pl.ds(h * STG, STG)], dstbuf)

        @pl.loop(0, STG)
        def _chunk(j):
            pltpu.async_copy(ones_buf, acc.at[dstbuf.at[j]], ssem, add=True)

            @pl.when(j >= 1)
            def _w():
                pltpu.make_async_copy(ones_buf, acc.at[dstbuf.at[j]],
                                      ssem).wait()

        pltpu.make_async_copy(ones_buf, acc.at[dstbuf.at[0]], ssem).wait()

    plsc.subcore_barrier()

    @pl.when(cid == 0)
    def _out0():
        pltpu.sync_copy(acc.at[pl.ds(r0, STRIPE)], p0.at[pl.ds(r0, STRIPE)])

    @pl.when(cid == 1)
    def _out1():
        pltpu.sync_copy(acc.at[pl.ds(r0, STRIPE)], p1.at[pl.ds(r0, STRIPE)])


def _gather_scatter_pipe(tref, srcbuf, dstbuf, rows0, rows1, gsem0, gsem1,
                         acc, base, n):
    pltpu.async_copy(tref.at[srcbuf.at[base]], rows0, gsem0)

    @pl.loop(0, n // 2)
    def _s(s):
        j = base + 2 * s
        pltpu.make_async_copy(tref.at[srcbuf.at[j]], rows0, gsem0).wait()
        pltpu.async_copy(tref.at[srcbuf.at[j + 1]], rows1, gsem1)
        pltpu.make_async_copy(tref.at[srcbuf.at[j + 1]], rows1, gsem1).wait()

        @pl.when(j + 2 < base + n)
        def _pf():
            pltpu.async_copy(tref.at[srcbuf.at[j + 2]], rows0, gsem0)



@functools.partial(
    pl.kernel,
    out_type=(jax.ShapeDtypeStruct((N_PAD, W128), jnp.float32),
              jax.ShapeDtypeStruct((N_PAD, W128), jnp.float32)),
    mesh=_mesh,
    scratch_types=[
        pltpu.VMEM((STG, CHUNK), jnp.int32),
        pltpu.VMEM((STG, CHUNK), jnp.int32),
        pltpu.VMEM((CHUNK, W128), jnp.float32),
        pltpu.VMEM((CHUNK, W128), jnp.float32),
        pltpu.VMEM_SHARED((N_PAD, W128), jnp.float32),
        pltpu.SemaphoreType.DMA,
        pltpu.SemaphoreType.DMA,
    ],
)
def _agg_edge(t, src3, dst3, zeros, p0, p1, srcbuf, dstbuf, rows0, rows1,
              acc, gsem0, gsem1):
    cid = lax.axis_index("c")
    sid = lax.axis_index("s")
    r0 = sid * STRIPE
    wid = cid * NS + sid

    @pl.when(cid == 0)
    def _init0():
        pltpu.sync_copy(t.at[pl.ds(r0, STRIPE)], acc.at[pl.ds(r0, STRIPE)])

    @pl.when(cid == 1)
    def _init1():
        pltpu.sync_copy(zeros, acc.at[pl.ds(r0, STRIPE)])

    plsc.subcore_barrier()

    for h in range(CHUNKS_EDGE // STG):
        pltpu.sync_copy(src3.at[wid].at[pl.ds(h * STG, STG)], srcbuf)
        pltpu.sync_copy(dst3.at[wid].at[pl.ds(h * STG, STG)], dstbuf)
        _gather_scatter_pipe(t, srcbuf, dstbuf, rows0, rows1, gsem0, gsem1,
                             acc, 0, STG)

    plsc.subcore_barrier()

    @pl.when(cid == 0)
    def _out0():
        pltpu.sync_copy(acc.at[pl.ds(r0, STRIPE)], p0.at[pl.ds(r0, STRIPE)])

    @pl.when(cid == 1)
    def _out1():
        pltpu.sync_copy(acc.at[pl.ds(r0, STRIPE)], p1.at[pl.ds(r0, STRIPE)])


@functools.partial(
    pl.kernel,
    out_type=(jax.ShapeDtypeStruct((N_PAD, W128), jnp.float32),
              jax.ShapeDtypeStruct((N_PAD, W128), jnp.float32)),
    mesh=_mesh,
    scratch_types=[
        pltpu.VMEM((STG, CHUNK), jnp.int32),
        pltpu.VMEM((STG, CHUNK), jnp.int32),
        pltpu.VMEM((CHUNK, W128), jnp.float32),
        pltpu.VMEM((CHUNK, W128), jnp.float32),
        pltpu.VMEM_SHARED((N_PAD, W128), jnp.float32),
        pltpu.SemaphoreType.DMA,
        pltpu.SemaphoreType.DMA,
    ],
)
def _agg_col(t_a, t_b, src3, dst3, s_a, s_b, srcbuf, dstbuf, rows0, rows1,
             acc, gsem0, gsem1):
    cid = lax.axis_index("c")
    sid = lax.axis_index("s")
    r0 = sid * STRIPE

    @pl.when(cid == 0)
    def _init_a():
        pltpu.sync_copy(t_a.at[pl.ds(r0, STRIPE)], acc.at[pl.ds(r0, STRIPE)])

    @pl.when(cid == 1)
    def _init_b():
        pltpu.sync_copy(t_b.at[pl.ds(r0, STRIPE)], acc.at[pl.ds(r0, STRIPE)])

    plsc.subcore_barrier()

    for c_val, tref in ((0, t_a), (1, t_b)):
        @pl.when(cid == c_val)
        def _scatter():
            for h in range(CHUNKS_COL // STG):
                pltpu.sync_copy(
                    src3.at[sid].at[pl.ds(h * STG, STG)], srcbuf)
                pltpu.sync_copy(
                    dst3.at[sid].at[pl.ds(h * STG, STG)], dstbuf)
                _gather_scatter_pipe(tref, srcbuf, dstbuf, rows0, rows1,
                                     gsem0, gsem1, acc, 0, STG)

    plsc.subcore_barrier()

    @pl.when(cid == 0)
    def _out_a():
        pltpu.sync_copy(acc.at[pl.ds(r0, STRIPE)], s_a.at[pl.ds(r0, STRIPE)])

    @pl.when(cid == 1)
    def _out_b():
        pltpu.sync_copy(acc.at[pl.ds(r0, STRIPE)], s_b.at[pl.ds(r0, STRIPE)])


_R = 1024
_GRID = (N_PAD // _R,)
_HI = lax.Precision.HIGHEST


def _rows_spec(w):
    return pl.BlockSpec((_R, w), lambda i: (i, 0))


def _full_spec(a, b):
    return pl.BlockSpec((a, b), lambda i: (0, 0))


def _leaky(y):
    return jnp.where(y >= 0, y, 0.01 * y)


def _shapes(*ws):
    return tuple(jax.ShapeDtypeStruct((N_PAD, w), jnp.float32) for w in ws)


def _tc0_body(degp0, degp1, x, dinv16, t1):
    dv = lax.rsqrt(degp0[:, 0:1] + degp1[:, 0:1])
    dinv16[...] = jnp.broadcast_to(dv, (_R, 16))
    t1[...] = x[...] * dv


def _tc0(degp0, degp1, x):
    return pl.pallas_call(
        _tc0_body,
        grid=_GRID,
        in_specs=[_rows_spec(W128), _rows_spec(W128), _rows_spec(128)],
        out_specs=(_rows_spec(16), _rows_spec(128)),
        out_shape=(jax.ShapeDtypeStruct((N_PAD, 16), jnp.float32),) + _shapes(128),
    )(degp0, degp1, x)


def _tc_aa_body(dinv16, p0, p1, W, b, t_next):
    dv = dinv16[:, 0:1]
    s = p0[...] + p1[...]
    y = jnp.dot(s * dv, W[...], precision=_HI,
                preferred_element_type=jnp.float32) + b[...]
    t_next[...] = _leaky(y) * dv


def _tc_aa(dinv16, p0, p1, W, b):
    return pl.pallas_call(
        _tc_aa_body,
        grid=_GRID,
        in_specs=[_rows_spec(16), _rows_spec(128), _rows_spec(128),
                  _full_spec(128, 128), _full_spec(1, 128)],
        out_specs=_rows_spec(128),
        out_shape=_shapes(128)[0],
    )(dinv16, p0, p1, W, b)


def _tc_am_body(dinv16, p0, p1, W1, b1, W2, ta, tb):
    dv = dinv16[:, 0:1]
    s = p0[...] + p1[...]
    y = jnp.dot(s * dv, W1[...], precision=_HI,
                preferred_element_type=jnp.float32) + b1[...]
    t = jnp.dot(_leaky(y), W2[...], precision=_HI,
                preferred_element_type=jnp.float32) * dv
    ta[...] = t[:, :128]
    tb[...] = t[:, 128:]


def _tc_am(dinv16, p0, p1, W1, b1, W2):
    return pl.pallas_call(
        _tc_am_body,
        grid=_GRID,
        in_specs=[_rows_spec(16), _rows_spec(128), _rows_spec(128),
                  _full_spec(128, 256), _full_spec(1, 256), _full_spec(256, 256)],
        out_specs=(_rows_spec(128), _rows_spec(128)),
        out_shape=_shapes(128, 128),
    )(dinv16, p0, p1, W1, b1, W2)


def _tc_mm_body(dinv16, sa, sb, b, W, t_next):
    dv = dinv16[:, 0:1]
    s = jnp.concatenate([sa[...], sb[...]], axis=1)
    a = _leaky(s * dv + b[...])
    t_next[...] = jnp.dot(a, W[...], precision=_HI,
                          preferred_element_type=jnp.float32) * dv


def _tc_mm(dinv16, sa, sb, b, W):
    return pl.pallas_call(
        _tc_mm_body,
        grid=_GRID,
        in_specs=[_rows_spec(16), _rows_spec(128), _rows_spec(128),
                  _full_spec(1, 256), _full_spec(256, 128)],
        out_specs=_rows_spec(128),
        out_shape=_shapes(128)[0],
    )(dinv16, sa, sb, b, W)


def _tc_ma_body(dinv16, p0, p1, b, t_next):
    dv = dinv16[:, 0:1]
    s = p0[...] + p1[...]
    t_next[...] = _leaky(s * dv + b[...]) * dv


def _tc_ma(dinv16, p0, p1, b):
    return pl.pallas_call(
        _tc_ma_body,
        grid=_GRID,
        in_specs=[_rows_spec(16), _rows_spec(128), _rows_spec(128),
                  _full_spec(1, 128)],
        out_specs=_rows_spec(128),
        out_shape=_shapes(128)[0],
    )(dinv16, p0, p1, b)


def _tc_final_body(dinv16, p0, p1, W6, b6, Wp, bp, out):
    dv = dinv16[:, 0:1]
    s = p0[...] + p1[...]
    y = jnp.dot(s * dv, W6[...], precision=_HI,
                preferred_element_type=jnp.float32) + b6[...]
    out[...] = jnp.dot(_leaky(y), Wp[...], precision=_HI,
                       preferred_element_type=jnp.float32) + bp[...]


def _tc_final(dinv16, p0, p1, W6, b6, Wp, bp):
    return pl.pallas_call(
        _tc_final_body,
        grid=_GRID,
        in_specs=[_rows_spec(16), _rows_spec(128), _rows_spec(128),
                  _full_spec(128, 64), _full_spec(1, 64),
                  _full_spec(64, 40), _full_spec(1, 40)],
        out_specs=_rows_spec(40),
        out_shape=jax.ShapeDtypeStruct((N_PAD, 40), jnp.float32),
    )(dinv16, p0, p1, W6, b6, Wp, bp)


def _pad_reshape(a, parts, chunks, fill):
    pad = parts * chunks * CHUNK - E
    return jnp.concatenate(
        [a, jnp.full((pad,), fill, jnp.int32)]).reshape(parts, chunks, CHUNK)


def kernel(x, edge_index, W1, b1, W2, b2, W3, b3, W4, b4, W5, b5, W6, b6, Wp, bp):
    src = edge_index[0].astype(jnp.int32)
    dst = edge_index[1].astype(jnp.int32)
    src3c = _pad_reshape(src, NS, CHUNKS_COL, 0)
    dst3c = _pad_reshape(dst, NS, CHUNKS_COL, DST_SINK)
    src3e = _pad_reshape(src, NS * NC, CHUNKS_EDGE, 0)
    dst3e = _pad_reshape(dst, NS * NC, CHUNKS_EDGE, DST_SINK)

    xp = jnp.pad(x, ((0, N_PAD - N), (0, 0)))
    zeros = jnp.zeros((STRIPE, W128), jnp.float32)

    b1r, b2r, b3r, b4r, b5r, b6r, bpr = (
        b.reshape(1, -1) for b in (b1, b2, b3, b4, b5, b6, bp))

    dg0, dg1 = _deg_kernel(dst3e, zeros)
    dinv16, t1 = _tc0(dg0, dg1, xp)
    p0, p1 = _agg_edge(t1, src3e, dst3e, zeros)
    t2 = _tc_aa(dinv16, p0, p1, W1, b1r)
    p0, p1 = _agg_edge(t2, src3e, dst3e, zeros)
    t3 = _tc_aa(dinv16, p0, p1, W2, b2r)
    p0, p1 = _agg_edge(t3, src3e, dst3e, zeros)
    t4a, t4b = _tc_am(dinv16, p0, p1, W3, b3r, W4)
    s4a, s4b = _agg_col(t4a, t4b, src3c, dst3c)
    t5 = _tc_mm(dinv16, s4a, s4b, b4r, W5)
    p0, p1 = _agg_edge(t5, src3e, dst3e, zeros)
    t6 = _tc_ma(dinv16, p0, p1, b5r)
    p0, p1 = _agg_edge(t6, src3e, dst3e, zeros)
    out = _tc_final(dinv16, p0, p1, W6, b6r, Wp, bpr)
    return out[:N]

# --- scband reference (transcript-rebuilt; emitter-appended) ---
"""Pipeline reference for scband-deep-gcnet-10926396801127 (READ-ONLY COPY).

The authoritative reference and input builder live on the scoring server;
editing this copy changes nothing except your own understanding.
"""

import jax, jax.numpy as jnp
import numpy as np

N_NODES = 10000
N_EDGES = 320000
NUM_FT = 128
NUM_CLASS = 40
DIMS = [(NUM_FT, 128), (128, 128), (128, 256), (256, 256), (256, 128), (128, 64)]


def setup_inputs(seed: int = 0) -> dict:
    key = jax.random.key(seed)
    ks = [jax.random.fold_in(key, i) for i in range(40)]
    inp = {}
    inp['x'] = jax.random.normal(ks[0], (N_NODES, NUM_FT), dtype=jnp.float32)
    inp['edge_index'] = jax.random.randint(ks[1], (2, N_EDGES), 0, N_NODES, dtype=jnp.int64)
    ki = 2
    for li, (fin, fout) in enumerate(DIMS, start=1):
        inp[f'W{li}'] = jax.random.normal(ks[ki], (fin, fout), dtype=jnp.float32) * (1.0 / np.sqrt(fin)); ki += 1
        inp[f'b{li}'] = jnp.zeros((fout,), dtype=jnp.float32)
    inp['Wp'] = jax.random.normal(ks[ki], (64, NUM_CLASS), dtype=jnp.float32) * (1.0 / np.sqrt(64.0)); ki += 1
    inp['bp'] = jnp.zeros((NUM_CLASS,), dtype=jnp.float32)
    return inp


def gcn_conv(x, W, b, src, dst):
    n = x.shape[0]
    h = x @ W
    loop = jnp.arange(n, dtype=src.dtype)
    s = jnp.concatenate([src, loop])
    d = jnp.concatenate([dst, loop])
    deg = jax.ops.segment_sum(jnp.ones(d.shape[0], dtype=h.dtype), d, num_segments=n)
    dinv = jnp.where(deg > 0, jax.lax.rsqrt(deg), 0.0)
    norm = dinv[s] * dinv[d]
    msg = h[s] * norm[:, None]
    out = jax.ops.segment_sum(msg, d, num_segments=n)
    return out + b


def reference(x, edge_index, W1, b1, W2, b2, W3, b3, W4, b4, W5, b5, W6, b6, Wp, bp):
    src, dst = edge_index[0], edge_index[1]
    h = x
    params = [(W1, b1), (W2, b2), (W3, b3), (W4, b4), (W5, b5), (W6, b6)]
    for (W, b) in params:
        h = gcn_conv(h, W, b, src, dst)
        h = jax.nn.leaky_relu(h, negative_slope=0.01)
    # dropout treated as identity (eval-mode determinism)
    out = h @ Wp + bp
    return out

if __name__ == "__main__":
    import jax
    _d = setup_inputs()
    print(jax.jit(kernel)(*tuple(_d.values())))

</pallas_src>

<mosaic_0001>
#map = affine_map<(d0, d1) -> (0, 0)>
#map1 = affine_map<(d0, d1) -> (0, 0, 0)>
module attributes {stable_mosaic.version = 14 : i64} {
  func.func @_agg_edge(%arg0: i32, %arg1: i32, %arg2: memref<10240x128xf32, #tpu.memory_space<hbm>>, %arg3: memref<32x160x64xi32, #tpu.memory_space<hbm>>, %arg4: memref<32x160x64xi32, #tpu.memory_space<hbm>>, %arg5: memref<640x128xf32, #tpu.memory_space<hbm>>, %arg6: memref<10240x128xf32, #tpu.memory_space<hbm>>, %arg7: memref<10240x128xf32, #tpu.memory_space<hbm>>, %arg8: memref<80x64xi32, #tpu.memory_space<vmem>>, %arg9: memref<80x64xi32, #tpu.memory_space<vmem>>, %arg10: memref<64x128xf32, #tpu.memory_space<vmem>>, %arg11: memref<64x128xf32, #tpu.memory_space<vmem>>, %arg12: memref<10240x128xf32, #tpu.memory_space<vmem_shared>>, %arg13: memref<!tpu.dma_semaphore, #tpu.memory_space<semaphore_mem>>, %arg14: memref<!tpu.dma_semaphore, #tpu.memory_space<semaphore_mem>>) attributes {dimension_semantics = [#tpu.dimension_semantics<core_parallel>, #tpu.dimension_semantics<subcore_parallel>], iteration_bounds = array<i64: 2, 16>, scalar_prefetch = 0 : i64, scratch_operands = 7 : i64, tpu.core_type = #tpu.core_type<sc_vector_subcore>, window_params = [{transform_indices = #map}, {transform_indices = #map1}, {transform_indices = #map1}, {transform_indices = #map}, {transform_indices = #map}, {transform_indices = #map}]} {
    %mul3A = arith.constant 640 : i32
    %mul3A_0 = arith.muli %arg1, %mul3A : i32
    %mul3A_1 = arith.constant 16 : i32
    %mul3A_2 = arith.muli %arg0, %mul3A_1 : i32
    %add3A = arith.addi %mul3A_2, %arg1 : i32
    %eq3A = arith.constant 0 : i32
    %eq3A_3 = arith.cmpi eq, %arg0, %eq3A : i32
    %convert_element_type3A = arith.extui %eq3A_3 : i1 to i32
    %cond3A = arith.constant 0 : i32
    %cond3A_4 = arith.cmpi ne, %convert_element_type3A, %cond3A : i32
    scf.if %cond3A_4 {
      "tpu.region"() ({
        %run_scoped3A = tpu.sem_alloc : memref<!tpu.dma_semaphore, #tpu.memory_space<semaphore_mem>>
        %dma_start3A_43 = arith.constant 0 : i32
        %dma_start3A_44 = tpu.memref_slice %arg12[%mul3A_0, %dma_start3A_43] : memref<10240x128xf32, #tpu.memory_space<vmem_shared>> -> memref<640x128xf32, #tpu.memory_space<vmem_shared>>
        %dma_start3A_45 = arith.constant 0 : i32
        %dma_start3A_46 = tpu.memref_slice %arg2[%mul3A_0, %dma_start3A_45] : memref<10240x128xf32, #tpu.memory_space<hbm>> -> memref<640x128xf32, #tpu.memory_space<hbm>>
        tpu.enqueue_dma source(%dma_start3A_46 : memref<640x128xf32, #tpu.memory_space<hbm>>) target(%dma_start3A_44 : memref<640x128xf32, #tpu.memory_space<vmem_shared>>) target_semaphore(%run_scoped3A : memref<!tpu.dma_semaphore, #tpu.memory_space<semaphore_mem>>)
        %dma_wait3A = arith.constant 0 : i32
        %dma_wait3A_47 = tpu.memref_slice %arg12[%mul3A_0, %dma_wait3A] : memref<10240x128xf32, #tpu.memory_space<vmem_shared>> -> memref<640x128xf32, #tpu.memory_space<vmem_shared>>
        %dma_wait3A_48 = arith.constant 0 : i32
        %dma_wait3A_49 = tpu.memref_slice %arg2[%mul3A_0, %dma_wait3A_48] : memref<10240x128xf32, #tpu.memory_space<hbm>> -> memref<640x128xf32, #tpu.memory_space<hbm>>
        tpu.wait_dma2 semaphore(%run_scoped3A : memref<!tpu.dma_semaphore, #tpu.memory_space<semaphore_mem>>) src(%dma_wait3A_49 : memref<640x128xf32, #tpu.memory_space<hbm>>) dst(%dma_wait3A_47 : memref<640x128xf32, #tpu.memory_space<vmem_shared>>)
        tpu.yield
      }) : () -> ()
    } else {
    }
    %eq3A_5 = arith.constant 1 : i32
    %eq3A_6 = arith.cmpi eq, %arg0, %eq3A_5 : i32
    %convert_element_type3A_7 = arith.extui %eq3A_6 : i1 to i32
    %cond3A_8 = arith.constant 0 : i32
    %cond3A_9 = arith.cmpi ne, %convert_element_type3A_7, %cond3A_8 : i32
    scf.if %cond3A_9 {
      "tpu.region"() ({
        %run_scoped3A = tpu.sem_alloc : memref<!tpu.dma_semaphore, #tpu.memory_space<semaphore_mem>>
        %dma_start3A_43 = arith.constant 0 : i32
        %dma_start3A_44 = tpu.memref_slice %arg12[%mul3A_0, %dma_start3A_43] : memref<10240x128xf32, #tpu.memory_space<vmem_shared>> -> memref<640x128xf32, #tpu.memory_space<vmem_shared>>
        tpu.enqueue_dma source(%arg5 : memref<640x128xf32, #tpu.memory_space<hbm>>) target(%dma_start3A_44 : memref<640x128xf32, #tpu.memory_space<vmem_shared>>) target_semaphore(%run_scoped3A : memref<!tpu.dma_semaphore, #tpu.memory_space<semaphore_mem>>)
        %dma_wait3A = arith.constant 0 : i32
        %dma_wait3A_45 = tpu.memref_slice %arg12[%mul3A_0, %dma_wait3A] : memref<10240x128xf32, #tpu.memory_space<vmem_shared>> -> memref<640x128xf32, #tpu.memory_space<vmem_shared>>
        tpu.wait_dma2 semaphore(%run_scoped3A : memref<!tpu.dma_semaphore, #tpu.memory_space<semaphore_mem>>) src(%arg5 : memref<640x128xf32, #tpu.memory_space<hbm>>) dst(%dma_wait3A_45 : memref<640x128xf32, #tpu.memory_space<vmem_shared>>)
        tpu.yield
      }) : () -> ()
    } else {
    }
    %barrier3A = arith.constant 0 : index
    tpu.barrier barrier_id(%barrier3A)
    "tpu.region"() ({
      %run_scoped3A = tpu.sem_alloc : memref<!tpu.dma_semaphore, #tpu.memory_space<semaphore_mem>>
      %dma_start3A_43 = arith.constant 0 : i32
      %dma_start3A_44 = arith.constant 0 : i32
      %dma_start3A_45 = tpu.memref_slice %arg3[%add3A, %dma_start3A_43, %dma_start3A_44] : memref<32x160x64xi32, #tpu.memory_space<hbm>> -> memref<1x160x64xi32, #tpu.memory_space<hbm>>
      %dma_start3A_46 = tpu.memref_squeeze %dma_start3A_45 : memref<1x160x64xi32, #tpu.memory_space<hbm>> -> memref<160x64xi32, #tpu.memory_space<hbm>>
      %dma_start3A_47 = arith.constant 0 : i32
      %dma_start3A_48 = arith.constant 0 : i32
      %dma_start3A_49 = tpu.memref_slice %dma_start3A_46[%dma_start3A_47, %dma_start3A_48] : memref<160x64xi32, #tpu.memory_space<hbm>> -> memref<80x64xi32, #tpu.memory_space<hbm>>
      %dma_start3A_50 = arith.constant 0 : i32
      %dma_start3A_51 = arith.constant 0 : i32
      %dma_start3A_52 = tpu.memref_slice %arg3[%add3A, %dma_start3A_50, %dma_start3A_51] : memref<32x160x64xi32, #tpu.memory_space<hbm>> -> memref<1x160x64xi32, #tpu.memory_space<hbm>>
      %dma_start3A_53 = tpu.memref_squeeze %dma_start3A_52 : memref<1x160x64xi32, #tpu.memory_space<hbm>> -> memref<160x64xi32, #tpu.memory_space<hbm>>
      %dma_start3A_54 = arith.constant 0 : i32
      %dma_start3A_55 = arith.constant 0 : i32
      %dma_start3A_56 = tpu.memref_slice %dma_start3A_53[%dma_start3A_54, %dma_start3A_55] : memref<160x64xi32, #tpu.memory_space<hbm>> -> memref<80x64xi32, #tpu.memory_space<hbm>>
      tpu.enqueue_dma source(%dma_start3A_56 : memref<80x64xi32, #tpu.memory_space<hbm>>) target(%arg8 : memref<80x64xi32, #tpu.memory_space<vmem>>) target_semaphore(%run_scoped3A : memref<!tpu.dma_semaphore, #tpu.memory_space<semaphore_mem>>)
      %dma_wait3A = arith.constant 0 : i32
      %dma_wait3A_57 = arith.constant 0 : i32
      %dma_wait3A_58 = tpu.memref_slice %arg3[%add3A, %dma_wait3A, %dma_wait3A_57] : memref<32x160x64xi32, #tpu.memory_space<hbm>> -> memref<1x160x64xi32, #tpu.memory_space<hbm>>
      %dma_wait3A_59 = tpu.memref_squeeze %dma_wait3A_58 : memref<1x160x64xi32, #tpu.memory_space<hbm>> -> memref<160x64xi32, #tpu.memory_space<hbm>>
      %dma_wait3A_60 = arith.constant 0 : i32
      %dma_wait3A_61 = arith.constant 0 : i32
      %dma_wait3A_62 = tpu.memref_slice %dma_wait3A_59[%dma_wait3A_60, %dma_wait3A_61] : memref<160x64xi32, #tpu.memory_space<hbm>> -> memref<80x64xi32, #tpu.memory_space<hbm>>
      %dma_wait3A_63 = arith.constant 0 : i32
      %dma_wait3A_64 = arith.constant 0 : i32
      %dma_wait3A_65 = tpu.memref_slice %arg3[%add3A, %dma_wait3A_63, %dma_wait3A_64] : memref<32x160x64xi32, #tpu.memory_space<hbm>> -> memref<1x160x64xi32, #tpu.memory_space<hbm>>
      %dma_wait3A_66 = tpu.memref_squeeze %dma_wait3A_65 : memref<1x160x64xi32, #tpu.memory_space<hbm>> -> memref<160x64xi32, #tpu.memory_space<hbm>>
      %dma_wait3A_67 = arith.constant 0 : i32
      %dma_wait3A_68 = arith.constant 0 : i32
      %dma_wait3A_69 = tpu.memref_slice %dma_wait3A_66[%dma_wait3A_67, %dma_wait3A_68] : memref<160x64xi32, #tpu.memory_space<hbm>> -> memref<80x64xi32, #tpu.memory_space<hbm>>
      tpu.wait_dma2 semaphore(%run_scoped3A : memref<!tpu.dma_semaphore, #tpu.memory_space<semaphore_mem>>) src(%dma_wait3A_69 : memref<80x64xi32, #tpu.memory_space<hbm>>) dst(%arg8 : memref<80x64xi32, #tpu.memory_space<vmem>>)
      tpu.yield
    }) : () -> ()
    "tpu.region"() ({
      %run_scoped3A = tpu.sem_alloc : memref<!tpu.dma_semaphore, #tpu.memory_space<semaphore_mem>>
      %dma_start3A_43 = arith.constant 0 : i32
      %dma_start3A_44 = arith.constant 0 : i32
      %dma_start3A_45 = tpu.memref_slice %arg4[%add3A, %dma_start3A_43, %dma_start3A_44] : memref<32x160x64xi32, #tpu.memory_space<hbm>> -> memref<1x160x64xi32, #tpu.memory_space<hbm>>
      %dma_start3A_46 = tpu.memref_squeeze %dma_start3A_45 : memref<1x160x64xi32, #tpu.memory_space<hbm>> -> memref<160x64xi32, #tpu.memory_space<hbm>>
      %dma_start3A_47 = arith.constant 0 : i32
      %dma_start3A_48 = arith.constant 0 : i32
      %dma_start3A_49 = tpu.memref_slice %dma_start3A_46[%dma_start3A_47, %dma_start3A_48] : memref<160x64xi32, #tpu.memory_space<hbm>> -> memref<80x64xi32, #tpu.memory_space<hbm>>
      %dma_start3A_50 = arith.constant 0 : i32
      %dma_start3A_51 = arith.constant 0 : i32
      %dma_start3A_52 = tpu.memref_slice %arg4[%add3A, %dma_start3A_50, %dma_start3A_51] : memref<32x160x64xi32, #tpu.memory_space<hbm>> -> memref<1x160x64xi32, #tpu.memory_space<hbm>>
      %dma_start3A_53 = tpu.memref_squeeze %dma_start3A_52 : memref<1x160x64xi32, #tpu.memory_space<hbm>> -> memref<160x64xi32, #tpu.memory_space<hbm>>
      %dma_start3A_54 = arith.constant 0 : i32
      %dma_start3A_55 = arith.constant 0 : i32
      %dma_start3A_56 = tpu.memref_slice %dma_start3A_53[%dma_start3A_54, %dma_start3A_55] : memref<160x64xi32, #tpu.memory_space<hbm>> -> memref<80x64xi32, #tpu.memory_space<hbm>>
      tpu.enqueue_dma source(%dma_start3A_56 : memref<80x64xi32, #tpu.memory_space<hbm>>) target(%arg9 : memref<80x64xi32, #tpu.memory_space<vmem>>) target_semaphore(%run_scoped3A : memref<!tpu.dma_semaphore, #tpu.memory_space<semaphore_mem>>)
      %dma_wait3A = arith.constant 0 : i32
      %dma_wait3A_57 = arith.constant 0 : i32
      %dma_wait3A_58 = tpu.memref_slice %arg4[%add3A, %dma_wait3A, %dma_wait3A_57] : memref<32x160x64xi32, #tpu.memory_space<hbm>> -> memref<1x160x64xi32, #tpu.memory_space<hbm>>
      %dma_wait3A_59 = tpu.memref_squeeze %dma_wait3A_58 : memref<1x160x64xi32, #tpu.memory_space<hbm>> -> memref<160x64xi32, #tpu.memory_space<hbm>>
      %dma_wait3A_60 = arith.constant 0 : i32
      %dma_wait3A_61 = arith.constant 0 : i32
      %dma_wait3A_62 = tpu.memref_slice %dma_wait3A_59[%dma_wait3A_60, %dma_wait3A_61] : memref<160x64xi32, #tpu.memory_space<hbm>> -> memref<80x64xi32, #tpu.memory_space<hbm>>
      %dma_wait3A_63 = arith.constant 0 : i32
      %dma_wait3A_64 = arith.constant 0 : i32
      %dma_wait3A_65 = tpu.memref_slice %arg4[%add3A, %dma_wait3A_63, %dma_wait3A_64] : memref<32x160x64xi32, #tpu.memory_space<hbm>> -> memref<1x160x64xi32, #tpu.memory_space<hbm>>
      %dma_wait3A_66 = tpu.memref_squeeze %dma_wait3A_65 : memref<1x160x64xi32, #tpu.memory_space<hbm>> -> memref<160x64xi32, #tpu.memory_space<hbm>>
      %dma_wait3A_67 = arith.constant 0 : i32
      %dma_wait3A_68 = arith.constant 0 : i32
      %dma_wait3A_69 = tpu.memref_slice %dma_wait3A_66[%dma_wait3A_67, %dma_wait3A_68] : memref<160x64xi32, #tpu.memory_space<hbm>> -> memref<80x64xi32, #tpu.memory_space<hbm>>
      tpu.wait_dma2 semaphore(%run_scoped3A : memref<!tpu.dma_semaphore, #tpu.memory_space<semaphore_mem>>) src(%dma_wait3A_69 : memref<80x64xi32, #tpu.memory_space<hbm>>) dst(%arg9 : memref<80x64xi32, #tpu.memory_space<vmem>>)
      tpu.yield
    }) : () -> ()
    %dma_start3A = arith.constant 0 : i32
    %dma_start3A_10 = arith.constant 0 : i32
    %dma_start3A_11 = tpu.memref_slice %arg8[%dma_start3A, %dma_start3A_10] : memref<80x64xi32, #tpu.memory_space<vmem>> -> memref<1x64xi32, #tpu.memory_space<vmem>>
    %dma_start3A_12 = tpu.memref_squeeze %dma_start3A_11 : memref<1x64xi32, #tpu.memory_space<vmem>> -> memref<64xi32, #tpu.memory_space<vmem>>
    %dma_start3A_13 = arith.constant 0 : i32
    %dma_start3A_14 = arith.constant 0 : i32
    %dma_start3A_15 = tpu.memref_slice %arg2[%dma_start3A_13, %dma_start3A_14] : memref<10240x128xf32, #tpu.memory_space<hbm>> -> memref<10240x128xf32, #tpu.memory_space<hbm>>
    tpu.enqueue_indirect_dma source(%dma_start3A_15 : memref<10240x128xf32, #tpu.memory_space<hbm>>) target(%arg10 : memref<64x128xf32, #tpu.memory_space<vmem>>) offsets(%dma_start3A_12 : memref<64xi32, #tpu.memory_space<vmem>>) semaphore(%arg13 : memref<!tpu.dma_semaphore, #tpu.memory_space<semaphore_mem>>)
    %scan3A = arith.constant 0 : i32
    %scan3A_16 = arith.constant 40 : i32
    %scan3A_17 = arith.addi %scan3A, %scan3A_16 : i32
    %scan3A_18 = arith.constant 1 : i32
    scf.for %scan3A_43 = %scan3A to %scan3A_17 step %scan3A_18  : i32 {
      %mul3A_44 = arith.constant 1 : i32
      %mul3A_45 = arith.muli %scan3A_43, %mul3A_44 : i32
      %add3A_46 = arith.constant 0 : i32
      %add3A_47 = arith.addi %add3A_46, %mul3A_45 : i32
      %mul3A_48 = arith.constant 2 : i32
      %mul3A_49 = arith.muli %mul3A_48, %add3A_47 : i32
      %add3A_50 = arith.constant 0 : i32
      %add3A_51 = arith.addi %add3A_50, %mul3A_49 : i32
      %dma_wait3A = arith.constant 0 : i32
      %dma_wait3A_52 = tpu.memref_slice %arg8[%add3A_51, %dma_wait3A] : memref<80x64xi32, #tpu.memory_space<vmem>> -> memref<1x64xi32, #tpu.memory_space<vmem>>
      %dma_wait3A_53 = tpu.memref_squeeze %dma_wait3A_52 : memref<1x64xi32, #tpu.memory_space<vmem>> -> memref<64xi32, #tpu.memory_space<vmem>>
      %dma_wait3A_54 = arith.constant 0 : i32
      %dma_wait3A_55 = arith.constant 0 : i32
      %dma_wait3A_56 = tpu.memref_slice %arg2[%dma_wait3A_54, %dma_wait3A_55] : memref<10240x128xf32, #tpu.memory_space<hbm>> -> memref<10240x128xf32, #tpu.memory_space<hbm>>
      tpu.wait_indirect_dma semaphore(%arg13 : memref<!tpu.dma_semaphore, #tpu.memory_space<semaphore_mem>>) src(%dma_wait3A_56 : memref<10240x128xf32, #tpu.memory_space<hbm>>) dst(%arg10 : memref<64x128xf32, #tpu.memory_space<vmem>>)
      %add3A_57 = arith.constant 1 : i32
      %add3A_58 = arith.addi %add3A_51, %add3A_57 : i32
      %dma_start3A_59 = arith.constant 0 : i32
      %dma_start3A_60 = tpu.memref_slice %arg8[%add3A_58, %dma_start3A_59] : memref<80x64xi32, #tpu.memory_space<vmem>> -> memref<1x64xi32, #tpu.memory_space<vmem>>
      %dma_start3A_61 = tpu.memref_squeeze %dma_start3A_60 : memref<1x64xi32, #tpu.memory_space<vmem>> -> memref<64xi32, #tpu.memory_space<vmem>>
      %dma_start3A_62 = arith.constant 0 : i32
      %dma_start3A_63 = arith.constant 0 : i32
      %dma_start3A_64 = tpu.memref_slice %arg2[%dma_start3A_62, %dma_start3A_63] : memref<10240x128xf32, #tpu.memory_space<hbm>> -> memref<10240x128xf32, #tpu.memory_space<hbm>>
      tpu.enqueue_indirect_dma source(%dma_start3A_64 : memref<10240x128xf32, #tpu.memory_space<hbm>>) target(%arg11 : memref<64x128xf32, #tpu.memory_space<vmem>>) offsets(%dma_start3A_61 : memref<64xi32, #tpu.memory_space<vmem>>) semaphore(%arg14 : memref<!tpu.dma_semaphore, #tpu.memory_space<semaphore_mem>>)
      %add3A_65 = arith.constant 1 : i32
      %add3A_66 = arith.addi %add3A_51, %add3A_65 : i32
      %dma_wait3A_67 = arith.constant 0 : i32
      %dma_wait3A_68 = tpu.memref_slice %arg8[%add3A_66, %dma_wait3A_67] : memref<80x64xi32, #tpu.memory_space<vmem>> -> memref<1x64xi32, #tpu.memory_space<vmem>>
      %dma_wait3A_69 = tpu.memref_squeeze %dma_wait3A_68 : memref<1x64xi32, #tpu.memory_space<vmem>> -> memref<64xi32, #tpu.memory_space<vmem>>
      %dma_wait3A_70 = arith.constant 0 : i32
      %dma_wait3A_71 = arith.constant 0 : i32
      %dma_wait3A_72 = tpu.memref_slice %arg2[%dma_wait3A_70, %dma_wait3A_71] : memref<10240x128xf32, #tpu.memory_space<hbm>> -> memref<10240x128xf32, #tpu.memory_space<hbm>>
      tpu.wait_indirect_dma semaphore(%arg14 : memref<!tpu.dma_semaphore, #tpu.memory_space<semaphore_mem>>) src(%dma_wait3A_72 : memref<10240x128xf32, #tpu.memory_space<hbm>>) dst(%arg11 : memref<64x128xf32, #tpu.memory_space<vmem>>)
      %add3A_73 = arith.constant 2 : i32
      %add3A_74 = arith.addi %add3A_51, %add3A_73 : i32
      %lt3A = arith.constant 80 : i32
      %lt3A_75 = arith.cmpi slt, %add3A_74, %lt3A : i32
      %convert_element_type3A_76 = arith.extui %lt3A_75 : i1 to i32
      %cond3A_77 = arith.constant 0 : i32
      %cond3A_78 = arith.cmpi ne, %convert_element_type3A_76, %cond3A_77 : i32
      scf.if %cond3A_78 {
        %add3A_79 = arith.constant 2 : i32
        %add3A_80 = arith.addi %add3A_51, %add3A_79 : i32
        %dma_start3A_81 = arith.constant 0 : i32
        %dma_start3A_82 = tpu.memref_slice %arg8[%add3A_80, %dma_start3A_81] : memref<80x64xi32, #tpu.memory_space<vmem>> -> memref<1x64xi32, #tpu.memory_space<vmem>>
        %dma_start3A_83 = tpu.memref_squeeze %dma_start3A_82 : memref<1x64xi32, #tpu.memory_space<vmem>> -> memref<64xi32, #tpu.memory_space<vmem>>
        %dma_start3A_84 = arith.constant 0 : i32
        %dma_start3A_85 = arith.constant 0 : i32
        %dma_start3A_86 = tpu.memref_slice %arg2[%dma_start3A_84, %dma_start3A_85] : memref<10240x128xf32, #tpu.memory_space<hbm>> -> memref<10240x128xf32, #tpu.memory_space<hbm>>
        tpu.enqueue_indirect_dma source(%dma_start3A_86 : memref<10240x128xf32, #tpu.memory_space<hbm>>) target(%arg10 : memref<64x128xf32, #tpu.memory_space<vmem>>) offsets(%dma_start3A_83 : memref<64xi32, #tpu.memory_space<vmem>>) semaphore(%arg13 : memref<!tpu.dma_semaphore, #tpu.memory_space<semaphore_mem>>)
      } else {
      }
    }
    %scan3A_19 = arith.constant 40 : i32
    "tpu.region"() ({
      %run_scoped3A = tpu.sem_alloc : memref<!tpu.dma_semaphore, #tpu.memory_space<semaphore_mem>>
      %dma_start3A_43 = arith.constant 0 : i32
      %dma_start3A_44 = arith.constant 0 : i32
      %dma_start3A_45 = tpu.memref_slice %arg3[%add3A, %dma_start3A_43, %dma_start3A_44] : memref<32x160x64xi32, #tpu.memory_space<hbm>> -> memref<1x160x64xi32, #tpu.memory_space<hbm>>
      %dma_start3A_46 = tpu.memref_squeeze %dma_start3A_45 : memref<1x160x64xi32, #tpu.memory_space<hbm>> -> memref<160x64xi32, #tpu.memory_space<hbm>>
      %dma_start3A_47 = arith.constant 80 : i32
      %dma_start3A_48 = arith.constant 0 : i32
      %dma_start3A_49 = tpu.memref_slice %dma_start3A_46[%dma_start3A_47, %dma_start3A_48] : memref<160x64xi32, #tpu.memory_space<hbm>> -> memref<80x64xi32, #tpu.memory_space<hbm>>
      %dma_start3A_50 = arith.constant 0 : i32
      %dma_start3A_51 = arith.constant 0 : i32
      %dma_start3A_52 = tpu.memref_slice %arg3[%add3A, %dma_start3A_50, %dma_start3A_51] : memref<32x160x64xi32, #tpu.memory_space<hbm>> -> memref<1x160x64xi32, #tpu.memory_space<hbm>>
      %dma_start3A_53 = tpu.memref_squeeze %dma_start3A_52 : memref<1x160x64xi32, #tpu.memory_space<hbm>> -> memref<160x64xi32, #tpu.memory_space<hbm>>
      %dma_start3A_54 = arith.constant 80 : i32
      %dma_start3A_55 = arith.constant 0 : i32
      %dma_start3A_56 = tpu.memref_slice %dma_start3A_53[%dma_start3A_54, %dma_start3A_55] : memref<160x64xi32, #tpu.memory_space<hbm>> -> memref<80x64xi32, #tpu.memory_space<hbm>>
      tpu.enqueue_dma source(%dma_start3A_56 : memref<80x64xi32, #tpu.memory_space<hbm>>) target(%arg8 : memref<80x64xi32, #tpu.memory_space<vmem>>) target_semaphore(%run_scoped3A : memref<!tpu.dma_semaphore, #tpu.memory_space<semaphore_mem>>)
      %dma_wait3A = arith.constant 0 : i32
      %dma_wait3A_57 = arith.constant 0 : i32
      %dma_wait3A_58 = tpu.memref_slice %arg3[%add3A, %dma_wait3A, %dma_wait3A_57] : memref<32x160x64xi32, #tpu.memory_space<hbm>> -> memref<1x160x64xi32, #tpu.memory_space<hbm>>
      %dma_wait3A_59 = tpu.memref_squeeze %dma_wait3A_58 : memref<1x160x64xi32, #tpu.memory_space<hbm>> -> memref<160x64xi32, #tpu.memory_space<hbm>>
      %dma_wait3A_60 = arith.constant 80 : i32
      %dma_wait3A_61 = arith.constant 0 : i32
      %dma_wait3A_62 = tpu.memref_slice %dma_wait3A_59[%dma_wait3A_60, %dma_wait3A_61] : memref<160x64xi32, #tpu.memory_space<hbm>> -> memref<80x64xi32, #tpu.memory_space<hbm>>
      %dma_wait3A_63 = arith.constant 0 : i32
      %dma_wait3A_64 = arith.constant 0 : i32
      %dma_wait3A_65 = tpu.memref_slice %arg3[%add3A, %dma_wait3A_63, %dma_wait3A_64] : memref<32x160x64xi32, #tpu.memory_space<hbm>> -> memref<1x160x64xi32, #tpu.memory_space<hbm>>
      %dma_wait3A_66 = tpu.memref_squeeze %dma_wait3A_65 : memref<1x160x64xi32, #tpu.memory_space<hbm>> -> memref<160x64xi32, #tpu.memory_space<hbm>>
      %dma_wait3A_67 = arith.constant 80 : i32
      %dma_wait3A_68 = arith.constant 0 : i32
      %dma_wait3A_69 = tpu.memref_slice %dma_wait3A_66[%dma_wait3A_67, %dma_wait3A_68] : memref<160x64xi32, #tpu.memory_space<hbm>> -> memref<80x64xi32, #tpu.memory_space<hbm>>
      tpu.wait_dma2 semaphore(%run_scoped3A : memref<!tpu.dma_semaphore, #tpu.memory_space<semaphore_mem>>) src(%dma_wait3A_69 : memref<80x64xi32, #tpu.memory_space<hbm>>) dst(%arg8 : memref<80x64xi32, #tpu.memory_space<vmem>>)
      tpu.yield
    }) : () -> ()
    "tpu.region"() ({
      %run_scoped3A = tpu.sem_alloc : memref<!tpu.dma_semaphore, #tpu.memory_space<semaphore_mem>>
      %dma_start3A_43 = arith.constant 0 : i32
      %dma_start3A_44 = arith.constant 0 : i32
      %dma_start3A_45 = tpu.memref_slice %arg4[%add3A, %dma_start3A_43, %dma_start3A_44] : memref<32x160x64xi32, #tpu.memory_space<hbm>> -> memref<1x160x64xi32, #tpu.memory_space<hbm>>
      %dma_start3A_46 = tpu.memref_squeeze %dma_start3A_45 : memref<1x160x64xi32, #tpu.memory_space<hbm>> -> memref<160x64xi32, #tpu.memory_space<hbm>>
      %dma_start3A_47 = arith.constant 80 : i32
      %dma_start3A_48 = arith.constant 0 : i32
      %dma_start3A_49 = tpu.memref_slice %dma_start3A_46[%dma_start3A_47, %dma_start3A_48] : memref<160x64xi32, #tpu.memory_space<hbm>> -> memref<80x64xi32, #tpu.memory_space<hbm>>
      %dma_start3A_50 = arith.constant 0 : i32
      %dma_start3A_51 = arith.constant 0 : i32
      %dma_start3A_52 = tpu.memref_slice %arg4[%add3A, %dma_start3A_50, %dma_start3A_51] : memref<32x160x64xi32, #tpu.memory_space<hbm>> -> memref<1x160x64xi32, #tpu.memory_space<hbm>>
      %dma_start3A_53 = tpu.memref_squeeze %dma_start3A_52 : memref<1x160x64xi32, #tpu.memory_space<hbm>> -> memref<160x64xi32, #tpu.memory_space<hbm>>
      %dma_start3A_54 = arith.constant 80 : i32
      %dma_start3A_55 = arith.constant 0 : i32
      %dma_start3A_56 = tpu.memref_slice %dma_start3A_53[%dma_start3A_54, %dma_start3A_55] : memref<160x64xi32, #tpu.memory_space<hbm>> -> memref<80x64xi32, #tpu.memory_space<hbm>>
      tpu.enqueue_dma source(%dma_start3A_56 : memref<80x64xi32, #tpu.memory_space<hbm>>) target(%arg9 : memref<80x64xi32, #tpu.memory_space<vmem>>) target_semaphore(%run_scoped3A : memref<!tpu.dma_semaphore, #tpu.memory_space<semaphore_mem>>)
      %dma_wait3A = arith.constant 0 : i32
      %dma_wait3A_57 = arith.constant 0 : i32
      %dma_wait3A_58 = tpu.memref_slice %arg4[%add3A, %dma_wait3A, %dma_wait3A_57] : memref<32x160x64xi32, #tpu.memory_space<hbm>> -> memref<1x160x64xi32, #tpu.memory_space<hbm>>
      %dma_wait3A_59 = tpu.memref_squeeze %dma_wait3A_58 : memref<1x160x64xi32, #tpu.memory_space<hbm>> -> memref<160x64xi32, #tpu.memory_space<hbm>>
      %dma_wait3A_60 = arith.constant 80 : i32
      %dma_wait3A_61 = arith.constant 0 : i32
      %dma_wait3A_62 = tpu.memref_slice %dma_wait3A_59[%dma_wait3A_60, %dma_wait3A_61] : memref<160x64xi32, #tpu.memory_space<hbm>> -> memref<80x64xi32, #tpu.memory_space<hbm>>
      %dma_wait3A_63 = arith.constant 0 : i32
      %dma_wait3A_64 = arith.constant 0 : i32
      %dma_wait3A_65 = tpu.memref_slice %arg4[%add3A, %dma_wait3A_63, %dma_wait3A_64] : memref<32x160x64xi32, #tpu.memory_space<hbm>> -> memref<1x160x64xi32, #tpu.memory_space<hbm>>
      %dma_wait3A_66 = tpu.memref_squeeze %dma_wait3A_65 : memref<1x160x64xi32, #tpu.memory_space<hbm>> -> memref<160x64xi32, #tpu.memory_space<hbm>>
      %dma_wait3A_67 = arith.constant 80 : i32
      %dma_wait3A_68 = arith.constant 0 : i32
      %dma_wait3A_69 = tpu.memref_slice %dma_wait3A_66[%dma_wait3A_67, %dma_wait3A_68] : memref<160x64xi32, #tpu.memory_space<hbm>> -> memref<80x64xi32, #tpu.memory_space<hbm>>
      tpu.wait_dma2 semaphore(%run_scoped3A : memref<!tpu.dma_semaphore, #tpu.memory_space<semaphore_mem>>) src(%dma_wait3A_69 : memref<80x64xi32, #tpu.memory_space<hbm>>) dst(%arg9 : memref<80x64xi32, #tpu.memory_space<vmem>>)
      tpu.yield
    }) : () -> ()
    %dma_start3A_20 = arith.constant 0 : i32
    %dma_start3A_21 = arith.constant 0 : i32
    %dma_start3A_22 = tpu.memref_slice %arg8[%dma_start3A_20, %dma_start3A_21] : memref<80x64xi32, #tpu.memory_space<vmem>> -> memref<1x64xi32, #tpu.memory_space<vmem>>
    %dma_start3A_23 = tpu.memref_squeeze %dma_start3A_22 : memref<1x64xi32, #tpu.memory_space<vmem>> -> memref<64xi32, #tpu.memory_space<vmem>>
    %dma_start3A_24 = arith.constant 0 : i32
    %dma_start3A_25 = arith.constant 0 : i32
    %dma_start3A_26 = tpu.memref_slice %arg2[%dma_start3A_24, %dma_start3A_25] : memref<10240x128xf32, #tpu.memory_space<hbm>> -> memref<10240x128xf32, #tpu.memory_space<hbm>>
    tpu.enqueue_indirect_dma source(%dma_start3A_26 : memref<10240x128xf32, #tpu.memory_space<hbm>>) target(%arg10 : memref<64x128xf32, #tpu.memory_space<vmem>>) offsets(%dma_start3A_23 : memref<64xi32, #tpu.memory_space<vmem>>) semaphore(%arg13 : memref<!tpu.dma_semaphore, #tpu.memory_space<semaphore_mem>>)
    %scan3A_27 = arith.constant 0 : i32
    %scan3A_28 = arith.constant 40 : i32
    %scan3A_29 = arith.addi %scan3A_27, %scan3A_28 : i32
    %scan3A_30 = arith.constant 1 : i32
    scf.for %scan3A_43 = %scan3A_27 to %scan3A_29 step %scan3A_30  : i32 {
      %mul3A_44 = arith.constant 1 : i32
      %mul3A_45 = arith.muli %scan3A_43, %mul3A_44 : i32
      %add3A_46 = arith.constant 0 : i32
      %add3A_47 = arith.addi %add3A_46, %mul3A_45 : i32
      %mul3A_48 = arith.constant 2 : i32
      %mul3A_49 = arith.muli %mul3A_48, %add3A_47 : i32
      %add3A_50 = arith.constant 0 : i32
      %add3A_51 = arith.addi %add3A_50, %mul3A_49 : i32
      %dma_wait3A = arith.constant 0 : i32
      %dma_wait3A_52 = tpu.memref_slice %arg8[%add3A_51, %dma_wait3A] : memref<80x64xi32, #tpu.memory_space<vmem>> -> memref<1x64xi32, #tpu.memory_space<vmem>>
      %dma_wait3A_53 = tpu.memref_squeeze %dma_wait3A_52 : memref<1x64xi32, #tpu.memory_space<vmem>> -> memref<64xi32, #tpu.memory_space<vmem>>
      %dma_wait3A_54 = arith.constant 0 : i32
      %dma_wait3A_55 = arith.constant 0 : i32
      %dma_wait3A_56 = tpu.memref_slice %arg2[%dma_wait3A_54, %dma_wait3A_55] : memref<10240x128xf32, #tpu.memory_space<hbm>> -> memref<10240x128xf32, #tpu.memory_space<hbm>>
      tpu.wait_indirect_dma semaphore(%arg13 : memref<!tpu.dma_semaphore, #tpu.memory_space<semaphore_mem>>) src(%dma_wait3A_56 : memref<10240x128xf32, #tpu.memory_space<hbm>>) dst(%arg10 : memref<64x128xf32, #tpu.memory_space<vmem>>)
      %add3A_57 = arith.constant 1 : i32
      %add3A_58 = arith.addi %add3A_51, %add3A_57 : i32
      %dma_start3A_59 = arith.constant 0 : i32
      %dma_start3A_60 = tpu.memref_slice %arg8[%add3A_58, %dma_start3A_59] : memref<80x64xi32, #tpu.memory_space<vmem>> -> memref<1x64xi32, #tpu.memory_space<vmem>>
      %dma_start3A_61 = tpu.memref_squeeze %dma_start3A_60 : memref<1x64xi32, #tpu.memory_space<vmem>> -> memref<64xi32, #tpu.memory_space<vmem>>
      %dma_start3A_62 = arith.constant 0 : i32
      %dma_start3A_63 = arith.constant 0 : i32
      %dma_start3A_64 = tpu.memref_slice %arg2[%dma_start3A_62, %dma_start3A_63] : memref<10240x128xf32, #tpu.memory_space<hbm>> -> memref<10240x128xf32, #tpu.memory_space<hbm>>
      tpu.enqueue_indirect_dma source(%dma_start3A_64 : memref<10240x128xf32, #tpu.memory_space<hbm>>) target(%arg11 : memref<64x128xf32, #tpu.memory_space<vmem>>) offsets(%dma_start3A_61 : memref<64xi32, #tpu.memory_space<vmem>>) semaphore(%arg14 : memref<!tpu.dma_semaphore, #tpu.memory_space<semaphore_mem>>)
      %add3A_65 = arith.constant 1 : i32
      %add3A_66 = arith.addi %add3A_51, %add3A_65 : i32
      %dma_wait3A_67 = arith.constant 0 : i32
      %dma_wait3A_68 = tpu.memref_slice %arg8[%add3A_66, %dma_wait3A_67] : memref<80x64xi32, #tpu.memory_space<vmem>> -> memref<1x64xi32, #tpu.memory_space<vmem>>
      %dma_wait3A_69 = tpu.memref_squeeze %dma_wait3A_68 : memref<1x64xi32, #tpu.memory_space<vmem>> -> memref<64xi32, #tpu.memory_space<vmem>>
      %dma_wait3A_70 = arith.constant 0 : i32
      %dma_wait3A_71 = arith.constant 0 : i32
      %dma_wait3A_72 = tpu.memref_slice %arg2[%dma_wait3A_70, %dma_wait3A_71] : memref<10240x128xf32, #tpu.memory_space<hbm>> -> memref<10240x128xf32, #tpu.memory_space<hbm>>
      tpu.wait_indirect_dma semaphore(%arg14 : memref<!tpu.dma_semaphore, #tpu.memory_space<semaphore_mem>>) src(%dma_wait3A_72 : memref<10240x128xf32, #tpu.memory_space<hbm>>) dst(%arg11 : memref<64x128xf32, #tpu.memory_space<vmem>>)
      %add3A_73 = arith.constant 2 : i32
      %add3A_74 = arith.addi %add3A_51, %add3A_73 : i32
      %lt3A = arith.constant 80 : i32
      %lt3A_75 = arith.cmpi slt, %add3A_74, %lt3A : i32
      %convert_element_type3A_76 = arith.extui %lt3A_75 : i1 to i32
      %cond3A_77 = arith.constant 0 : i32
      %cond3A_78 = arith.cmpi ne, %convert_element_type3A_76, %cond3A_77 : i32
      scf.if %cond3A_78 {
        %add3A_79 = arith.constant 2 : i32
        %add3A_80 = arith.addi %add3A_51, %add3A_79 : i32
        %dma_start3A_81 = arith.constant 0 : i32
        %dma_start3A_82 = tpu.memref_slice %arg8[%add3A_80, %dma_start3A_81] : memref<80x64xi32, #tpu.memory_space<vmem>> -> memref<1x64xi32, #tpu.memory_space<vmem>>
        %dma_start3A_83 = tpu.memref_squeeze %dma_start3A_82 : memref<1x64xi32, #tpu.memory_space<vmem>> -> memref<64xi32, #tpu.memory_space<vmem>>
        %dma_start3A_84 = arith.constant 0 : i32
        %dma_start3A_85 = arith.constant 0 : i32
        %dma_start3A_86 = tpu.memref_slice %arg2[%dma_start3A_84, %dma_start3A_85] : memref<10240x128xf32, #tpu.memory_space<hbm>> -> memref<10240x128xf32, #tpu.memory_space<hbm>>
        tpu.enqueue_indirect_dma source(%dma_start3A_86 : memref<10240x128xf32, #tpu.memory_space<hbm>>) target(%arg10 : memref<64x128xf32, #tpu.memory_space<vmem>>) offsets(%dma_start3A_83 : memref<64xi32, #tpu.memory_space<vmem>>) semaphore(%arg13 : memref<!tpu.dma_semaphore, #tpu.memory_space<semaphore_mem>>)
      } else {
      }
    }
    %scan3A_31 = arith.constant 40 : i32
    %barrier3A_32 = arith.constant 0 : index
    tpu.barrier barrier_id(%barrier3A_32)
    %eq3A_33 = arith.constant 0 : i32
    %eq3A_34 = arith.cmpi eq, %arg0, %eq3A_33 : i32
    %convert_element_type3A_35 = arith.extui %eq3A_34 : i1 to i32
    %cond3A_36 = arith.constant 0 : i32
    %cond3A_37 = arith.cmpi ne, %convert_element_type3A_35, %cond3A_36 : i32
    scf.if %cond3A_37 {
      "tpu.region"() ({
        %run_scoped3A = tpu.sem_alloc : memref<!tpu.dma_semaphore, #tpu.memory_space<semaphore_mem>>
        %dma_start3A_43 = arith.constant 0 : i32
        %dma_start3A_44 = tpu.memref_slice %arg6[%mul3A_0, %dma_start3A_43] : memref<10240x128xf32, #tpu.memory_space<hbm>> -> memref<640x128xf32, #tpu.memory_space<hbm>>
        %dma_start3A_45 = arith.constant 0 : i32
        %dma_start3A_46 = tpu.memref_slice %arg12[%mul3A_0, %dma_start3A_45] : memref<10240x128xf32, #tpu.memory_space<vmem_shared>> -> memref<640x128xf32, #tpu.memory_space<vmem_shared>>
        tpu.enqueue_dma source(%dma_start3A_46 : memref<640x128xf32, #tpu.memory_space<vmem_shared>>) target(%dma_start3A_44 : memref<640x128xf32, #tpu.memory_space<hbm>>) target_semaphore(%run_scoped3A : memref<!tpu.dma_semaphore, #tpu.memory_space<semaphore_mem>>)
        %dma_wait3A = arith.constant 0 : i32
        %dma_wait3A_47 = tpu.memref_slice %arg6[%mul3A_0, %dma_wait3A] : memref<10240x128xf32, #tpu.memory_space<hbm>> -> memref<640x128xf32, #tpu.memory_space<hbm>>
        %dma_wait3A_48 = arith.constant 0 : i32
        %dma_wait3A_49 = tpu.memref_slice %arg12[%mul3A_0, %dma_wait3A_48] : memref<10240x128xf32, #tpu.memory_space<vmem_shared>> -> memref<640x128xf32, #tpu.memory_space<vmem_shared>>
        tpu.wait_dma2 semaphore(%run_scoped3A : memref<!tpu.dma_semaphore, #tpu.memory_space<semaphore_mem>>) src(%dma_wait3A_49 : memref<640x128xf32, #tpu.memory_space<vmem_shared>>) dst(%dma_wait3A_47 : memref<640x128xf32, #tpu.memory_space<hbm>>)
        tpu.yield
      }) : () -> ()
    } else {
    }
    %eq3A_38 = arith.constant 1 : i32
    %eq3A_39 = arith.cmpi eq, %arg0, %eq3A_38 : i32
    %convert_element_type3A_40 = arith.extui %eq3A_39 : i1 to i32
    %cond3A_41 = arith.constant 0 : i32
    %cond3A_42 = arith.cmpi ne, %convert_element_type3A_40, %cond3A_41 : i32
    scf.if %cond3A_42 {
      "tpu.region"() ({
        %run_scoped3A = tpu.sem_alloc : memref<!tpu.dma_semaphore, #tpu.memory_space<semaphore_mem>>
        %dma_start3A_43 = arith.constant 0 : i32
        %dma_start3A_44 = tpu.memref_slice %arg7[%mul3A_0, %dma_start3A_43] : memref<10240x128xf32, #tpu.memory_space<hbm>> -> memref<640x128xf32, #tpu.memory_space<hbm>>
        %dma_start3A_45 = arith.constant 0 : i32
        %dma_start3A_46 = tpu.memref_slice %arg12[%mul3A_0, %dma_start3A_45] : memref<10240x128xf32, #tpu.memory_space<vmem_shared>> -> memref<640x128xf32, #tpu.memory_space<vmem_shared>>
        tpu.enqueue_dma source(%dma_start3A_46 : memref<640x128xf32, #tpu.memory_space<vmem_shared>>) target(%dma_start3A_44 : memref<640x128xf32, #tpu.memory_space<hbm>>) target_semaphore(%run_scoped3A : memref<!tpu.dma_semaphore, #tpu.memory_space<semaphore_mem>>)
        %dma_wait3A = arith.constant 0 : i32
        %dma_wait3A_47 = tpu.memref_slice %arg7[%mul3A_0, %dma_wait3A] : memref<10240x128xf32, #tpu.memory_space<hbm>> -> memref<640x128xf32, #tpu.memory_space<hbm>>
        %dma_wait3A_48 = arith.constant 0 : i32
        %dma_wait3A_49 = tpu.memref_slice %arg12[%mul3A_0, %dma_wait3A_48] : memref<10240x128xf32, #tpu.memory_space<vmem_shared>> -> memref<640x128xf32, #tpu.memory_space<vmem_shared>>
        tpu.wait_dma2 semaphore(%run_scoped3A : memref<!tpu.dma_semaphore, #tpu.memory_space<semaphore_mem>>) src(%dma_wait3A_49 : memref<640x128xf32, #tpu.memory_space<vmem_shared>>) dst(%dma_wait3A_47 : memref<640x128xf32, #tpu.memory_space<hbm>>)
        tpu.yield
      }) : () -> ()
    } else {
    }
    return
  }
}

#map = affine_map<(d0, d1) -> (0, 0)>
#map1 = affine_map<(d0, d1) -> (0, 0, 0)>
module attributes {stable_mosaic.version = 14 : i64} {
  func.func @_agg_edge(%arg0: i32, %arg1: i32, %arg2: memref<10240x128xf32, #tpu.memory_space<hbm>>, %arg3: memref<32x160x64xi32, #tpu.memory_space<hbm>>, %arg4: memref<32x160x64xi32, #tpu.memory_space<hbm>>, %arg5: memref<640x128xf32, #tpu.memory_space<hbm>>, %arg6: memref<10240x128xf32, #tpu.memory_space<hbm>>, %arg7: memref<10240x128xf32, #tpu.memory_space<hbm>>, %arg8: memref<80x64xi32, #tpu.memory_space<vmem>>, %arg9: memref<80x64xi32, #tpu.memory_space<vmem>>, %arg10: memref<64x128xf32, #tpu.memory_space<vmem>>, %arg11: memref<64x128xf32, #tpu.memory_space<vmem>>, %arg12: memref<10240x128xf32, #tpu.memory_space<vmem_shared>>, %arg13: memref<!tpu.dma_semaphore, #tpu.memory_space<semaphore_mem>>, %arg14: memref<!tpu.dma_semaphore, #tpu.memory_space<semaphore_mem>>) attributes {dimension_semantics = [#tpu.dimension_semantics<core_parallel>, #tpu.dimension_semantics<subcore_parallel>], iteration_bounds = array<i64: 2, 16>, scalar_prefetch = 0 : i64, scratch_operands = 7 : i64, tpu.core_type = #tpu.core_type<sc_vector_subcore>, window_params = [{transform_indices = #map}, {transform_indices = #map1}, {transform_indices = #map1}, {transform_indices = #map}, {transform_indices = #map}, {transform_indices = #map}]} {
    %mul3A = arith.constant 640 : i32
    %mul3A_0 = arith.muli %arg1, %mul3A : i32
    %mul3A_1 = arith.constant 16 : i32
    %mul3A_2 = arith.muli %arg0, %mul3A_1 : i32
    %add3A = arith.addi %mul3A_2, %arg1 : i32
    %eq3A = arith.constant 0 : i32
    %eq3A_3 = arith.cmpi eq, %arg0, %eq3A : i32
    %convert_element_type3A = arith.extui %eq3A_3 : i1 to i32
    %cond3A = arith.constant 0 : i32
    %cond3A_4 = arith.cmpi ne, %convert_element_type3A, %cond3A : i32
    scf.if %cond3A_4 {
      "tpu.region"() ({
        %run_scoped3A = tpu.sem_alloc : memref<!tpu.dma_semaphore, #tpu.memory_space<semaphore_mem>>
        %dma_start3A_43 = arith.constant 0 : i32
        %dma_start3A_44 = tpu.memref_slice %arg12[%mul3A_0, %dma_start3A_43] : memref<10240x128xf32, #tpu.memory_space<vmem_shared>> -> memref<640x128xf32, #tpu.memory_space<vmem_shared>>
        %dma_start3A_45 = arith.constant 0 : i32
        %dma_start3A_46 = tpu.memref_slice %arg2[%mul3A_0, %dma_start3A_45] : memref<10240x128xf32, #tpu.memory_space<hbm>> -> memref<640x128xf32, #tpu.memory_space<hbm>>
        tpu.enqueue_dma source(%dma_start3A_46 : memref<640x128xf32, #tpu.memory_space<hbm>>) target(%dma_start3A_44 : memref<640x128xf32, #tpu.memory_space<vmem_shared>>) target_semaphore(%run_scoped3A : memref<!tpu.dma_semaphore, #tpu.memory_space<semaphore_mem>>)
        %dma_wait3A = arith.constant 0 : i32
        %dma_wait3A_47 = tpu.memref_slice %arg12[%mul3A_0, %dma_wait3A] : memref<10240x128xf32, #tpu.memory_space<vmem_shared>> -> memref<640x128xf32, #tpu.memory_space<vmem_shared>>
        %dma_wait3A_48 = arith.constant 0 : i32
        %dma_wait3A_49 = tpu.memref_slice %arg2[%mul3A_0, %dma_wait3A_48] : memref<10240x128xf32, #tpu.memory_space<hbm>> -> memref<640x128xf32, #tpu.memory_space<hbm>>
        tpu.wait_dma2 semaphore(%run_scoped3A : memref<!tpu.dma_semaphore, #tpu.memory_space<semaphore_mem>>) src(%dma_wait3A_49 : memref<640x128xf32, #tpu.memory_space<hbm>>) dst(%dma_wait3A_47 : memref<640x128xf32, #tpu.memory_space<vmem_shared>>)
        tpu.yield
      }) : () -> ()
    } else {
    }
    %eq3A_5 = arith.constant 1 : i32
    %eq3A_6 = arith.cmpi eq, %arg0, %eq3A_5 : i32
    %convert_element_type3A_7 = arith.extui %eq3A_6 : i1 to i32
    %cond3A_8 = arith.constant 0 : i32
    %cond3A_9 = arith.cmpi ne, %convert_element_type3A_7, %cond3A_8 : i32
    scf.if %cond3A_9 {
      "tpu.region"() ({
        %run_scoped3A = tpu.sem_alloc : memref<!tpu.dma_semaphore, #tpu.memory_space<semaphore_mem>>
        %dma_start3A_43 = arith.constant 0 : i32
        %dma_start3A_44 = tpu.memref_slice %arg12[%mul3A_0, %dma_start3A_43] : memref<10240x128xf32, #tpu.memory_space<vmem_shared>> -> memref<640x128xf32, #tpu.memory_space<vmem_shared>>
        tpu.enqueue_dma source(%arg5 : memref<640x128xf32, #tpu.memory_space<hbm>>) target(%dma_start3A_44 : memref<640x128xf32, #tpu.memory_space<vmem_shared>>) target_semaphore(%run_scoped3A : memref<!tpu.dma_semaphore, #tpu.memory_space<semaphore_mem>>)
        %dma_wait3A = arith.constant 0 : i32
        %dma_wait3A_45 = tpu.memref_slice %arg12[%mul3A_0, %dma_wait3A] : memref<10240x128xf32, #tpu.memory_space<vmem_shared>> -> memref<640x128xf32, #tpu.memory_space<vmem_shared>>
        tpu.wait_dma2 semaphore(%run_scoped3A : memref<!tpu.dma_semaphore, #tpu.memory_space<semaphore_mem>>) src(%arg5 : memref<640x128xf32, #tpu.memory_space<hbm>>) dst(%dma_wait3A_45 : memref<640x128xf32, #tpu.memory_space<vmem_shared>>)
        tpu.yield
      }) : () -> ()
    } else {
    }
    %barrier3A = arith.constant 0 : index
    tpu.barrier barrier_id(%barrier3A)
    "tpu.region"() ({
      %run_scoped3A = tpu.sem_alloc : memref<!tpu.dma_semaphore, #tpu.memory_space<semaphore_mem>>
      %dma_start3A_43 = arith.constant 0 : i32
      %dma_start3A_44 = arith.constant 0 : i32
      %dma_start3A_45 = tpu.memref_slice %arg3[%add3A, %dma_start3A_43, %dma_start3A_44] : memref<32x160x64xi32, #tpu.memory_space<hbm>> -> memref<1x160x64xi32, #tpu.memory_space<hbm>>
      %dma_start3A_46 = tpu.memref_squeeze %dma_start3A_45 : memref<1x160x64xi32, #tpu.memory_space<hbm>> -> memref<160x64xi32, #tpu.memory_space<hbm>>
      %dma_start3A_47 = arith.constant 0 : i32
      %dma_start3A_48 = arith.constant 0 : i32
      %dma_start3A_49 = tpu.memref_slice %dma_start3A_46[%dma_start3A_47, %dma_start3A_48] : memref<160x64xi32, #tpu.memory_space<hbm>> -> memref<80x64xi32, #tpu.memory_space<hbm>>
      %dma_start3A_50 = arith.constant 0 : i32
      %dma_start3A_51 = arith.constant 0 : i32
      %dma_start3A_52 = tpu.memref_slice %arg3[%add3A, %dma_start3A_50, %dma_start3A_51] : memref<32x160x64xi32, #tpu.memory_space<hbm>> -> memref<1x160x64xi32, #tpu.memory_space<hbm>>
      %dma_start3A_53 = tpu.memref_squeeze %dma_start3A_52 : memref<1x160x64xi32, #tpu.memory_space<hbm>> -> memref<160x64xi32, #tpu.memory_space<hbm>>
      %dma_start3A_54 = arith.constant 0 : i32
      %dma_start3A_55 = arith.constant 0 : i32
      %dma_start3A_56 = tpu.memref_slice %dma_start3A_53[%dma_start3A_54, %dma_start3A_55] : memref<160x64xi32, #tpu.memory_space<hbm>> -> memref<80x64xi32, #tpu.memory_space<hbm>>
      tpu.enqueue_dma source(%dma_start3A_56 : memref<80x64xi32, #tpu.memory_space<hbm>>) target(%arg8 : memref<80x64xi32, #tpu.memory_space<vmem>>) target_semaphore(%run_scoped3A : memref<!tpu.dma_semaphore, #tpu.memory_space<semaphore_mem>>)
      %dma_wait3A = arith.constant 0 : i32
      %dma_wait3A_57 = arith.constant 0 : i32
      %dma_wait3A_58 = tpu.memref_slice %arg3[%add3A, %dma_wait3A, %dma_wait3A_57] : memref<32x160x64xi32, #tpu.memory_space<hbm>> -> memref<1x160x64xi32, #tpu.memory_space<hbm>>
      %dma_wait3A_59 = tpu.memref_squeeze %dma_wait3A_58 : memref<1x160x64xi32, #tpu.memory_space<hbm>> -> memref<160x64xi32, #tpu.memory_space<hbm>>
      %dma_wait3A_60 = arith.constant 0 : i32
      %dma_wait3A_61 = arith.constant 0 : i32
      %dma_wait3A_62 = tpu.memref_slice %dma_wait3A_59[%dma_wait3A_60, %dma_wait3A_61] : memref<160x64xi32, #tpu.memory_space<hbm>> -> memref<80x64xi32, #tpu.memory_space<hbm>>
      %dma_wait3A_63 = arith.constant 0 : i32
      %dma_wait3A_64 = arith.constant 0 : i32
      %dma_wait3A_65 = tpu.memref_slice %arg3[%add3A, %dma_wait3A_63, %dma_wait3A_64] : memref<32x160x64xi32, #tpu.memory_space<hbm>> -> memref<1x160x64xi32, #tpu.memory_space<hbm>>
      %dma_wait3A_66 = tpu.memref_squeeze %dma_wait3A_65 : memref<1x160x64xi32, #tpu.memory_space<hbm>> -> memref<160x64xi32, #tpu.memory_space<hbm>>
      %dma_wait3A_67 = arith.constant 0 : i32
      %dma_wait3A_68 = arith.constant 0 : i32
      %dma_wait3A_69 = tpu.memref_slice %dma_wait3A_66[%dma_wait3A_67, %dma_wait3A_68] : memref<160x64xi32, #tpu.memory_space<hbm>> -> memref<80x64xi32, #tpu.memory_space<hbm>>
      tpu.wait_dma2 semaphore(%run_scoped3A : memref<!tpu.dma_semaphore, #tpu.memory_space<semaphore_mem>>) src(%dma_wait3A_69 : memref<80x64xi32, #tpu.memory_space<hbm>>) dst(%arg8 : memref<80x64xi32, #tpu.memory_space<vmem>>)
      tpu.yield
    }) : () -> ()
    "tpu.region"() ({
      %run_scoped3A = tpu.sem_alloc : memref<!tpu.dma_semaphore, #tpu.memory_space<semaphore_mem>>
      %dma_start3A_43 = arith.constant 0 : i32
      %dma_start3A_44 = arith.constant 0 : i32
      %dma_start3A_45 = tpu.memref_slice %arg4[%add3A, %dma_start3A_43, %dma_start3A_44] : memref<32x160x64xi32, #tpu.memory_space<hbm>> -> memref<1x160x64xi32, #tpu.memory_space<hbm>>
      %dma_start3A_46 = tpu.memref_squeeze %dma_start3A_45 : memref<1x160x64xi32, #tpu.memory_space<hbm>> -> memref<160x64xi32, #tpu.memory_space<hbm>>
      %dma_start3A_47 = arith.constant 0 : i32
      %dma_start3A_48 = arith.constant 0 : i32
      %dma_start3A_49 = tpu.memref_slice %dma_start3A_46[%dma_start3A_47, %dma_start3A_48] : memref<160x64xi32, #tpu.memory_space<hbm>> -> memref<80x64xi32, #tpu.memory_space<hbm>>
      %dma_start3A_50 = arith.constant 0 : i32
      %dma_start3A_51 = arith.constant 0 : i32
      %dma_start3A_52 = tpu.memref_slice %arg4[%add3A, %dma_start3A_50, %dma_start3A_51] : memref<32x160x64xi32, #tpu.memory_space<hbm>> -> memref<1x160x64xi32, #tpu.memory_space<hbm>>
      %dma_start3A_53 = tpu.memref_squeeze %dma_start3A_52 : memref<1x160x64xi32, #tpu.memory_space<hbm>> -> memref<160x64xi32, #tpu.memory_space<hbm>>
      %dma_start3A_54 = arith.constant 0 : i32
      %dma_start3A_55 = arith.constant 0 : i32
      %dma_start3A_56 = tpu.memref_slice %dma_start3A_53[%dma_start3A_54, %dma_start3A_55] : memref<160x64xi32, #tpu.memory_space<hbm>> -> memref<80x64xi32, #tpu.memory_space<hbm>>
      tpu.enqueue_dma source(%dma_start3A_56 : memref<80x64xi32, #tpu.memory_space<hbm>>) target(%arg9 : memref<80x64xi32, #tpu.memory_space<vmem>>) target_semaphore(%run_scoped3A : memref<!tpu.dma_semaphore, #tpu.memory_space<semaphore_mem>>)
      %dma_wait3A = arith.constant 0 : i32
      %dma_wait3A_57 = arith.constant 0 : i32
      %dma_wait3A_58 = tpu.memref_slice %arg4[%add3A, %dma_wait3A, %dma_wait3A_57] : memref<32x160x64xi32, #tpu.memory_space<hbm>> -> memref<1x160x64xi32, #tpu.memory_space<hbm>>
      %dma_wait3A_59 = tpu.memref_squeeze %dma_wait3A_58 : memref<1x160x64xi32, #tpu.memory_space<hbm>> -> memref<160x64xi32, #tpu.memory_space<hbm>>
      %dma_wait3A_60 = arith.constant 0 : i32
      %dma_wait3A_61 = arith.constant 0 : i32
      %dma_wait3A_62 = tpu.memref_slice %dma_wait3A_59[%dma_wait3A_60, %dma_wait3A_61] : memref<160x64xi32, #tpu.memory_space<hbm>> -> memref<80x64xi32, #tpu.memory_space<hbm>>
      %dma_wait3A_63 = arith.constant 0 : i32
      %dma_wait3A_64 = arith.constant 0 : i32
      %dma_wait3A_65 = tpu.memref_slice %arg4[%add3A, %dma_wait3A_63, %dma_wait3A_64] : memref<32x160x64xi32, #tpu.memory_space<hbm>> -> memref<1x160x64xi32, #tpu.memory_space<hbm>>
      %dma_wait3A_66 = tpu.memref_squeeze %dma_wait3A_65 : memref<1x160x64xi32, #tpu.memory_space<hbm>> -> memref<160x64xi32, #tpu.memory_space<hbm>>
      %dma_wait3A_67 = arith.constant 0 : i32
      %dma_wait3A_68 = arith.constant 0 : i32
      %dma_wait3A_69 = tpu.memref_slice %dma_wait3A_66[%dma_wait3A_67, %dma_wait3A_68] : memref<160x64xi32, #tpu.memory_space<hbm>> -> memref<80x64xi32, #tpu.memory_space<hbm>>
      tpu.wait_dma2 semaphore(%run_scoped3A : memref<!tpu.dma_semaphore, #tpu.memory_space<semaphore_mem>>) src(%dma_wait3A_69 : memref<80x64xi32, #tpu.memory_space<hbm>>) dst(%arg9 : memref<80x64xi32, #tpu.memory_space<vmem>>)
      tpu.yield
    }) : () -> ()
    %dma_start3A = arith.constant 0 : i32
    %dma_start3A_10 = arith.constant 0 : i32
    %dma_start3A_11 = tpu.memref_slice %arg8[%dma_start3A, %dma_start3A_10] : memref<80x64xi32, #tpu.memory_space<vmem>> -> memref<1x64xi32, #tpu.memory_space<vmem>>
    %dma_start3A_12 = tpu.memref_squeeze %dma_start3A_11 : memref<1x64xi32, #tpu.memory_space<vmem>> -> memref<64xi32, #tpu.memory_space<vmem>>
    %dma_start3A_13 = arith.constant 0 : i32
    %dma_start3A_14 = arith.constant 0 : i32
    %dma_start3A_15 = tpu.memref_slice %arg2[%dma_start3A_13, %dma_start3A_14] : memref<10240x128xf32, #tpu.memory_space<hbm>> -> memref<10240x128xf32, #tpu.memory_space<hbm>>
    tpu.enqueue_indirect_dma source(%dma_start3A_15 : memref<10240x128xf32, #tpu.memory_space<hbm>>) target(%arg10 : memref<64x128xf32, #tpu.memory_space<vmem>>) offsets(%dma_start3A_12 : memref<64xi32, #tpu.memory_space<vmem>>) semaphore(%arg13 : memref<!tpu.dma_semaphore, #tpu.memory_space<semaphore_mem>>)
    %scan3A = arith.constant 0 : i32
    %scan3A_16 = arith.constant 40 : i32
    %scan3A_17 = arith.addi %scan3A, %scan3A_16 : i32
    %scan3A_18 = arith.constant 1 : i32
    scf.for %scan3A_43 = %scan3A to %scan3A_17 step %scan3A_18  : i32 {
      %mul3A_44 = arith.constant 1 : i32
      %mul3A_45 = arith.muli %scan3A_43, %mul3A_44 : i32
      %add3A_46 = arith.constant 0 : i32
      %add3A_47 = arith.addi %add3A_46, %mul3A_45 : i32
      %mul3A_48 = arith.constant 2 : i32
      %mul3A_49 = arith.muli %mul3A_48, %add3A_47 : i32
      %add3A_50 = arith.constant 0 : i32
      %add3A_51 = arith.addi %add3A_50, %mul3A_49 : i32
      %dma_wait3A = arith.constant 0 : i32
      %dma_wait3A_52 = tpu.memref_slice %arg8[%add3A_51, %dma_wait3A] : memref<80x64xi32, #tpu.memory_space<vmem>> -> memref<1x64xi32, #tpu.memory_space<vmem>>
      %dma_wait3A_53 = tpu.memref_squeeze %dma_wait3A_52 : memref<1x64xi32, #tpu.memory_space<vmem>> -> memref<64xi32, #tpu.memory_space<vmem>>
      %dma_wait3A_54 = arith.constant 0 : i32
      %dma_wait3A_55 = arith.constant 0 : i32
      %dma_wait3A_56 = tpu.memref_slice %arg2[%dma_wait3A_54, %dma_wait3A_55] : memref<10240x128xf32, #tpu.memory_space<hbm>> -> memref<10240x128xf32, #tpu.memory_space<hbm>>
      tpu.wait_indirect_dma semaphore(%arg13 : memref<!tpu.dma_semaphore, #tpu.memory_space<semaphore_mem>>) src(%dma_wait3A_56 : memref<10240x128xf32, #tpu.memory_space<hbm>>) dst(%arg10 : memref<64x128xf32, #tpu.memory_space<vmem>>)
      %add3A_57 = arith.constant 1 : i32
      %add3A_58 = arith.addi %add3A_51, %add3A_57 : i32
      %dma_start3A_59 = arith.constant 0 : i32
      %dma_start3A_60 = tpu.memref_slice %arg8[%add3A_58, %dma_start3A_59] : memref<80x64xi32, #tpu.memory_space<vmem>> -> memref<1x64xi32, #tpu.memory_space<vmem>>
      %dma_start3A_61 = tpu.memref_squeeze %dma_start3A_60 : memref<1x64xi32, #tpu.memory_space<vmem>> -> memref<64xi32, #tpu.memory_space<vmem>>
      %dma_start3A_62 = arith.constant 0 : i32
      %dma_start3A_63 = arith.constant 0 : i32
      %dma_start3A_64 = tpu.memref_slice %arg2[%dma_start3A_62, %dma_start3A_63] : memref<10240x128xf32, #tpu.memory_space<hbm>> -> memref<10240x128xf32, #tpu.memory_space<hbm>>
      tpu.enqueue_indirect_dma source(%dma_start3A_64 : memref<10240x128xf32, #tpu.memory_space<hbm>>) target(%arg11 : memref<64x128xf32, #tpu.memory_space<vmem>>) offsets(%dma_start3A_61 : memref<64xi32, #tpu.memory_space<vmem>>) semaphore(%arg14 : memref<!tpu.dma_semaphore, #tpu.memory_space<semaphore_mem>>)
      %add3A_65 = arith.constant 1 : i32
      %add3A_66 = arith.addi %add3A_51, %add3A_65 : i32
      %dma_wait3A_67 = arith.constant 0 : i32
      %dma_wait3A_68 = tpu.memref_slice %arg8[%add3A_66, %dma_wait3A_67] : memref<80x64xi32, #tpu.memory_space<vmem>> -> memref<1x64xi32, #tpu.memory_space<vmem>>
      %dma_wait3A_69 = tpu.memref_squeeze %dma_wait3A_68 : memref<1x64xi32, #tpu.memory_space<vmem>> -> memref<64xi32, #tpu.memory_space<vmem>>
      %dma_wait3A_70 = arith.constant 0 : i32
      %dma_wait3A_71 = arith.constant 0 : i32
      %dma_wait3A_72 = tpu.memref_slice %arg2[%dma_wait3A_70, %dma_wait3A_71] : memref<10240x128xf32, #tpu.memory_space<hbm>> -> memref<10240x128xf32, #tpu.memory_space<hbm>>
      tpu.wait_indirect_dma semaphore(%arg14 : memref<!tpu.dma_semaphore, #tpu.memory_space<semaphore_mem>>) src(%dma_wait3A_72 : memref<10240x128xf32, #tpu.memory_space<hbm>>) dst(%arg11 : memref<64x128xf32, #tpu.memory_space<vmem>>)
      %add3A_73 = arith.constant 2 : i32
      %add3A_74 = arith.addi %add3A_51, %add3A_73 : i32
      %lt3A = arith.constant 80 : i32
      %lt3A_75 = arith.cmpi slt, %add3A_74, %lt3A : i32
      %convert_element_type3A_76 = arith.extui %lt3A_75 : i1 to i32
      %cond3A_77 = arith.constant 0 : i32
      %cond3A_78 = arith.cmpi ne, %convert_element_type3A_76, %cond3A_77 : i32
      scf.if %cond3A_78 {
        %add3A_79 = arith.constant 2 : i32
        %add3A_80 = arith.addi %add3A_51, %add3A_79 : i32
        %dma_start3A_81 = arith.constant 0 : i32
        %dma_start3A_82 = tpu.memref_slice %arg8[%add3A_80, %dma_start3A_81] : memref<80x64xi32, #tpu.memory_space<vmem>> -> memref<1x64xi32, #tpu.memory_space<vmem>>
        %dma_start3A_83 = tpu.memref_squeeze %dma_start3A_82 : memref<1x64xi32, #tpu.memory_space<vmem>> -> memref<64xi32, #tpu.memory_space<vmem>>
        %dma_start3A_84 = arith.constant 0 : i32
        %dma_start3A_85 = arith.constant 0 : i32
        %dma_start3A_86 = tpu.memref_slice %arg2[%dma_start3A_84, %dma_start3A_85] : memref<10240x128xf32, #tpu.memory_space<hbm>> -> memref<10240x128xf32, #tpu.memory_space<hbm>>
        tpu.enqueue_indirect_dma source(%dma_start3A_86 : memref<10240x128xf32, #tpu.memory_space<hbm>>) target(%arg10 : memref<64x128xf32, #tpu.memory_space<vmem>>) offsets(%dma_start3A_83 : memref<64xi32, #tpu.memory_space<vmem>>) semaphore(%arg13 : memref<!tpu.dma_semaphore, #tpu.memory_space<semaphore_mem>>)
      } else {
      }
    }
    %scan3A_19 = arith.constant 40 : i32
    "tpu.region"() ({
      %run_scoped3A = tpu.sem_alloc : memref<!tpu.dma_semaphore, #tpu.memory_space<semaphore_mem>>
      %dma_start3A_43 = arith.constant 0 : i32
      %dma_start3A_44 = arith.constant 0 : i32
      %dma_start3A_45 = tpu.memref_slice %arg3[%add3A, %dma_start3A_43, %dma_start3A_44] : memref<32x160x64xi32, #tpu.memory_space<hbm>> -> memref<1x160x64xi32, #tpu.memory_space<hbm>>
      %dma_start3A_46 = tpu.memref_squeeze %dma_start3A_45 : memref<1x160x64xi32, #tpu.memory_space<hbm>> -> memref<160x64xi32, #tpu.memory_space<hbm>>
      %dma_start3A_47 = arith.constant 80 : i32
      %dma_start3A_48 = arith.constant 0 : i32
      %dma_start3A_49 = tpu.memref_slice %dma_start3A_46[%dma_start3A_47, %dma_start3A_48] : memref<160x64xi32, #tpu.memory_space<hbm>> -> memref<80x64xi32, #tpu.memory_space<hbm>>
      %dma_start3A_50 = arith.constant 0 : i32
      %dma_start3A_51 = arith.constant 0 : i32
      %dma_start3A_52 = tpu.memref_slice %arg3[%add3A, %dma_start3A_50, %dma_start3A_51] : memref<32x160x64xi32, #tpu.memory_space<hbm>> -> memref<1x160x64xi32, #tpu.memory_space<hbm>>
      %dma_start3A_53 = tpu.memref_squeeze %dma_start3A_52 : memref<1x160x64xi32, #tpu.memory_space<hbm>> -> memref<160x64xi32, #tpu.memory_space<hbm>>
      %dma_start3A_54 = arith.constant 80 : i32
      %dma_start3A_55 = arith.constant 0 : i32
      %dma_start3A_56 = tpu.memref_slice %dma_start3A_53[%dma_start3A_54, %dma_start3A_55] : memref<160x64xi32, #tpu.memory_space<hbm>> -> memref<80x64xi32, #tpu.memory_space<hbm>>
      tpu.enqueue_dma source(%dma_start3A_56 : memref<80x64xi32, #tpu.memory_space<hbm>>) target(%arg8 : memref<80x64xi32, #tpu.memory_space<vmem>>) target_semaphore(%run_scoped3A : memref<!tpu.dma_semaphore, #tpu.memory_space<semaphore_mem>>)
      %dma_wait3A = arith.constant 0 : i32
      %dma_wait3A_57 = arith.constant 0 : i32
      %dma_wait3A_58 = tpu.memref_slice %arg3[%add3A, %dma_wait3A, %dma_wait3A_57] : memref<32x160x64xi32, #tpu.memory_space<hbm>> -> memref<1x160x64xi32, #tpu.memory_space<hbm>>
      %dma_wait3A_59 = tpu.memref_squeeze %dma_wait3A_58 : memref<1x160x64xi32, #tpu.memory_space<hbm>> -> memref<160x64xi32, #tpu.memory_space<hbm>>
      %dma_wait3A_60 = arith.constant 80 : i32
      %dma_wait3A_61 = arith.constant 0 : i32
      %dma_wait3A_62 = tpu.memref_slice %dma_wait3A_59[%dma_wait3A_60, %dma_wait3A_61] : memref<160x64xi32, #tpu.memory_space<hbm>> -> memref<80x64xi32, #tpu.memory_space<hbm>>
      %dma_wait3A_63 = arith.constant 0 : i32
      %dma_wait3A_64 = arith.constant 0 : i32
      %dma_wait3A_65 = tpu.memref_slice %arg3[%add3A, %dma_wait3A_63, %dma_wait3A_64] : memref<32x160x64xi32, #tpu.memory_space<hbm>> -> memref<1x160x64xi32, #tpu.memory_space<hbm>>
      %dma_wait3A_66 = tpu.memref_squeeze %dma_wait3A_65 : memref<1x160x64xi32, #tpu.memory_space<hbm>> -> memref<160x64xi32, #tpu.memory_space<hbm>>
      %dma_wait3A_67 = arith.constant 80 : i32
      %dma_wait3A_68 = arith.constant 0 : i32
      %dma_wait3A_69 = tpu.memref_slice %dma_wait3A_66[%dma_wait3A_67, %dma_wait3A_68] : memref<160x64xi32, #tpu.memory_space<hbm>> -> memref<80x64xi32, #tpu.memory_space<hbm>>
      tpu.wait_dma2 semaphore(%run_scoped3A : memref<!tpu.dma_semaphore, #tpu.memory_space<semaphore_mem>>) src(%dma_wait3A_69 : memref<80x64xi32, #tpu.memory_space<hbm>>) dst(%arg8 : memref<80x64xi32, #tpu.memory_space<vmem>>)
      tpu.yield
    }) : () -> ()
    "tpu.region"() ({
      %run_scoped3A = tpu.sem_alloc : memref<!tpu.dma_semaphore, #tpu.memory_space<semaphore_mem>>
      %dma_start3A_43 = arith.constant 0 : i32
      %dma_start3A_44 = arith.constant 0 : i32
      %dma_start3A_45 = tpu.memref_slice %arg4[%add3A, %dma_start3A_43, %dma_start3A_44] : memref<32x160x64xi32, #tpu.memory_space<hbm>> -> memref<1x160x64xi32, #tpu.memory_space<hbm>>
      %dma_start3A_46 = tpu.memref_squeeze %dma_start3A_45 : memref<1x160x64xi32, #tpu.memory_space<hbm>> -> memref<160x64xi32, #tpu.memory_space<hbm>>
      %dma_start3A_47 = arith.constant 80 : i32
      %dma_start3A_48 = arith.constant 0 : i32
      %dma_start3A_49 = tpu.memref_slice %dma_start3A_46[%dma_start3A_47, %dma_start3A_48] : memref<160x64xi32, #tpu.memory_space<hbm>> -> memref<80x64xi32, #tpu.memory_space<hbm>>
      %dma_start3A_50 = arith.constant 0 : i32
      %dma_start3A_51 = arith.constant 0 : i32
      %dma_start3A_52 = tpu.memref_slice %arg4[%add3A, %dma_start3A_50, %dma_start3A_51] : memref<32x160x64xi32, #tpu.memory_space<hbm>> -> memref<1x160x64xi32, #tpu.memory_space<hbm>>
      %dma_start3A_53 = tpu.memref_squeeze %dma_start3A_52 : memref<1x160x64xi32, #tpu.memory_space<hbm>> -> memref<160x64xi32, #tpu.memory_space<hbm>>
      %dma_start3A_54 = arith.constant 80 : i32
      %dma_start3A_55 = arith.constant 0 : i32
      %dma_start3A_56 = tpu.memref_slice %dma_start3A_53[%dma_start3A_54, %dma_start3A_55] : memref<160x64xi32, #tpu.memory_space<hbm>> -> memref<80x64xi32, #tpu.memory_space<hbm>>
      tpu.enqueue_dma source(%dma_start3A_56 : memref<80x64xi32, #tpu.memory_space<hbm>>) target(%arg9 : memref<80x64xi32, #tpu.memory_space<vmem>>) target_semaphore(%run_scoped3A : memref<!tpu.dma_semaphore, #tpu.memory_space<semaphore_mem>>)
      %dma_wait3A = arith.constant 0 : i32
      %dma_wait3A_57 = arith.constant 0 : i32
      %dma_wait3A_58 = tpu.memref_slice %arg4[%add3A, %dma_wait3A, %dma_wait3A_57] : memref<32x160x64xi32, #tpu.memory_space<hbm>> -> memref<1x160x64xi32, #tpu.memory_space<hbm>>
      %dma_wait3A_59 = tpu.memref_squeeze %dma_wait3A_58 : memref<1x160x64xi32, #tpu.memory_space<hbm>> -> memref<160x64xi32, #tpu.memory_space<hbm>>
      %dma_wait3A_60 = arith.constant 80 : i32
      %dma_wait3A_61 = arith.constant 0 : i32
      %dma_wait3A_62 = tpu.memref_slice %dma_wait3A_59[%dma_wait3A_60, %dma_wait3A_61] : memref<160x64xi32, #tpu.memory_space<hbm>> -> memref<80x64xi32, #tpu.memory_space<hbm>>
      %dma_wait3A_63 = arith.constant 0 : i32
      %dma_wait3A_64 = arith.constant 0 : i32
      %dma_wait3A_65 = tpu.memref_slice %arg4[%add3A, %dma_wait3A_63, %dma_wait3A_64] : memref<32x160x64xi32, #tpu.memory_space<hbm>> -> memref<1x160x64xi32, #tpu.memory_space<hbm>>
      %dma_wait3A_66 = tpu.memref_squeeze %dma_wait3A_65 : memref<1x160x64xi32, #tpu.memory_space<hbm>> -> memref<160x64xi32, #tpu.memory_space<hbm>>
      %dma_wait3A_67 = arith.constant 80 : i32
      %dma_wait3A_68 = arith.constant 0 : i32
      %dma_wait3A_69 = tpu.memref_slice %dma_wait3A_66[%dma_wait3A_67, %dma_wait3A_68] : memref<160x64xi32, #tpu.memory_space<hbm>> -> memref<80x64xi32, #tpu.memory_space<hbm>>
      tpu.wait_dma2 semaphore(%run_scoped3A : memref<!tpu.dma_semaphore, #tpu.memory_space<semaphore_mem>>) src(%dma_wait3A_69 : memref<80x64xi32, #tpu.memory_space<hbm>>) dst(%arg9 : memref<80x64xi32, #tpu.memory_space<vmem>>)
      tpu.yield
    }) : () -> ()
    %dma_start3A_20 = arith.constant 0 : i32
    %dma_start3A_21 = arith.constant 0 : i32
    %dma_start3A_22 = tpu.memref_slice %arg8[%dma_start3A_20, %dma_start3A_21] : memref<80x64xi32, #tpu.memory_space<vmem>> -> memref<1x64xi32, #tpu.memory_space<vmem>>
    %dma_start3A_23 = tpu.memref_squeeze %dma_start3A_22 : memref<1x64xi32, #tpu.memory_space<vmem>> -> memref<64xi32, #tpu.memory_space<vmem>>
    %dma_start3A_24 = arith.constant 0 : i32
    %dma_start3A_25 = arith.constant 0 : i32
    %dma_start3A_26 = tpu.memref_slice %arg2[%dma_start3A_24, %dma_start3A_25] : memref<10240x128xf32, #tpu.memory_space<hbm>> -> memref<10240x128xf32, #tpu.memory_space<hbm>>
    tpu.enqueue_indirect_dma source(%dma_start3A_26 : memref<10240x128xf32, #tpu.memory_space<hbm>>) target(%arg10 : memref<64x128xf32, #tpu.memory_space<vmem>>) offsets(%dma_start3A_23 : memref<64xi32, #tpu.memory_space<vmem>>) semaphore(%arg13 : memref<!tpu.dma_semaphore, #tpu.memory_space<semaphore_mem>>)
    %scan3A_27 = arith.constant 0 : i32
    %scan3A_28 = arith.constant 40 : i32
    %scan3A_29 = arith.addi %scan3A_27, %scan3A_28 : i32
    %scan3A_30 = arith.constant 1 : i32
    scf.for %scan3A_43 = %scan3A_27 to %scan3A_29 step %scan3A_30  : i32 {
      %mul3A_44 = arith.constant 1 : i32
      %mul3A_45 = arith.muli %scan3A_43, %mul3A_44 : i32
      %add3A_46 = arith.constant 0 : i32
      %add3A_47 = arith.addi %add3A_46, %mul3A_45 : i32
      %mul3A_48 = arith.constant 2 : i32
      %mul3A_49 = arith.muli %mul3A_48, %add3A_47 : i32
      %add3A_50 = arith.constant 0 : i32
      %add3A_51 = arith.addi %add3A_50, %mul3A_49 : i32
      %dma_wait3A = arith.constant 0 : i32
      %dma_wait3A_52 = tpu.memref_slice %arg8[%add3A_51, %dma_wait3A] : memref<80x64xi32, #tpu.memory_space<vmem>> -> memref<1x64xi32, #tpu.memory_space<vmem>>
      %dma_wait3A_53 = tpu.memref_squeeze %dma_wait3A_52 : memref<1x64xi32, #tpu.memory_space<vmem>> -> memref<64xi32, #tpu.memory_space<vmem>>
      %dma_wait3A_54 = arith.constant 0 : i32
      %dma_wait3A_55 = arith.constant 0 : i32
      %dma_wait3A_56 = tpu.memref_slice %arg2[%dma_wait3A_54, %dma_wait3A_55] : memref<10240x128xf32, #tpu.memory_space<hbm>> -> memref<10240x128xf32, #tpu.memory_space<hbm>>
      tpu.wait_indirect_dma semaphore(%arg13 : memref<!tpu.dma_semaphore, #tpu.memory_space<semaphore_mem>>) src(%dma_wait3A_56 : memref<10240x128xf32, #tpu.memory_space<hbm>>) dst(%arg10 : memref<64x128xf32, #tpu.memory_space<vmem>>)
      %add3A_57 = arith.constant 1 : i32
      %add3A_58 = arith.addi %add3A_51, %add3A_57 : i32
      %dma_start3A_59 = arith.constant 0 : i32
      %dma_start3A_60 = tpu.memref_slice %arg8[%add3A_58, %dma_start3A_59] : memref<80x64xi32, #tpu.memory_space<vmem>> -> memref<1x64xi32, #tpu.memory_space<vmem>>
      %dma_start3A_61 = tpu.memref_squeeze %dma_start3A_60 : memref<1x64xi32, #tpu.memory_space<vmem>> -> memref<64xi32, #tpu.memory_space<vmem>>
      %dma_start3A_62 = arith.constant 0 : i32
      %dma_start3A_63 = arith.constant 0 : i32
      %dma_start3A_64 = tpu.memref_slice %arg2[%dma_start3A_62, %dma_start3A_63] : memref<10240x128xf32, #tpu.memory_space<hbm>> -> memref<10240x128xf32, #tpu.memory_space<hbm>>
      tpu.enqueue_indirect_dma source(%dma_start3A_64 : memref<10240x128xf32, #tpu.memory_space<hbm>>) target(%arg11 : memref<64x128xf32, #tpu.memory_space<vmem>>) offsets(%dma_start3A_61 : memref<64xi32, #tpu.memory_space<vmem>>) semaphore(%arg14 : memref<!tpu.dma_semaphore, #tpu.memory_space<semaphore_mem>>)
      %add3A_65 = arith.constant 1 : i32
      %add3A_66 = arith.addi %add3A_51, %add3A_65 : i32
      %dma_wait3A_67 = arith.constant 0 : i32
      %dma_wait3A_68 = tpu.memref_slice %arg8[%add3A_66, %dma_wait3A_67] : memref<80x64xi32, #tpu.memory_space<vmem>> -> memref<1x64xi32, #tpu.memory_space<vmem>>
      %dma_wait3A_69 = tpu.memref_squeeze %dma_wait3A_68 : memref<1x64xi32, #tpu.memory_space<vmem>> -> memref<64xi32, #tpu.memory_space<vmem>>
      %dma_wait3A_70 = arith.constant 0 : i32
      %dma_wait3A_71 = arith.constant 0 : i32
      %dma_wait3A_72 = tpu.memref_slice %arg2[%dma_wait3A_70, %dma_wait3A_71] : memref<10240x128xf32, #tpu.memory_space<hbm>> -> memref<10240x128xf32, #tpu.memory_space<hbm>>
      tpu.wait_indirect_dma semaphore(%arg14 : memref<!tpu.dma_semaphore, #tpu.memory_space<semaphore_mem>>) src(%dma_wait3A_72 : memref<10240x128xf32, #tpu.memory_space<hbm>>) dst(%arg11 : memref<64x128xf32, #tpu.memory_space<vmem>>)
      %add3A_73 = arith.constant 2 : i32
      %add3A_74 = arith.addi %add3A_51, %add3A_73 : i32
      %lt3A = arith.constant 80 : i32
      %lt3A_75 = arith.cmpi slt, %add3A_74, %lt3A : i32
      %convert_element_type3A_76 = arith.extui %lt3A_75 : i1 to i32
      %cond3A_77 = arith.constant 0 : i32
      %cond3A_78 = arith.cmpi ne, %convert_element_type3A_76, %cond3A_77 : i32
      scf.if %cond3A_78 {
        %add3A_79 = arith.constant 2 : i32
        %add3A_80 = arith.addi %add3A_51, %add3A_79 : i32
        %dma_start3A_81 = arith.constant 0 : i32
        %dma_start3A_82 = tpu.memref_slice %arg8[%add3A_80, %dma_start3A_81] : memref<80x64xi32, #tpu.memory_space<vmem>> -> memref<1x64xi32, #tpu.memory_space<vmem>>
        %dma_start3A_83 = tpu.memref_squeeze %dma_start3A_82 : memref<1x64xi32, #tpu.memory_space<vmem>> -> memref<64xi32, #tpu.memory_space<vmem>>
        %dma_start3A_84 = arith.constant 0 : i32
        %dma_start3A_85 = arith.constant 0 : i32
        %dma_start3A_86 = tpu.memref_slice %arg2[%dma_start3A_84, %dma_start3A_85] : memref<10240x128xf32, #tpu.memory_space<hbm>> -> memref<10240x128xf32, #tpu.memory_space<hbm>>
        tpu.enqueue_indirect_dma source(%dma_start3A_86 : memref<10240x128xf32, #tpu.memory_space<hbm>>) target(%arg10 : memref<64x128xf32, #tpu.memory_space<vmem>>) offsets(%dma_start3A_83 : memref<64xi32, #tpu.memory_space<vmem>>) semaphore(%arg13 : memref<!tpu.dma_semaphore, #tpu.memory_space<semaphore_mem>>)
      } else {
      }
    }
    %scan3A_31 = arith.constant 40 : i32
    %barrier3A_32 = arith.constant 0 : index
    tpu.barrier barrier_id(%barrier3A_32)
    %eq3A_33 = arith.constant 0 : i32
    %eq3A_34 = arith.cmpi eq, %arg0, %eq3A_33 : i32
    %convert_element_type3A_35 = arith.extui %eq3A_34 : i1 to i32
    %cond3A_36 = arith.constant 0 : i32
    %cond3A_37 = arith.cmpi ne, %convert_element_type3A_35, %cond3A_36 : i32
    scf.if %cond3A_37 {
      "tpu.region"() ({
        %run_scoped3A = tpu.sem_alloc : memref<!tpu.dma_semaphore, #tpu.memory_space<semaphore_mem>>
        %dma_start3A_43 = arith.constant 0 : i32
        %dma_start3A_44 = tpu.memref_slice %arg6[%mul3A_0, %dma_start3A_43] : memref<10240x128xf32, #tpu.memory_space<hbm>> -> memref<640x128xf32, #tpu.memory_space<hbm>>
        %dma_start3A_45 = arith.constant 0 : i32
        %dma_start3A_46 = tpu.memref_slice %arg12[%mul3A_0, %dma_start3A_45] : memref<10240x128xf32, #tpu.memory_space<vmem_shared>> -> memref<640x128xf32, #tpu.memory_space<vmem_shared>>
        tpu.enqueue_dma source(%dma_start3A_46 : memref<640x128xf32, #tpu.memory_space<vmem_shared>>) target(%dma_start3A_44 : memref<640x128xf32, #tpu.memory_space<hbm>>) target_semaphore(%run_scoped3A : memref<!tpu.dma_semaphore, #tpu.memory_space<semaphore_mem>>)
        %dma_wait3A = arith.constant 0 : i32
        %dma_wait3A_47 = tpu.memref_slice %arg6[%mul3A_0, %dma_wait3A] : memref<10240x128xf32, #tpu.memory_space<hbm>> -> memref<640x128xf32, #tpu.memory_space<hbm>>
        %dma_wait3A_48 = arith.constant 0 : i32
        %dma_wait3A_49 = tpu.memref_slice %arg12[%mul3A_0, %dma_wait3A_48] : memref<10240x128xf32, #tpu.memory_space<vmem_shared>> -> memref<640x128xf32, #tpu.memory_space<vmem_shared>>
        tpu.wait_dma2 semaphore(%run_scoped3A : memref<!tpu.dma_semaphore, #tpu.memory_space<semaphore_mem>>) src(%dma_wait3A_49 : memref<640x128xf32, #tpu.memory_space<vmem_shared>>) dst(%dma_wait3A_47 : memref<640x128xf32, #tpu.memory_space<hbm>>)
        tpu.yield
      }) : () -> ()
    } else {
    }
    %eq3A_38 = arith.constant 1 : i32
    %eq3A_39 = arith.cmpi eq, %arg0, %eq3A_38 : i32
    %convert_element_type3A_40 = arith.extui %eq3A_39 : i1 to i32
    %cond3A_41 = arith.constant 0 : i32
    %cond3A_42 = arith.cmpi ne, %convert_element_type3A_40, %cond3A_41 : i32
    scf.if %cond3A_42 {
      "tpu.region"() ({
        %run_scoped3A = tpu.sem_alloc : memref<!tpu.dma_semaphore, #tpu.memory_space<semaphore_mem>>
        %dma_start3A_43 = arith.constant 0 : i32
        %dma_start3A_44 = tpu.memref_slice %arg7[%mul3A_0, %dma_start3A_43] : memref<10240x128xf32, #tpu.memory_space<hbm>> -> memref<640x128xf32, #tpu.memory_space<hbm>>
        %dma_start3A_45 = arith.constant 0 : i32
        %dma_start3A_46 = tpu.memref_slice %arg12[%mul3A_0, %dma_start3A_45] : memref<10240x128xf32, #tpu.memory_space<vmem_shared>> -> memref<640x128xf32, #tpu.memory_space<vmem_shared>>
        tpu.enqueue_dma source(%dma_start3A_46 : memref<640x128xf32, #tpu.memory_space<vmem_shared>>) target(%dma_start3A_44 : memref<640x128xf32, #tpu.memory_space<hbm>>) target_semaphore(%run_scoped3A : memref<!tpu.dma_semaphore, #tpu.memory_space<semaphore_mem>>)
        %dma_wait3A = arith.constant 0 : i32
        %dma_wait3A_47 = tpu.memref_slice %arg7[%mul3A_0, %dma_wait3A] : memref<10240x128xf32, #tpu.memory_space<hbm>> -> memref<640x128xf32, #tpu.memory_space<hbm>>
        %dma_wait3A_48 = arith.constant 0 : i32
        %dma_wait3A_49 = tpu.memref_slice %arg12[%mul3A_0, %dma_wait3A_48] : memref<10240x128xf32, #tpu.memory_space<vmem_shared>> -> memref<640x128xf32, #tpu.memory_space<vmem_shared>>
        tpu.wait_dma2 semaphore(%run_scoped3A : memref<!tpu.dma_semaphore, #tpu.memory_space<semaphore_mem>>) src(%dma_wait3A_49 : memref<640x128xf32, #tpu.memory_space<vmem_shared>>) dst(%dma_wait3A_47 : memref<640x128xf32, #tpu.memory_space<hbm>>)
        tpu.yield
      }) : () -> ()
    } else {
    }
    return
  }
}

#map = affine_map<(d0, d1) -> (0, 0, 0)>
#map1 = affine_map<(d0, d1) -> (0, 0)>
module attributes {stable_mosaic.version = 14 : i64} {
  func.func @_deg_kernel(%arg0: i32, %arg1: i32, %arg2: memref<32x160x64xi32, #tpu.memory_space<hbm>>, %arg3: memref<640x128xf32, #tpu.memory_space<hbm>>, %arg4: memref<10240x128xf32, #tpu.memory_space<hbm>>, %arg5: memref<10240x128xf32, #tpu.memory_space<hbm>>, %arg6: memref<80x64xi32, #tpu.memory_space<vmem>>, %arg7: memref<64x128xf32, #tpu.memory_space<vmem>>, %arg8: memref<10240x128xf32, #tpu.memory_space<vmem_shared>>, %arg9: memref<!tpu.dma_semaphore, #tpu.memory_space<semaphore_mem>>) attributes {dimension_semantics = [#tpu.dimension_semantics<core_parallel>, #tpu.dimension_semantics<subcore_parallel>], iteration_bounds = array<i64: 2, 16>, scalar_prefetch = 0 : i64, scratch_operands = 4 : i64, tpu.core_type = #tpu.core_type<sc_vector_subcore>, window_params = [{transform_indices = #map}, {transform_indices = #map1}, {transform_indices = #map1}, {transform_indices = #map1}]} {
    %mul3A = arith.constant 640 : i32
    %mul3A_0 = arith.muli %arg1, %mul3A : i32
    %mul3A_1 = arith.constant 16 : i32
    %mul3A_2 = arith.muli %arg0, %mul3A_1 : i32
    %add3A = arith.addi %mul3A_2, %arg1 : i32
    %scan3A = arith.constant 0 : i32
    %scan3A_3 = arith.constant 64 : i32
    %scan3A_4 = arith.addi %scan3A, %scan3A_3 : i32
    %scan3A_5 = arith.constant 1 : i32
    scf.for %scan3A_48 = %scan3A to %scan3A_4 step %scan3A_5  : i32 {
      %mul3A_49 = arith.constant 1 : i32
      %mul3A_50 = arith.muli %scan3A_48, %mul3A_49 : i32
      %add3A_51 = arith.constant 0 : i32
      %add3A_52 = arith.addi %add3A_51, %mul3A_50 : i32
      %broadcast_in_dim3A = arith.constant 1.000000e+00 : f32
      %broadcast_in_dim3A_53 = vector.broadcast %broadcast_in_dim3A : f32 to vector<16xf32>
      %swap3A = arith.index_cast %add3A_52 : i32 to index
      %swap3A_54 = arith.constant 0 : index
      %swap3A_55 = tpu.vector_load %arg7[%swap3A, %swap3A_54] {strides = array<i32>} : memref<64x128xf32, #tpu.memory_space<vmem>>, vector<1x16xf32>,
      %swap3A_56 = vector.shape_cast %swap3A_55 : vector<1x16xf32> to vector<16xf32>
      %swap3A_57 = vector.shape_cast %broadcast_in_dim3A_53 : vector<16xf32> to vector<1x16xf32>
      tpu.vector_store %arg7[%swap3A, %swap3A_54], %swap3A_57 {strides = array<i32>} : memref<64x128xf32, #tpu.memory_space<vmem>>, vector<1x16xf32>,
      %broadcast_in_dim3A_58 = arith.constant 1.000000e+00 : f32
      %broadcast_in_dim3A_59 = vector.broadcast %broadcast_in_dim3A_58 : f32 to vector<16xf32>
      %swap3A_60 = arith.index_cast %add3A_52 : i32 to index
      %swap3A_61 = arith.constant 16 : index
      %swap3A_62 = tpu.vector_load %arg7[%swap3A_60, %swap3A_61] {strides = array<i32>} : memref<64x128xf32, #tpu.memory_space<vmem>>, vector<1x16xf32>,
      %swap3A_63 = vector.shape_cast %swap3A_62 : vector<1x16xf32> to vector<16xf32>
      %swap3A_64 = vector.shape_cast %broadcast_in_dim3A_59 : vector<16xf32> to vector<1x16xf32>
      tpu.vector_store %arg7[%swap3A_60, %swap3A_61], %swap3A_64 {strides = array<i32>} : memref<64x128xf32, #tpu.memory_space<vmem>>, vector<1x16xf32>,
      %broadcast_in_dim3A_65 = arith.constant 1.000000e+00 : f32
      %broadcast_in_dim3A_66 = vector.broadcast %broadcast_in_dim3A_65 : f32 to vector<16xf32>
      %swap3A_67 = arith.index_cast %add3A_52 : i32 to index
      %swap3A_68 = arith.constant 32 : index
      %swap3A_69 = tpu.vector_load %arg7[%swap3A_67, %swap3A_68] {strides = array<i32>} : memref<64x128xf32, #tpu.memory_space<vmem>>, vector<1x16xf32>,
      %swap3A_70 = vector.shape_cast %swap3A_69 : vector<1x16xf32> to vector<16xf32>
      %swap3A_71 = vector.shape_cast %broadcast_in_dim3A_66 : vector<16xf32> to vector<1x16xf32>
      tpu.vector_store %arg7[%swap3A_67, %swap3A_68], %swap3A_71 {strides = array<i32>} : memref<64x128xf32, #tpu.memory_space<vmem>>, vector<1x16xf32>,
      %broadcast_in_dim3A_72 = arith.constant 1.000000e+00 : f32
      %broadcast_in_dim3A_73 = vector.broadcast %broadcast_in_dim3A_72 : f32 to vector<16xf32>
      %swap3A_74 = arith.index_cast %add3A_52 : i32 to index
      %swap3A_75 = arith.constant 48 : index
      %swap3A_76 = tpu.vector_load %arg7[%swap3A_74, %swap3A_75] {strides = array<i32>} : memref<64x128xf32, #tpu.memory_space<vmem>>, vector<1x16xf32>,
      %swap3A_77 = vector.shape_cast %swap3A_76 : vector<1x16xf32> to vector<16xf32>
      %swap3A_78 = vector.shape_cast %broadcast_in_dim3A_73 : vector<16xf32> to vector<1x16xf32>
      tpu.vector_store %arg7[%swap3A_74, %swap3A_75], %swap3A_78 {strides = array<i32>} : memref<64x128xf32, #tpu.memory_space<vmem>>, vector<1x16xf32>,
      %broadcast_in_dim3A_79 = arith.constant 1.000000e+00 : f32
      %broadcast_in_dim3A_80 = vector.broadcast %broadcast_in_dim3A_79 : f32 to vector<16xf32>
      %swap3A_81 = arith.index_cast %add3A_52 : i32 to index
      %swap3A_82 = arith.constant 64 : index
      %swap3A_83 = tpu.vector_load %arg7[%swap3A_81, %swap3A_82] {strides = array<i32>} : memref<64x128xf32, #tpu.memory_space<vmem>>, vector<1x16xf32>,
      %swap3A_84 = vector.shape_cast %swap3A_83 : vector<1x16xf32> to vector<16xf32>
      %swap3A_85 = vector.shape_cast %broadcast_in_dim3A_80 : vector<16xf32> to vector<1x16xf32>
      tpu.vector_store %arg7[%swap3A_81, %swap3A_82], %swap3A_85 {strides = array<i32>} : memref<64x128xf32, #tpu.memory_space<vmem>>, vector<1x16xf32>,
      %broadcast_in_dim3A_86 = arith.constant 1.000000e+00 : f32
      %broadcast_in_dim3A_87 = vector.broadcast %broadcast_in_dim3A_86 : f32 to vector<16xf32>
      %swap3A_88 = arith.index_cast %add3A_52 : i32 to index
      %swap3A_89 = arith.constant 80 : index
      %swap3A_90 = tpu.vector_load %arg7[%swap3A_88, %swap3A_89] {strides = array<i32>} : memref<64x128xf32, #tpu.memory_space<vmem>>, vector<1x16xf32>,
      %swap3A_91 = vector.shape_cast %swap3A_90 : vector<1x16xf32> to vector<16xf32>
      %swap3A_92 = vector.shape_cast %broadcast_in_dim3A_87 : vector<16xf32> to vector<1x16xf32>
      tpu.vector_store %arg7[%swap3A_88, %swap3A_89], %swap3A_92 {strides = array<i32>} : memref<64x128xf32, #tpu.memory_space<vmem>>, vector<1x16xf32>,
      %broadcast_in_dim3A_93 = arith.constant 1.000000e+00 : f32
      %broadcast_in_dim3A_94 = vector.broadcast %broadcast_in_dim3A_93 : f32 to vector<16xf32>
      %swap3A_95 = arith.index_cast %add3A_52 : i32 to index
      %swap3A_96 = arith.constant 96 : index
      %swap3A_97 = tpu.vector_load %arg7[%swap3A_95, %swap3A_96] {strides = array<i32>} : memref<64x128xf32, #tpu.memory_space<vmem>>, vector<1x16xf32>,
      %swap3A_98 = vector.shape_cast %swap3A_97 : vector<1x16xf32> to vector<16xf32>
      %swap3A_99 = vector.shape_cast %broadcast_in_dim3A_94 : vector<16xf32> to vector<1x16xf32>
      tpu.vector_store %arg7[%swap3A_95, %swap3A_96], %swap3A_99 {strides = array<i32>} : memref<64x128xf32, #tpu.memory_space<vmem>>, vector<1x16xf32>,
      %broadcast_in_dim3A_100 = arith.constant 1.000000e+00 : f32
      %broadcast_in_dim3A_101 = vector.broadcast %broadcast_in_dim3A_100 : f32 to vector<16xf32>
      %swap3A_102 = arith.index_cast %add3A_52 : i32 to index
      %swap3A_103 = arith.constant 112 : index
      %swap3A_104 = tpu.vector_load %arg7[%swap3A_102, %swap3A_103] {strides = array<i32>} : memref<64x128xf32, #tpu.memory_space<vmem>>, vector<1x16xf32>,
      %swap3A_105 = vector.shape_cast %swap3A_104 : vector<1x16xf32> to vector<16xf32>
      %swap3A_106 = vector.shape_cast %broadcast_in_dim3A_101 : vector<16xf32> to vector<1x16xf32>
      tpu.vector_store %arg7[%swap3A_102, %swap3A_103], %swap3A_106 {strides = array<i32>} : memref<64x128xf32, #tpu.memory_space<vmem>>, vector<1x16xf32>,
    }
    %scan3A_6 = arith.constant 64 : i32
    %eq3A = arith.constant 0 : i32
    %eq3A_7 = arith.cmpi eq, %arg0, %eq3A : i32
    %convert_element_type3A = arith.extui %eq3A_7 : i1 to i32
    %cond3A = arith.constant 0 : i32
    %cond3A_8 = arith.cmpi ne, %convert_element_type3A, %cond3A : i32
    scf.if %cond3A_8 {
      %add3A_48 = arith.constant 0 : i32
      %add3A_49 = arith.addi %mul3A_0, %add3A_48 : i32
      "tpu.region"() ({
        %run_scoped3A = tpu.sem_alloc : memref<!tpu.dma_semaphore, #tpu.memory_space<semaphore_mem>>
        %dma_start3A = arith.constant 0 : i32
        %dma_start3A_68 = tpu.memref_slice %arg8[%add3A_49, %dma_start3A] : memref<10240x128xf32, #tpu.memory_space<vmem_shared>> -> memref<64x128xf32, #tpu.memory_space<vmem_shared>>
        %dma_start3A_69 = arith.constant 0 : i32
        %dma_start3A_70 = tpu.memref_slice %arg8[%add3A_49, %dma_start3A_69] : memref<10240x128xf32, #tpu.memory_space<vmem_shared>> -> memref<64x128xf32, #tpu.memory_space<vmem_shared>>
        tpu.enqueue_dma source(%arg7 : memref<64x128xf32, #tpu.memory_space<vmem>>) target(%dma_start3A_70 : memref<64x128xf32, #tpu.memory_space<vmem_shared>>) target_semaphore(%run_scoped3A : memref<!tpu.dma_semaphore, #tpu.memory_space<semaphore_mem>>)
        %dma_wait3A_71 = arith.constant 0 : i32
        %dma_wait3A_72 = tpu.memref_slice %arg8[%add3A_49, %dma_wait3A_71] : memref<10240x128xf32, #tpu.memory_space<vmem_shared>> -> memref<64x128xf32, #tpu.memory_space<vmem_shared>>
        %dma_wait3A_73 = arith.constant 0 : i32
        %dma_wait3A_74 = tpu.memref_slice %arg8[%add3A_49, %dma_wait3A_73] : memref<10240x128xf32, #tpu.memory_space<vmem_shared>> -> memref<64x128xf32, #tpu.memory_space<vmem_shared>>
        tpu.wait_dma2 semaphore(%run_scoped3A : memref<!tpu.dma_semaphore, #tpu.memory_space<semaphore_mem>>) src(%arg7 : memref<64x128xf32, #tpu.memory_space<vmem>>) dst(%dma_wait3A_74 : memref<64x128xf32, #tpu.memory_space<vmem_shared>>)
        tpu.yield
      }) : () -> ()
      %add3A_50 = arith.constant 64 : i32
      %add3A_51 = arith.addi %mul3A_0, %add3A_50 : i32
      "tpu.region"() ({
        %run_scoped3A = tpu.sem_alloc : memref<!tpu.dma_semaphore, #tpu.memory_space<semaphore_mem>>
        %dma_start3A = arith.constant 0 : i32
        %dma_start3A_68 = tpu.memref_slice %arg8[%add3A_51, %dma_start3A] : memref<10240x128xf32, #tpu.memory_space<vmem_shared>> -> memref<64x128xf32, #tpu.memory_space<vmem_shared>>
        %dma_start3A_69 = arith.constant 0 : i32
        %dma_start3A_70 = tpu.memref_slice %arg8[%add3A_51, %dma_start3A_69] : memref<10240x128xf32, #tpu.memory_space<vmem_shared>> -> memref<64x128xf32, #tpu.memory_space<vmem_shared>>
        tpu.enqueue_dma source(%arg7 : memref<64x128xf32, #tpu.memory_space<vmem>>) target(%dma_start3A_70 : memref<64x128xf32, #tpu.memory_space<vmem_shared>>) target_semaphore(%run_scoped3A : memref<!tpu.dma_semaphore, #tpu.memory_space<semaphore_mem>>)
        %dma_wait3A_71 = arith.constant 0 : i32
        %dma_wait3A_72 = tpu.memref_slice %arg8[%add3A_51, %dma_wait3A_71] : memref<10240x128xf32, #tpu.memory_space<vmem_shared>> -> memref<64x128xf32, #tpu.memory_space<vmem_shared>>
        %dma_wait3A_73 = arith.constant 0 : i32
        %dma_wait3A_74 = tpu.memref_slice %arg8[%add3A_51, %dma_wait3A_73] : memref<10240x128xf32, #tpu.memory_space<vmem_shared>> -> memref<64x128xf32, #tpu.memory_space<vmem_shared>>
        tpu.wait_dma2 semaphore(%run_scoped3A : memref<!tpu.dma_semaphore, #tpu.memory_space<semaphore_mem>>) src(%arg7 : memref<64x128xf32, #tpu.memory_space<vmem>>) dst(%dma_wait3A_74 : memref<64x128xf32, #tpu.memory_space<vmem_shared>>)
        tpu.yield
      }) : () -> ()
      %add3A_52 = arith.constant 128 : i32
      %add3A_53 = arith.addi %mul3A_0, %add3A_52 : i32
      "tpu.region"() ({
        %run_scoped3A = tpu.sem_alloc : memref<!tpu.dma_semaphore, #tpu.memory_space<semaphore_mem>>
        %dma_start3A = arith.constant 0 : i32
        %dma_start3A_68 = tpu.memref_slice %arg8[%add3A_53, %dma_start3A] : memref<10240x128xf32, #tpu.memory_space<vmem_shared>> -> memref<64x128xf32, #tpu.memory_space<vmem_shared>>
        %dma_start3A_69 = arith.constant 0 : i32
        %dma_start3A_70 = tpu.memref_slice %arg8[%add3A_53, %dma_start3A_69] : memref<10240x128xf32, #tpu.memory_space<vmem_shared>> -> memref<64x128xf32, #tpu.memory_space<vmem_shared>>
        tpu.enqueue_dma source(%arg7 : memref<64x128xf32, #tpu.memory_space<vmem>>) target(%dma_start3A_70 : memref<64x128xf32, #tpu.memory_space<vmem_shared>>) target_semaphore(%run_scoped3A : memref<!tpu.dma_semaphore, #tpu.memory_space<semaphore_mem>>)
        %dma_wait3A_71 = arith.constant 0 : i32
        %dma_wait3A_72 = tpu.memref_slice %arg8[%add3A_53, %dma_wait3A_71] : memref<10240x128xf32, #tpu.memory_space<vmem_shared>> -> memref<64x128xf32, #tpu.memory_space<vmem_shared>>
        %dma_wait3A_73 = arith.constant 0 : i32
        %dma_wait3A_74 = tpu.memref_slice %arg8[%add3A_53, %dma_wait3A_73] : memref<10240x128xf32, #tpu.memory_space<vmem_shared>> -> memref<64x128xf32, #tpu.memory_space<vmem_shared>>
        tpu.wait_dma2 semaphore(%run_scoped3A : memref<!tpu.dma_semaphore, #tpu.memory_space<semaphore_mem>>) src(%arg7 : memref<64x128xf32, #tpu.memory_space<vmem>>) dst(%dma_wait3A_74 : memref<64x128xf32, #tpu.memory_space<vmem_shared>>)
        tpu.yield
      }) : () -> ()
      %add3A_54 = arith.constant 192 : i32
      %add3A_55 = arith.addi %mul3A_0, %add3A_54 : i32
      "tpu.region"() ({
        %run_scoped3A = tpu.sem_alloc : memref<!tpu.dma_semaphore, #tpu.memory_space<semaphore_mem>>
        %dma_start3A = arith.constant 0 : i32
        %dma_start3A_68 = tpu.memref_slice %arg8[%add3A_55, %dma_start3A] : memref<10240x128xf32, #tpu.memory_space<vmem_shared>> -> memref<64x128xf32, #tpu.memory_space<vmem_shared>>
        %dma_start3A_69 = arith.constant 0 : i32
        %dma_start3A_70 = tpu.memref_slice %arg8[%add3A_55, %dma_start3A_69] : memref<10240x128xf32, #tpu.memory_space<vmem_shared>> -> memref<64x128xf32, #tpu.memory_space<vmem_shared>>
        tpu.enqueue_dma source(%arg7 : memref<64x128xf32, #tpu.memory_space<vmem>>) target(%dma_start3A_70 : memref<64x128xf32, #tpu.memory_space<vmem_shared>>) target_semaphore(%run_scoped3A : memref<!tpu.dma_semaphore, #tpu.memory_space<semaphore_mem>>)
        %dma_wait3A_71 = arith.constant 0 : i32
        %dma_wait3A_72 = tpu.memref_slice %arg8[%add3A_55, %dma_wait3A_71] : memref<10240x128xf32, #tpu.memory_space<vmem_shared>> -> memref<64x128xf32, #tpu.memory_space<vmem_shared>>
        %dma_wait3A_73 = arith.constant 0 : i32
        %dma_wait3A_74 = tpu.memref_slice %arg8[%add3A_55, %dma_wait3A_73] : memref<10240x128xf32, #tpu.memory_space<vmem_shared>> -> memref<64x128xf32, #tpu.memory_space<vmem_shared>>
        tpu.wait_dma2 semaphore(%run_scoped3A : memref<!tpu.dma_semaphore, #tpu.memory_space<semaphore_mem>>) src(%arg7 : memref<64x128xf32, #tpu.memory_space<vmem>>) dst(%dma_wait3A_74 : memref<64x128xf32, #tpu.memory_space<vmem_shared>>)
        tpu.yield
      }) : () -> ()
      %add3A_56 = arith.constant 256 : i32
      %add3A_57 = arith.addi %mul3A_0, %add3A_56 : i32
      "tpu.region"() ({
        %run_scoped3A = tpu.sem_alloc : memref<!tpu.dma_semaphore, #tpu.memory_space<semaphore_mem>>
        %dma_start3A = arith.constant 0 : i32
        %dma_start3A_68 = tpu.memref_slice %arg8[%add3A_57, %dma_start3A] : memref<10240x128xf32, #tpu.memory_space<vmem_shared>> -> memref<64x128xf32, #tpu.memory_space<vmem_shared>>
        %dma_start3A_69 = arith.constant 0 : i32
        %dma_start3A_70 = tpu.memref_slice %arg8[%add3A_57, %dma_start3A_69] : memref<10240x128xf32, #tpu.memory_space<vmem_shared>> -> memref<64x128xf32, #tpu.memory_space<vmem_shared>>
        tpu.enqueue_dma source(%arg7 : memref<64x128xf32, #tpu.memory_space<vmem>>) target(%dma_start3A_70 : memref<64x128xf32, #tpu.memory_space<vmem_shared>>) target_semaphore(%run_scoped3A : memref<!tpu.dma_semaphore, #tpu.memory_space<semaphore_mem>>)
        %dma_wait3A_71 = arith.constant 0 : i32
        %dma_wait3A_72 = tpu.memref_slice %arg8[%add3A_57, %dma_wait3A_71] : memref<10240x128xf32, #tpu.memory_space<vmem_shared>> -> memref<64x128xf32, #tpu.memory_space<vmem_shared>>
        %dma_wait3A_73 = arith.constant 0 : i32
        %dma_wait3A_74 = tpu.memref_slice %arg8[%add3A_57, %dma_wait3A_73] : memref<10240x128xf32, #tpu.memory_space<vmem_shared>> -> memref<64x128xf32, #tpu.memory_space<vmem_shared>>
        tpu.wait_dma2 semaphore(%run_scoped3A : memref<!tpu.dma_semaphore, #tpu.memory_space<semaphore_mem>>) src(%arg7 : memref<64x128xf32, #tpu.memory_space<vmem>>) dst(%dma_wait3A_74 : memref<64x128xf32, #tpu.memory_space<vmem_shared>>)
        tpu.yield
      }) : () -> ()
      %add3A_58 = arith.constant 320 : i32
      %add3A_59 = arith.addi %mul3A_0, %add3A_58 : i32
      "tpu.region"() ({
        %run_scoped3A = tpu.sem_alloc : memref<!tpu.dma_semaphore, #tpu.memory_space<semaphore_mem>>
        %dma_start3A = arith.constant 0 : i32
        %dma_start3A_68 = tpu.memref_slice %arg8[%add3A_59, %dma_start3A] : memref<10240x128xf32, #tpu.memory_space<vmem_shared>> -> memref<64x128xf32, #tpu.memory_space<vmem_shared>>
        %dma_start3A_69 = arith.constant 0 : i32
        %dma_start3A_70 = tpu.memref_slice %arg8[%add3A_59, %dma_start3A_69] : memref<10240x128xf32, #tpu.memory_space<vmem_shared>> -> memref<64x128xf32, #tpu.memory_space<vmem_shared>>
        tpu.enqueue_dma source(%arg7 : memref<64x128xf32, #tpu.memory_space<vmem>>) target(%dma_start3A_70 : memref<64x128xf32, #tpu.memory_space<vmem_shared>>) target_semaphore(%run_scoped3A : memref<!tpu.dma_semaphore, #tpu.memory_space<semaphore_mem>>)
        %dma_wait3A_71 = arith.constant 0 : i32
        %dma_wait3A_72 = tpu.memref_slice %arg8[%add3A_59, %dma_wait3A_71] : memref<10240x128xf32, #tpu.memory_space<vmem_shared>> -> memref<64x128xf32, #tpu.memory_space<vmem_shared>>
        %dma_wait3A_73 = arith.constant 0 : i32
        %dma_wait3A_74 = tpu.memref_slice %arg8[%add3A_59, %dma_wait3A_73] : memref<10240x128xf32, #tpu.memory_space<vmem_shared>> -> memref<64x128xf32, #tpu.memory_space<vmem_shared>>
        tpu.wait_dma2 semaphore(%run_scoped3A : memref<!tpu.dma_semaphore, #tpu.memory_space<semaphore_mem>>) src(%arg7 : memref<64x128xf32, #tpu.memory_space<vmem>>) dst(%dma_wait3A_74 : memref<64x128xf32, #tpu.memory_space<vmem_shared>>)
        tpu.yield
      }) : () -> ()
      %add3A_60 = arith.constant 384 : i32
      %add3A_61 = arith.addi %mul3A_0, %add3A_60 : i32
      "tpu.region"() ({
        %run_scoped3A = tpu.sem_alloc : memref<!tpu.dma_semaphore, #tpu.memory_space<semaphore_mem>>
        %dma_start3A = arith.constant 0 : i32
        %dma_start3A_68 = tpu.memref_slice %arg8[%add3A_61, %dma_start3A] : memref<10240x128xf32, #tpu.memory_space<vmem_shared>> -> memref<64x128xf32, #tpu.memory_space<vmem_shared>>
        %dma_start3A_69 = arith.constant 0 : i32
        %dma_start3A_70 = tpu.memref_slice %arg8[%add3A_61, %dma_start3A_69] : memref<10240x128xf32, #tpu.memory_space<vmem_shared>> -> memref<64x128xf32, #tpu.memory_space<vmem_shared>>
        tpu.enqueue_dma source(%arg7 : memref<64x128xf32, #tpu.memory_space<vmem>>) target(%dma_start3A_70 : memref<64x128xf32, #tpu.memory_space<vmem_shared>>) target_semaphore(%run_scoped3A : memref<!tpu.dma_semaphore, #tpu.memory_space<semaphore_mem>>)
        %dma_wait3A_71 = arith.constant 0 : i32
        %dma_wait3A_72 = tpu.memref_slice %arg8[%add3A_61, %dma_wait3A_71] : memref<10240x128xf32, #tpu.memory_space<vmem_shared>> -> memref<64x128xf32, #tpu.memory_space<vmem_shared>>
        %dma_wait3A_73 = arith.constant 0 : i32
        %dma_wait3A_74 = tpu.memref_slice %arg8[%add3A_61, %dma_wait3A_73] : memref<10240x128xf32, #tpu.memory_space<vmem_shared>> -> memref<64x128xf32, #tpu.memory_space<vmem_shared>>
        tpu.wait_dma2 semaphore(%run_scoped3A : memref<!tpu.dma_semaphore, #tpu.memory_space<semaphore_mem>>) src(%arg7 : memref<64x128xf32, #tpu.memory_space<vmem>>) dst(%dma_wait3A_74 : memref<64x128xf32, #tpu.memory_space<vmem_shared>>)
        tpu.yield
      }) : () -> ()
      %add3A_62 = arith.constant 448 : i32
      %add3A_63 = arith.addi %mul3A_0, %add3A_62 : i32
      "tpu.region"() ({
        %run_scoped3A = tpu.sem_alloc : memref<!tpu.dma_semaphore, #tpu.memory_space<semaphore_mem>>
        %dma_start3A = arith.constant 0 : i32
        %dma_start3A_68 = tpu.memref_slice %arg8[%add3A_63, %dma_start3A] : memref<10240x128xf32, #tpu.memory_space<vmem_shared>> -> memref<64x128xf32, #tpu.memory_space<vmem_shared>>
        %dma_start3A_69 = arith.constant 0 : i32
        %dma_start3A_70 = tpu.memref_slice %arg8[%add3A_63, %dma_start3A_69] : memref<10240x128xf32, #tpu.memory_space<vmem_shared>> -> memref<64x128xf32, #tpu.memory_space<vmem_shared>>
        tpu.enqueue_dma source(%arg7 : memref<64x128xf32, #tpu.memory_space<vmem>>) target(%dma_start3A_70 : memref<64x128xf32, #tpu.memory_space<vmem_shared>>) target_semaphore(%run_scoped3A : memref<!tpu.dma_semaphore, #tpu.memory_space<semaphore_mem>>)
        %dma_wait3A_71 = arith.constant 0 : i32
        %dma_wait3A_72 = tpu.memref_slice %arg8[%add3A_63, %dma_wait3A_71] : memref<10240x128xf32, #tpu.memory_space<vmem_shared>> -> memref<64x128xf32, #tpu.memory_space<vmem_shared>>
        %dma_wait3A_73 = arith.constant 0 : i32
        %dma_wait3A_74 = tpu.memref_slice %arg8[%add3A_63, %dma_wait3A_73] : memref<10240x128xf32, #tpu.memory_space<vmem_shared>> -> memref<64x128xf32, #tpu.memory_space<vmem_shared>>
        tpu.wait_dma2 semaphore(%run_scoped3A : memref<!tpu.dma_semaphore, #tpu.memory_space<semaphore_mem>>) src(%arg7 : memref<64x128xf32, #tpu.memory_space<vmem>>) dst(%dma_wait3A_74 : memref<64x128xf32, #tpu.memory_space<vmem_shared>>)
        tpu.yield
      }) : () -> ()
      %add3A_64 = arith.constant 512 : i32
      %add3A_65 = arith.addi %mul3A_0, %add3A_64 : i32
      "tpu.region"() ({
        %run_scoped3A = tpu.sem_alloc : memref<!tpu.dma_semaphore, #tpu.memory_space<semaphore_mem>>
        %dma_start3A = arith.constant 0 : i32
        %dma_start3A_68 = tpu.memref_slice %arg8[%add3A_65, %dma_start3A] : memref<10240x128xf32, #tpu.memory_space<vmem_shared>> -> memref<64x128xf32, #tpu.memory_space<vmem_shared>>
        %dma_start3A_69 = arith.constant 0 : i32
        %dma_start3A_70 = tpu.memref_slice %arg8[%add3A_65, %dma_start3A_69] : memref<10240x128xf32, #tpu.memory_space<vmem_shared>> -> memref<64x128xf32, #tpu.memory_space<vmem_shared>>
        tpu.enqueue_dma source(%arg7 : memref<64x128xf32, #tpu.memory_space<vmem>>) target(%dma_start3A_70 : memref<64x128xf32, #tpu.memory_space<vmem_shared>>) target_semaphore(%run_scoped3A : memref<!tpu.dma_semaphore, #tpu.memory_space<semaphore_mem>>)
        %dma_wait3A_71 = arith.constant 0 : i32
        %dma_wait3A_72 = tpu.memref_slice %arg8[%add3A_65, %dma_wait3A_71] : memref<10240x128xf32, #tpu.memory_space<vmem_shared>> -> memref<64x128xf32, #tpu.memory_space<vmem_shared>>
        %dma_wait3A_73 = arith.constant 0 : i32
        %dma_wait3A_74 = tpu.memref_slice %arg8[%add3A_65, %dma_wait3A_73] : memref<10240x128xf32, #tpu.memory_space<vmem_shared>> -> memref<64x128xf32, #tpu.memory_space<vmem_shared>>
        tpu.wait_dma2 semaphore(%run_scoped3A : memref<!tpu.dma_semaphore, #tpu.memory_space<semaphore_mem>>) src(%arg7 : memref<64x128xf32, #tpu.memory_space<vmem>>) dst(%dma_wait3A_74 : memref<64x128xf32, #tpu.memory_space<vmem_shared>>)
        tpu.yield
      }) : () -> ()
      %add3A_66 = arith.constant 576 : i32
      %add3A_67 = arith.addi %mul3A_0, %add3A_66 : i32
      "tpu.region"() ({
        %run_scoped3A = tpu.sem_alloc : memref<!tpu.dma_semaphore, #tpu.memory_space<semaphore_mem>>
        %dma_start3A = arith.constant 0 : i32
        %dma_start3A_68 = tpu.memref_slice %arg8[%add3A_67, %dma_start3A] : memref<10240x128xf32, #tpu.memory_space<vmem_shared>> -> memref<64x128xf32, #tpu.memory_space<vmem_shared>>
        %dma_start3A_69 = arith.constant 0 : i32
        %dma_start3A_70 = tpu.memref_slice %arg8[%add3A_67, %dma_start3A_69] : memref<10240x128xf32, #tpu.memory_space<vmem_shared>> -> memref<64x128xf32, #tpu.memory_space<vmem_shared>>
        tpu.enqueue_dma source(%arg7 : memref<64x128xf32, #tpu.memory_space<vmem>>) target(%dma_start3A_70 : memref<64x128xf32, #tpu.memory_space<vmem_shared>>) target_semaphore(%run_scoped3A : memref<!tpu.dma_semaphore, #tpu.memory_space<semaphore_mem>>)
        %dma_wait3A_71 = arith.constant 0 : i32
        %dma_wait3A_72 = tpu.memref_slice %arg8[%add3A_67, %dma_wait3A_71] : memref<10240x128xf32, #tpu.memory_space<vmem_shared>> -> memref<64x128xf32, #tpu.memory_space<vmem_shared>>
        %dma_wait3A_73 = arith.constant 0 : i32
        %dma_wait3A_74 = tpu.memref_slice %arg8[%add3A_67, %dma_wait3A_73] : memref<10240x128xf32, #tpu.memory_space<vmem_shared>> -> memref<64x128xf32, #tpu.memory_space<vmem_shared>>
        tpu.wait_dma2 semaphore(%run_scoped3A : memref<!tpu.dma_semaphore, #tpu.memory_space<semaphore_mem>>) src(%arg7 : memref<64x128xf32, #tpu.memory_space<vmem>>) dst(%dma_wait3A_74 : memref<64x128xf32, #tpu.memory_space<vmem_shared>>)
        tpu.yield
      }) : () -> ()
    } else {
    }
    %eq3A_9 = arith.constant 1 : i32
    %eq3A_10 = arith.cmpi eq, %arg0, %eq3A_9 : i32
    %convert_element_type3A_11 = arith.extui %eq3A_10 : i1 to i32
    %cond3A_12 = arith.constant 0 : i32
    %cond3A_13 = arith.cmpi ne, %convert_element_type3A_11, %cond3A_12 : i32
    scf.if %cond3A_13 {
      "tpu.region"() ({
        %run_scoped3A = tpu.sem_alloc : memref<!tpu.dma_semaphore, #tpu.memory_space<semaphore_mem>>
        %dma_start3A = arith.constant 0 : i32
        %dma_start3A_48 = tpu.memref_slice %arg8[%mul3A_0, %dma_start3A] : memref<10240x128xf32, #tpu.memory_space<vmem_shared>> -> memref<640x128xf32, #tpu.memory_space<vmem_shared>>
        tpu.enqueue_dma source(%arg3 : memref<640x128xf32, #tpu.memory_space<hbm>>) target(%dma_start3A_48 : memref<640x128xf32, #tpu.memory_space<vmem_shared>>) target_semaphore(%run_scoped3A : memref<!tpu.dma_semaphore, #tpu.memory_space<semaphore_mem>>)
        %dma_wait3A_49 = arith.constant 0 : i32
        %dma_wait3A_50 = tpu.memref_slice %arg8[%mul3A_0, %dma_wait3A_49] : memref<10240x128xf32, #tpu.memory_space<vmem_shared>> -> memref<640x128xf32, #tpu.memory_space<vmem_shared>>
        tpu.wait_dma2 semaphore(%run_scoped3A : memref<!tpu.dma_semaphore, #tpu.memory_space<semaphore_mem>>) src(%arg3 : memref<640x128xf32, #tpu.memory_space<hbm>>) dst(%dma_wait3A_50 : memref<640x128xf32, #tpu.memory_space<vmem_shared>>)
        tpu.yield
      }) : () -> ()
    } else {
    }
    %barrier3A = arith.constant 0 : index
    tpu.barrier barrier_id(%barrier3A)
    "tpu.region"() ({
      %run_scoped3A = tpu.sem_alloc : memref<!tpu.dma_semaphore, #tpu.memory_space<semaphore_mem>>
      %dma_start3A = arith.constant 0 : i32
      %dma_start3A_48 = arith.constant 0 : i32
      %dma_start3A_49 = tpu.memref_slice %arg2[%add3A, %dma_start3A, %dma_start3A_48] : memref<32x160x64xi32, #tpu.memory_space<hbm>> -> memref<1x160x64xi32, #tpu.memory_space<hbm>>
      %dma_start3A_50 = tpu.memref_squeeze %dma_start3A_49 : memref<1x160x64xi32, #tpu.memory_space<hbm>> -> memref<160x64xi32, #tpu.memory_space<hbm>>
      %dma_start3A_51 = arith.constant 0 : i32
      %dma_start3A_52 = arith.constant 0 : i32
      %dma_start3A_53 = tpu.memref_slice %dma_start3A_50[%dma_start3A_51, %dma_start3A_52] : memref<160x64xi32, #tpu.memory_space<hbm>> -> memref<80x64xi32, #tpu.memory_space<hbm>>
      %dma_start3A_54 = arith.constant 0 : i32
      %dma_start3A_55 = arith.constant 0 : i32
      %dma_start3A_56 = tpu.memref_slice %arg2[%add3A, %dma_start3A_54, %dma_start3A_55] : memref<32x160x64xi32, #tpu.memory_space<hbm>> -> memref<1x160x64xi32, #tpu.memory_space<hbm>>
      %dma_start3A_57 = tpu.memref_squeeze %dma_start3A_56 : memref<1x160x64xi32, #tpu.memory_space<hbm>> -> memref<160x64xi32, #tpu.memory_space<hbm>>
      %dma_start3A_58 = arith.constant 0 : i32
      %dma_start3A_59 = arith.constant 0 : i32
      %dma_start3A_60 = tpu.memref_slice %dma_start3A_57[%dma_start3A_58, %dma_start3A_59] : memref<160x64xi32, #tpu.memory_space<hbm>> -> memref<80x64xi32, #tpu.memory_space<hbm>>
      tpu.enqueue_dma source(%dma_start3A_60 : memref<80x64xi32, #tpu.memory_space<hbm>>) target(%arg6 : memref<80x64xi32, #tpu.memory_space<vmem>>) target_semaphore(%run_scoped3A : memref<!tpu.dma_semaphore, #tpu.memory_space<semaphore_mem>>)
      %dma_wait3A_61 = arith.constant 0 : i32
      %dma_wait3A_62 = arith.constant 0 : i32
      %dma_wait3A_63 = tpu.memref_slice %arg2[%add3A, %dma_wait3A_61, %dma_wait3A_62] : memref<32x160x64xi32, #tpu.memory_space<hbm>> -> memref<1x160x64xi32, #tpu.memory_space<hbm>>
      %dma_wait3A_64 = tpu.memref_squeeze %dma_wait3A_63 : memref<1x160x64xi32, #tpu.memory_space<hbm>> -> memref<160x64xi32, #tpu.memory_space<hbm>>
      %dma_wait3A_65 = arith.constant 0 : i32
      %dma_wait3A_66 = arith.constant 0 : i32
      %dma_wait3A_67 = tpu.memref_slice %dma_wait3A_64[%dma_wait3A_65, %dma_wait3A_66] : memref<160x64xi32, #tpu.memory_space<hbm>> -> memref<80x64xi32, #tpu.memory_space<hbm>>
      %dma_wait3A_68 = arith.constant 0 : i32
      %dma_wait3A_69 = arith.constant 0 : i32
      %dma_wait3A_70 = tpu.memref_slice %arg2[%add3A, %dma_wait3A_68, %dma_wait3A_69] : memref<32x160x64xi32, #tpu.memory_space<hbm>> -> memref<1x160x64xi32, #tpu.memory_space<hbm>>
      %dma_wait3A_71 = tpu.memref_squeeze %dma_wait3A_70 : memref<1x160x64xi32, #tpu.memory_space<hbm>> -> memref<160x64xi32, #tpu.memory_space<hbm>>
      %dma_wait3A_72 = arith.constant 0 : i32
      %dma_wait3A_73 = arith.constant 0 : i32
      %dma_wait3A_74 = tpu.memref_slice %dma_wait3A_71[%dma_wait3A_72, %dma_wait3A_73] : memref<160x64xi32, #tpu.memory_space<hbm>> -> memref<80x64xi32, #tpu.memory_space<hbm>>
      tpu.wait_dma2 semaphore(%run_scoped3A : memref<!tpu.dma_semaphore, #tpu.memory_space<semaphore_mem>>) src(%dma_wait3A_74 : memref<80x64xi32, #tpu.memory_space<hbm>>) dst(%arg6 : memref<80x64xi32, #tpu.memory_space<vmem>>)
      tpu.yield
    }) : () -> ()
    %scan3A_14 = arith.constant 0 : i32
    %scan3A_15 = arith.constant 80 : i32
    %scan3A_16 = arith.addi %scan3A_14, %scan3A_15 : i32
    %scan3A_17 = arith.constant 1 : i32
    scf.for %scan3A_48 = %scan3A_14 to %scan3A_16 step %scan3A_17  : i32 {
      %mul3A_49 = arith.constant 1 : i32
      %mul3A_50 = arith.muli %scan3A_48, %mul3A_49 : i32
      %add3A_51 = arith.constant 0 : i32
      %add3A_52 = arith.addi %add3A_51, %mul3A_50 : i32
      %dma_start3A = arith.constant 0 : i32
      %dma_start3A_53 = tpu.memref_slice %arg6[%add3A_52, %dma_start3A] : memref<80x64xi32, #tpu.memory_space<vmem>> -> memref<1x64xi32, #tpu.memory_space<vmem>>
      %dma_start3A_54 = tpu.memref_squeeze %dma_start3A_53 : memref<1x64xi32, #tpu.memory_space<vmem>> -> memref<64xi32, #tpu.memory_space<vmem>>
      %dma_start3A_55 = arith.constant 0 : i32
      %dma_start3A_56 = arith.constant 0 : i32
      %dma_start3A_57 = tpu.memref_slice %arg8[%dma_start3A_55, %dma_start3A_56] : memref<10240x128xf32, #tpu.memory_space<vmem_shared>> -> memref<10240x128xf32, #tpu.memory_space<vmem_shared>>
      tpu.enqueue_indirect_dma source(%arg7 : memref<64x128xf32, #tpu.memory_space<vmem>>) target(%dma_start3A_57 : memref<10240x128xf32, #tpu.memory_space<vmem_shared>>) offsets(%dma_start3A_54 : memref<64xi32, #tpu.memory_space<vmem>>) semaphore(%arg9 : memref<!tpu.dma_semaphore, #tpu.memory_space<semaphore_mem>>) {add = true}
      %ge3A = arith.constant 1 : i32
      %ge3A_58 = arith.cmpi sge, %add3A_52, %ge3A : i32
      %convert_element_type3A_59 = arith.extui %ge3A_58 : i1 to i32
      %cond3A_60 = arith.constant 0 : i32
      %cond3A_61 = arith.cmpi ne, %convert_element_type3A_59, %cond3A_60 : i32
      scf.if %cond3A_61 {
        %dma_wait3A_62 = arith.constant 0 : i32
        %dma_wait3A_63 = tpu.memref_slice %arg6[%add3A_52, %dma_wait3A_62] : memref<80x64xi32, #tpu.memory_space<vmem>> -> memref<1x64xi32, #tpu.memory_space<vmem>>
        %dma_wait3A_64 = tpu.memref_squeeze %dma_wait3A_63 : memref<1x64xi32, #tpu.memory_space<vmem>> -> memref<64xi32, #tpu.memory_space<vmem>>
        %dma_wait3A_65 = arith.constant 0 : i32
        %dma_wait3A_66 = arith.constant 0 : i32
        %dma_wait3A_67 = tpu.memref_slice %arg8[%dma_wait3A_65, %dma_wait3A_66] : memref<10240x128xf32, #tpu.memory_space<vmem_shared>> -> memref<10240x128xf32, #tpu.memory_space<vmem_shared>>
        tpu.wait_indirect_dma semaphore(%arg9 : memref<!tpu.dma_semaphore, #tpu.memory_space<semaphore_mem>>) src(%arg7 : memref<64x128xf32, #tpu.memory_space<vmem>>) dst(%dma_wait3A_67 : memref<10240x128xf32, #tpu.memory_space<vmem_shared>>)
      } else {
      }
    }
    %scan3A_18 = arith.constant 80 : i32
    %dma_wait3A = arith.constant 0 : i32
    %dma_wait3A_19 = arith.constant 0 : i32
    %dma_wait3A_20 = tpu.memref_slice %arg6[%dma_wait3A, %dma_wait3A_19] : memref<80x64xi32, #tpu.memory_space<vmem>> -> memref<1x64xi32, #tpu.memory_space<vmem>>
    %dma_wait3A_21 = tpu.memref_squeeze %dma_wait3A_20 : memref<1x64xi32, #tpu.memory_space<vmem>> -> memref<64xi32, #tpu.memory_space<vmem>>
    %dma_wait3A_22 = arith.constant 0 : i32
    %dma_wait3A_23 = arith.constant 0 : i32
    %dma_wait3A_24 = tpu.memref_slice %arg8[%dma_wait3A_22, %dma_wait3A_23] : memref<10240x128xf32, #tpu.memory_space<vmem_shared>> -> memref<10240x128xf32, #tpu.memory_space<vmem_shared>>
    tpu.wait_indirect_dma semaphore(%arg9 : memref<!tpu.dma_semaphore, #tpu.memory_space<semaphore_mem>>) src(%arg7 : memref<64x128xf32, #tpu.memory_space<vmem>>) dst(%dma_wait3A_24 : memref<10240x128xf32, #tpu.memory_space<vmem_shared>>)
    "tpu.region"() ({
      %run_scoped3A = tpu.sem_alloc : memref<!tpu.dma_semaphore, #tpu.memory_space<semaphore_mem>>
      %dma_start3A = arith.constant 0 : i32
      %dma_start3A_48 = arith.constant 0 : i32
      %dma_start3A_49 = tpu.memref_slice %arg2[%add3A, %dma_start3A, %dma_start3A_48] : memref<32x160x64xi32, #tpu.memory_space<hbm>> -> memref<1x160x64xi32, #tpu.memory_space<hbm>>
      %dma_start3A_50 = tpu.memref_squeeze %dma_start3A_49 : memref<1x160x64xi32, #tpu.memory_space<hbm>> -> memref<160x64xi32, #tpu.memory_space<hbm>>
      %dma_start3A_51 = arith.constant 80 : i32
      %dma_start3A_52 = arith.constant 0 : i32
      %dma_start3A_53 = tpu.memref_slice %dma_start3A_50[%dma_start3A_51, %dma_start3A_52] : memref<160x64xi32, #tpu.memory_space<hbm>> -> memref<80x64xi32, #tpu.memory_space<hbm>>
      %dma_start3A_54 = arith.constant 0 : i32
      %dma_start3A_55 = arith.constant 0 : i32
      %dma_start3A_56 = tpu.memref_slice %arg2[%add3A, %dma_start3A_54, %dma_start3A_55] : memref<32x160x64xi32, #tpu.memory_space<hbm>> -> memref<1x160x64xi32, #tpu.memory_space<hbm>>
      %dma_start3A_57 = tpu.memref_squeeze %dma_start3A_56 : memref<1x160x64xi32, #tpu.memory_space<hbm>> -> memref<160x64xi32, #tpu.memory_space<hbm>>
      %dma_start3A_58 = arith.constant 80 : i32
      %dma_start3A_59 = arith.constant 0 : i32
      %dma_start3A_60 = tpu.memref_slice %dma_start3A_57[%dma_start3A_58, %dma_start3A_59] : memref<160x64xi32, #tpu.memory_space<hbm>> -> memref<80x64xi32, #tpu.memory_space<hbm>>
      tpu.enqueue_dma source(%dma_start3A_60 : memref<80x64xi32, #tpu.memory_space<hbm>>) target(%arg6 : memref<80x64xi32, #tpu.memory_space<vmem>>) target_semaphore(%run_scoped3A : memref<!tpu.dma_semaphore, #tpu.memory_space<semaphore_mem>>)
      %dma_wait3A_61 = arith.constant 0 : i32
      %dma_wait3A_62 = arith.constant 0 : i32
      %dma_wait3A_63 = tpu.memref_slice %arg2[%add3A, %dma_wait3A_61, %dma_wait3A_62] : memref<32x160x64xi32, #tpu.memory_space<hbm>> -> memref<1x160x64xi32, #tpu.memory_space<hbm>>
      %dma_wait3A_64 = tpu.memref_squeeze %dma_wait3A_63 : memref<1x160x64xi32, #tpu.memory_space<hbm>> -> memref<160x64xi32, #tpu.memory_space<hbm>>
      %dma_wait3A_65 = arith.constant 80 : i32
      %dma_wait3A_66 = arith.constant 0 : i32
      %dma_wait3A_67 = tpu.memref_slice %dma_wait3A_64[%dma_wait3A_65, %dma_wait3A_66] : memref<160x64xi32, #tpu.memory_space<hbm>> -> memref<80x64xi32, #tpu.memory_space<hbm>>
      %dma_wait3A_68 = arith.constant 0 : i32
      %dma_wait3A_69 = arith.constant 0 : i32
      %dma_wait3A_70 = tpu.memref_slice %arg2[%add3A, %dma_wait3A_68, %dma_wait3A_69] : memref<32x160x64xi32, #tpu.memory_space<hbm>> -> memref<1x160x64xi32, #tpu.memory_space<hbm>>
      %dma_wait3A_71 = tpu.memref_squeeze %dma_wait3A_70 : memref<1x160x64xi32, #tpu.memory_space<hbm>> -> memref<160x64xi32, #tpu.memory_space<hbm>>
      %dma_wait3A_72 = arith.constant 80 : i32
      %dma_wait3A_73 = arith.constant 0 : i32
      %dma_wait3A_74 = tpu.memref_slice %dma_wait3A_71[%dma_wait3A_72, %dma_wait3A_73] : memref<160x64xi32, #tpu.memory_space<hbm>> -> memref<80x64xi32, #tpu.memory_space<hbm>>
      tpu.wait_dma2 semaphore(%run_scoped3A : memref<!tpu.dma_semaphore, #tpu.memory_space<semaphore_mem>>) src(%dma_wait3A_74 : memref<80x64xi32, #tpu.memory_space<hbm>>) dst(%arg6 : memref<80x64xi32, #tpu.memory_space<vmem>>)
      tpu.yield
    }) : () -> ()
    %scan3A_25 = arith.constant 0 : i32
    %scan3A_26 = arith.constant 80 : i32
    %scan3A_27 = arith.addi %scan3A_25, %scan3A_26 : i32
    %scan3A_28 = arith.constant 1 : i32
    scf.for %scan3A_48 = %scan3A_25 to %scan3A_27 step %scan3A_28  : i32 {
      %mul3A_49 = arith.constant 1 : i32
      %mul3A_50 = arith.muli %scan3A_48, %mul3A_49 : i32
      %add3A_51 = arith.constant 0 : i32
      %add3A_52 = arith.addi %add3A_51, %mul3A_50 : i32
      %dma_start3A = arith.constant 0 : i32
      %dma_start3A_53 = tpu.memref_slice %arg6[%add3A_52, %dma_start3A] : memref<80x64xi32, #tpu.memory_space<vmem>> -> memref<1x64xi32, #tpu.memory_space<vmem>>
      %dma_start3A_54 = tpu.memref_squeeze %dma_start3A_53 : memref<1x64xi32, #tpu.memory_space<vmem>> -> memref<64xi32, #tpu.memory_space<vmem>>
      %dma_start3A_55 = arith.constant 0 : i32
      %dma_start3A_56 = arith.constant 0 : i32
      %dma_start3A_57 = tpu.memref_slice %arg8[%dma_start3A_55, %dma_start3A_56] : memref<10240x128xf32, #tpu.memory_space<vmem_shared>> -> memref<10240x128xf32, #tpu.memory_space<vmem_shared>>
      tpu.enqueue_indirect_dma source(%arg7 : memref<64x128xf32, #tpu.memory_space<vmem>>) target(%dma_start3A_57 : memref<10240x128xf32, #tpu.memory_space<vmem_shared>>) offsets(%dma_start3A_54 : memref<64xi32, #tpu.memory_space<vmem>>) semaphore(%arg9 : memref<!tpu.dma_semaphore, #tpu.memory_space<semaphore_mem>>) {add = true}
      %ge3A = arith.constant 1 : i32
      %ge3A_58 = arith.cmpi sge, %add3A_52, %ge3A : i32
      %convert_element_type3A_59 = arith.extui %ge3A_58 : i1 to i32
      %cond3A_60 = arith.constant 0 : i32
      %cond3A_61 = arith.cmpi ne, %convert_element_type3A_59, %cond3A_60 : i32
      scf.if %cond3A_61 {
        %dma_wait3A_62 = arith.constant 0 : i32
        %dma_wait3A_63 = tpu.memref_slice %arg6[%add3A_52, %dma_wait3A_62] : memref<80x64xi32, #tpu.memory_space<vmem>> -> memref<1x64xi32, #tpu.memory_space<vmem>>
        %dma_wait3A_64 = tpu.memref_squeeze %dma_wait3A_63 : memref<1x64xi32, #tpu.memory_space<vmem>> -> memref<64xi32, #tpu.memory_space<vmem>>
        %dma_wait3A_65 = arith.constant 0 : i32
        %dma_wait3A_66 = arith.constant 0 : i32
        %dma_wait3A_67 = tpu.memref_slice %arg8[%dma_wait3A_65, %dma_wait3A_66] : memref<10240x128xf32, #tpu.memory_space<vmem_shared>> -> memref<10240x128xf32, #tpu.memory_space<vmem_shared>>
        tpu.wait_indirect_dma semaphore(%arg9 : memref<!tpu.dma_semaphore, #tpu.memory_space<semaphore_mem>>) src(%arg7 : memref<64x128xf32, #tpu.memory_space<vmem>>) dst(%dma_wait3A_67 : memref<10240x128xf32, #tpu.memory_space<vmem_shared>>)
      } else {
      }
    }
    %scan3A_29 = arith.constant 80 : i32
    %dma_wait3A_30 = arith.constant 0 : i32
    %dma_wait3A_31 = arith.constant 0 : i32
    %dma_wait3A_32 = tpu.memref_slice %arg6[%dma_wait3A_30, %dma_wait3A_31] : memref<80x64xi32, #tpu.memory_space<vmem>> -> memref<1x64xi32, #tpu.memory_space<vmem>>
    %dma_wait3A_33 = tpu.memref_squeeze %dma_wait3A_32 : memref<1x64xi32, #tpu.memory_space<vmem>> -> memref<64xi32, #tpu.memory_space<vmem>>
    %dma_wait3A_34 = arith.constant 0 : i32
    %dma_wait3A_35 = arith.constant 0 : i32
    %dma_wait3A_36 = tpu.memref_slice %arg8[%dma_wait3A_34, %dma_wait3A_35] : memref<10240x128xf32, #tpu.memory_space<vmem_shared>> -> memref<10240x128xf32, #tpu.memory_space<vmem_shared>>
    tpu.wait_indirect_dma semaphore(%arg9 : memref<!tpu.dma_semaphore, #tpu.memory_space<semaphore_mem>>) src(%arg7 : memref<64x128xf32, #tpu.memory_space<vmem>>) dst(%dma_wait3A_36 : memref<10240x128xf32, #tpu.memory_space<vmem_shared>>)
    %barrier3A_37 = arith.constant 0 : index
    tpu.barrier barrier_id(%barrier3A_37)
    %eq3A_38 = arith.constant 0 : i32
    %eq3A_39 = arith.cmpi eq, %arg0, %eq3A_38 : i32
    %convert_element_type3A_40 = arith.extui %eq3A_39 : i1 to i32
    %cond3A_41 = arith.constant 0 : i32
    %cond3A_42 = arith.cmpi ne, %convert_element_type3A_40, %cond3A_41 : i32
    scf.if %cond3A_42 {
      "tpu.region"() ({
        %run_scoped3A = tpu.sem_alloc : memref<!tpu.dma_semaphore, #tpu.memory_space<semaphore_mem>>
        %dma_start3A = arith.constant 0 : i32
        %dma_start3A_48 = tpu.memref_slice %arg4[%mul3A_0, %dma_start3A] : memref<10240x128xf32, #tpu.memory_space<hbm>> -> memref<640x128xf32, #tpu.memory_space<hbm>>
        %dma_start3A_49 = arith.constant 0 : i32
        %dma_start3A_50 = tpu.memref_slice %arg8[%mul3A_0, %dma_start3A_49] : memref<10240x128xf32, #tpu.memory_space<vmem_shared>> -> memref<640x128xf32, #tpu.memory_space<vmem_shared>>
        tpu.enqueue_dma source(%dma_start3A_50 : memref<640x128xf32, #tpu.memory_space<vmem_shared>>) target(%dma_start3A_48 : memref<640x128xf32, #tpu.memory_space<hbm>>) target_semaphore(%run_scoped3A : memref<!tpu.dma_semaphore, #tpu.memory_space<semaphore_mem>>)
        %dma_wait3A_51 = arith.constant 0 : i32
        %dma_wait3A_52 = tpu.memref_slice %arg4[%mul3A_0, %dma_wait3A_51] : memref<10240x128xf32, #tpu.memory_space<hbm>> -> memref<640x128xf32, #tpu.memory_space<hbm>>
        %dma_wait3A_53 = arith.constant 0 : i32
        %dma_wait3A_54 = tpu.memref_slice %arg8[%mul3A_0, %dma_wait3A_53] : memref<10240x128xf32, #tpu.memory_space<vmem_shared>> -> memref<640x128xf32, #tpu.memory_space<vmem_shared>>
        tpu.wait_dma2 semaphore(%run_scoped3A : memref<!tpu.dma_semaphore, #tpu.memory_space<semaphore_mem>>) src(%dma_wait3A_54 : memref<640x128xf32, #tpu.memory_space<vmem_shared>>) dst(%dma_wait3A_52 : memref<640x128xf32, #tpu.memory_space<hbm>>)
        tpu.yield
      }) : () -> ()
    } else {
    }
    %eq3A_43 = arith.constant 1 : i32
    %eq3A_44 = arith.cmpi eq, %arg0, %eq3A_43 : i32
    %convert_element_type3A_45 = arith.extui %eq3A_44 : i1 to i32
    %cond3A_46 = arith.constant 0 : i32
    %cond3A_47 = arith.cmpi ne, %convert_element_type3A_45, %cond3A_46 : i32
    scf.if %cond3A_47 {
      "tpu.region"() ({
        %run_scoped3A = tpu.sem_alloc : memref<!tpu.dma_semaphore, #tpu.memory_space<semaphore_mem>>
        %dma_start3A = arith.constant 0 : i32
        %dma_start3A_48 = tpu.memref_slice %arg5[%mul3A_0, %dma_start3A] : memref<10240x128xf32, #tpu.memory_space<hbm>> -> memref<640x128xf32, #tpu.memory_space<hbm>>
        %dma_start3A_49 = arith.constant 0 : i32
        %dma_start3A_50 = tpu.memref_slice %arg8[%mul3A_0, %dma_start3A_49] : memref<10240x128xf32, #tpu.memory_space<vmem_shared>> -> memref<640x128xf32, #tpu.memory_space<vmem_shared>>
        tpu.enqueue_dma source(%dma_start3A_50 : memref<640x128xf32, #tpu.memory_space<vmem_shared>>) target(%dma_start3A_48 : memref<640x128xf32, #tpu.memory_space<hbm>>) target_semaphore(%run_scoped3A : memref<!tpu.dma_semaphore, #tpu.memory_space<semaphore_mem>>)
        %dma_wait3A_51 = arith.constant 0 : i32
        %dma_wait3A_52 = tpu.memref_slice %arg5[%mul3A_0, %dma_wait3A_51] : memref<10240x128xf32, #tpu.memory_space<hbm>> -> memref<640x128xf32, #tpu.memory_space<hbm>>
        %dma_wait3A_53 = arith.constant 0 : i32
        %dma_wait3A_54 = tpu.memref_slice %arg8[%mul3A_0, %dma_wait3A_53] : memref<10240x128xf32, #tpu.memory_space<vmem_shared>> -> memref<640x128xf32, #tpu.memory_space<vmem_shared>>
        tpu.wait_dma2 semaphore(%run_scoped3A : memref<!tpu.dma_semaphore, #tpu.memory_space<semaphore_mem>>) src(%dma_wait3A_54 : memref<640x128xf32, #tpu.memory_space<vmem_shared>>) dst(%dma_wait3A_52 : memref<640x128xf32, #tpu.memory_space<hbm>>)
        tpu.yield
      }) : () -> ()
    } else {
    }
    return
  }
}

#map = affine_map<(d0, d1) -> (0, 0)>
#map1 = affine_map<(d0, d1) -> (0, 0, 0)>
module attributes {stable_mosaic.version = 14 : i64} {
  func.func @_agg_edge(%arg0: i32, %arg1: i32, %arg2: memref<10240x128xf32, #tpu.memory_space<hbm>>, %arg3: memref<32x160x64xi32, #tpu.memory_space<hbm>>, %arg4: memref<32x160x64xi32, #tpu.memory_space<hbm>>, %arg5: memref<640x128xf32, #tpu.memory_space<hbm>>, %arg6: memref<10240x128xf32, #tpu.memory_space<hbm>>, %arg7: memref<10240x128xf32, #tpu.memory_space<hbm>>, %arg8: memref<80x64xi32, #tpu.memory_space<vmem>>, %arg9: memref<80x64xi32, #tpu.memory_space<vmem>>, %arg10: memref<64x128xf32, #tpu.memory_space<vmem>>, %arg11: memref<64x128xf32, #tpu.memory_space<vmem>>, %arg12: memref<10240x128xf32, #tpu.memory_space<vmem_shared>>, %arg13: memref<!tpu.dma_semaphore, #tpu.memory_space<semaphore_mem>>, %arg14: memref<!tpu.dma_semaphore, #tpu.memory_space<semaphore_mem>>) attributes {dimension_semantics = [#tpu.dimension_semantics<core_parallel>, #tpu.dimension_semantics<subcore_parallel>], iteration_bounds = array<i64: 2, 16>, scalar_prefetch = 0 : i64, scratch_operands = 7 : i64, tpu.core_type = #tpu.core_type<sc_vector_subcore>, window_params = [{transform_indices = #map}, {transform_indices = #map1}, {transform_indices = #map1}, {transform_indices = #map}, {transform_indices = #map}, {transform_indices = #map}]} {
    %mul3A = arith.constant 640 : i32
    %mul3A_0 = arith.muli %arg1, %mul3A : i32
    %mul3A_1 = arith.constant 16 : i32
    %mul3A_2 = arith.muli %arg0, %mul3A_1 : i32
    %add3A = arith.addi %mul3A_2, %arg1 : i32
    %eq3A = arith.constant 0 : i32
    %eq3A_3 = arith.cmpi eq, %arg0, %eq3A : i32
    %convert_element_type3A = arith.extui %eq3A_3 : i1 to i32
    %cond3A = arith.constant 0 : i32
    %cond3A_4 = arith.cmpi ne, %convert_element_type3A, %cond3A : i32
    scf.if %cond3A_4 {
      "tpu.region"() ({
        %run_scoped3A = tpu.sem_alloc : memref<!tpu.dma_semaphore, #tpu.memory_space<semaphore_mem>>
        %dma_start3A_43 = arith.constant 0 : i32
        %dma_start3A_44 = tpu.memref_slice %arg12[%mul3A_0, %dma_start3A_43] : memref<10240x128xf32, #tpu.memory_space<vmem_shared>> -> memref<640x128xf32, #tpu.memory_space<vmem_shared>>
        %dma_start3A_45 = arith.constant 0 : i32
        %dma_start3A_46 = tpu.memref_slice %arg2[%mul3A_0, %dma_start3A_45] : memref<10240x128xf32, #tpu.memory_space<hbm>> -> memref<640x128xf32, #tpu.memory_space<hbm>>
        tpu.enqueue_dma source(%dma_start3A_46 : memref<640x128xf32, #tpu.memory_space<hbm>>) target(%dma_start3A_44 : memref<640x128xf32, #tpu.memory_space<vmem_shared>>) target_semaphore(%run_scoped3A : memref<!tpu.dma_semaphore, #tpu.memory_space<semaphore_mem>>)
        %dma_wait3A = arith.constant 0 : i32
        %dma_wait3A_47 = tpu.memref_slice %arg12[%mul3A_0, %dma_wait3A] : memref<10240x128xf32, #tpu.memory_space<vmem_shared>> -> memref<640x128xf32, #tpu.memory_space<vmem_shared>>
        %dma_wait3A_48 = arith.constant 0 : i32
        %dma_wait3A_49 = tpu.memref_slice %arg2[%mul3A_0, %dma_wait3A_48] : memref<10240x128xf32, #tpu.memory_space<hbm>> -> memref<640x128xf32, #tpu.memory_space<hbm>>
        tpu.wait_dma2 semaphore(%run_scoped3A : memref<!tpu.dma_semaphore, #tpu.memory_space<semaphore_mem>>) src(%dma_wait3A_49 : memref<640x128xf32, #tpu.memory_space<hbm>>) dst(%dma_wait3A_47 : memref<640x128xf32, #tpu.memory_space<vmem_shared>>)
        tpu.yield
      }) : () -> ()
    } else {
    }
    %eq3A_5 = arith.constant 1 : i32
    %eq3A_6 = arith.cmpi eq, %arg0, %eq3A_5 : i32
    %convert_element_type3A_7 = arith.extui %eq3A_6 : i1 to i32
    %cond3A_8 = arith.constant 0 : i32
    %cond3A_9 = arith.cmpi ne, %convert_element_type3A_7, %cond3A_8 : i32
    scf.if %cond3A_9 {
      "tpu.region"() ({
        %run_scoped3A = tpu.sem_alloc : memref<!tpu.dma_semaphore, #tpu.memory_space<semaphore_mem>>
        %dma_start3A_43 = arith.constant 0 : i32
        %dma_start3A_44 = tpu.memref_slice %arg12[%mul3A_0, %dma_start3A_43] : memref<10240x128xf32, #tpu.memory_space<vmem_shared>> -> memref<640x128xf32, #tpu.memory_space<vmem_shared>>
        tpu.enqueue_dma source(%arg5 : memref<640x128xf32, #tpu.memory_space<hbm>>) target(%dma_start3A_44 : memref<640x128xf32, #tpu.memory_space<vmem_shared>>) target_semaphore(%run_scoped3A : memref<!tpu.dma_semaphore, #tpu.memory_space<semaphore_mem>>)
        %dma_wait3A = arith.constant 0 : i32
        %dma_wait3A_45 = tpu.memref_slice %arg12[%mul3A_0, %dma_wait3A] : memref<10240x128xf32, #tpu.memory_space<vmem_shared>> -> memref<640x128xf32, #tpu.memory_space<vmem_shared>>
        tpu.wait_dma2 semaphore(%run_scoped3A : memref<!tpu.dma_semaphore, #tpu.memory_space<semaphore_mem>>) src(%arg5 : memref<640x128xf32, #tpu.memory_space<hbm>>) dst(%dma_wait3A_45 : memref<640x128xf32, #tpu.memory_space<vmem_shared>>)
        tpu.yield
      }) : () -> ()
    } else {
    }
    %barrier3A = arith.constant 0 : index
    tpu.barrier barrier_id(%barrier3A)
    "tpu.region"() ({
      %run_scoped3A = tpu.sem_alloc : memref<!tpu.dma_semaphore, #tpu.memory_space<semaphore_mem>>
      %dma_start3A_43 = arith.constant 0 : i32
      %dma_start3A_44 = arith.constant 0 : i32
      %dma_start3A_45 = tpu.memref_slice %arg3[%add3A, %dma_start3A_43, %dma_start3A_44] : memref<32x160x64xi32, #tpu.memory_space<hbm>> -> memref<1x160x64xi32, #tpu.memory_space<hbm>>
      %dma_start3A_46 = tpu.memref_squeeze %dma_start3A_45 : memref<1x160x64xi32, #tpu.memory_space<hbm>> -> memref<160x64xi32, #tpu.memory_space<hbm>>
      %dma_start3A_47 = arith.constant 0 : i32
      %dma_start3A_48 = arith.constant 0 : i32
      %dma_start3A_49 = tpu.memref_slice %dma_start3A_46[%dma_start3A_47, %dma_start3A_48] : memref<160x64xi32, #tpu.memory_space<hbm>> -> memref<80x64xi32, #tpu.memory_space<hbm>>
      %dma_start3A_50 = arith.constant 0 : i32
      %dma_start3A_51 = arith.constant 0 : i32
      %dma_start3A_52 = tpu.memref_slice %arg3[%add3A, %dma_start3A_50, %dma_start3A_51] : memref<32x160x64xi32, #tpu.memory_space<hbm>> -> memref<1x160x64xi32, #tpu.memory_space<hbm>>
      %dma_start3A_53 = tpu.memref_squeeze %dma_start3A_52 : memref<1x160x64xi32, #tpu.memory_space<hbm>> -> memref<160x64xi32, #tpu.memory_space<hbm>>
      %dma_start3A_54 = arith.constant 0 : i32
      %dma_start3A_55 = arith.constant 0 : i32
      %dma_start3A_56 = tpu.memref_slice %dma_start3A_53[%dma_start3A_54, %dma_start3A_55] : memref<160x64xi32, #tpu.memory_space<hbm>> -> memref<80x64xi32, #tpu.memory_space<hbm>>
      tpu.enqueue_dma source(%dma_start3A_56 : memref<80x64xi32, #tpu.memory_space<hbm>>) target(%arg8 : memref<80x64xi32, #tpu.memory_space<vmem>>) target_semaphore(%run_scoped3A : memref<!tpu.dma_semaphore, #tpu.memory_space<semaphore_mem>>)
      %dma_wait3A = arith.constant 0 : i32
      %dma_wait3A_57 = arith.constant 0 : i32
      %dma_wait3A_58 = tpu.memref_slice %arg3[%add3A, %dma_wait3A, %dma_wait3A_57] : memref<32x160x64xi32, #tpu.memory_space<hbm>> -> memref<1x160x64xi32, #tpu.memory_space<hbm>>
      %dma_wait3A_59 = tpu.memref_squeeze %dma_wait3A_58 : memref<1x160x64xi32, #tpu.memory_space<hbm>> -> memref<160x64xi32, #tpu.memory_space<hbm>>
      %dma_wait3A_60 = arith.constant 0 : i32
      %dma_wait3A_61 = arith.constant 0 : i32
      %dma_wait3A_62 = tpu.memref_slice %dma_wait3A_59[%dma_wait3A_60, %dma_wait3A_61] : memref<160x64xi32, #tpu.memory_space<hbm>> -> memref<80x64xi32, #tpu.memory_space<hbm>>
      %dma_wait3A_63 = arith.constant 0 : i32
      %dma_wait3A_64 = arith.constant 0 : i32
      %dma_wait3A_65 = tpu.memref_slice %arg3[%add3A, %dma_wait3A_63, %dma_wait3A_64] : memref<32x160x64xi32, #tpu.memory_space<hbm>> -> memref<1x160x64xi32, #tpu.memory_space<hbm>>
      %dma_wait3A_66 = tpu.memref_squeeze %dma_wait3A_65 : memref<1x160x64xi32, #tpu.memory_space<hbm>> -> memref<160x64xi32, #tpu.memory_space<hbm>>
      %dma_wait3A_67 = arith.constant 0 : i32
      %dma_wait3A_68 = arith.constant 0 : i32
      %dma_wait3A_69 = tpu.memref_slice %dma_wait3A_66[%dma_wait3A_67, %dma_wait3A_68] : memref<160x64xi32, #tpu.memory_space<hbm>> -> memref<80x64xi32, #tpu.memory_space<hbm>>
      tpu.wait_dma2 semaphore(%run_scoped3A : memref<!tpu.dma_semaphore, #tpu.memory_space<semaphore_mem>>) src(%dma_wait3A_69 : memref<80x64xi32, #tpu.memory_space<hbm>>) dst(%arg8 : memref<80x64xi32, #tpu.memory_space<vmem>>)
      tpu.yield
    }) : () -> ()
    "tpu.region"() ({
      %run_scoped3A = tpu.sem_alloc : memref<!tpu.dma_semaphore, #tpu.memory_space<semaphore_mem>>
      %dma_start3A_43 = arith.constant 0 : i32
      %dma_start3A_44 = arith.constant 0 : i32
      %dma_start3A_45 = tpu.memref_slice %arg4[%add3A, %dma_start3A_43, %dma_start3A_44] : memref<32x160x64xi32, #tpu.memory_space<hbm>> -> memref<1x160x64xi32, #tpu.memory_space<hbm>>
      %dma_start3A_46 = tpu.memref_squeeze %dma_start3A_45 : memref<1x160x64xi32, #tpu.memory_space<hbm>> -> memref<160x64xi32, #tpu.memory_space<hbm>>
      %dma_start3A_47 = arith.constant 0 : i32
      %dma_start3A_48 = arith.constant 0 : i32
      %dma_start3A_49 = tpu.memref_slice %dma_start3A_46[%dma_start3A_47, %dma_start3A_48] : memref<160x64xi32, #tpu.memory_space<hbm>> -> memref<80x64xi32, #tpu.memory_space<hbm>>
      %dma_start3A_50 = arith.constant 0 : i32
      %dma_start3A_51 = arith.constant 0 : i32
      %dma_start3A_52 = tpu.memref_slice %arg4[%add3A, %dma_start3A_50, %dma_start3A_51] : memref<32x160x64xi32, #tpu.memory_space<hbm>> -> memref<1x160x64xi32, #tpu.memory_space<hbm>>
      %dma_start3A_53 = tpu.memref_squeeze %dma_start3A_52 : memref<1x160x64xi32, #tpu.memory_space<hbm>> -> memref<160x64xi32, #tpu.memory_space<hbm>>
      %dma_start3A_54 = arith.constant 0 : i32
      %dma_start3A_55 = arith.constant 0 : i32
      %dma_start3A_56 = tpu.memref_slice %dma_start3A_53[%dma_start3A_54, %dma_start3A_55] : memref<160x64xi32, #tpu.memory_space<hbm>> -> memref<80x64xi32, #tpu.memory_space<hbm>>
      tpu.enqueue_dma source(%dma_start3A_56 : memref<80x64xi32, #tpu.memory_space<hbm>>) target(%arg9 : memref<80x64xi32, #tpu.memory_space<vmem>>) target_semaphore(%run_scoped3A : memref<!tpu.dma_semaphore, #tpu.memory_space<semaphore_mem>>)
      %dma_wait3A = arith.constant 0 : i32
      %dma_wait3A_57 = arith.constant 0 : i32
      %dma_wait3A_58 = tpu.memref_slice %arg4[%add3A, %dma_wait3A, %dma_wait3A_57] : memref<32x160x64xi32, #tpu.memory_space<hbm>> -> memref<1x160x64xi32, #tpu.memory_space<hbm>>
      %dma_wait3A_59 = tpu.memref_squeeze %dma_wait3A_58 : memref<1x160x64xi32, #tpu.memory_space<hbm>> -> memref<160x64xi32, #tpu.memory_space<hbm>>
      %dma_wait3A_60 = arith.constant 0 : i32
      %dma_wait3A_61 = arith.constant 0 : i32
      %dma_wait3A_62 = tpu.memref_slice %dma_wait3A_59[%dma_wait3A_60, %dma_wait3A_61] : memref<160x64xi32, #tpu.memory_space<hbm>> -> memref<80x64xi32, #tpu.memory_space<hbm>>
      %dma_wait3A_63 = arith.constant 0 : i32
      %dma_wait3A_64 = arith.constant 0 : i32
      %dma_wait3A_65 = tpu.memref_slice %arg4[%add3A, %dma_wait3A_63, %dma_wait3A_64] : memref<32x160x64xi32, #tpu.memory_space<hbm>> -> memref<1x160x64xi32, #tpu.memory_space<hbm>>
      %dma_wait3A_66 = tpu.memref_squeeze %dma_wait3A_65 : memref<1x160x64xi32, #tpu.memory_space<hbm>> -> memref<160x64xi32, #tpu.memory_space<hbm>>
      %dma_wait3A_67 = arith.constant 0 : i32
      %dma_wait3A_68 = arith.constant 0 : i32
      %dma_wait3A_69 = tpu.memref_slice %dma_wait3A_66[%dma_wait3A_67, %dma_wait3A_68] : memref<160x64xi32, #tpu.memory_space<hbm>> -> memref<80x64xi32, #tpu.memory_space<hbm>>
      tpu.wait_dma2 semaphore(%run_scoped3A : memref<!tpu.dma_semaphore, #tpu.memory_space<semaphore_mem>>) src(%dma_wait3A_69 : memref<80x64xi32, #tpu.memory_space<hbm>>) dst(%arg9 : memref<80x64xi32, #tpu.memory_space<vmem>>)
      tpu.yield
    }) : () -> ()
    %dma_start3A = arith.constant 0 : i32
    %dma_start3A_10 = arith.constant 0 : i32
    %dma_start3A_11 = tpu.memref_slice %arg8[%dma_start3A, %dma_start3A_10] : memref<80x64xi32, #tpu.memory_space<vmem>> -> memref<1x64xi32, #tpu.memory_space<vmem>>
    %dma_start3A_12 = tpu.memref_squeeze %dma_start3A_11 : memref<1x64xi32, #tpu.memory_space<vmem>> -> memref<64xi32, #tpu.memory_space<vmem>>
    %dma_start3A_13 = arith.constant 0 : i32
    %dma_start3A_14 = arith.constant 0 : i32
    %dma_start3A_15 = tpu.memref_slice %arg2[%dma_start3A_13, %dma_start3A_14] : memref<10240x128xf32, #tpu.memory_space<hbm>> -> memref<10240x128xf32, #tpu.memory_space<hbm>>
    tpu.enqueue_indirect_dma source(%dma_start3A_15 : memref<10240x128xf32, #tpu.memory_space<hbm>>) target(%arg10 : memref<64x128xf32, #tpu.memory_space<vmem>>) offsets(%dma_start3A_12 : memref<64xi32, #tpu.memory_space<vmem>>) semaphore(%arg13 : memref<!tpu.dma_semaphore, #tpu.memory_space<semaphore_mem>>)
    %scan3A = arith.constant 0 : i32
    %scan3A_16 = arith.constant 40 : i32
    %scan3A_17 = arith.addi %scan3A, %scan3A_16 : i32
    %scan3A_18 = arith.constant 1 : i32
    scf.for %scan3A_43 = %scan3A to %scan3A_17 step %scan3A_18  : i32 {
      %mul3A_44 = arith.constant 1 : i32
      %mul3A_45 = arith.muli %scan3A_43, %mul3A_44 : i32
      %add3A_46 = arith.constant 0 : i32
      %add3A_47 = arith.addi %add3A_46, %mul3A_45 : i32
      %mul3A_48 = arith.constant 2 : i32
      %mul3A_49 = arith.muli %mul3A_48, %add3A_47 : i32
      %add3A_50 = arith.constant 0 : i32
      %add3A_51 = arith.addi %add3A_50, %mul3A_49 : i32
      %dma_wait3A = arith.constant 0 : i32
      %dma_wait3A_52 = tpu.memref_slice %arg8[%add3A_51, %dma_wait3A] : memref<80x64xi32, #tpu.memory_space<vmem>> -> memref<1x64xi32, #tpu.memory_space<vmem>>
      %dma_wait3A_53 = tpu.memref_squeeze %dma_wait3A_52 : memref<1x64xi32, #tpu.memory_space<vmem>> -> memref<64xi32, #tpu.memory_space<vmem>>
      %dma_wait3A_54 = arith.constant 0 : i32
      %dma_wait3A_55 = arith.constant 0 : i32
      %dma_wait3A_56 = tpu.memref_slice %arg2[%dma_wait3A_54, %dma_wait3A_55] : memref<10240x128xf32, #tpu.memory_space<hbm>> -> memref<10240x128xf32, #tpu.memory_space<hbm>>
      tpu.wait_indirect_dma semaphore(%arg13 : memref<!tpu.dma_semaphore, #tpu.memory_space<semaphore_mem>>) src(%dma_wait3A_56 : memref<10240x128xf32, #tpu.memory_space<hbm>>) dst(%arg10 : memref<64x128xf32, #tpu.memory_space<vmem>>)
      %add3A_57 = arith.constant 1 : i32
      %add3A_58 = arith.addi %add3A_51, %add3A_57 : i32
      %dma_start3A_59 = arith.constant 0 : i32
      %dma_start3A_60 = tpu.memref_slice %arg8[%add3A_58, %dma_start3A_59] : memref<80x64xi32, #tpu.memory_space<vmem>> -> memref<1x64xi32, #tpu.memory_space<vmem>>
      %dma_start3A_61 = tpu.memref_squeeze %dma_start3A_60 : memref<1x64xi32, #tpu.memory_space<vmem>> -> memref<64xi32, #tpu.memory_space<vmem>>
      %dma_start3A_62 = arith.constant 0 : i32
      %dma_start3A_63 = arith.constant 0 : i32
      %dma_start3A_64 = tpu.memref_slice %arg2[%dma_start3A_62, %dma_start3A_63] : memref<10240x128xf32, #tpu.memory_space<hbm>> -> memref<10240x128xf32, #tpu.memory_space<hbm>>
      tpu.enqueue_indirect_dma source(%dma_start3A_64 : memref<10240x128xf32, #tpu.memory_space<hbm>>) target(%arg11 : memref<64x128xf32, #tpu.memory_space<vmem>>) offsets(%dma_start3A_61 : memref<64xi32, #tpu.memory_space<vmem>>) semaphore(%arg14 : memref<!tpu.dma_semaphore, #tpu.memory_space<semaphore_mem>>)
      %add3A_65 = arith.constant 1 : i32
      %add3A_66 = arith.addi %add3A_51, %add3A_65 : i32
      %dma_wait3A_67 = arith.constant 0 : i32
      %dma_wait3A_68 = tpu.memref_slice %arg8[%add3A_66, %dma_wait3A_67] : memref<80x64xi32, #tpu.memory_space<vmem>> -> memref<1x64xi32, #tpu.memory_space<vmem>>
      %dma_wait3A_69 = tpu.memref_squeeze %dma_wait3A_68 : memref<1x64xi32, #tpu.memory_space<vmem>> -> memref<64xi32, #tpu.memory_space<vmem>>
      %dma_wait3A_70 = arith.constant 0 : i32
      %dma_wait3A_71 = arith.constant 0 : i32
      %dma_wait3A_72 = tpu.memref_slice %arg2[%dma_wait3A_70, %dma_wait3A_71] : memref<10240x128xf32, #tpu.memory_space<hbm>> -> memref<10240x128xf32, #tpu.memory_space<hbm>>
      tpu.wait_indirect_dma semaphore(%arg14 : memref<!tpu.dma_semaphore, #tpu.memory_space<semaphore_mem>>) src(%dma_wait3A_72 : memref<10240x128xf32, #tpu.memory_space<hbm>>) dst(%arg11 : memref<64x128xf32, #tpu.memory_space<vmem>>)
      %add3A_73 = arith.constant 2 : i32
      %add3A_74 = arith.addi %add3A_51, %add3A_73 : i32
      %lt3A = arith.constant 80 : i32
      %lt3A_75 = arith.cmpi slt, %add3A_74, %lt3A : i32
      %convert_element_type3A_76 = arith.extui %lt3A_75 : i1 to i32
      %cond3A_77 = arith.constant 0 : i32
      %cond3A_78 = arith.cmpi ne, %convert_element_type3A_76, %cond3A_77 : i32
      scf.if %cond3A_78 {
        %add3A_79 = arith.constant 2 : i32
        %add3A_80 = arith.addi %add3A_51, %add3A_79 : i32
        %dma_start3A_81 = arith.constant 0 : i32
        %dma_start3A_82 = tpu.memref_slice %arg8[%add3A_80, %dma_start3A_81] : memref<80x64xi32, #tpu.memory_space<vmem>> -> memref<1x64xi32, #tpu.memory_space<vmem>>
        %dma_start3A_83 = tpu.memref_squeeze %dma_start3A_82 : memref<1x64xi32, #tpu.memory_space<vmem>> -> memref<64xi32, #tpu.memory_space<vmem>>
        %dma_start3A_84 = arith.constant 0 : i32
        %dma_start3A_85 = arith.constant 0 : i32
        %dma_start3A_86 = tpu.memref_slice %arg2[%dma_start3A_84, %dma_start3A_85] : memref<10240x128xf32, #tpu.memory_space<hbm>> -> memref<10240x128xf32, #tpu.memory_space<hbm>>
        tpu.enqueue_indirect_dma source(%dma_start3A_86 : memref<10240x128xf32, #tpu.memory_space<hbm>>) target(%arg10 : memref<64x128xf32, #tpu.memory_space<vmem>>) offsets(%dma_start3A_83 : memref<64xi32, #tpu.memory_space<vmem>>) semaphore(%arg13 : memref<!tpu.dma_semaphore, #tpu.memory_space<semaphore_mem>>)
      } else {
      }
    }
    %scan3A_19 = arith.constant 40 : i32
    "tpu.region"() ({
      %run_scoped3A = tpu.sem_alloc : memref<!tpu.dma_semaphore, #tpu.memory_space<semaphore_mem>>
      %dma_start3A_43 = arith.constant 0 : i32
      %dma_start3A_44 = arith.constant 0 : i32
      %dma_start3A_45 = tpu.memref_slice %arg3[%add3A, %dma_start3A_43, %dma_start3A_44] : memref<32x160x64xi32, #tpu.memory_space<hbm>> -> memref<1x160x64xi32, #tpu.memory_space<hbm>>
      %dma_start3A_46 = tpu.memref_squeeze %dma_start3A_45 : memref<1x160x64xi32, #tpu.memory_space<hbm>> -> memref<160x64xi32, #tpu.memory_space<hbm>>
      %dma_start3A_47 = arith.constant 80 : i32
      %dma_start3A_48 = arith.constant 0 : i32
      %dma_start3A_49 = tpu.memref_slice %dma_start3A_46[%dma_start3A_47, %dma_start3A_48] : memref<160x64xi32, #tpu.memory_space<hbm>> -> memref<80x64xi32, #tpu.memory_space<hbm>>
      %dma_start3A_50 = arith.constant 0 : i32
      %dma_start3A_51 = arith.constant 0 : i32
      %dma_start3A_52 = tpu.memref_slice %arg3[%add3A, %dma_start3A_50, %dma_start3A_51] : memref<32x160x64xi32, #tpu.memory_space<hbm>> -> memref<1x160x64xi32, #tpu.memory_space<hbm>>
      %dma_start3A_53 = tpu.memref_squeeze %dma_start3A_52 : memref<1x160x64xi32, #tpu.memory_space<hbm>> -> memref<160x64xi32, #tpu.memory_space<hbm>>
      %dma_start3A_54 = arith.constant 80 : i32
      %dma_start3A_55 = arith.constant 0 : i32
      %dma_start3A_56 = tpu.memref_slice %dma_start3A_53[%dma_start3A_54, %dma_start3A_55] : memref<160x64xi32, #tpu.memory_space<hbm>> -> memref<80x64xi32, #tpu.memory_space<hbm>>
      tpu.enqueue_dma source(%dma_start3A_56 : memref<80x64xi32, #tpu.memory_space<hbm>>) target(%arg8 : memref<80x64xi32, #tpu.memory_space<vmem>>) target_semaphore(%run_scoped3A : memref<!tpu.dma_semaphore, #tpu.memory_space<semaphore_mem>>)
      %dma_wait3A = arith.constant 0 : i32
      %dma_wait3A_57 = arith.constant 0 : i32
      %dma_wait3A_58 = tpu.memref_slice %arg3[%add3A, %dma_wait3A, %dma_wait3A_57] : memref<32x160x64xi32, #tpu.memory_space<hbm>> -> memref<1x160x64xi32, #tpu.memory_space<hbm>>
      %dma_wait3A_59 = tpu.memref_squeeze %dma_wait3A_58 : memref<1x160x64xi32, #tpu.memory_space<hbm>> -> memref<160x64xi32, #tpu.memory_space<hbm>>
      %dma_wait3A_60 = arith.constant 80 : i32
      %dma_wait3A_61 = arith.constant 0 : i32
      %dma_wait3A_62 = tpu.memref_slice %dma_wait3A_59[%dma_wait3A_60, %dma_wait3A_61] : memref<160x64xi32, #tpu.memory_space<hbm>> -> memref<80x64xi32, #tpu.memory_space<hbm>>
      %dma_wait3A_63 = arith.constant 0 : i32
      %dma_wait3A_64 = arith.constant 0 : i32
      %dma_wait3A_65 = tpu.memref_slice %arg3[%add3A, %dma_wait3A_63, %dma_wait3A_64] : memref<32x160x64xi32, #tpu.memory_space<hbm>> -> memref<1x160x64xi32, #tpu.memory_space<hbm>>
      %dma_wait3A_66 = tpu.memref_squeeze %dma_wait3A_65 : memref<1x160x64xi32, #tpu.memory_space<hbm>> -> memref<160x64xi32, #tpu.memory_space<hbm>>
      %dma_wait3A_67 = arith.constant 80 : i32
      %dma_wait3A_68 = arith.constant 0 : i32
      %dma_wait3A_69 = tpu.memref_slice %dma_wait3A_66[%dma_wait3A_67, %dma_wait3A_68] : memref<160x64xi32, #tpu.memory_space<hbm>> -> memref<80x64xi32, #tpu.memory_space<hbm>>
      tpu.wait_dma2 semaphore(%run_scoped3A : memref<!tpu.dma_semaphore, #tpu.memory_space<semaphore_mem>>) src(%dma_wait3A_69 : memref<80x64xi32, #tpu.memory_space<hbm>>) dst(%arg8 : memref<80x64xi32, #tpu.memory_space<vmem>>)
      tpu.yield
    }) : () -> ()
    "tpu.region"() ({
      %run_scoped3A = tpu.sem_alloc : memref<!tpu.dma_semaphore, #tpu.memory_space<semaphore_mem>>
      %dma_start3A_43 = arith.constant 0 : i32
      %dma_start3A_44 = arith.constant 0 : i32
      %dma_start3A_45 = tpu.memref_slice %arg4[%add3A, %dma_start3A_43, %dma_start3A_44] : memref<32x160x64xi32, #tpu.memory_space<hbm>> -> memref<1x160x64xi32, #tpu.memory_space<hbm>>
      %dma_start3A_46 = tpu.memref_squeeze %dma_start3A_45 : memref<1x160x64xi32, #tpu.memory_space<hbm>> -> memref<160x64xi32, #tpu.memory_space<hbm>>
      %dma_start3A_47 = arith.constant 80 : i32
      %dma_start3A_48 = arith.constant 0 : i32
      %dma_start3A_49 = tpu.memref_slice %dma_start3A_46[%dma_start3A_47, %dma_start3A_48] : memref<160x64xi32, #tpu.memory_space<hbm>> -> memref<80x64xi32, #tpu.memory_space<hbm>>
      %dma_start3A_50 = arith.constant 0 : i32
      %dma_start3A_51 = arith.constant 0 : i32
      %dma_start3A_52 = tpu.memref_slice %arg4[%add3A, %dma_start3A_50, %dma_start3A_51] : memref<32x160x64xi32, #tpu.memory_space<hbm>> -> memref<1x160x64xi32, #tpu.memory_space<hbm>>
      %dma_start3A_53 = tpu.memref_squeeze %dma_start3A_52 : memref<1x160x64xi32, #tpu.memory_space<hbm>> -> memref<160x64xi32, #tpu.memory_space<hbm>>
      %dma_start3A_54 = arith.constant 80 : i32
      %dma_start3A_55 = arith.constant 0 : i32
      %dma_start3A_56 = tpu.memref_slice %dma_start3A_53[%dma_start3A_54, %dma_start3A_55] : memref<160x64xi32, #tpu.memory_space<hbm>> -> memref<80x64xi32, #tpu.memory_space<hbm>>
      tpu.enqueue_dma source(%dma_start3A_56 : memref<80x64xi32, #tpu.memory_space<hbm>>) target(%arg9 : memref<80x64xi32, #tpu.memory_space<vmem>>) target_semaphore(%run_scoped3A : memref<!tpu.dma_semaphore, #tpu.memory_space<semaphore_mem>>)
      %dma_wait3A = arith.constant 0 : i32
      %dma_wait3A_57 = arith.constant 0 : i32
      %dma_wait3A_58 = tpu.memref_slice %arg4[%add3A, %dma_wait3A, %dma_wait3A_57] : memref<32x160x64xi32, #tpu.memory_space<hbm>> -> memref<1x160x64xi32, #tpu.memory_space<hbm>>
      %dma_wait3A_59 = tpu.memref_squeeze %dma_wait3A_58 : memref<1x160x64xi32, #tpu.memory_space<hbm>> -> memref<160x64xi32, #tpu.memory_space<hbm>>
      %dma_wait3A_60 = arith.constant 80 : i32
      %dma_wait3A_61 = arith.constant 0 : i32
      %dma_wait3A_62 = tpu.memref_slice %dma_wait3A_59[%dma_wait3A_60, %dma_wait3A_61] : memref<160x64xi32, #tpu.memory_space<hbm>> -> memref<80x64xi32, #tpu.memory_space<hbm>>
      %dma_wait3A_63 = arith.constant 0 : i32
      %dma_wait3A_64 = arith.constant 0 : i32
      %dma_wait3A_65 = tpu.memref_slice %arg4[%add3A, %dma_wait3A_63, %dma_wait3A_64] : memref<32x160x64xi32, #tpu.memory_space<hbm>> -> memref<1x160x64xi32, #tpu.memory_space<hbm>>
      %dma_wait3A_66 = tpu.memref_squeeze %dma_wait3A_65 : memref<1x160x64xi32, #tpu.memory_space<hbm>> -> memref<160x64xi32, #tpu.memory_space<hbm>>
      %dma_wait3A_67 = arith.constant 80 : i32
      %dma_wait3A_68 = arith.constant 0 : i32
      %dma_wait3A_69 = tpu.memref_slice %dma_wait3A_66[%dma_wait3A_67, %dma_wait3A_68] : memref<160x64xi32, #tpu.memory_space<hbm>> -> memref<80x64xi32, #tpu.memory_space<hbm>>
      tpu.wait_dma2 semaphore(%run_scoped3A : memref<!tpu.dma_semaphore, #tpu.memory_space<semaphore_mem>>) src(%dma_wait3A_69 : memref<80x64xi32, #tpu.memory_space<hbm>>) dst(%arg9 : memref<80x64xi32, #tpu.memory_space<vmem>>)
      tpu.yield
    }) : () -> ()
    %dma_start3A_20 = arith.constant 0 : i32
    %dma_start3A_21 = arith.constant 0 : i32
    %dma_start3A_22 = tpu.memref_slice %arg8[%dma_start3A_20, %dma_start3A_21] : memref<80x64xi32, #tpu.memory_space<vmem>> -> memref<1x64xi32, #tpu.memory_space<vmem>>
    %dma_start3A_23 = tpu.memref_squeeze %dma_start3A_22 : memref<1x64xi32, #tpu.memory_space<vmem>> -> memref<64xi32, #tpu.memory_space<vmem>>
    %dma_start3A_24 = arith.constant 0 : i32
    %dma_start3A_25 = arith.constant 0 : i32
    %dma_start3A_26 = tpu.memref_slice %arg2[%dma_start3A_24, %dma_start3A_25] : memref<10240x128xf32, #tpu.memory_space<hbm>> -> memref<10240x128xf32, #tpu.memory_space<hbm>>
    tpu.enqueue_indirect_dma source(%dma_start3A_26 : memref<10240x128xf32, #tpu.memory_space<hbm>>) target(%arg10 : memref<64x128xf32, #tpu.memory_space<vmem>>) offsets(%dma_start3A_23 : memref<64xi32, #tpu.memory_space<vmem>>) semaphore(%arg13 : memref<!tpu.dma_semaphore, #tpu.memory_space<semaphore_mem>>)
    %scan3A_27 = arith.constant 0 : i32
    %scan3A_28 = arith.constant 40 : i32
    %scan3A_29 = arith.addi %scan3A_27, %scan3A_28 : i32
    %scan3A_30 = arith.constant 1 : i32
    scf.for %scan3A_43 = %scan3A_27 to %scan3A_29 step %scan3A_30  : i32 {
      %mul3A_44 = arith.constant 1 : i32
      %mul3A_45 = arith.muli %scan3A_43, %mul3A_44 : i32
      %add3A_46 = arith.constant 0 : i32
      %add3A_47 = arith.addi %add3A_46, %mul3A_45 : i32
      %mul3A_48 = arith.constant 2 : i32
      %mul3A_49 = arith.muli %mul3A_48, %add3A_47 : i32
      %add3A_50 = arith.constant 0 : i32
      %add3A_51 = arith.addi %add3A_50, %mul3A_49 : i32
      %dma_wait3A = arith.constant 0 : i32
      %dma_wait3A_52 = tpu.memref_slice %arg8[%add3A_51, %dma_wait3A] : memref<80x64xi32, #tpu.memory_space<vmem>> -> memref<1x64xi32, #tpu.memory_space<vmem>>
      %dma_wait3A_53 = tpu.memref_squeeze %dma_wait3A_52 : memref<1x64xi32, #tpu.memory_space<vmem>> -> memref<64xi32, #tpu.memory_space<vmem>>
      %dma_wait3A_54 = arith.constant 0 : i32
      %dma_wait3A_55 = arith.constant 0 : i32
      %dma_wait3A_56 = tpu.memref_slice %arg2[%dma_wait3A_54, %dma_wait3A_55] : memref<10240x128xf32, #tpu.memory_space<hbm>> -> memref<10240x128xf32, #tpu.memory_space<hbm>>
      tpu.wait_indirect_dma semaphore(%arg13 : memref<!tpu.dma_semaphore, #tpu.memory_space<semaphore_mem>>) src(%dma_wait3A_56 : memref<10240x128xf32, #tpu.memory_space<hbm>>) dst(%arg10 : memref<64x128xf32, #tpu.memory_space<vmem>>)
      %add3A_57 = arith.constant 1 : i32
      %add3A_58 = arith.addi %add3A_51, %add3A_57 : i32
      %dma_start3A_59 = arith.constant 0 : i32
      %dma_start3A_60 = tpu.memref_slice %arg8[%add3A_58, %dma_start3A_59] : memref<80x64xi32, #tpu.memory_space<vmem>> -> memref<1x64xi32, #tpu.memory_space<vmem>>
      %dma_start3A_61 = tpu.memref_squeeze %dma_start3A_60 : memref<1x64xi32, #tpu.memory_space<vmem>> -> memref<64xi32, #tpu.memory_space<vmem>>
      %dma_start3A_62 = arith.constant 0 : i32
      %dma_start3A_63 = arith.constant 0 : i32
      %dma_start3A_64 = tpu.memref_slice %arg2[%dma_start3A_62, %dma_start3A_63] : memref<10240x128xf32, #tpu.memory_space<hbm>> -> memref<10240x128xf32, #tpu.memory_space<hbm>>
      tpu.enqueue_indirect_dma source(%dma_start3A_64 : memref<10240x128xf32, #tpu.memory_space<hbm>>) target(%arg11 : memref<64x128xf32, #tpu.memory_space<vmem>>) offsets(%dma_start3A_61 : memref<64xi32, #tpu.memory_space<vmem>>) semaphore(%arg14 : memref<!tpu.dma_semaphore, #tpu.memory_space<semaphore_mem>>)
      %add3A_65 = arith.constant 1 : i32
      %add3A_66 = arith.addi %add3A_51, %add3A_65 : i32
      %dma_wait3A_67 = arith.constant 0 : i32
      %dma_wait3A_68 = tpu.memref_slice %arg8[%add3A_66, %dma_wait3A_67] : memref<80x64xi32, #tpu.memory_space<vmem>> -> memref<1x64xi32, #tpu.memory_space<vmem>>
      %dma_wait3A_69 = tpu.memref_squeeze %dma_wait3A_68 : memref<1x64xi32, #tpu.memory_space<vmem>> -> memref<64xi32, #tpu.memory_space<vmem>>
      %dma_wait3A_70 = arith.constant 0 : i32
      %dma_wait3A_71 = arith.constant 0 : i32
      %dma_wait3A_72 = tpu.memref_slice %arg2[%dma_wait3A_70, %dma_wait3A_71] : memref<10240x128xf32, #tpu.memory_space<hbm>> -> memref<10240x128xf32, #tpu.memory_space<hbm>>
      tpu.wait_indirect_dma semaphore(%arg14 : memref<!tpu.dma_semaphore, #tpu.memory_space<semaphore_mem>>) src(%dma_wait3A_72 : memref<10240x128xf32, #tpu.memory_space<hbm>>) dst(%arg11 : memref<64x128xf32, #tpu.memory_space<vmem>>)
      %add3A_73 = arith.constant 2 : i32
      %add3A_74 = arith.addi %add3A_51, %add3A_73 : i32
      %lt3A = arith.constant 80 : i32
      %lt3A_75 = arith.cmpi slt, %add3A_74, %lt3A : i32
      %convert_element_type3A_76 = arith.extui %lt3A_75 : i1 to i32
      %cond3A_77 = arith.constant 0 : i32
      %cond3A_78 = arith.cmpi ne, %convert_element_type3A_76, %cond3A_77 : i32
      scf.if %cond3A_78 {
        %add3A_79 = arith.constant 2 : i32
        %add3A_80 = arith.addi %add3A_51, %add3A_79 : i32
        %dma_start3A_81 = arith.constant 0 : i32
        %dma_start3A_82 = tpu.memref_slice %arg8[%add3A_80, %dma_start3A_81] : memref<80x64xi32, #tpu.memory_space<vmem>> -> memref<1x64xi32, #tpu.memory_space<vmem>>
        %dma_start3A_83 = tpu.memref_squeeze %dma_start3A_82 : memref<1x64xi32, #tpu.memory_space<vmem>> -> memref<64xi32, #tpu.memory_space<vmem>>
        %dma_start3A_84 = arith.constant 0 : i32
        %dma_start3A_85 = arith.constant 0 : i32
        %dma_start3A_86 = tpu.memref_slice %arg2[%dma_start3A_84, %dma_start3A_85] : memref<10240x128xf32, #tpu.memory_space<hbm>> -> memref<10240x128xf32, #tpu.memory_space<hbm>>
        tpu.enqueue_indirect_dma source(%dma_start3A_86 : memref<10240x128xf32, #tpu.memory_space<hbm>>) target(%arg10 : memref<64x128xf32, #tpu.memory_space<vmem>>) offsets(%dma_start3A_83 : memref<64xi32, #tpu.memory_space<vmem>>) semaphore(%arg13 : memref<!tpu.dma_semaphore, #tpu.memory_space<semaphore_mem>>)
      } else {
      }
    }
    %scan3A_31 = arith.constant 40 : i32
    %barrier3A_32 = arith.constant 0 : index
    tpu.barrier barrier_id(%barrier3A_32)
    %eq3A_33 = arith.constant 0 : i32
    %eq3A_34 = arith.cmpi eq, %arg0, %eq3A_33 : i32
    %convert_element_type3A_35 = arith.extui %eq3A_34 : i1 to i32
    %cond3A_36 = arith.constant 0 : i32
    %cond3A_37 = arith.cmpi ne, %convert_element_type3A_35, %cond3A_36 : i32
    scf.if %cond3A_37 {
      "tpu.region"() ({
        %run_scoped3A = tpu.sem_alloc : memref<!tpu.dma_semaphore, #tpu.memory_space<semaphore_mem>>
        %dma_start3A_43 = arith.constant 0 : i32
        %dma_start3A_44 = tpu.memref_slice %arg6[%mul3A_0, %dma_start3A_43] : memref<10240x128xf32, #tpu.memory_space<hbm>> -> memref<640x128xf32, #tpu.memory_space<hbm>>
        %dma_start3A_45 = arith.constant 0 : i32
        %dma_start3A_46 = tpu.memref_slice %arg12[%mul3A_0, %dma_start3A_45] : memref<10240x128xf32, #tpu.memory_space<vmem_shared>> -> memref<640x128xf32, #tpu.memory_space<vmem_shared>>
        tpu.enqueue_dma source(%dma_start3A_46 : memref<640x128xf32, #tpu.memory_space<vmem_shared>>) target(%dma_start3A_44 : memref<640x128xf32, #tpu.memory_space<hbm>>) target_semaphore(%run_scoped3A : memref<!tpu.dma_semaphore, #tpu.memory_space<semaphore_mem>>)
        %dma_wait3A = arith.constant 0 : i32
        %dma_wait3A_47 = tpu.memref_slice %arg6[%mul3A_0, %dma_wait3A] : memref<10240x128xf32, #tpu.memory_space<hbm>> -> memref<640x128xf32, #tpu.memory_space<hbm>>
        %dma_wait3A_48 = arith.constant 0 : i32
        %dma_wait3A_49 = tpu.memref_slice %arg12[%mul3A_0, %dma_wait3A_48] : memref<10240x128xf32, #tpu.memory_space<vmem_shared>> -> memref<640x128xf32, #tpu.memory_space<vmem_shared>>
        tpu.wait_dma2 semaphore(%run_scoped3A : memref<!tpu.dma_semaphore, #tpu.memory_space<semaphore_mem>>) src(%dma_wait3A_49 : memref<640x128xf32, #tpu.memory_space<vmem_shared>>) dst(%dma_wait3A_47 : memref<640x128xf32, #tpu.memory_space<hbm>>)
        tpu.yield
      }) : () -> ()
    } else {
    }
    %eq3A_38 = arith.constant 1 : i32
    %eq3A_39 = arith.cmpi eq, %arg0, %eq3A_38 : i32
    %convert_element_type3A_40 = arith.extui %eq3A_39 : i1 to i32
    %cond3A_41 = arith.constant 0 : i32
    %cond3A_42 = arith.cmpi ne, %convert_element_type3A_40, %cond3A_41 : i32
    scf.if %cond3A_42 {
      "tpu.region"() ({
        %run_scoped3A = tpu.sem_alloc : memref<!tpu.dma_semaphore, #tpu.memory_space<semaphore_mem>>
        %dma_start3A_43 = arith.constant 0 : i32
        %dma_start3A_44 = tpu.memref_slice %arg7[%mul3A_0, %dma_start3A_43] : memref<10240x128xf32, #tpu.memory_space<hbm>> -> memref<640x128xf32, #tpu.memory_space<hbm>>
        %dma_start3A_45 = arith.constant 0 : i32
        %dma_start3A_46 = tpu.memref_slice %arg12[%mul3A_0, %dma_start3A_45] : memref<10240x128xf32, #tpu.memory_space<vmem_shared>> -> memref<640x128xf32, #tpu.memory_space<vmem_shared>>
        tpu.enqueue_dma source(%dma_start3A_46 : memref<640x128xf32, #tpu.memory_space<vmem_shared>>) target(%dma_start3A_44 : memref<640x128xf32, #tpu.memory_space<hbm>>) target_semaphore(%run_scoped3A : memref<!tpu.dma_semaphore, #tpu.memory_space<semaphore_mem>>)
        %dma_wait3A = arith.constant 0 : i32
        %dma_wait3A_47 = tpu.memref_slice %arg7[%mul3A_0, %dma_wait3A] : memref<10240x128xf32, #tpu.memory_space<hbm>> -> memref<640x128xf32, #tpu.memory_space<hbm>>
        %dma_wait3A_48 = arith.constant 0 : i32
        %dma_wait3A_49 = tpu.memref_slice %arg12[%mul3A_0, %dma_wait3A_48] : memref<10240x128xf32, #tpu.memory_space<vmem_shared>> -> memref<640x128xf32, #tpu.memory_space<vmem_shared>>
        tpu.wait_dma2 semaphore(%run_scoped3A : memref<!tpu.dma_semaphore, #tpu.memory_space<semaphore_mem>>) src(%dma_wait3A_49 : memref<640x128xf32, #tpu.memory_space<vmem_shared>>) dst(%dma_wait3A_47 : memref<640x128xf32, #tpu.memory_space<hbm>>)
        tpu.yield
      }) : () -> ()
    } else {
    }
    return
  }
}

#map = affine_map<(d0, d1) -> (0, 0)>
#map1 = affine_map<(d0, d1) -> (0, 0, 0)>
module attributes {stable_mosaic.version = 14 : i64} {
  func.func @_agg_col(%arg0: i32, %arg1: i32, %arg2: memref<10240x128xf32, #tpu.memory_space<hbm>>, %arg3: memref<10240x128xf32, #tpu.memory_space<hbm>>, %arg4: memref<16x320x64xi32, #tpu.memory_space<hbm>>, %arg5: memref<16x320x64xi32, #tpu.memory_space<hbm>>, %arg6: memref<10240x128xf32, #tpu.memory_space<hbm>>, %arg7: memref<10240x128xf32, #tpu.memory_space<hbm>>, %arg8: memref<80x64xi32, #tpu.memory_space<vmem>>, %arg9: memref<80x64xi32, #tpu.memory_space<vmem>>, %arg10: memref<64x128xf32, #tpu.memory_space<vmem>>, %arg11: memref<64x128xf32, #tpu.memory_space<vmem>>, %arg12: memref<10240x128xf32, #tpu.memory_space<vmem_shared>>, %arg13: memref<!tpu.dma_semaphore, #tpu.memory_space<semaphore_mem>>, %arg14: memref<!tpu.dma_semaphore, #tpu.memory_space<semaphore_mem>>) attributes {dimension_semantics = [#tpu.dimension_semantics<core_parallel>, #tpu.dimension_semantics<subcore_parallel>], iteration_bounds = array<i64: 2, 16>, scalar_prefetch = 0 : i64, scratch_operands = 7 : i64, tpu.core_type = #tpu.core_type<sc_vector_subcore>, window_params = [{transform_indices = #map}, {transform_indices = #map}, {transform_indices = #map1}, {transform_indices = #map1}, {transform_indices = #map}, {transform_indices = #map}]} {
    %mul3A = arith.constant 640 : i32
    %mul3A_0 = arith.muli %arg1, %mul3A : i32
    %eq3A = arith.constant 0 : i32
    %eq3A_1 = arith.cmpi eq, %arg0, %eq3A : i32
    %convert_element_type3A = arith.extui %eq3A_1 : i1 to i32
    %cond3A = arith.constant 0 : i32
    %cond3A_2 = arith.cmpi ne, %convert_element_type3A, %cond3A : i32
    scf.if %cond3A_2 {
      "tpu.region"() ({
        %run_scoped3A = tpu.sem_alloc : memref<!tpu.dma_semaphore, #tpu.memory_space<semaphore_mem>>
        %dma_start3A = arith.constant 0 : i32
        %dma_start3A_29 = tpu.memref_slice %arg12[%mul3A_0, %dma_start3A] : memref<10240x128xf32, #tpu.memory_space<vmem_shared>> -> memref<640x128xf32, #tpu.memory_space<vmem_shared>>
        %dma_start3A_30 = arith.constant 0 : i32
        %dma_start3A_31 = tpu.memref_slice %arg2[%mul3A_0, %dma_start3A_30] : memref<10240x128xf32, #tpu.memory_space<hbm>> -> memref<640x128xf32, #tpu.memory_space<hbm>>
        tpu.enqueue_dma source(%dma_start3A_31 : memref<640x128xf32, #tpu.memory_space<hbm>>) target(%dma_start3A_29 : memref<640x128xf32, #tpu.memory_space<vmem_shared>>) target_semaphore(%run_scoped3A : memref<!tpu.dma_semaphore, #tpu.memory_space<semaphore_mem>>)
        %dma_wait3A = arith.constant 0 : i32
        %dma_wait3A_32 = tpu.memref_slice %arg12[%mul3A_0, %dma_wait3A] : memref<10240x128xf32, #tpu.memory_space<vmem_shared>> -> memref<640x128xf32, #tpu.memory_space<vmem_shared>>
        %dma_wait3A_33 = arith.constant 0 : i32
        %dma_wait3A_34 = tpu.memref_slice %arg2[%mul3A_0, %dma_wait3A_33] : memref<10240x128xf32, #tpu.memory_space<hbm>> -> memref<640x128xf32, #tpu.memory_space<hbm>>
        tpu.wait_dma2 semaphore(%run_scoped3A : memref<!tpu.dma_semaphore, #tpu.memory_space<semaphore_mem>>) src(%dma_wait3A_34 : memref<640x128xf32, #tpu.memory_space<hbm>>) dst(%dma_wait3A_32 : memref<640x128xf32, #tpu.memory_space<vmem_shared>>)
        tpu.yield
      }) : () -> ()
    } else {
    }
    %eq3A_3 = arith.constant 1 : i32
    %eq3A_4 = arith.cmpi eq, %arg0, %eq3A_3 : i32
    %convert_element_type3A_5 = arith.extui %eq3A_4 : i1 to i32
    %cond3A_6 = arith.constant 0 : i32
    %cond3A_7 = arith.cmpi ne, %convert_element_type3A_5, %cond3A_6 : i32
    scf.if %cond3A_7 {
      "tpu.region"() ({
        %run_scoped3A = tpu.sem_alloc : memref<!tpu.dma_semaphore, #tpu.memory_space<semaphore_mem>>
        %dma_start3A = arith.constant 0 : i32
        %dma_start3A_29 = tpu.memref_slice %arg12[%mul3A_0, %dma_start3A] : memref<10240x128xf32, #tpu.memory_space<vmem_shared>> -> memref<640x128xf32, #tpu.memory_space<vmem_shared>>
        %dma_start3A_30 = arith.constant 0 : i32
        %dma_start3A_31 = tpu.memref_slice %arg3[%mul3A_0, %dma_start3A_30] : memref<10240x128xf32, #tpu.memory_space<hbm>> -> memref<640x128xf32, #tpu.memory_space<hbm>>
        tpu.enqueue_dma source(%dma_start3A_31 : memref<640x128xf32, #tpu.memory_space<hbm>>) target(%dma_start3A_29 : memref<640x128xf32, #tpu.memory_space<vmem_shared>>) target_semaphore(%run_scoped3A : memref<!tpu.dma_semaphore, #tpu.memory_space<semaphore_mem>>)
        %dma_wait3A = arith.constant 0 : i32
        %dma_wait3A_32 = tpu.memref_slice %arg12[%mul3A_0, %dma_wait3A] : memref<10240x128xf32, #tpu.memory_space<vmem_shared>> -> memref<640x128xf32, #tpu.memory_space<vmem_shared>>
        %dma_wait3A_33 = arith.constant 0 : i32
        %dma_wait3A_34 = tpu.memref_slice %arg3[%mul3A_0, %dma_wait3A_33] : memref<10240x128xf32, #tpu.memory_space<hbm>> -> memref<640x128xf32, #tpu.memory_space<hbm>>
        tpu.wait_dma2 semaphore(%run_scoped3A : memref<!tpu.dma_semaphore, #tpu.memory_space<semaphore_mem>>) src(%dma_wait3A_34 : memref<640x128xf32, #tpu.memory_space<hbm>>) dst(%dma_wait3A_32 : memref<640x128xf32, #tpu.memory_space<vmem_shared>>)
        tpu.yield
      }) : () -> ()
    } else {
    }
    %barrier3A = arith.constant 0 : index
    tpu.barrier barrier_id(%barrier3A)
    %eq3A_8 = arith.constant 0 : i32
    %eq3A_9 = arith.cmpi eq, %arg0, %eq3A_8 : i32
    %convert_element_type3A_10 = arith.extui %eq3A_9 : i1 to i32
    %cond3A_11 = arith.constant 0 : i32
    %cond3A_12 = arith.cmpi ne, %convert_element_type3A_10, %cond3A_11 : i32
    scf.if %cond3A_12 {
      "tpu.region"() ({
        %run_scoped3A = tpu.sem_alloc : memref<!tpu.dma_semaphore, #tpu.memory_space<semaphore_mem>>
        %dma_start3A_75 = arith.constant 0 : i32
        %dma_start3A_76 = arith.constant 0 : i32
        %dma_start3A_77 = tpu.memref_slice %arg4[%arg1, %dma_start3A_75, %dma_start3A_76] : memref<16x320x64xi32, #tpu.memory_space<hbm>> -> memref<1x320x64xi32, #tpu.memory_space<hbm>>
        %dma_start3A_78 = tpu.memref_squeeze %dma_start3A_77 : memref<1x320x64xi32, #tpu.memory_space<hbm>> -> memref<320x64xi32, #tpu.memory_space<hbm>>
        %dma_start3A_79 = arith.constant 0 : i32
        %dma_start3A_80 = arith.constant 0 : i32
        %dma_start3A_81 = tpu.memref_slice %dma_start3A_78[%dma_start3A_79, %dma_start3A_80] : memref<320x64xi32, #tpu.memory_space<hbm>> -> memref<80x64xi32, #tpu.memory_space<hbm>>
        %dma_start3A_82 = arith.constant 0 : i32
        %dma_start3A_83 = arith.constant 0 : i32
        %dma_start3A_84 = tpu.memref_slice %arg4[%arg1, %dma_start3A_82, %dma_start3A_83] : memref<16x320x64xi32, #tpu.memory_space<hbm>> -> memref<1x320x64xi32, #tpu.memory_space<hbm>>
        %dma_start3A_85 = tpu.memref_squeeze %dma_start3A_84 : memref<1x320x64xi32, #tpu.memory_space<hbm>> -> memref<320x64xi32, #tpu.memory_space<hbm>>
        %dma_start3A_86 = arith.constant 0 : i32
        %dma_start3A_87 = arith.constant 0 : i32
        %dma_start3A_88 = tpu.memref_slice %dma_start3A_85[%dma_start3A_86, %dma_start3A_87] : memref<320x64xi32, #tpu.memory_space<hbm>> -> memref<80x64xi32, #tpu.memory_space<hbm>>
        tpu.enqueue_dma source(%dma_start3A_88 : memref<80x64xi32, #tpu.memory_space<hbm>>) target(%arg8 : memref<80x64xi32, #tpu.memory_space<vmem>>) target_semaphore(%run_scoped3A : memref<!tpu.dma_semaphore, #tpu.memory_space<semaphore_mem>>)
        %dma_wait3A = arith.constant 0 : i32
        %dma_wait3A_89 = arith.constant 0 : i32
        %dma_wait3A_90 = tpu.memref_slice %arg4[%arg1, %dma_wait3A, %dma_wait3A_89] : memref<16x320x64xi32, #tpu.memory_space<hbm>> -> memref<1x320x64xi32, #tpu.memory_space<hbm>>
        %dma_wait3A_91 = tpu.memref_squeeze %dma_wait3A_90 : memref<1x320x64xi32, #tpu.memory_space<hbm>> -> memref<320x64xi32, #tpu.memory_space<hbm>>
        %dma_wait3A_92 = arith.constant 0 : i32
        %dma_wait3A_93 = arith.constant 0 : i32
        %dma_wait3A_94 = tpu.memref_slice %dma_wait3A_91[%dma_wait3A_92, %dma_wait3A_93] : memref<320x64xi32, #tpu.memory_space<hbm>> -> memref<80x64xi32, #tpu.memory_space<hbm>>
        %dma_wait3A_95 = arith.constant 0 : i32
        %dma_wait3A_96 = arith.constant 0 : i32
        %dma_wait3A_97 = tpu.memref_slice %arg4[%arg1, %dma_wait3A_95, %dma_wait3A_96] : memref<16x320x64xi32, #tpu.memory_space<hbm>> -> memref<1x320x64xi32, #tpu.memory_space<hbm>>
        %dma_wait3A_98 = tpu.memref_squeeze %dma_wait3A_97 : memref<1x320x64xi32, #tpu.memory_space<hbm>> -> memref<320x64xi32, #tpu.memory_space<hbm>>
        %dma_wait3A_99 = arith.constant 0 : i32
        %dma_wait3A_100 = arith.constant 0 : i32
        %dma_wait3A_101 = tpu.memref_slice %dma_wait3A_98[%dma_wait3A_99, %dma_wait3A_100] : memref<320x64xi32, #tpu.memory_space<hbm>> -> memref<80x64xi32, #tpu.memory_space<hbm>>
        tpu.wait_dma2 semaphore(%run_scoped3A : memref<!tpu.dma_semaphore, #tpu.memory_space<semaphore_mem>>) src(%dma_wait3A_101 : memref<80x64xi32, #tpu.memory_space<hbm>>) dst(%arg8 : memref<80x64xi32, #tpu.memory_space<vmem>>)
        tpu.yield
      }) : () -> ()
      "tpu.region"() ({
        %run_scoped3A = tpu.sem_alloc : memref<!tpu.dma_semaphore, #tpu.memory_space<semaphore_mem>>
        %dma_start3A_75 = arith.constant 0 : i32
        %dma_start3A_76 = arith.constant 0 : i32
        %dma_start3A_77 = tpu.memref_slice %arg5[%arg1, %dma_start3A_75, %dma_start3A_76] : memref<16x320x64xi32, #tpu.memory_space<hbm>> -> memref<1x320x64xi32, #tpu.memory_space<hbm>>
        %dma_start3A_78 = tpu.memref_squeeze %dma_start3A_77 : memref<1x320x64xi32, #tpu.memory_space<hbm>> -> memref<320x64xi32, #tpu.memory_space<hbm>>
        %dma_start3A_79 = arith.constant 0 : i32
        %dma_start3A_80 = arith.constant 0 : i32
        %dma_start3A_81 = tpu.memref_slice %dma_start3A_78[%dma_start3A_79, %dma_start3A_80] : memref<320x64xi32, #tpu.memory_space<hbm>> -> memref<80x64xi32, #tpu.memory_space<hbm>>
        %dma_start3A_82 = arith.constant 0 : i32
        %dma_start3A_83 = arith.constant 0 : i32
        %dma_start3A_84 = tpu.memref_slice %arg5[%arg1, %dma_start3A_82, %dma_start3A_83] : memref<16x320x64xi32, #tpu.memory_space<hbm>> -> memref<1x320x64xi32, #tpu.memory_space<hbm>>
        %dma_start3A_85 = tpu.memref_squeeze %dma_start3A_84 : memref<1x320x64xi32, #tpu.memory_space<hbm>> -> memref<320x64xi32, #tpu.memory_space<hbm>>
        %dma_start3A_86 = arith.constant 0 : i32
        %dma_start3A_87 = arith.constant 0 : i32
        %dma_start3A_88 = tpu.memref_slice %dma_start3A_85[%dma_start3A_86, %dma_start3A_87] : memref<320x64xi32, #tpu.memory_space<hbm>> -> memref<80x64xi32, #tpu.memory_space<hbm>>
        tpu.enqueue_dma source(%dma_start3A_88 : memref<80x64xi32, #tpu.memory_space<hbm>>) target(%arg9 : memref<80x64xi32, #tpu.memory_space<vmem>>) target_semaphore(%run_scoped3A : memref<!tpu.dma_semaphore, #tpu.memory_space<semaphore_mem>>)
        %dma_wait3A = arith.constant 0 : i32
        %dma_wait3A_89 = arith.constant 0 : i32
        %dma_wait3A_90 = tpu.memref_slice %arg5[%arg1, %dma_wait3A, %dma_wait3A_89] : memref<16x320x64xi32, #tpu.memory_space<hbm>> -> memref<1x320x64xi32, #tpu.memory_space<hbm>>
        %dma_wait3A_91 = tpu.memref_squeeze %dma_wait3A_90 : memref<1x320x64xi32, #tpu.memory_space<hbm>> -> memref<320x64xi32, #tpu.memory_space<hbm>>
        %dma_wait3A_92 = arith.constant 0 : i32
        %dma_wait3A_93 = arith.constant 0 : i32
        %dma_wait3A_94 = tpu.memref_slice %dma_wait3A_91[%dma_wait3A_92, %dma_wait3A_93] : memref<320x64xi32, #tpu.memory_space<hbm>> -> memref<80x64xi32, #tpu.memory_space<hbm>>
        %dma_wait3A_95 = arith.constant 0 : i32
        %dma_wait3A_96 = arith.constant 0 : i32
        %dma_wait3A_97 = tpu.memref_slice %arg5[%arg1, %dma_wait3A_95, %dma_wait3A_96] : memref<16x320x64xi32, #tpu.memory_space<hbm>> -> memref<1x320x64xi32, #tpu.memory_space<hbm>>
        %dma_wait3A_98 = tpu.memref_squeeze %dma_wait3A_97 : memref<1x320x64xi32, #tpu.memory_space<hbm>> -> memref<320x64xi32, #tpu.memory_space<hbm>>
        %dma_wait3A_99 = arith.constant 0 : i32
        %dma_wait3A_100 = arith.constant 0 : i32
        %dma_wait3A_101 = tpu.memref_slice %dma_wait3A_98[%dma_wait3A_99, %dma_wait3A_100] : memref<320x64xi32, #tpu.memory_space<hbm>> -> memref<80x64xi32, #tpu.memory_space<hbm>>
        tpu.wait_dma2 semaphore(%run_scoped3A : memref<!tpu.dma_semaphore, #tpu.memory_space<semaphore_mem>>) src(%dma_wait3A_101 : memref<80x64xi32, #tpu.memory_space<hbm>>) dst(%arg9 : memref<80x64xi32, #tpu.memory_space<vmem>>)
        tpu.yield
      }) : () -> ()
      %dma_start3A = arith.constant 0 : i32
      %dma_start3A_29 = arith.constant 0 : i32
      %dma_start3A_30 = tpu.memref_slice %arg8[%dma_start3A, %dma_start3A_29] : memref<80x64xi32, #tpu.memory_space<vmem>> -> memref<1x64xi32, #tpu.memory_space<vmem>>
      %dma_start3A_31 = tpu.memref_squeeze %dma_start3A_30 : memref<1x64xi32, #tpu.memory_space<vmem>> -> memref<64xi32, #tpu.memory_space<vmem>>
      %dma_start3A_32 = arith.constant 0 : i32
      %dma_start3A_33 = arith.constant 0 : i32
      %dma_start3A_34 = tpu.memref_slice %arg2[%dma_start3A_32, %dma_start3A_33] : memref<10240x128xf32, #tpu.memory_space<hbm>> -> memref<10240x128xf32, #tpu.memory_space<hbm>>
      tpu.enqueue_indirect_dma source(%dma_start3A_34 : memref<10240x128xf32, #tpu.memory_space<hbm>>) target(%arg10 : memref<64x128xf32, #tpu.memory_space<vmem>>) offsets(%dma_start3A_31 : memref<64xi32, #tpu.memory_space<vmem>>) semaphore(%arg13 : memref<!tpu.dma_semaphore, #tpu.memory_space<semaphore_mem>>)
      %scan3A = arith.constant 0 : i32
      %scan3A_35 = arith.constant 40 : i32
      %scan3A_36 = arith.addi %scan3A, %scan3A_35 : i32
      %scan3A_37 = arith.constant 1 : i32
      scf.for %scan3A_75 = %scan3A to %scan3A_36 step %scan3A_37  : i32 {
        %mul3A_76 = arith.constant 1 : i32
        %mul3A_77 = arith.muli %scan3A_75, %mul3A_76 : i32
        %add3A = arith.constant 0 : i32
        %add3A_78 = arith.addi %add3A, %mul3A_77 : i32
        %mul3A_79 = arith.constant 2 : i32
        %mul3A_80 = arith.muli %mul3A_79, %add3A_78 : i32
        %add3A_81 = arith.constant 0 : i32
        %add3A_82 = arith.addi %add3A_81, %mul3A_80 : i32
        %dma_wait3A = arith.constant 0 : i32
        %dma_wait3A_83 = tpu.memref_slice %arg8[%add3A_82, %dma_wait3A] : memref<80x64xi32, #tpu.memory_space<vmem>> -> memref<1x64xi32, #tpu.memory_space<vmem>>
        %dma_wait3A_84 = tpu.memref_squeeze %dma_wait3A_83 : memref<1x64xi32, #tpu.memory_space<vmem>> -> memref<64xi32, #tpu.memory_space<vmem>>
        %dma_wait3A_85 = arith.constant 0 : i32
        %dma_wait3A_86 = arith.constant 0 : i32
        %dma_wait3A_87 = tpu.memref_slice %arg2[%dma_wait3A_85, %dma_wait3A_86] : memref<10240x128xf32, #tpu.memory_space<hbm>> -> memref<10240x128xf32, #tpu.memory_space<hbm>>
        tpu.wait_indirect_dma semaphore(%arg13 : memref<!tpu.dma_semaphore, #tpu.memory_space<semaphore_mem>>) src(%dma_wait3A_87 : memref<10240x128xf32, #tpu.memory_space<hbm>>) dst(%arg10 : memref<64x128xf32, #tpu.memory_space<vmem>>)
        %add3A_88 = arith.constant 1 : i32
        %add3A_89 = arith.addi %add3A_82, %add3A_88 : i32
        %dma_start3A_90 = arith.constant 0 : i32
        %dma_start3A_91 = tpu.memref_slice %arg8[%add3A_89, %dma_start3A_90] : memref<80x64xi32, #tpu.memory_space<vmem>> -> memref<1x64xi32, #tpu.memory_space<vmem>>
        %dma_start3A_92 = tpu.memref_squeeze %dma_start3A_91 : memref<1x64xi32, #tpu.memory_space<vmem>> -> memref<64xi32, #tpu.memory_space<vmem>>
        %dma_start3A_93 = arith.constant 0 : i32
        %dma_start3A_94 = arith.constant 0 : i32
        %dma_start3A_95 = tpu.memref_slice %arg2[%dma_start3A_93, %dma_start3A_94] : memref<10240x128xf32, #tpu.memory_space<hbm>> -> memref<10240x128xf32, #tpu.memory_space<hbm>>
        tpu.enqueue_indirect_dma source(%dma_start3A_95 : memref<10240x128xf32, #tpu.memory_space<hbm>>) target(%arg11 : memref<64x128xf32, #tpu.memory_space<vmem>>) offsets(%dma_start3A_92 : memref<64xi32, #tpu.memory_space<vmem>>) semaphore(%arg14 : memref<!tpu.dma_semaphore, #tpu.memory_space<semaphore_mem>>)
        %add3A_96 = arith.constant 1 : i32
        %add3A_97 = arith.addi %add3A_82, %add3A_96 : i32
        %dma_wait3A_98 = arith.constant 0 : i32
        %dma_wait3A_99 = tpu.memref_slice %arg8[%add3A_97, %dma_wait3A_98] : memref<80x64xi32, #tpu.memory_space<vmem>> -> memref<1x64xi32, #tpu.memory_space<vmem>>
        %dma_wait3A_100 = tpu.memref_squeeze %dma_wait3A_99 : memref<1x64xi32, #tpu.memory_space<vmem>> -> memref<64xi32, #tpu.memory_space<vmem>>
        %dma_wait3A_101 = arith.constant 0 : i32
        %dma_wait3A_102 = arith.constant 0 : i32
        %dma_wait3A_103 = tpu.memref_slice %arg2[%dma_wait3A_101, %dma_wait3A_102] : memref<10240x128xf32, #tpu.memory_space<hbm>> -> memref<10240x128xf32, #tpu.memory_space<hbm>>
        tpu.wait_indirect_dma semaphore(%arg14 : memref<!tpu.dma_semaphore, #tpu.memory_space<semaphore_mem>>) src(%dma_wait3A_103 : memref<10240x128xf32, #tpu.memory_space<hbm>>) dst(%arg11 : memref<64x128xf32, #tpu.memory_space<vmem>>)
        %add3A_104 = arith.constant 2 : i32
        %add3A_105 = arith.addi %add3A_82, %add3A_104 : i32
        %lt3A = arith.constant 80 : i32
        %lt3A_106 = arith.cmpi slt, %add3A_105, %lt3A : i32
        %convert_element_type3A_107 = arith.extui %lt3A_106 : i1 to i32
        %cond3A_108 = arith.constant 0 : i32
        %cond3A_109 = arith.cmpi ne, %convert_element_type3A_107, %cond3A_108 : i32
        scf.if %cond3A_109 {
          %add3A_110 = arith.constant 2 : i32
          %add3A_111 = arith.addi %add3A_82, %add3A_110 : i32
          %dma_start3A_112 = arith.constant 0 : i32
          %dma_start3A_113 = tpu.memref_slice %arg8[%add3A_111, %dma_start3A_112] : memref<80x64xi32, #tpu.memory_space<vmem>> -> memref<1x64xi32, #tpu.memory_space<vmem>>
          %dma_start3A_114 = tpu.memref_squeeze %dma_start3A_113 : memref<1x64xi32, #tpu.memory_space<vmem>> -> memref<64xi32, #tpu.memory_space<vmem>>
          %dma_start3A_115 = arith.constant 0 : i32
          %dma_start3A_116 = arith.constant 0 : i32
          %dma_start3A_117 = tpu.memref_slice %arg2[%dma_start3A_115, %dma_start3A_116] : memref<10240x128xf32, #tpu.memory_space<hbm>> -> memref<10240x128xf32, #tpu.memory_space<hbm>>
          tpu.enqueue_indirect_dma source(%dma_start3A_117 : memref<10240x128xf32, #tpu.memory_space<hbm>>) target(%arg10 : memref<64x128xf32, #tpu.memory_space<vmem>>) offsets(%dma_start3A_114 : memref<64xi32, #tpu.memory_space<vmem>>) semaphore(%arg13 : memref<!tpu.dma_semaphore, #tpu.memory_space<semaphore_mem>>)
        } else {
        }
      }
      %scan3A_38 = arith.constant 40 : i32
      "tpu.region"() ({
        %run_scoped3A = tpu.sem_alloc : memref<!tpu.dma_semaphore, #tpu.memory_space<semaphore_mem>>
        %dma_start3A_75 = arith.constant 0 : i32
        %dma_start3A_76 = arith.constant 0 : i32
        %dma_start3A_77 = tpu.memref_slice %arg4[%arg1, %dma_start3A_75, %dma_start3A_76] : memref<16x320x64xi32, #tpu.memory_space<hbm>> -> memref<1x320x64xi32, #tpu.memory_space<hbm>>
        %dma_start3A_78 = tpu.memref_squeeze %dma_start3A_77 : memref<1x320x64xi32, #tpu.memory_space<hbm>> -> memref<320x64xi32, #tpu.memory_space<hbm>>
        %dma_start3A_79 = arith.constant 80 : i32
        %dma_start3A_80 = arith.constant 0 : i32
        %dma_start3A_81 = tpu.memref_slice %dma_start3A_78[%dma_start3A_79, %dma_start3A_80] : memref<320x64xi32, #tpu.memory_space<hbm>> -> memref<80x64xi32, #tpu.memory_space<hbm>>
        %dma_start3A_82 = arith.constant 0 : i32
        %dma_start3A_83 = arith.constant 0 : i32
        %dma_start3A_84 = tpu.memref_slice %arg4[%arg1, %dma_start3A_82, %dma_start3A_83] : memref<16x320x64xi32, #tpu.memory_space<hbm>> -> memref<1x320x64xi32, #tpu.memory_space<hbm>>
        %dma_start3A_85 = tpu.memref_squeeze %dma_start3A_84 : memref<1x320x64xi32, #tpu.memory_space<hbm>> -> memref<320x64xi32, #tpu.memory_space<hbm>>
        %dma_start3A_86 = arith.constant 80 : i32
        %dma_start3A_87 = arith.constant 0 : i32
        %dma_start3A_88 = tpu.memref_slice %dma_start3A_85[%dma_start3A_86, %dma_start3A_87] : memref<320x64xi32, #tpu.memory_space<hbm>> -> memref<80x64xi32, #tpu.memory_space<hbm>>
        tpu.enqueue_dma source(%dma_start3A_88 : memref<80x64xi32, #tpu.memory_space<hbm>>) target(%arg8 : memref<80x64xi32, #tpu.memory_space<vmem>>) target_semaphore(%run_scoped3A : memref<!tpu.dma_semaphore, #tpu.memory_space<semaphore_mem>>)
        %dma_wait3A = arith.constant 0 : i32
        %dma_wait3A_89 = arith.constant 0 : i32
        %dma_wait3A_90 = tpu.memref_slice %arg4[%arg1, %dma_wait3A, %dma_wait3A_89] : memref<16x320x64xi32, #tpu.memory_space<hbm>> -> memref<1x320x64xi32, #tpu.memory_space<hbm>>
        %dma_wait3A_91 = tpu.memref_squeeze %dma_wait3A_90 : memref<1x320x64xi32, #tpu.memory_space<hbm>> -> memref<320x64xi32, #tpu.memory_space<hbm>>
        %dma_wait3A_92 = arith.constant 80 : i32
        %dma_wait3A_93 = arith.constant 0 : i32
        %dma_wait3A_94 = tpu.memref_slice %dma_wait3A_91[%dma_wait3A_92, %dma_wait3A_93] : memref<320x64xi32, #tpu.memory_space<hbm>> -> memref<80x64xi32, #tpu.memory_space<hbm>>
        %dma_wait3A_95 = arith.constant 0 : i32
        %dma_wait3A_96 = arith.constant 0 : i32
        %dma_wait3A_97 = tpu.memref_slice %arg4[%arg1, %dma_wait3A_95, %dma_wait3A_96] : memref<16x320x64xi32, #tpu.memory_space<hbm>> -> memref<1x320x64xi32, #tpu.memory_space<hbm>>
        %dma_wait3A_98 = tpu.memref_squeeze %dma_wait3A_97 : memref<1x320x64xi32, #tpu.memory_space<hbm>> -> memref<320x64xi32, #tpu.memory_space<hbm>>
        %dma_wait3A_99 = arith.constant 80 : i32
        %dma_wait3A_100 = arith.constant 0 : i32
        %dma_wait3A_101 = tpu.memref_slice %dma_wait3A_98[%dma_wait3A_99, %dma_wait3A_100] : memref<320x64xi32, #tpu.memory_space<hbm>> -> memref<80x64xi32, #tpu.memory_space<hbm>>
        tpu.wait_dma2 semaphore(%run_scoped3A : memref<!tpu.dma_semaphore, #tpu.memory_space<semaphore_mem>>) src(%dma_wait3A_101 : memref<80x64xi32, #tpu.memory_space<hbm>>) dst(%arg8 : memref<80x64xi32, #tpu.memory_space<vmem>>)
        tpu.yield
      }) : () -> ()
      "tpu.region"() ({
        %run_scoped3A = tpu.sem_alloc : memref<!tpu.dma_semaphore, #tpu.memory_space<semaphore_mem>>
        %dma_start3A_75 = arith.constant 0 : i32
        %dma_start3A_76 = arith.constant 0 : i32
        %dma_start3A_77 = tpu.memref_slice %arg5[%arg1, %dma_start3A_75, %dma_start3A_76] : memref<16x320x64xi32, #tpu.memory_space<hbm>> -> memref<1x320x64xi32, #tpu.memory_space<hbm>>
        %dma_start3A_78 = tpu.memref_squeeze %dma_start3A_77 : memref<1x320x64xi32, #tpu.memory_space<hbm>> -> memref<320x64xi32, #tpu.memory_space<hbm>>
        %dma_start3A_79 = arith.constant 80 : i32
        %dma_start3A_80 = arith.constant 0 : i32
        %dma_start3A_81 = tpu.memref_slice %dma_start3A_78[%dma_start3A_79, %dma_start3A_80] : memref<320x64xi32, #tpu.memory_space<hbm>> -> memref<80x64xi32, #tpu.memory_space<hbm>>
        %dma_start3A_82 = arith.constant 0 : i32
        %dma_start3A_83 = arith.constant 0 : i32
        %dma_start3A_84 = tpu.memref_slice %arg5[%arg1, %dma_start3A_82, %dma_start3A_83] : memref<16x320x64xi32, #tpu.memory_space<hbm>> -> memref<1x320x64xi32, #tpu.memory_space<hbm>>
        %dma_start3A_85 = tpu.memref_squeeze %dma_start3A_84 : memref<1x320x64xi32, #tpu.memory_space<hbm>> -> memref<320x64xi32, #tpu.memory_space<hbm>>
        %dma_start3A_86 = arith.constant 80 : i32
        %dma_start3A_87 = arith.constant 0 : i32
        %dma_start3A_88 = tpu.memref_slice %dma_start3A_85[%dma_start3A_86, %dma_start3A_87] : memref<320x64xi32, #tpu.memory_space<hbm>> -> memref<80x64xi32, #tpu.memory_space<hbm>>
        tpu.enqueue_dma source(%dma_start3A_88 : memref<80x64xi32, #tpu.memory_space<hbm>>) target(%arg9 : memref<80x64xi32, #tpu.memory_space<vmem>>) target_semaphore(%run_scoped3A : memref<!tpu.dma_semaphore, #tpu.memory_space<semaphore_mem>>)
        %dma_wait3A = arith.constant 0 : i32
        %dma_wait3A_89 = arith.constant 0 : i32
        %dma_wait3A_90 = tpu.memref_slice %arg5[%arg1, %dma_wait3A, %dma_wait3A_89] : memref<16x320x64xi32, #tpu.memory_space<hbm>> -> memref<1x320x64xi32, #tpu.memory_space<hbm>>
        %dma_wait3A_91 = tpu.memref_squeeze %dma_wait3A_90 : memref<1x320x64xi32, #tpu.memory_space<hbm>> -> memref<320x64xi32, #tpu.memory_space<hbm>>
        %dma_wait3A_92 = arith.constant 80 : i32
        %dma_wait3A_93 = arith.constant 0 : i32
        %dma_wait3A_94 = tpu.memref_slice %dma_wait3A_91[%dma_wait3A_92, %dma_wait3A_93] : memref<320x64xi32, #tpu.memory_space<hbm>> -> memref<80x64xi32, #tpu.memory_space<hbm>>
        %dma_wait3A_95 = arith.constant 0 : i32
        %dma_wait3A_96 = arith.constant 0 : i32
        %dma_wait3A_97 = tpu.memref_slice %arg5[%arg1, %dma_wait3A_95, %dma_wait3A_96] : memref<16x320x64xi32, #tpu.memory_space<hbm>> -> memref<1x320x64xi32, #tpu.memory_space<hbm>>
        %dma_wait3A_98 = tpu.memref_squeeze %dma_wait3A_97 : memref<1x320x64xi32, #tpu.memory_space<hbm>> -> memref<320x64xi32, #tpu.memory_space<hbm>>
        %dma_wait3A_99 = arith.constant 80 : i32
        %dma_wait3A_100 = arith.constant 0 : i32
        %dma_wait3A_101 = tpu.memref_slice %dma_wait3A_98[%dma_wait3A_99, %dma_wait3A_100] : memref<320x64xi32, #tpu.memory_space<hbm>> -> memref<80x64xi32, #tpu.memory_space<hbm>>
        tpu.wait_dma2 semaphore(%run_scoped3A : memref<!tpu.dma_semaphore, #tpu.memory_space<semaphore_mem>>) src(%dma_wait3A_101 : memref<80x64xi32, #tpu.memory_space<hbm>>) dst(%arg9 : memref<80x64xi32, #tpu.memory_space<vmem>>)
        tpu.yield
      }) : () -> ()
      %dma_start3A_39 = arith.constant 0 : i32
      %dma_start3A_40 = arith.constant 0 : i32
      %dma_start3A_41 = tpu.memref_slice %arg8[%dma_start3A_39, %dma_start3A_40] : memref<80x64xi32, #tpu.memory_space<vmem>> -> memref<1x64xi32, #tpu.memory_space<vmem>>
      %dma_start3A_42 = tpu.memref_squeeze %dma_start3A_41 : memref<1x64xi32, #tpu.memory_space<vmem>> -> memref<64xi32, #tpu.memory_space<vmem>>
      %dma_start3A_43 = arith.constant 0 : i32
      %dma_start3A_44 = arith.constant 0 : i32
      %dma_start3A_45 = tpu.memref_slice %arg2[%dma_start3A_43, %dma_start3A_44] : memref<10240x128xf32, #tpu.memory_space<hbm>> -> memref<10240x128xf32, #tpu.memory_space<hbm>>
      tpu.enqueue_indirect_dma source(%dma_start3A_45 : memref<10240x128xf32, #tpu.memory_space<hbm>>) target(%arg10 : memref<64x128xf32, #tpu.memory_space<vmem>>) offsets(%dma_start3A_42 : memref<64xi32, #tpu.memory_space<vmem>>) semaphore(%arg13 : memref<!tpu.dma_semaphore, #tpu.memory_space<semaphore_mem>>)
      %scan3A_46 = arith.constant 0 : i32
      %scan3A_47 = arith.constant 40 : i32
      %scan3A_48 = arith.addi %scan3A_46, %scan3A_47 : i32
      %scan3A_49 = arith.constant 1 : i32
      scf.for %scan3A_75 = %scan3A_46 to %scan3A_48 step %scan3A_49  : i32 {
        %mul3A_76 = arith.constant 1 : i32
        %mul3A_77 = arith.muli %scan3A_75, %mul3A_76 : i32
        %add3A = arith.constant 0 : i32
        %add3A_78 = arith.addi %add3A, %mul3A_77 : i32
        %mul3A_79 = arith.constant 2 : i32
        %mul3A_80 = arith.muli %mul3A_79, %add3A_78 : i32
        %add3A_81 = arith.constant 0 : i32
        %add3A_82 = arith.addi %add3A_81, %mul3A_80 : i32
        %dma_wait3A = arith.constant 0 : i32
        %dma_wait3A_83 = tpu.memref_slice %arg8[%add3A_82, %dma_wait3A] : memref<80x64xi32, #tpu.memory_space<vmem>> -> memref<1x64xi32, #tpu.memory_space<vmem>>
        %dma_wait3A_84 = tpu.memref_squeeze %dma_wait3A_83 : memref<1x64xi32, #tpu.memory_space<vmem>> -> memref<64xi32, #tpu.memory_space<vmem>>
        %dma_wait3A_85 = arith.constant 0 : i32
        %dma_wait3A_86 = arith.constant 0 : i32
        %dma_wait3A_87 = tpu.memref_slice %arg2[%dma_wait3A_85, %dma_wait3A_86] : memref<10240x128xf32, #tpu.memory_space<hbm>> -> memref<10240x128xf32, #tpu.memory_space<hbm>>
        tpu.wait_indirect_dma semaphore(%arg13 : memref<!tpu.dma_semaphore, #tpu.memory_space<semaphore_mem>>) src(%dma_wait3A_87 : memref<10240x128xf32, #tpu.memory_space<hbm>>) dst(%arg10 : memref<64x128xf32, #tpu.memory_space<vmem>>)
        %add3A_88 = arith.constant 1 : i32
        %add3A_89 = arith.addi %add3A_82, %add3A_88 : i32
        %dma_start3A_90 = arith.constant 0 : i32
        %dma_start3A_91 = tpu.memref_slice %arg8[%add3A_89, %dma_start3A_90] : memref<80x64xi32, #tpu.memory_space<vmem>> -> memref<1x64xi32, #tpu.memory_space<vmem>>
        %dma_start3A_92 = tpu.memref_squeeze %dma_start3A_91 : memref<1x64xi32, #tpu.memory_space<vmem>> -> memref<64xi32, #tpu.memory_space<vmem>>
        %dma_start3A_93 = arith.constant 0 : i32
        %dma_start3A_94 = arith.constant 0 : i32
        %dma_start3A_95 = tpu.memref_slice %arg2[%dma_start3A_93, %dma_start3A_94] : memref<10240x128xf32, #tpu.memory_space<hbm>> -> memref<10240x128xf32, #tpu.memory_space<hbm>>
        tpu.enqueue_indirect_dma source(%dma_start3A_95 : memref<10240x128xf32, #tpu.memory_space<hbm>>) target(%arg11 : memref<64x128xf32, #tpu.memory_space<vmem>>) offsets(%dma_start3A_92 : memref<64xi32, #tpu.memory_space<vmem>>) semaphore(%arg14 : memref<!tpu.dma_semaphore, #tpu.memory_space<semaphore_mem>>)
        %add3A_96 = arith.constant 1 : i32
        %add3A_97 = arith.addi %add3A_82, %add3A_96 : i32
        %dma_wait3A_98 = arith.constant 0 : i32
        %dma_wait3A_99 = tpu.memref_slice %arg8[%add3A_97, %dma_wait3A_98] : memref<80x64xi32, #tpu.memory_space<vmem>> -> memref<1x64xi32, #tpu.memory_space<vmem>>
        %dma_wait3A_100 = tpu.memref_squeeze %dma_wait3A_99 : memref<1x64xi32, #tpu.memory_space<vmem>> -> memref<64xi32, #tpu.memory_space<vmem>>
        %dma_wait3A_101 = arith.constant 0 : i32
        %dma_wait3A_102 = arith.constant 0 : i32
        %dma_wait3A_103 = tpu.memref_slice %arg2[%dma_wait3A_101, %dma_wait3A_102] : memref<10240x128xf32, #tpu.memory_space<hbm>> -> memref<10240x128xf32, #tpu.memory_space<hbm>>
        tpu.wait_indirect_dma semaphore(%arg14 : memref<!tpu.dma_semaphore, #tpu.memory_space<semaphore_mem>>) src(%dma_wait3A_103 : memref<10240x128xf32, #tpu.memory_space<hbm>>) dst(%arg11 : memref<64x128xf32, #tpu.memory_space<vmem>>)
        %add3A_104 = arith.constant 2 : i32
        %add3A_105 = arith.addi %add3A_82, %add3A_104 : i32
        %lt3A = arith.constant 80 : i32
        %lt3A_106 = arith.cmpi slt, %add3A_105, %lt3A : i32
        %convert_element_type3A_107 = arith.extui %lt3A_106 : i1 to i32
        %cond3A_108 = arith.constant 0 : i32
        %cond3A_109 = arith.cmpi ne, %convert_element_type3A_107, %cond3A_108 : i32
        scf.if %cond3A_109 {
          %add3A_110 = arith.constant 2 : i32
          %add3A_111 = arith.addi %add3A_82, %add3A_110 : i32
          %dma_start3A_112 = arith.constant 0 : i32
          %dma_start3A_113 = tpu.memref_slice %arg8[%add3A_111, %dma_start3A_112] : memref<80x64xi32, #tpu.memory_space<vmem>> -> memref<1x64xi32, #tpu.memory_space<vmem>>
          %dma_start3A_114 = tpu.memref_squeeze %dma_start3A_113 : memref<1x64xi32, #tpu.memory_space<vmem>> -> memref<64xi32, #tpu.memory_space<vmem>>
          %dma_start3A_115 = arith.constant 0 : i32
          %dma_start3A_116 = arith.constant 0 : i32
          %dma_start3A_117 = tpu.memref_slice %arg2[%dma_start3A_115, %dma_start3A_116] : memref<10240x128xf32, #tpu.memory_space<hbm>> -> memref<10240x128xf32, #tpu.memory_space<hbm>>
          tpu.enqueue_indirect_dma source(%dma_start3A_117 : memref<10240x128xf32, #tpu.memory_space<hbm>>) target(%arg10 : memref<64x128xf32, #tpu.memory_space<vmem>>) offsets(%dma_start3A_114 : memref<64xi32, #tpu.memory_space<vmem>>) semaphore(%arg13 : memref<!tpu.dma_semaphore, #tpu.memory_space<semaphore_mem>>)
        } else {
        }
      }
      %scan3A_50 = arith.constant 40 : i32
      "tpu.region"() ({
        %run_scoped3A = tpu.sem_alloc : memref<!tpu.dma_semaphore, #tpu.memory_space<semaphore_mem>>
        %dma_start3A_75 = arith.constant 0 : i32
        %dma_start3A_76 = arith.constant 0 : i32
        %dma_start3A_77 = tpu.memref_slice %arg4[%arg1, %dma_start3A_75, %dma_start3A_76] : memref<16x320x64xi32, #tpu.memory_space<hbm>> -> memref<1x320x64xi32, #tpu.memory_space<hbm>>
        %dma_start3A_78 = tpu.memref_squeeze %dma_start3A_77 : memref<1x320x64xi32, #tpu.memory_space<hbm>> -> memref<320x64xi32, #tpu.memory_space<hbm>>
        %dma_start3A_79 = arith.constant 160 : i32
        %dma_start3A_80 = arith.constant 0 : i32
        %dma_start3A_81 = tpu.memref_slice %dma_start3A_78[%dma_start3A_79, %dma_start3A_80] : memref<320x64xi32, #tpu.memory_space<hbm>> -> memref<80x64xi32, #tpu.memory_space<hbm>>
        %dma_start3A_82 = arith.constant 0 : i32
        %dma_start3A_83 = arith.constant 0 : i32
        %dma_start3A_84 = tpu.memref_slice %arg4[%arg1, %dma_start3A_82, %dma_start3A_83] : memref<16x320x64xi32, #tpu.memory_space<hbm>> -> memref<1x320x64xi32, #tpu.memory_space<hbm>>
        %dma_start3A_85 = tpu.memref_squeeze %dma_start3A_84 : memref<1x320x64xi32, #tpu.memory_space<hbm>> -> memref<320x64xi32, #tpu.memory_space<hbm>>
        %dma_start3A_86 = arith.constant 160 : i32
        %dma_start3A_87 = arith.constant 0 : i32
        %dma_start3A_88 = tpu.memref_slice %dma_start3A_85[%dma_start3A_86, %dma_start3A_87] : memref<320x64xi32, #tpu.memory_space<hbm>> -> memref<80x64xi32, #tpu.memory_space<hbm>>
        tpu.enqueue_dma source(%dma_start3A_88 : memref<80x64xi32, #tpu.memory_space<hbm>>) target(%arg8 : memref<80x64xi32, #tpu.memory_space<vmem>>) target_semaphore(%run_scoped3A : memref<!tpu.dma_semaphore, #tpu.memory_space<semaphore_mem>>)
        %dma_wait3A = arith.constant 0 : i32
        %dma_wait3A_89 = arith.constant 0 : i32
        %dma_wait3A_90 = tpu.memref_slice %arg4[%arg1, %dma_wait3A, %dma_wait3A_89] : memref<16x320x64xi32, #tpu.memory_space<hbm>> -> memref<1x320x64xi32, #tpu.memory_space<hbm>>
        %dma_wait3A_91 = tpu.memref_squeeze %dma_wait3A_90 : memref<1x320x64xi32, #tpu.memory_space<hbm>> -> memref<320x64xi32, #tpu.memory_space<hbm>>
        %dma_wait3A_92 = arith.constant 160 : i32
        %dma_wait3A_93 = arith.constant 0 : i32
        %dma_wait3A_94 = tpu.memref_slice %dma_wait3A_91[%dma_wait3A_92, %dma_wait3A_93] : memref<320x64xi32, #tpu.memory_space<hbm>> -> memref<80x64xi32, #tpu.memory_space<hbm>>
        %dma_wait3A_95 = arith.constant 0 : i32
        %dma_wait3A_96 = arith.constant 0 : i32
        %dma_wait3A_97 = tpu.memref_slice %arg4[%arg1, %dma_wait3A_95, %dma_wait3A_96] : memref<16x320x64xi32, #tpu.memory_space<hbm>> -> memref<1x320x64xi32, #tpu.memory_space<hbm>>
        %dma_wait3A_98 = tpu.memref_squeeze %dma_wait3A_97 : memref<1x320x64xi32, #tpu.memory_space<hbm>> -> memref<320x64xi32, #tpu.memory_space<hbm>>
        %dma_wait3A_99 = arith.constant 160 : i32
        %dma_wait3A_100 = arith.constant 0 : i32
        %dma_wait3A_101 = tpu.memref_slice %dma_wait3A_98[%dma_wait3A_99, %dma_wait3A_100] : memref<320x64xi32, #tpu.memory_space<hbm>> -> memref<80x64xi32, #tpu.memory_space<hbm>>
        tpu.wait_dma2 semaphore(%run_scoped3A : memref<!tpu.dma_semaphore, #tpu.memory_space<semaphore_mem>>) src(%dma_wait3A_101 : memref<80x64xi32, #tpu.memory_space<hbm>>) dst(%arg8 : memref<80x64xi32, #tpu.memory_space<vmem>>)
        tpu.yield
      }) : () -> ()
      "tpu.region"() ({
        %run_scoped3A = tpu.sem_alloc : memref<!tpu.dma_semaphore, #tpu.memory_space<semaphore_mem>>
        %dma_start3A_75 = arith.constant 0 : i32
        %dma_start3A_76 = arith.constant 0 : i32
        %dma_start3A_77 = tpu.memref_slice %arg5[%arg1, %dma_start3A_75, %dma_start3A_76] : memref<16x320x64xi32, #tpu.memory_space<hbm>> -> memref<1x320x64xi32, #tpu.memory_space<hbm>>
        %dma_start3A_78 = tpu.memref_squeeze %dma_start3A_77 : memref<1x320x64xi32, #tpu.memory_space<hbm>> -> memref<320x64xi32, #tpu.memory_space<hbm>>
        %dma_start3A_79 = arith.constant 160 : i32
        %dma_start3A_80 = arith.constant 0 : i32
        %dma_start3A_81 = tpu.memref_slice %dma_start3A_78[%dma_start3A_79, %dma_start3A_80] : memref<320x64xi32, #tpu.memory_space<hbm>> -> memref<80x64xi32, #tpu.memory_space<hbm>>
        %dma_start3A_82 = arith.constant 0 : i32
        %dma_start3A_83 = arith.constant 0 : i32
        %dma_start3A_84 = tpu.memref_slice %arg5[%arg1, %dma_start3A_82, %dma_start3A_83] : memref<16x320x64xi32, #tpu.memory_space<hbm>> -> memref<1x320x64xi32, #tpu.memory_space<hbm>>
        %dma_start3A_85 = tpu.memref_squeeze %dma_start3A_84 : memref<1x320x64xi32, #tpu.memory_space<hbm>> -> memref<320x64xi32, #tpu.memory_space<hbm>>
        %dma_start3A_86 = arith.constant 160 : i32
        %dma_start3A_87 = arith.constant 0 : i32
        %dma_start3A_88 = tpu.memref_slice %dma_start3A_85[%dma_start3A_86, %dma_start3A_87] : memref<320x64xi32, #tpu.memory_space<hbm>> -> memref<80x64xi32, #tpu.memory_space<hbm>>
        tpu.enqueue_dma source(%dma_start3A_88 : memref<80x64xi32, #tpu.memory_space<hbm>>) target(%arg9 : memref<80x64xi32, #tpu.memory_space<vmem>>) target_semaphore(%run_scoped3A : memref<!tpu.dma_semaphore, #tpu.memory_space<semaphore_mem>>)
        %dma_wait3A = arith.constant 0 : i32
        %dma_wait3A_89 = arith.constant 0 : i32
        %dma_wait3A_90 = tpu.memref_slice %arg5[%arg1, %dma_wait3A, %dma_wait3A_89] : memref<16x320x64xi32, #tpu.memory_space<hbm>> -> memref<1x320x64xi32, #tpu.memory_space<hbm>>
        %dma_wait3A_91 = tpu.memref_squeeze %dma_wait3A_90 : memref<1x320x64xi32, #tpu.memory_space<hbm>> -> memref<320x64xi32, #tpu.memory_space<hbm>>
        %dma_wait3A_92 = arith.constant 160 : i32
        %dma_wait3A_93 = arith.constant 0 : i32
        %dma_wait3A_94 = tpu.memref_slice %dma_wait3A_91[%dma_wait3A_92, %dma_wait3A_93] : memref<320x64xi32, #tpu.memory_space<hbm>> -> memref<80x64xi32, #tpu.memory_space<hbm>>
        %dma_wait3A_95 = arith.constant 0 : i32
        %dma_wait3A_96 = arith.constant 0 : i32
        %dma_wait3A_97 = tpu.memref_slice %arg5[%arg1, %dma_wait3A_95, %dma_wait3A_96] : memref<16x320x64xi32, #tpu.memory_space<hbm>> -> memref<1x320x64xi32, #tpu.memory_space<hbm>>
        %dma_wait3A_98 = tpu.memref_squeeze %dma_wait3A_97 : memref<1x320x64xi32, #tpu.memory_space<hbm>> -> memref<320x64xi32, #tpu.memory_space<hbm>>
        %dma_wait3A_99 = arith.constant 160 : i32
        %dma_wait3A_100 = arith.constant 0 : i32
        %dma_wait3A_101 = tpu.memref_slice %dma_wait3A_98[%dma_wait3A_99, %dma_wait3A_100] : memref<320x64xi32, #tpu.memory_space<hbm>> -> memref<80x64xi32, #tpu.memory_space<hbm>>
        tpu.wait_dma2 semaphore(%run_scoped3A : memref<!tpu.dma_semaphore, #tpu.memory_space<semaphore_mem>>) src(%dma_wait3A_101 : memref<80x64xi32, #tpu.memory_space<hbm>>) dst(%arg9 : memref<80x64xi32, #tpu.memory_space<vmem>>)
        tpu.yield
      }) : () -> ()
      %dma_start3A_51 = arith.constant 0 : i32
      %dma_start3A_52 = arith.constant 0 : i32
      %dma_start3A_53 = tpu.memref_slice %arg8[%dma_start3A_51, %dma_start3A_52] : memref<80x64xi32, #tpu.memory_space<vmem>> -> memref<1x64xi32, #tpu.memory_space<vmem>>
      %dma_start3A_54 = tpu.memref_squeeze %dma_start3A_53 : memref<1x64xi32, #tpu.memory_space<vmem>> -> memref<64xi32, #tpu.memory_space<vmem>>
      %dma_start3A_55 = arith.constant 0 : i32
      %dma_start3A_56 = arith.constant 0 : i32
      %dma_start3A_57 = tpu.memref_slice %arg2[%dma_start3A_55, %dma_start3A_56] : memref<10240x128xf32, #tpu.memory_space<hbm>> -> memref<10240x128xf32, #tpu.memory_space<hbm>>
      tpu.enqueue_indirect_dma source(%dma_start3A_57 : memref<10240x128xf32, #tpu.memory_space<hbm>>) target(%arg10 : memref<64x128xf32, #tpu.memory_space<vmem>>) offsets(%dma_start3A_54 : memref<64xi32, #tpu.memory_space<vmem>>) semaphore(%arg13 : memref<!tpu.dma_semaphore, #tpu.memory_space<semaphore_mem>>)
      %scan3A_58 = arith.constant 0 : i32
      %scan3A_59 = arith.constant 40 : i32
      %scan3A_60 = arith.addi %scan3A_58, %scan3A_59 : i32
      %scan3A_61 = arith.constant 1 : i32
      scf.for %scan3A_75 = %scan3A_58 to %scan3A_60 step %scan3A_61  : i32 {
        %mul3A_76 = arith.constant 1 : i32
        %mul3A_77 = arith.muli %scan3A_75, %mul3A_76 : i32
        %add3A = arith.constant 0 : i32
        %add3A_78 = arith.addi %add3A, %mul3A_77 : i32
        %mul3A_79 = arith.constant 2 : i32
        %mul3A_80 = arith.muli %mul3A_79, %add3A_78 : i32
        %add3A_81 = arith.constant 0 : i32
        %add3A_82 = arith.addi %add3A_81, %mul3A_80 : i32
        %dma_wait3A = arith.constant 0 : i32
        %dma_wait3A_83 = tpu.memref_slice %arg8[%add3A_82, %dma_wait3A] : memref<80x64xi32, #tpu.memory_space<vmem>> -> memref<1x64xi32, #tpu.memory_space<vmem>>
        %dma_wait3A_84 = tpu.memref_squeeze %dma_wait3A_83 : memref<1x64xi32, #tpu.memory_space<vmem>> -> memref<64xi32, #tpu.memory_space<vmem>>
        %dma_wait3A_85 = arith.constant 0 : i32
        %dma_wait3A_86 = arith.constant 0 : i32
        %dma_wait3A_87 = tpu.memref_slice %arg2[%dma_wait3A_85, %dma_wait3A_86] : memref<10240x128xf32, #tpu.memory_space<hbm>> -> memref<10240x128xf32, #tpu.memory_space<hbm>>
        tpu.wait_indirect_dma semaphore(%arg13 : memref<!tpu.dma_semaphore, #tpu.memory_space<semaphore_mem>>) src(%dma_wait3A_87 : memref<10240x128xf32, #tpu.memory_space<hbm>>) dst(%arg10 : memref<64x128xf32, #tpu.memory_space<vmem>>)
        %add3A_88 = arith.constant 1 : i32
        %add3A_89 = arith.addi %add3A_82, %add3A_88 : i32
        %dma_start3A_90 = arith.constant 0 : i32
        %dma_start3A_91 = tpu.memref_slice %arg8[%add3A_89, %dma_start3A_90] : memref<80x64xi32, #tpu.memory_space<vmem>> -> memref<1x64xi32, #tpu.memory_space<vmem>>
        %dma_start3A_92 = tpu.memref_squeeze %dma_start3A_91 : memref<1x64xi32, #tpu.memory_space<vmem>> -> memref<64xi32, #tpu.memory_space<vmem>>
        %dma_start3A_93 = arith.constant 0 : i32
        %dma_start3A_94 = arith.constant 0 : i32
        %dma_start3A_95 = tpu.memref_slice %arg2[%dma_start3A_93, %dma_start3A_94] : memref<10240x128xf32, #tpu.memory_space<hbm>> -> memref<10240x128xf32, #tpu.memory_space<hbm>>
        tpu.enqueue_indirect_dma source(%dma_start3A_95 : memref<10240x128xf32, #tpu.memory_space<hbm>>) target(%arg11 : memref<64x128xf32, #tpu.memory_space<vmem>>) offsets(%dma_start3A_92 : memref<64xi32, #tpu.memory_space<vmem>>) semaphore(%arg14 : memref<!tpu.dma_semaphore, #tpu.memory_space<semaphore_mem>>)
        %add3A_96 = arith.constant 1 : i32
        %add3A_97 = arith.addi %add3A_82, %add3A_96 : i32
        %dma_wait3A_98 = arith.constant 0 : i32
        %dma_wait3A_99 = tpu.memref_slice %arg8[%add3A_97, %dma_wait3A_98] : memref<80x64xi32, #tpu.memory_space<vmem>> -> memref<1x64xi32, #tpu.memory_space<vmem>>
        %dma_wait3A_100 = tpu.memref_squeeze %dma_wait3A_99 : memref<1x64xi32, #tpu.memory_space<vmem>> -> memref<64xi32, #tpu.memory_space<vmem>>
        %dma_wait3A_101 = arith.constant 0 : i32
        %dma_wait3A_102 = arith.constant 0 : i32
        %dma_wait3A_103 = tpu.memref_slice %arg2[%dma_wait3A_101, %dma_wait3A_102] : memref<10240x128xf32, #tpu.memory_space<hbm>> -> memref<10240x128xf32, #tpu.memory_space<hbm>>
        tpu.wait_indirect_dma semaphore(%arg14 : memref<!tpu.dma_semaphore, #tpu.memory_space<semaphore_mem>>) src(%dma_wait3A_103 : memref<10240x128xf32, #tpu.memory_space<hbm>>) dst(%arg11 : memref<64x128xf32, #tpu.memory_space<vmem>>)
        %add3A_104 = arith.constant 2 : i32
        %add3A_105 = arith.addi %add3A_82, %add3A_104 : i32
        %lt3A = arith.constant 80 : i32
        %lt3A_106 = arith.cmpi slt, %add3A_105, %lt3A : i32
        %convert_element_type3A_107 = arith.extui %lt3A_106 : i1 to i32
        %cond3A_108 = arith.constant 0 : i32
        %cond3A_109 = arith.cmpi ne, %convert_element_type3A_107, %cond3A_108 : i32
        scf.if %cond3A_109 {
          %add3A_110 = arith.constant 2 : i32
          %add3A_111 = arith.addi %add3A_82, %add3A_110 : i32
          %dma_start3A_112 = arith.constant 0 : i32
          %dma_start3A_113 = tpu.memref_slice %arg8[%add3A_111, %dma_start3A_112] : memref<80x64xi32, #tpu.memory_space<vmem>> -> memref<1x64xi32, #tpu.memory_space<vmem>>
          %dma_start3A_114 = tpu.memref_squeeze %dma_start3A_113 : memref<1x64xi32, #tpu.memory_space<vmem>> -> memref<64xi32, #tpu.memory_space<vmem>>
          %dma_start3A_115 = arith.constant 0 : i32
          %dma_start3A_116 = arith.constant 0 : i32
          %dma_start3A_117 = tpu.memref_slice %arg2[%dma_start3A_115, %dma_start3A_116] : memref<10240x128xf32, #tpu.memory_space<hbm>> -> memref<10240x128xf32, #tpu.memory_space<hbm>>
          tpu.enqueue_indirect_dma source(%dma_start3A_117 : memref<10240x128xf32, #tpu.memory_space<hbm>>) target(%arg10 : memref<64x128xf32, #tpu.memory_space<vmem>>) offsets(%dma_start3A_114 : memref<64xi32, #tpu.memory_space<vmem>>) semaphore(%arg13 : memref<!tpu.dma_semaphore, #tpu.memory_space<semaphore_mem>>)
        } else {
        }
      }
      %scan3A_62 = arith.constant 40 : i32
      "tpu.region"() ({
        %run_scoped3A = tpu.sem_alloc : memref<!tpu.dma_semaphore, #tpu.memory_space<semaphore_mem>>
        %dma_start3A_75 = arith.constant 0 : i32
        %dma_start3A_76 = arith.constant 0 : i32
        %dma_start3A_77 = tpu.memref_slice %arg4[%arg1, %dma_start3A_75, %dma_start3A_76] : memref<16x320x64xi32, #tpu.memory_space<hbm>> -> memref<1x320x64xi32, #tpu.memory_space<hbm>>
        %dma_start3A_78 = tpu.memref_squeeze %dma_start3A_77 : memref<1x320x64xi32, #tpu.memory_space<hbm>> -> memref<320x64xi32, #tpu.memory_space<hbm>>
        %dma_start3A_79 = arith.constant 240 : i32
        %dma_start3A_80 = arith.constant 0 : i32
        %dma_start3A_81 = tpu.memref_slice %dma_start3A_78[%dma_start3A_79, %dma_start3A_80] : memref<320x64xi32, #tpu.memory_space<hbm>> -> memref<80x64xi32, #tpu.memory_space<hbm>>
        %dma_start3A_82 = arith.constant 0 : i32
        %dma_start3A_83 = arith.constant 0 : i32
        %dma_start3A_84 = tpu.memref_slice %arg4[%arg1, %dma_start3A_82, %dma_start3A_83] : memref<16x320x64xi32, #tpu.memory_space<hbm>> -> memref<1x320x64xi32, #tpu.memory_space<hbm>>
        %dma_start3A_85 = tpu.memref_squeeze %dma_start3A_84 : memref<1x320x64xi32, #tpu.memory_space<hbm>> -> memref<320x64xi32, #tpu.memory_space<hbm>>
        %dma_start3A_86 = arith.constant 240 : i32
        %dma_start3A_87 = arith.constant 0 : i32
        %dma_start3A_88 = tpu.memref_slice %dma_start3A_85[%dma_start3A_86, %dma_start3A_87] : memref<320x64xi32, #tpu.memory_space<hbm>> -> memref<80x64xi32, #tpu.memory_space<hbm>>
        tpu.enqueue_dma source(%dma_start3A_88 : memref<80x64xi32, #tpu.memory_space<hbm>>) target(%arg8 : memref<80x64xi32, #tpu.memory_space<vmem>>) target_semaphore(%run_scoped3A : memref<!tpu.dma_semaphore, #tpu.memory_space<semaphore_mem>>)
        %dma_wait3A = arith.constant 0 : i32
        %dma_wait3A_89 = arith.constant 0 : i32
        %dma_wait3A_90 = tpu.memref_slice %arg4[%arg1, %dma_wait3A, %dma_wait3A_89] : memref<16x320x64xi32, #tpu.memory_space<hbm>> -> memref<1x320x64xi32, #tpu.memory_space<hbm>>
        %dma_wait3A_91 = tpu.memref_squeeze %dma_wait3A_90 : memref<1x320x64xi32, #tpu.memory_space<hbm>> -> memref<320x64xi32, #tpu.memory_space<hbm>>
        %dma_wait3A_92 = arith.constant 240 : i32
        %dma_wait3A_93 = arith.constant 0 : i32
        %dma_wait3A_94 = tpu.memref_slice %dma_wait3A_91[%dma_wait3A_92, %dma_wait3A_93] : memref<320x64xi32, #tpu.memory_space<hbm>> -> memref<80x64xi32, #tpu.memory_space<hbm>>
        %dma_wait3A_95 = arith.constant 0 : i32
        %dma_wait3A_96 = arith.constant 0 : i32
        %dma_wait3A_97 = tpu.memref_slice %arg4[%arg1, %dma_wait3A_95, %dma_wait3A_96] : memref<16x320x64xi32, #tpu.memory_space<hbm>> -> memref<1x320x64xi32, #tpu.memory_space<hbm>>
        %dma_wait3A_98 = tpu.memref_squeeze %dma_wait3A_97 : memref<1x320x64xi32, #tpu.memory_space<hbm>> -> memref<320x64xi32, #tpu.memory_space<hbm>>
        %dma_wait3A_99 = arith.constant 240 : i32
        %dma_wait3A_100 = arith.constant 0 : i32
        %dma_wait3A_101 = tpu.memref_slice %dma_wait3A_98[%dma_wait3A_99, %dma_wait3A_100] : memref<320x64xi32, #tpu.memory_space<hbm>> -> memref<80x64xi32, #tpu.memory_space<hbm>>
        tpu.wait_dma2 semaphore(%run_scoped3A : memref<!tpu.dma_semaphore, #tpu.memory_space<semaphore_mem>>) src(%dma_wait3A_101 : memref<80x64xi32, #tpu.memory_space<hbm>>) dst(%arg8 : memref<80x64xi32, #tpu.memory_space<vmem>>)
        tpu.yield
      }) : () -> ()
      "tpu.region"() ({
        %run_scoped3A = tpu.sem_alloc : memref<!tpu.dma_semaphore, #tpu.memory_space<semaphore_mem>>
        %dma_start3A_75 = arith.constant 0 : i32
        %dma_start3A_76 = arith.constant 0 : i32
        %dma_start3A_77 = tpu.memref_slice %arg5[%arg1, %dma_start3A_75, %dma_start3A_76] : memref<16x320x64xi32, #tpu.memory_space<hbm>> -> memref<1x320x64xi32, #tpu.memory_space<hbm>>
        %dma_start3A_78 = tpu.memref_squeeze %dma_start3A_77 : memref<1x320x64xi32, #tpu.memory_space<hbm>> -> memref<320x64xi32, #tpu.memory_space<hbm>>
        %dma_start3A_79 = arith.constant 240 : i32
        %dma_start3A_80 = arith.constant 0 : i32
        %dma_start3A_81 = tpu.memref_slice %dma_start3A_78[%dma_start3A_79, %dma_start3A_80] : memref<320x64xi32, #tpu.memory_space<hbm>> -> memref<80x64xi32, #tpu.memory_space<hbm>>
        %dma_start3A_82 = arith.constant 0 : i32
        %dma_start3A_83 = arith.constant 0 : i32
        %dma_start3A_84 = tpu.memref_slice %arg5[%arg1, %dma_start3A_82, %dma_start3A_83] : memref<16x320x64xi32, #tpu.memory_space<hbm>> -> memref<1x320x64xi32, #tpu.memory_space<hbm>>
        %dma_start3A_85 = tpu.memref_squeeze %dma_start3A_84 : memref<1x320x64xi32, #tpu.memory_space<hbm>> -> memref<320x64xi32, #tpu.memory_space<hbm>>
        %dma_start3A_86 = arith.constant 240 : i32
        %dma_start3A_87 = arith.constant 0 : i32
        %dma_start3A_88 = tpu.memref_slice %dma_start3A_85[%dma_start3A_86, %dma_start3A_87] : memref<320x64xi32, #tpu.memory_space<hbm>> -> memref<80x64xi32, #tpu.memory_space<hbm>>
        tpu.enqueue_dma source(%dma_start3A_88 : memref<80x64xi32, #tpu.memory_space<hbm>>) target(%arg9 : memref<80x64xi32, #tpu.memory_space<vmem>>) target_semaphore(%run_scoped3A : memref<!tpu.dma_semaphore, #tpu.memory_space<semaphore_mem>>)
        %dma_wait3A = arith.constant 0 : i32
        %dma_wait3A_89 = arith.constant 0 : i32
        %dma_wait3A_90 = tpu.memref_slice %arg5[%arg1, %dma_wait3A, %dma_wait3A_89] : memref<16x320x64xi32, #tpu.memory_space<hbm>> -> memref<1x320x64xi32, #tpu.memory_space<hbm>>
        %dma_wait3A_91 = tpu.memref_squeeze %dma_wait3A_90 : memref<1x320x64xi32, #tpu.memory_space<hbm>> -> memref<320x64xi32, #tpu.memory_space<hbm>>
        %dma_wait3A_92 = arith.constant 240 : i32
        %dma_wait3A_93 = arith.constant 0 : i32
        %dma_wait3A_94 = tpu.memref_slice %dma_wait3A_91[%dma_wait3A_92, %dma_wait3A_93] : memref<320x64xi32, #tpu.memory_space<hbm>> -> memref<80x64xi32, #tpu.memory_space<hbm>>
        %dma_wait3A_95 = arith.constant 0 : i32
        %dma_wait3A_96 = arith.constant 0 : i32
        %dma_wait3A_97 = tpu.memref_slice %arg5[%arg1, %dma_wait3A_95, %dma_wait3A_96] : memref<16x320x64xi32, #tpu.memory_space<hbm>> -> memref<1x320x64xi32, #tpu.memory_space<hbm>>
        %dma_wait3A_98 = tpu.memref_squeeze %dma_wait3A_97 : memref<1x320x64xi32, #tpu.memory_space<hbm>> -> memref<320x64xi32, #tpu.memory_space<hbm>>
        %dma_wait3A_99 = arith.constant 240 : i32
        %dma_wait3A_100 = arith.constant 0 : i32
        %dma_wait3A_101 = tpu.memref_slice %dma_wait3A_98[%dma_wait3A_99, %dma_wait3A_100] : memref<320x64xi32, #tpu.memory_space<hbm>> -> memref<80x64xi32, #tpu.memory_space<hbm>>
        tpu.wait_dma2 semaphore(%run_scoped3A : memref<!tpu.dma_semaphore, #tpu.memory_space<semaphore_mem>>) src(%dma_wait3A_101 : memref<80x64xi32, #tpu.memory_space<hbm>>) dst(%arg9 : memref<80x64xi32, #tpu.memory_space<vmem>>)
        tpu.yield
      }) : () -> ()
      %dma_start3A_63 = arith.constant 0 : i32
      %dma_start3A_64 = arith.constant 0 : i32
      %dma_start3A_65 = tpu.memref_slice %arg8[%dma_start3A_63, %dma_start3A_64] : memref<80x64xi32, #tpu.memory_space<vmem>> -> memref<1x64xi32, #tpu.memory_space<vmem>>
      %dma_start3A_66 = tpu.memref_squeeze %dma_start3A_65 : memref<1x64xi32, #tpu.memory_space<vmem>> -> memref<64xi32, #tpu.memory_space<vmem>>
      %dma_start3A_67 = arith.constant 0 : i32
      %dma_start3A_68 = arith.constant 0 : i32
      %dma_start3A_69 = tpu.memref_slice %arg2[%dma_start3A_67, %dma_start3A_68] : memref<10240x128xf32, #tpu.memory_space<hbm>> -> memref<10240x128xf32, #tpu.memory_space<hbm>>
      tpu.enqueue_indirect_dma source(%dma_start3A_69 : memref<10240x128xf32, #tpu.memory_space<hbm>>) target(%arg10 : memref<64x128xf32, #tpu.memory_space<vmem>>) offsets(%dma_start3A_66 : memref<64xi32, #tpu.memory_space<vmem>>) semaphore(%arg13 : memref<!tpu.dma_semaphore, #tpu.memory_space<semaphore_mem>>)
      %scan3A_70 = arith.constant 0 : i32
      %scan3A_71 = arith.constant 40 : i32
      %scan3A_72 = arith.addi %scan3A_70, %scan3A_71 : i32
      %scan3A_73 = arith.constant 1 : i32
      scf.for %scan3A_75 = %scan3A_70 to %scan3A_72 step %scan3A_73  : i32 {
        %mul3A_76 = arith.constant 1 : i32
        %mul3A_77 = arith.muli %scan3A_75, %mul3A_76 : i32
        %add3A = arith.constant 0 : i32
        %add3A_78 = arith.addi %add3A, %mul3A_77 : i32
        %mul3A_79 = arith.constant 2 : i32
        %mul3A_80 = arith.muli %mul3A_79, %add3A_78 : i32
        %add3A_81 = arith.constant 0 : i32
        %add3A_82 = arith.addi %add3A_81, %mul3A_80 : i32
        %dma_wait3A = arith.constant 0 : i32
        %dma_wait3A_83 = tpu.memref_slice %arg8[%add3A_82, %dma_wait3A] : memref<80x64xi32, #tpu.memory_space<vmem>> -> memref<1x64xi32, #tpu.memory_space<vmem>>
        %dma_wait3A_84 = tpu.memref_squeeze %dma_wait3A_83 : memref<1x64xi32, #tpu.memory_space<vmem>> -> memref<64xi32, #tpu.memory_space<vmem>>
        %dma_wait3A_85 = arith.constant 0 : i32
        %dma_wait3A_86 = arith.constant 0 : i32
        %dma_wait3A_87 = tpu.memref_slice %arg2[%dma_wait3A_85, %dma_wait3A_86] : memref<10240x128xf32, #tpu.memory_space<hbm>> -> memref<10240x128xf32, #tpu.memory_space<hbm>>
        tpu.wait_indirect_dma semaphore(%arg13 : memref<!tpu.dma_semaphore, #tpu.memory_space<semaphore_mem>>) src(%dma_wait3A_87 : memref<10240x128xf32, #tpu.memory_space<hbm>>) dst(%arg10 : memref<64x128xf32, #tpu.memory_space<vmem>>)
        %add3A_88 = arith.constant 1 : i32
        %add3A_89 = arith.addi %add3A_82, %add3A_88 : i32
        %dma_start3A_90 = arith.constant 0 : i32
        %dma_start3A_91 = tpu.memref_slice %arg8[%add3A_89, %dma_start3A_90] : memref<80x64xi32, #tpu.memory_space<vmem>> -> memref<1x64xi32, #tpu.memory_space<vmem>>
        %dma_start3A_92 = tpu.memref_squeeze %dma_start3A_91 : memref<1x64xi32, #tpu.memory_space<vmem>> -> memref<64xi32, #tpu.memory_space<vmem>>
        %dma_start3A_93 = arith.constant 0 : i32
        %dma_start3A_94 = arith.constant 0 : i32
        %dma_start3A_95 = tpu.memref_slice %arg2[%dma_start3A_93, %dma_start3A_94] : memref<10240x128xf32, #tpu.memory_space<hbm>> -> memref<10240x128xf32, #tpu.memory_space<hbm>>
        tpu.enqueue_indirect_dma source(%dma_start3A_95 : memref<10240x128xf32, #tpu.memory_space<hbm>>) target(%arg11 : memref<64x128xf32, #tpu.memory_space<vmem>>) offsets(%dma_start3A_92 : memref<64xi32, #tpu.memory_space<vmem>>) semaphore(%arg14 : memref<!tpu.dma_semaphore, #tpu.memory_space<semaphore_mem>>)
        %add3A_96 = arith.constant 1 : i32
        %add3A_97 = arith.addi %add3A_82, %add3A_96 : i32
        %dma_wait3A_98 = arith.constant 0 : i32
        %dma_wait3A_99 = tpu.memref_slice %arg8[%add3A_97, %dma_wait3A_98] : memref<80x64xi32, #tpu.memory_space<vmem>> -> memref<1x64xi32, #tpu.memory_space<vmem>>
        %dma_wait3A_100 = tpu.memref_squeeze %dma_wait3A_99 : memref<1x64xi32, #tpu.memory_space<vmem>> -> memref<64xi32, #tpu.memory_space<vmem>>
        %dma_wait3A_101 = arith.constant 0 : i32
        %dma_wait3A_102 = arith.constant 0 : i32
        %dma_wait3A_103 = tpu.memref_slice %arg2[%dma_wait3A_101, %dma_wait3A_102] : memref<10240x128xf32, #tpu.memory_space<hbm>> -> memref<10240x128xf32, #tpu.memory_space<hbm>>
        tpu.wait_indirect_dma semaphore(%arg14 : memref<!tpu.dma_semaphore, #tpu.memory_space<semaphore_mem>>) src(%dma_wait3A_103 : memref<10240x128xf32, #tpu.memory_space<hbm>>) dst(%arg11 : memref<64x128xf32, #tpu.memory_space<vmem>>)
        %add3A_104 = arith.constant 2 : i32
        %add3A_105 = arith.addi %add3A_82, %add3A_104 : i32
        %lt3A = arith.constant 80 : i32
        %lt3A_106 = arith.cmpi slt, %add3A_105, %lt3A : i32
        %convert_element_type3A_107 = arith.extui %lt3A_106 : i1 to i32
        %cond3A_108 = arith.constant 0 : i32
        %cond3A_109 = arith.cmpi ne, %convert_element_type3A_107, %cond3A_108 : i32
        scf.if %cond3A_109 {
          %add3A_110 = arith.constant 2 : i32
          %add3A_111 = arith.addi %add3A_82, %add3A_110 : i32
          %dma_start3A_112 = arith.constant 0 : i32
          %dma_start3A_113 = tpu.memref_slice %arg8[%add3A_111, %dma_start3A_112] : memref<80x64xi32, #tpu.memory_space<vmem>> -> memref<1x64xi32, #tpu.memory_space<vmem>>
          %dma_start3A_114 = tpu.memref_squeeze %dma_start3A_113 : memref<1x64xi32, #tpu.memory_space<vmem>> -> memref<64xi32, #tpu.memory_space<vmem>>
          %dma_start3A_115 = arith.constant 0 : i32
          %dma_start3A_116 = arith.constant 0 : i32
          %dma_start3A_117 = tpu.memref_slice %arg2[%dma_start3A_115, %dma_start3A_116] : memref<10240x128xf32, #tpu.memory_space<hbm>> -> memref<10240x128xf32, #tpu.memory_space<hbm>>
          tpu.enqueue_indirect_dma source(%dma_start3A_117 : memref<10240x128xf32, #tpu.memory_space<hbm>>) target(%arg10 : memref<64x128xf32, #tpu.memory_space<vmem>>) offsets(%dma_start3A_114 : memref<64xi32, #tpu.memory_space<vmem>>) semaphore(%arg13 : memref<!tpu.dma_semaphore, #tpu.memory_space<semaphore_mem>>)
        } else {
        }
      }
      %scan3A_74 = arith.constant 40 : i32
    } else {
    }
    %eq3A_13 = arith.constant 1 : i32
    %eq3A_14 = arith.cmpi eq, %arg0, %eq3A_13 : i32
    %convert_element_type3A_15 = arith.extui %eq3A_14 : i1 to i32
    %cond3A_16 = arith.constant 0 : i32
    %cond3A_17 = arith.cmpi ne, %convert_element_type3A_15, %cond3A_16 : i32
    scf.if %cond3A_17 {
      "tpu.region"() ({
        %run_scoped3A = tpu.sem_alloc : memref<!tpu.dma_semaphore, #tpu.memory_space<semaphore_mem>>
        %dma_start3A_75 = arith.constant 0 : i32
        %dma_start3A_76 = arith.constant 0 : i32
        %dma_start3A_77 = tpu.memref_slice %arg4[%arg1, %dma_start3A_75, %dma_start3A_76] : memref<16x320x64xi32, #tpu.memory_space<hbm>> -> memref<1x320x64xi32, #tpu.memory_space<hbm>>
        %dma_start3A_78 = tpu.memref_squeeze %dma_start3A_77 : memref<1x320x64xi32, #tpu.memory_space<hbm>> -> memref<320x64xi32, #tpu.memory_space<hbm>>
        %dma_start3A_79 = arith.constant 0 : i32
        %dma_start3A_80 = arith.constant 0 : i32
        %dma_start3A_81 = tpu.memref_slice %dma_start3A_78[%dma_start3A_79, %dma_start3A_80] : memref<320x64xi32, #tpu.memory_space<hbm>> -> memref<80x64xi32, #tpu.memory_space<hbm>>
        %dma_start3A_82 = arith.constant 0 : i32
        %dma_start3A_83 = arith.constant 0 : i32
        %dma_start3A_84 = tpu.memref_slice %arg4[%arg1, %dma_start3A_82, %dma_start3A_83] : memref<16x320x64xi32, #tpu.memory_space<hbm>> -> memref<1x320x64xi32, #tpu.memory_space<hbm>>
        %dma_start3A_85 = tpu.memref_squeeze %dma_start3A_84 : memref<1x320x64xi32, #tpu.memory_space<hbm>> -> memref<320x64xi32, #tpu.memory_space<hbm>>
        %dma_start3A_86 = arith.constant 0 : i32
        %dma_start3A_87 = arith.constant 0 : i32
        %dma_start3A_88 = tpu.memref_slice %dma_start3A_85[%dma_start3A_86, %dma_start3A_87] : memref<320x64xi32, #tpu.memory_space<hbm>> -> memref<80x64xi32, #tpu.memory_space<hbm>>
        tpu.enqueue_dma source(%dma_start3A_88 : memref<80x64xi32, #tpu.memory_space<hbm>>) target(%arg8 : memref<80x64xi32, #tpu.memory_space<vmem>>) target_semaphore(%run_scoped3A : memref<!tpu.dma_semaphore, #tpu.memory_space<semaphore_mem>>)
        %dma_wait3A = arith.constant 0 : i32
        %dma_wait3A_89 = arith.constant 0 : i32
        %dma_wait3A_90 = tpu.memref_slice %arg4[%arg1, %dma_wait3A, %dma_wait3A_89] : memref<16x320x64xi32, #tpu.memory_space<hbm>> -> memref<1x320x64xi32, #tpu.memory_space<hbm>>
        %dma_wait3A_91 = tpu.memref_squeeze %dma_wait3A_90 : memref<1x320x64xi32, #tpu.memory_space<hbm>> -> memref<320x64xi32, #tpu.memory_space<hbm>>
        %dma_wait3A_92 = arith.constant 0 : i32
        %dma_wait3A_93 = arith.constant 0 : i32
        %dma_wait3A_94 = tpu.memref_slice %dma_wait3A_91[%dma_wait3A_92, %dma_wait3A_93] : memref<320x64xi32, #tpu.memory_space<hbm>> -> memref<80x64xi32, #tpu.memory_space<hbm>>
        %dma_wait3A_95 = arith.constant 0 : i32
        %dma_wait3A_96 = arith.constant 0 : i32
        %dma_wait3A_97 = tpu.memref_slice %arg4[%arg1, %dma_wait3A_95, %dma_wait3A_96] : memref<16x320x64xi32, #tpu.memory_space<hbm>> -> memref<1x320x64xi32, #tpu.memory_space<hbm>>
        %dma_wait3A_98 = tpu.memref_squeeze %dma_wait3A_97 : memref<1x320x64xi32, #tpu.memory_space<hbm>> -> memref<320x64xi32, #tpu.memory_space<hbm>>
        %dma_wait3A_99 = arith.constant 0 : i32
        %dma_wait3A_100 = arith.constant 0 : i32
        %dma_wait3A_101 = tpu.memref_slice %dma_wait3A_98[%dma_wait3A_99, %dma_wait3A_100] : memref<320x64xi32, #tpu.memory_space<hbm>> -> memref<80x64xi32, #tpu.memory_space<hbm>>
        tpu.wait_dma2 semaphore(%run_scoped3A : memref<!tpu.dma_semaphore, #tpu.memory_space<semaphore_mem>>) src(%dma_wait3A_101 : memref<80x64xi32, #tpu.memory_space<hbm>>) dst(%arg8 : memref<80x64xi32, #tpu.memory_space<vmem>>)
        tpu.yield
      }) : () -> ()
      "tpu.region"() ({
        %run_scoped3A = tpu.sem_alloc : memref<!tpu.dma_semaphore, #tpu.memory_space<semaphore_mem>>
        %dma_start3A_75 = arith.constant 0 : i32
        %dma_start3A_76 = arith.constant 0 : i32
        %dma_start3A_77 = tpu.memref_slice %arg5[%arg1, %dma_start3A_75, %dma_start3A_76] : memref<16x320x64xi32, #tpu.memory_space<hbm>> -> memref<1x320x64xi32, #tpu.memory_space<hbm>>
        %dma_start3A_78 = tpu.memref_squeeze %dma_start3A_77 : memref<1x320x64xi32, #tpu.memory_space<hbm>> -> memref<320x64xi32, #tpu.memory_space<hbm>>
        %dma_start3A_79 = arith.constant 0 : i32
        %dma_start3A_80 = arith.constant 0 : i32
        %dma_start3A_81 = tpu.memref_slice %dma_start3A_78[%dma_start3A_79, %dma_start3A_80] : memref<320x64xi32, #tpu.memory_space<hbm>> -> memref<80x64xi32, #tpu.memory_space<hbm>>
        %dma_start3A_82 = arith.constant 0 : i32
        %dma_start3A_83 = arith.constant 0 : i32
        %dma_start3A_84 = tpu.memref_slice %arg5[%arg1, %dma_start3A_82, %dma_start3A_83] : memref<16x320x64xi32, #tpu.memory_space<hbm>> -> memref<1x320x64xi32, #tpu.memory_space<hbm>>
        %dma_start3A_85 = tpu.memref_squeeze %dma_start3A_84 : memref<1x320x64xi32, #tpu.memory_space<hbm>> -> memref<320x64xi32, #tpu.memory_space<hbm>>
        %dma_start3A_86 = arith.constant 0 : i32
        %dma_start3A_87 = arith.constant 0 : i32
        %dma_start3A_88 = tpu.memref_slice %dma_start3A_85[%dma_start3A_86, %dma_start3A_87] : memref<320x64xi32, #tpu.memory_space<hbm>> -> memref<80x64xi32, #tpu.memory_space<hbm>>
        tpu.enqueue_dma source(%dma_start3A_88 : memref<80x64xi32, #tpu.memory_space<hbm>>) target(%arg9 : memref<80x64xi32, #tpu.memory_space<vmem>>) target_semaphore(%run_scoped3A : memref<!tpu.dma_semaphore, #tpu.memory_space<semaphore_mem>>)
        %dma_wait3A = arith.constant 0 : i32
        %dma_wait3A_89 = arith.constant 0 : i32
        %dma_wait3A_90 = tpu.memref_slice %arg5[%arg1, %dma_wait3A, %dma_wait3A_89] : memref<16x320x64xi32, #tpu.memory_space<hbm>> -> memref<1x320x64xi32, #tpu.memory_space<hbm>>
        %dma_wait3A_91 = tpu.memref_squeeze %dma_wait3A_90 : memref<1x320x64xi32, #tpu.memory_space<hbm>> -> memref<320x64xi32, #tpu.memory_space<hbm>>
        %dma_wait3A_92 = arith.constant 0 : i32
        %dma_wait3A_93 = arith.constant 0 : i32
        %dma_wait3A_94 = tpu.memref_slice %dma_wait3A_91[%dma_wait3A_92, %dma_wait3A_93] : memref<320x64xi32, #tpu.memory_space<hbm>> -> memref<80x64xi32, #tpu.memory_space<hbm>>
        %dma_wait3A_95 = arith.constant 0 : i32
        %dma_wait3A_96 = arith.constant 0 : i32
        %dma_wait3A_97 = tpu.memref_slice %arg5[%arg1, %dma_wait3A_95, %dma_wait3A_96] : memref<16x320x64xi32, #tpu.memory_space<hbm>> -> memref<1x320x64xi32, #tpu.memory_space<hbm>>
        %dma_wait3A_98 = tpu.memref_squeeze %dma_wait3A_97 : memref<1x320x64xi32, #tpu.memory_space<hbm>> -> memref<320x64xi32, #tpu.memory_space<hbm>>
        %dma_wait3A_99 = arith.constant 0 : i32
        %dma_wait3A_100 = arith.constant 0 : i32
        %dma_wait3A_101 = tpu.memref_slice %dma_wait3A_98[%dma_wait3A_99, %dma_wait3A_100] : memref<320x64xi32, #tpu.memory_space<hbm>> -> memref<80x64xi32, #tpu.memory_space<hbm>>
        tpu.wait_dma2 semaphore(%run_scoped3A : memref<!tpu.dma_semaphore, #tpu.memory_space<semaphore_mem>>) src(%dma_wait3A_101 : memref<80x64xi32, #tpu.memory_space<hbm>>) dst(%arg9 : memref<80x64xi32, #tpu.memory_space<vmem>>)
        tpu.yield
      }) : () -> ()
      %dma_start3A = arith.constant 0 : i32
      %dma_start3A_29 = arith.constant 0 : i32
      %dma_start3A_30 = tpu.memref_slice %arg8[%dma_start3A, %dma_start3A_29] : memref<80x64xi32, #tpu.memory_space<vmem>> -> memref<1x64xi32, #tpu.memory_space<vmem>>
      %dma_start3A_31 = tpu.memref_squeeze %dma_start3A_30 : memref<1x64xi32, #tpu.memory_space<vmem>> -> memref<64xi32, #tpu.memory_space<vmem>>
      %dma_start3A_32 = arith.constant 0 : i32
      %dma_start3A_33 = arith.constant 0 : i32
      %dma_start3A_34 = tpu.memref_slice %arg3[%dma_start3A_32, %dma_start3A_33] : memref<10240x128xf32, #tpu.memory_space<hbm>> -> memref<10240x128xf32, #tpu.memory_space<hbm>>
      tpu.enqueue_indirect_dma source(%dma_start3A_34 : memref<10240x128xf32, #tpu.memory_space<hbm>>) target(%arg10 : memref<64x128xf32, #tpu.memory_space<vmem>>) offsets(%dma_start3A_31 : memref<64xi32, #tpu.memory_space<vmem>>) semaphore(%arg13 : memref<!tpu.dma_semaphore, #tpu.memory_space<semaphore_mem>>)
      %scan3A = arith.constant 0 : i32
      %scan3A_35 = arith.constant 40 : i32
      %scan3A_36 = arith.addi %scan3A, %scan3A_35 : i32
      %scan3A_37 = arith.constant 1 : i32
      scf.for %scan3A_75 = %scan3A to %scan3A_36 step %scan3A_37  : i32 {
        %mul3A_76 = arith.constant 1 : i32
        %mul3A_77 = arith.muli %scan3A_75, %mul3A_76 : i32
        %add3A = arith.constant 0 : i32
        %add3A_78 = arith.addi %add3A, %mul3A_77 : i32
        %mul3A_79 = arith.constant 2 : i32
        %mul3A_80 = arith.muli %mul3A_79, %add3A_78 : i32
        %add3A_81 = arith.constant 0 : i32
        %add3A_82 = arith.addi %add3A_81, %mul3A_80 : i32
        %dma_wait3A = arith.constant 0 : i32
        %dma_wait3A_83 = tpu.memref_slice %arg8[%add3A_82, %dma_wait3A] : memref<80x64xi32, #tpu.memory_space<vmem>> -> memref<1x64xi32, #tpu.memory_space<vmem>>
        %dma_wait3A_84 = tpu.memref_squeeze %dma_wait3A_83 : memref<1x64xi32, #tpu.memory_space<vmem>> -> memref<64xi32, #tpu.memory_space<vmem>>
        %dma_wait3A_85 = arith.constant 0 : i32
        %dma_wait3A_86 = arith.constant 0 : i32
        %dma_wait3A_87 = tpu.memref_slice %arg3[%dma_wait3A_85, %dma_wait3A_86] : memref<10240x128xf32, #tpu.memory_space<hbm>> -> memref<10240x128xf32, #tpu.memory_space<hbm>>
        tpu.wait_indirect_dma semaphore(%arg13 : memref<!tpu.dma_semaphore, #tpu.memory_space<semaphore_mem>>) src(%dma_wait3A_87 : memref<10240x128xf32, #tpu.memory_space<hbm>>) dst(%arg10 : memref<64x128xf32, #tpu.memory_space<vmem>>)
        %add3A_88 = arith.constant 1 : i32
        %add3A_89 = arith.addi %add3A_82, %add3A_88 : i32
        %dma_start3A_90 = arith.constant 0 : i32
        %dma_start3A_91 = tpu.memref_slice %arg8[%add3A_89, %dma_start3A_90] : memref<80x64xi32, #tpu.memory_space<vmem>> -> memref<1x64xi32, #tpu.memory_space<vmem>>
        %dma_start3A_92 = tpu.memref_squeeze %dma_start3A_91 : memref<1x64xi32, #tpu.memory_space<vmem>> -> memref<64xi32, #tpu.memory_space<vmem>>
        %dma_start3A_93 = arith.constant 0 : i32
        %dma_start3A_94 = arith.constant 0 : i32
        %dma_start3A_95 = tpu.memref_slice %arg3[%dma_start3A_93, %dma_start3A_94] : memref<10240x128xf32, #tpu.memory_space<hbm>> -> memref<10240x128xf32, #tpu.memory_space<hbm>>
        tpu.enqueue_indirect_dma source(%dma_start3A_95 : memref<10240x128xf32, #tpu.memory_space<hbm>>) target(%arg11 : memref<64x128xf32, #tpu.memory_space<vmem>>) offsets(%dma_start3A_92 : memref<64xi32, #tpu.memory_space<vmem>>) semaphore(%arg14 : memref<!tpu.dma_semaphore, #tpu.memory_space<semaphore_mem>>)
        %add3A_96 = arith.constant 1 : i32
        %add3A_97 = arith.addi %add3A_82, %add3A_96 : i32
        %dma_wait3A_98 = arith.constant 0 : i32
        %dma_wait3A_99 = tpu.memref_slice %arg8[%add3A_97, %dma_wait3A_98] : memref<80x64xi32, #tpu.memory_space<vmem>> -> memref<1x64xi32, #tpu.memory_space<vmem>>
        %dma_wait3A_100 = tpu.memref_squeeze %dma_wait3A_99 : memref<1x64xi32, #tpu.memory_space<vmem>> -> memref<64xi32, #tpu.memory_space<vmem>>
        %dma_wait3A_101 = arith.constant 0 : i32
        %dma_wait3A_102 = arith.constant 0 : i32
        %dma_wait3A_103 = tpu.memref_slice %arg3[%dma_wait3A_101, %dma_wait3A_102] : memref<10240x128xf32, #tpu.memory_space<hbm>> -> memref<10240x128xf32, #tpu.memory_space<hbm>>
        tpu.wait_indirect_dma semaphore(%arg14 : memref<!tpu.dma_semaphore, #tpu.memory_space<semaphore_mem>>) src(%dma_wait3A_103 : memref<10240x128xf32, #tpu.memory_space<hbm>>) dst(%arg11 : memref<64x128xf32, #tpu.memory_space<vmem>>)
        %add3A_104 = arith.constant 2 : i32
        %add3A_105 = arith.addi %add3A_82, %add3A_104 : i32
        %lt3A = arith.constant 80 : i32
        %lt3A_106 = arith.cmpi slt, %add3A_105, %lt3A : i32
        %convert_element_type3A_107 = arith.extui %lt3A_106 : i1 to i32
        %cond3A_108 = arith.constant 0 : i32
        %cond3A_109 = arith.cmpi ne, %convert_element_type3A_107, %cond3A_108 : i32
        scf.if %cond3A_109 {
          %add3A_110 = arith.constant 2 : i32
          %add3A_111 = arith.addi %add3A_82, %add3A_110 : i32
          %dma_start3A_112 = arith.constant 0 : i32
          %dma_start3A_113 = tpu.memref_slice %arg8[%add3A_111, %dma_start3A_112] : memref<80x64xi32, #tpu.memory_space<vmem>> -> memref<1x64xi32, #tpu.memory_space<vmem>>
          %dma_start3A_114 = tpu.memref_squeeze %dma_start3A_113 : memref<1x64xi32, #tpu.memory_space<vmem>> -> memref<64xi32, #tpu.memory_space<vmem>>
          %dma_start3A_115 = arith.constant 0 : i32
          %dma_start3A_116 = arith.constant 0 : i32
          %dma_start3A_117 = tpu.memref_slice %arg3[%dma_start3A_115, %dma_start3A_116] : memref<10240x128xf32, #tpu.memory_space<hbm>> -> memref<10240x128xf32, #tpu.memory_space<hbm>>
          tpu.enqueue_indirect_dma source(%dma_start3A_117 : memref<10240x128xf32, #tpu.memory_space<hbm>>) target(%arg10 : memref<64x128xf32, #tpu.memory_space<vmem>>) offsets(%dma_start3A_114 : memref<64xi32, #tpu.memory_space<vmem>>) semaphore(%arg13 : memref<!tpu.dma_semaphore, #tpu.memory_space<semaphore_mem>>)
        } else {
        }
      }
      %scan3A_38 = arith.constant 40 : i32
      "tpu.region"() ({
        %run_scoped3A = tpu.sem_alloc : memref<!tpu.dma_semaphore, #tpu.memory_space<semaphore_mem>>
        %dma_start3A_75 = arith.constant 0 : i32
        %dma_start3A_76 = arith.constant 0 : i32
        %dma_start3A_77 = tpu.memref_slice %arg4[%arg1, %dma_start3A_75, %dma_start3A_76] : memref<16x320x64xi32, #tpu.memory_space<hbm>> -> memref<1x320x64xi32, #tpu.memory_space<hbm>>
        %dma_start3A_78 = tpu.memref_squeeze %dma_start3A_77 : memref<1x320x64xi32, #tpu.memory_space<hbm>> -> memref<320x64xi32, #tpu.memory_space<hbm>>
        %dma_start3A_79 = arith.constant 80 : i32
        %dma_start3A_80 = arith.constant 0 : i32
        %dma_start3A_81 = tpu.memref_slice %dma_start3A_78[%dma_start3A_79, %dma_start3A_80] : memref<320x64xi32, #tpu.memory_space<hbm>> -> memref<80x64xi32, #tpu.memory_space<hbm>>
        %dma_start3A_82 = arith.constant 0 : i32
        %dma_start3A_83 = arith.constant 0 : i32
        %dma_start3A_84 = tpu.memref_slice %arg4[%arg1, %dma_start3A_82, %dma_start3A_83] : memref<16x320x64xi32, #tpu.memory_space<hbm>> -> memref<1x320x64xi32, #tpu.memory_space<hbm>>
        %dma_start3A_85 = tpu.memref_squeeze %dma_start3A_84 : memref<1x320x64xi32, #tpu.memory_space<hbm>> -> memref<320x64xi32, #tpu.memory_space<hbm>>
        %dma_start3A_86 = arith.constant 80 : i32
        %dma_start3A_87 = arith.constant 0 : i32
        %dma_start3A_88 = tpu.memref_slice %dma_start3A_85[%dma_start3A_86, %dma_start3A_87] : memref<320x64xi32, #tpu.memory_space<hbm>> -> memref<80x64xi32, #tpu.memory_space<hbm>>
        tpu.enqueue_dma source(%dma_start3A_88 : memref<80x64xi32, #tpu.memory_space<hbm>>) target(%arg8 : memref<80x64xi32, #tpu.memory_space<vmem>>) target_semaphore(%run_scoped3A : memref<!tpu.dma_semaphore, #tpu.memory_space<semaphore_mem>>)
        %dma_wait3A = arith.constant 0 : i32
        %dma_wait3A_89 = arith.constant 0 : i32
        %dma_wait3A_90 = tpu.memref_slice %arg4[%arg1, %dma_wait3A, %dma_wait3A_89] : memref<16x320x64xi32, #tpu.memory_space<hbm>> -> memref<1x320x64xi32, #tpu.memory_space<hbm>>
        %dma_wait3A_91 = tpu.memref_squeeze %dma_wait3A_90 : memref<1x320x64xi32, #tpu.memory_space<hbm>> -> memref<320x64xi32, #tpu.memory_space<hbm>>
        %dma_wait3A_92 = arith.constant 80 : i32
        %dma_wait3A_93 = arith.constant 0 : i32
        %dma_wait3A_94 = tpu.memref_slice %dma_wait3A_91[%dma_wait3A_92, %dma_wait3A_93] : memref<320x64xi32, #tpu.memory_space<hbm>> -> memref<80x64xi32, #tpu.memory_space<hbm>>
        %dma_wait3A_95 = arith.constant 0 : i32
        %dma_wait3A_96 = arith.constant 0 : i32
        %dma_wait3A_97 = tpu.memref_slice %arg4[%arg1, %dma_wait3A_95, %dma_wait3A_96] : memref<16x320x64xi32, #tpu.memory_space<hbm>> -> memref<1x320x64xi32, #tpu.memory_space<hbm>>
        %dma_wait3A_98 = tpu.memref_squeeze %dma_wait3A_97 : memref<1x320x64xi32, #tpu.memory_space<hbm>> -> memref<320x64xi32, #tpu.memory_space<hbm>>
        %dma_wait3A_99 = arith.constant 80 : i32
        %dma_wait3A_100 = arith.constant 0 : i32
        %dma_wait3A_101 = tpu.memref_slice %dma_wait3A_98[%dma_wait3A_99, %dma_wait3A_100] : memref<320x64xi32, #tpu.memory_space<hbm>> -> memref<80x64xi32, #tpu.memory_space<hbm>>
        tpu.wait_dma2 semaphore(%run_scoped3A : memref<!tpu.dma_semaphore, #tpu.memory_space<semaphore_mem>>) src(%dma_wait3A_101 : memref<80x64xi32, #tpu.memory_space<hbm>>) dst(%arg8 : memref<80x64xi32, #tpu.memory_space<vmem>>)
        tpu.yield
      }) : () -> ()
      "tpu.region"() ({
        %run_scoped3A = tpu.sem_alloc : memref<!tpu.dma_semaphore, #tpu.memory_space<semaphore_mem>>
        %dma_start3A_75 = arith.constant 0 : i32
        %dma_start3A_76 = arith.constant 0 : i32
        %dma_start3A_77 = tpu.memref_slice %arg5[%arg1, %dma_start3A_75, %dma_start3A_76] : memref<16x320x64xi32, #tpu.memory_space<hbm>> -> memref<1x320x64xi32, #tpu.memory_space<hbm>>
        %dma_start3A_78 = tpu.memref_squeeze %dma_start3A_77 : memref<1x320x64xi32, #tpu.memory_space<hbm>> -> memref<320x64xi32, #tpu.memory_space<hbm>>
        %dma_start3A_79 = arith.constant 80 : i32
        %dma_start3A_80 = arith.constant 0 : i32
        %dma_start3A_81 = tpu.memref_slice %dma_start3A_78[%dma_start3A_79, %dma_start3A_80] : memref<320x64xi32, #tpu.memory_space<hbm>> -> memref<80x64xi32, #tpu.memory_space<hbm>>
        %dma_start3A_82 = arith.constant 0 : i32
        %dma_start3A_83 = arith.constant 0 : i32
        %dma_start3A_84 = tpu.memref_slice %arg5[%arg1, %dma_start3A_82, %dma_start3A_83] : memref<16x320x64xi32, #tpu.memory_space<hbm>> -> memref<1x320x64xi32, #tpu.memory_space<hbm>>
        %dma_start3A_85 = tpu.memref_squeeze %dma_start3A_84 : memref<1x320x64xi32, #tpu.memory_space<hbm>> -> memref<320x64xi32, #tpu.memory_space<hbm>>
        %dma_start3A_86 = arith.constant 80 : i32
        %dma_start3A_87 = arith.constant 0 : i32
        %dma_start3A_88 = tpu.memref_slice %dma_start3A_85[%dma_start3A_86, %dma_start3A_87] : memref<320x64xi32, #tpu.memory_space<hbm>> -> memref<80x64xi32, #tpu.memory_space<hbm>>
        tpu.enqueue_dma source(%dma_start3A_88 : memref<80x64xi32, #tpu.memory_space<hbm>>) target(%arg9 : memref<80x64xi32, #tpu.memory_space<vmem>>) target_semaphore(%run_scoped3A : memref<!tpu.dma_semaphore, #tpu.memory_space<semaphore_mem>>)
        %dma_wait3A = arith.constant 0 : i32
        %dma_wait3A_89 = arith.constant 0 : i32
        %dma_wait3A_90 = tpu.memref_slice %arg5[%arg1, %dma_wait3A, %dma_wait3A_89] : memref<16x320x64xi32, #tpu.memory_space<hbm>> -> memref<1x320x64xi32, #tpu.memory_space<hbm>>
        %dma_wait3A_91 = tpu.memref_squeeze %dma_wait3A_90 : memref<1x320x64xi32, #tpu.memory_space<hbm>> -> memref<320x64xi32, #tpu.memory_space<hbm>>
        %dma_wait3A_92 = arith.constant 80 : i32
        %dma_wait3A_93 = arith.constant 0 : i32
        %dma_wait3A_94 = tpu.memref_slice %dma_wait3A_91[%dma_wait3A_92, %dma_wait3A_93] : memref<320x64xi32, #tpu.memory_space<hbm>> -> memref<80x64xi32, #tpu.memory_space<hbm>>
        %dma_wait3A_95 = arith.constant 0 : i32
        %dma_wait3A_96 = arith.constant 0 : i32
        %dma_wait3A_97 = tpu.memref_slice %arg5[%arg1, %dma_wait3A_95, %dma_wait3A_96] : memref<16x320x64xi32, #tpu.memory_space<hbm>> -> memref<1x320x64xi32, #tpu.memory_space<hbm>>
        %dma_wait3A_98 = tpu.memref_squeeze %dma_wait3A_97 : memref<1x320x64xi32, #tpu.memory_space<hbm>> -> memref<320x64xi32, #tpu.memory_space<hbm>>
        %dma_wait3A_99 = arith.constant 80 : i32
        %dma_wait3A_100 = arith.constant 0 : i32
        %dma_wait3A_101 = tpu.memref_slice %dma_wait3A_98[%dma_wait3A_99, %dma_wait3A_100] : memref<320x64xi32, #tpu.memory_space<hbm>> -> memref<80x64xi32, #tpu.memory_space<hbm>>
        tpu.wait_dma2 semaphore(%run_scoped3A : memref<!tpu.dma_semaphore, #tpu.memory_space<semaphore_mem>>) src(%dma_wait3A_101 : memref<80x64xi32, #tpu.memory_space<hbm>>) dst(%arg9 : memref<80x64xi32, #tpu.memory_space<vmem>>)
        tpu.yield
      }) : () -> ()
      %dma_start3A_39 = arith.constant 0 : i32
      %dma_start3A_40 = arith.constant 0 : i32
      %dma_start3A_41 = tpu.memref_slice %arg8[%dma_start3A_39, %dma_start3A_40] : memref<80x64xi32, #tpu.memory_space<vmem>> -> memref<1x64xi32, #tpu.memory_space<vmem>>
      %dma_start3A_42 = tpu.memref_squeeze %dma_start3A_41 : memref<1x64xi32, #tpu.memory_space<vmem>> -> memref<64xi32, #tpu.memory_space<vmem>>
      %dma_start3A_43 = arith.constant 0 : i32
      %dma_start3A_44 = arith.constant 0 : i32
      %dma_start3A_45 = tpu.memref_slice %arg3[%dma_start3A_43, %dma_start3A_44] : memref<10240x128xf32, #tpu.memory_space<hbm>> -> memref<10240x128xf32, #tpu.memory_space<hbm>>
      tpu.enqueue_indirect_dma source(%dma_start3A_45 : memref<10240x128xf32, #tpu.memory_space<hbm>>) target(%arg10 : memref<64x128xf32, #tpu.memory_space<vmem>>) offsets(%dma_start3A_42 : memref<64xi32, #tpu.memory_space<vmem>>) semaphore(%arg13 : memref<!tpu.dma_semaphore, #tpu.memory_space<semaphore_mem>>)
      %scan3A_46 = arith.constant 0 : i32
      %scan3A_47 = arith.constant 40 : i32
      %scan3A_48 = arith.addi %scan3A_46, %scan3A_47 : i32
      %scan3A_49 = arith.constant 1 : i32
      scf.for %scan3A_75 = %scan3A_46 to %scan3A_48 step %scan3A_49  : i32 {
        %mul3A_76 = arith.constant 1 : i32
        %mul3A_77 = arith.muli %scan3A_75, %mul3A_76 : i32
        %add3A = arith.constant 0 : i32
        %add3A_78 = arith.addi %add3A, %mul3A_77 : i32
        %mul3A_79 = arith.constant 2 : i32
        %mul3A_80 = arith.muli %mul3A_79, %add3A_78 : i32
        %add3A_81 = arith.constant 0 : i32
        %add3A_82 = arith.addi %add3A_81, %mul3A_80 : i32
        %dma_wait3A = arith.constant 0 : i32
        %dma_wait3A_83 = tpu.memref_slice %arg8[%add3A_82, %dma_wait3A] : memref<80x64xi32, #tpu.memory_space<vmem>> -> memref<1x64xi32, #tpu.memory_space<vmem>>
        %dma_wait3A_84 = tpu.memref_squeeze %dma_wait3A_83 : memref<1x64xi32, #tpu.memory_space<vmem>> -> memref<64xi32, #tpu.memory_space<vmem>>
        %dma_wait3A_85 = arith.constant 0 : i32
        %dma_wait3A_86 = arith.constant 0 : i32
        %dma_wait3A_87 = tpu.memref_slice %arg3[%dma_wait3A_85, %dma_wait3A_86] : memref<10240x128xf32, #tpu.memory_space<hbm>> -> memref<10240x128xf32, #tpu.memory_space<hbm>>
        tpu.wait_indirect_dma semaphore(%arg13 : memref<!tpu.dma_semaphore, #tpu.memory_space<semaphore_mem>>) src(%dma_wait3A_87 : memref<10240x128xf32, #tpu.memory_space<hbm>>) dst(%arg10 : memref<64x128xf32, #tpu.memory_space<vmem>>)
        %add3A_88 = arith.constant 1 : i32
        %add3A_89 = arith.addi %add3A_82, %add3A_88 : i32
        %dma_start3A_90 = arith.constant 0 : i32
        %dma_start3A_91 = tpu.memref_slice %arg8[%add3A_89, %dma_start3A_90] : memref<80x64xi32, #tpu.memory_space<vmem>> -> memref<1x64xi32, #tpu.memory_space<vmem>>
        %dma_start3A_92 = tpu.memref_squeeze %dma_start3A_91 : memref<1x64xi32, #tpu.memory_space<vmem>> -> memref<64xi32, #tpu.memory_space<vmem>>
        %dma_start3A_93 = arith.constant 0 : i32
        %dma_start3A_94 = arith.constant 0 : i32
        %dma_start3A_95 = tpu.memref_slice %arg3[%dma_start3A_93, %dma_start3A_94] : memref<10240x128xf32, #tpu.memory_space<hbm>> -> memref<10240x128xf32, #tpu.memory_space<hbm>>
        tpu.enqueue_indirect_dma source(%dma_start3A_95 : memref<10240x128xf32, #tpu.memory_space<hbm>>) target(%arg11 : memref<64x128xf32, #tpu.memory_space<vmem>>) offsets(%dma_start3A_92 : memref<64xi32, #tpu.memory_space<vmem>>) semaphore(%arg14 : memref<!tpu.dma_semaphore, #tpu.memory_space<semaphore_mem>>)
        %add3A_96 = arith.constant 1 : i32
        %add3A_97 = arith.addi %add3A_82, %add3A_96 : i32
        %dma_wait3A_98 = arith.constant 0 : i32
        %dma_wait3A_99 = tpu.memref_slice %arg8[%add3A_97, %dma_wait3A_98] : memref<80x64xi32, #tpu.memory_space<vmem>> -> memref<1x64xi32, #tpu.memory_space<vmem>>
        %dma_wait3A_100 = tpu.memref_squeeze %dma_wait3A_99 : memref<1x64xi32, #tpu.memory_space<vmem>> -> memref<64xi32, #tpu.memory_space<vmem>>
        %dma_wait3A_101 = arith.constant 0 : i32
        %dma_wait3A_102 = arith.constant 0 : i32
        %dma_wait3A_103 = tpu.memref_slice %arg3[%dma_wait3A_101, %dma_wait3A_102] : memref<10240x128xf32, #tpu.memory_space<hbm>> -> memref<10240x128xf32, #tpu.memory_space<hbm>>
        tpu.wait_indirect_dma semaphore(%arg14 : memref<!tpu.dma_semaphore, #tpu.memory_space<semaphore_mem>>) src(%dma_wait3A_103 : memref<10240x128xf32, #tpu.memory_space<hbm>>) dst(%arg11 : memref<64x128xf32, #tpu.memory_space<vmem>>)
        %add3A_104 = arith.constant 2 : i32
        %add3A_105 = arith.addi %add3A_82, %add3A_104 : i32
        %lt3A = arith.constant 80 : i32
        %lt3A_106 = arith.cmpi slt, %add3A_105, %lt3A : i32
        %convert_element_type3A_107 = arith.extui %lt3A_106 : i1 to i32
        %cond3A_108 = arith.constant 0 : i32
        %cond3A_109 = arith.cmpi ne, %convert_element_type3A_107, %cond3A_108 : i32
        scf.if %cond3A_109 {
          %add3A_110 = arith.constant 2 : i32
          %add3A_111 = arith.addi %add3A_82, %add3A_110 : i32
          %dma_start3A_112 = arith.constant 0 : i32
          %dma_start3A_113 = tpu.memref_slice %arg8[%add3A_111, %dma_start3A_112] : memref<80x64xi32, #tpu.memory_space<vmem>> -> memref<1x64xi32, #tpu.memory_space<vmem>>
          %dma_start3A_114 = tpu.memref_squeeze %dma_start3A_113 : memref<1x64xi32, #tpu.memory_space<vmem>> -> memref<64xi32, #tpu.memory_space<vmem>>
          %dma_start3A_115 = arith.constant 0 : i32
          %dma_start3A_116 = arith.constant 0 : i32
          %dma_start3A_117 = tpu.memref_slice %arg3[%dma_start3A_115, %dma_start3A_116] : memref<10240x128xf32, #tpu.memory_space<hbm>> -> memref<10240x128xf32, #tpu.memory_space<hbm>>
          tpu.enqueue_indirect_dma source(%dma_start3A_117 : memref<10240x128xf32, #tpu.memory_space<hbm>>) target(%arg10 : memref<64x128xf32, #tpu.memory_space<vmem>>) offsets(%dma_start3A_114 : memref<64xi32, #tpu.memory_space<vmem>>) semaphore(%arg13 : memref<!tpu.dma_semaphore, #tpu.memory_space<semaphore_mem>>)
        } else {
        }
      }
      %scan3A_50 = arith.constant 40 : i32
      "tpu.region"() ({
        %run_scoped3A = tpu.sem_alloc : memref<!tpu.dma_semaphore, #tpu.memory_space<semaphore_mem>>
        %dma_start3A_75 = arith.constant 0 : i32
        %dma_start3A_76 = arith.constant 0 : i32
        %dma_start3A_77 = tpu.memref_slice %arg4[%arg1, %dma_start3A_75, %dma_start3A_76] : memref<16x320x64xi32, #tpu.memory_space<hbm>> -> memref<1x320x64xi32, #tpu.memory_space<hbm>>
        %dma_start3A_78 = tpu.memref_squeeze %dma_start3A_77 : memref<1x320x64xi32, #tpu.memory_space<hbm>> -> memref<320x64xi32, #tpu.memory_space<hbm>>
        %dma_start3A_79 = arith.constant 160 : i32
        %dma_start3A_80 = arith.constant 0 : i32
        %dma_start3A_81 = tpu.memref_slice %dma_start3A_78[%dma_start3A_79, %dma_start3A_80] : memref<320x64xi32, #tpu.memory_space<hbm>> -> memref<80x64xi32, #tpu.memory_space<hbm>>
        %dma_start3A_82 = arith.constant 0 : i32
        %dma_start3A_83 = arith.constant 0 : i32
        %dma_start3A_84 = tpu.memref_slice %arg4[%arg1, %dma_start3A_82, %dma_start3A_83] : memref<16x320x64xi32, #tpu.memory_space<hbm>> -> memref<1x320x64xi32, #tpu.memory_space<hbm>>
        %dma_start3A_85 = tpu.memref_squeeze %dma_start3A_84 : memref<1x320x64xi32, #tpu.memory_space<hbm>> -> memref<320x64xi32, #tpu.memory_space<hbm>>
        %dma_start3A_86 = arith.constant 160 : i32
        %dma_start3A_87 = arith.constant 0 : i32
        %dma_start3A_88 = tpu.memref_slice %dma_start3A_85[%dma_start3A_86, %dma_start3A_87] : memref<320x64xi32, #tpu.memory_space<hbm>> -> memref<80x64xi32, #tpu.memory_space<hbm>>
        tpu.enqueue_dma source(%dma_start3A_88 : memref<80x64xi32, #tpu.memory_space<hbm>>) target(%arg8 : memref<80x64xi32, #tpu.memory_space<vmem>>) target_semaphore(%run_scoped3A : memref<!tpu.dma_semaphore, #tpu.memory_space<semaphore_mem>>)
        %dma_wait3A = arith.constant 0 : i32
        %dma_wait3A_89 = arith.constant 0 : i32
        %dma_wait3A_90 = tpu.memref_slice %arg4[%arg1, %dma_wait3A, %dma_wait3A_89] : memref<16x320x64xi32, #tpu.memory_space<hbm>> -> memref<1x320x64xi32, #tpu.memory_space<hbm>>
        %dma_wait3A_91 = tpu.memref_squeeze %dma_wait3A_90 : memref<1x320x64xi32, #tpu.memory_space<hbm>> -> memref<320x64xi32, #tpu.memory_space<hbm>>
        %dma_wait3A_92 = arith.constant 160 : i32
        %dma_wait3A_93 = arith.constant 0 : i32
        %dma_wait3A_94 = tpu.memref_slice %dma_wait3A_91[%dma_wait3A_92, %dma_wait3A_93] : memref<320x64xi32, #tpu.memory_space<hbm>> -> memref<80x64xi32, #tpu.memory_space<hbm>>
        %dma_wait3A_95 = arith.constant 0 : i32
        %dma_wait3A_96 = arith.constant 0 : i32
        %dma_wait3A_97 = tpu.memref_slice %arg4[%arg1, %dma_wait3A_95, %dma_wait3A_96] : memref<16x320x64xi32, #tpu.memory_space<hbm>> -> memref<1x320x64xi32, #tpu.memory_space<hbm>>
        %dma_wait3A_98 = tpu.memref_squeeze %dma_wait3A_97 : memref<1x320x64xi32, #tpu.memory_space<hbm>> -> memref<320x64xi32, #tpu.memory_space<hbm>>
        %dma_wait3A_99 = arith.constant 160 : i32
        %dma_wait3A_100 = arith.constant 0 : i32
        %dma_wait3A_101 = tpu.memref_slice %dma_wait3A_98[%dma_wait3A_99, %dma_wait3A_100] : memref<320x64xi32, #tpu.memory_space<hbm>> -> memref<80x64xi32, #tpu.memory_space<hbm>>
        tpu.wait_dma2 semaphore(%run_scoped3A : memref<!tpu.dma_semaphore, #tpu.memory_space<semaphore_mem>>) src(%dma_wait3A_101 : memref<80x64xi32, #tpu.memory_space<hbm>>) dst(%arg8 : memref<80x64xi32, #tpu.memory_space<vmem>>)
        tpu.yield
      }) : () -> ()
      "tpu.region"() ({
        %run_scoped3A = tpu.sem_alloc : memref<!tpu.dma_semaphore, #tpu.memory_space<semaphore_mem>>
        %dma_start3A_75 = arith.constant 0 : i32
        %dma_start3A_76 = arith.constant 0 : i32
        %dma_start3A_77 = tpu.memref_slice %arg5[%arg1, %dma_start3A_75, %dma_start3A_76] : memref<16x320x64xi32, #tpu.memory_space<hbm>> -> memref<1x320x64xi32, #tpu.memory_space<hbm>>
        %dma_start3A_78 = tpu.memref_squeeze %dma_start3A_77 : memref<1x320x64xi32, #tpu.memory_space<hbm>> -> memref<320x64xi32, #tpu.memory_space<hbm>>
        %dma_start3A_79 = arith.constant 160 : i32
        %dma_start3A_80 = arith.constant 0 : i32
        %dma_start3A_81 = tpu.memref_slice %dma_start3A_78[%dma_start3A_79, %dma_start3A_80] : memref<320x64xi32, #tpu.memory_space<hbm>> -> memref<80x64xi32, #tpu.memory_space<hbm>>
        %dma_start3A_82 = arith.constant 0 : i32
        %dma_start3A_83 = arith.constant 0 : i32
        %dma_start3A_84 = tpu.memref_slice %arg5[%arg1, %dma_start3A_82, %dma_start3A_83] : memref<16x320x64xi32, #tpu.memory_space<hbm>> -> memref<1x320x64xi32, #tpu.memory_space<hbm>>
        %dma_start3A_85 = tpu.memref_squeeze %dma_start3A_84 : memref<1x320x64xi32, #tpu.memory_space<hbm>> -> memref<320x64xi32, #tpu.memory_space<hbm>>
        %dma_start3A_86 = arith.constant 160 : i32
        %dma_start3A_87 = arith.constant 0 : i32
        %dma_start3A_88 = tpu.memref_slice %dma_start3A_85[%dma_start3A_86, %dma_start3A_87] : memref<320x64xi32, #tpu.memory_space<hbm>> -> memref<80x64xi32, #tpu.memory_space<hbm>>
        tpu.enqueue_dma source(%dma_start3A_88 : memref<80x64xi32, #tpu.memory_space<hbm>>) target(%arg9 : memref<80x64xi32, #tpu.memory_space<vmem>>) target_semaphore(%run_scoped3A : memref<!tpu.dma_semaphore, #tpu.memory_space<semaphore_mem>>)
        %dma_wait3A = arith.constant 0 : i32
        %dma_wait3A_89 = arith.constant 0 : i32
        %dma_wait3A_90 = tpu.memref_slice %arg5[%arg1, %dma_wait3A, %dma_wait3A_89] : memref<16x320x64xi32, #tpu.memory_space<hbm>> -> memref<1x320x64xi32, #tpu.memory_space<hbm>>
        %dma_wait3A_91 = tpu.memref_squeeze %dma_wait3A_90 : memref<1x320x64xi32, #tpu.memory_space<hbm>> -> memref<320x64xi32, #tpu.memory_space<hbm>>
        %dma_wait3A_92 = arith.constant 160 : i32
        %dma_wait3A_93 = arith.constant 0 : i32
        %dma_wait3A_94 = tpu.memref_slice %dma_wait3A_91[%dma_wait3A_92, %dma_wait3A_93] : memref<320x64xi32, #tpu.memory_space<hbm>> -> memref<80x64xi32, #tpu.memory_space<hbm>>
        %dma_wait3A_95 = arith.constant 0 : i32
        %dma_wait3A_96 = arith.constant 0 : i32
        %dma_wait3A_97 = tpu.memref_slice %arg5[%arg1, %dma_wait3A_95, %dma_wait3A_96] : memref<16x320x64xi32, #tpu.memory_space<hbm>> -> memref<1x320x64xi32, #tpu.memory_space<hbm>>
        %dma_wait3A_98 = tpu.memref_squeeze %dma_wait3A_97 : memref<1x320x64xi32, #tpu.memory_space<hbm>> -> memref<320x64xi32, #tpu.memory_space<hbm>>
        %dma_wait3A_99 = arith.constant 160 : i32
        %dma_wait3A_100 = arith.constant 0 : i32
        %dma_wait3A_101 = tpu.memref_slice %dma_wait3A_98[%dma_wait3A_99, %dma_wait3A_100] : memref<320x64xi32, #tpu.memory_space<hbm>> -> memref<80x64xi32, #tpu.memory_space<hbm>>
        tpu.wait_dma2 semaphore(%run_scoped3A : memref<!tpu.dma_semaphore, #tpu.memory_space<semaphore_mem>>) src(%dma_wait3A_101 : memref<80x64xi32, #tpu.memory_space<hbm>>) dst(%arg9 : memref<80x64xi32, #tpu.memory_space<vmem>>)
        tpu.yield
      }) : () -> ()
      %dma_start3A_51 = arith.constant 0 : i32
      %dma_start3A_52 = arith.constant 0 : i32
      %dma_start3A_53 = tpu.memref_slice %arg8[%dma_start3A_51, %dma_start3A_52] : memref<80x64xi32, #tpu.memory_space<vmem>> -> memref<1x64xi32, #tpu.memory_space<vmem>>
      %dma_start3A_54 = tpu.memref_squeeze %dma_start3A_53 : memref<1x64xi32, #tpu.memory_space<vmem>> -> memref<64xi32, #tpu.memory_space<vmem>>
      %dma_start3A_55 = arith.constant 0 : i32
      %dma_start3A_56 = arith.constant 0 : i32
      %dma_start3A_57 = tpu.memref_slice %arg3[%dma_start3A_55, %dma_start3A_56] : memref<10240x128xf32, #tpu.memory_space<hbm>> -> memref<10240x128xf32, #tpu.memory_space<hbm>>
      tpu.enqueue_indirect_dma source(%dma_start3A_57 : memref<10240x128xf32, #tpu.memory_space<hbm>>) target(%arg10 : memref<64x128xf32, #tpu.memory_space<vmem>>) offsets(%dma_start3A_54 : memref<64xi32, #tpu.memory_space<vmem>>) semaphore(%arg13 : memref<!tpu.dma_semaphore, #tpu.memory_space<semaphore_mem>>)
      %scan3A_58 = arith.constant 0 : i32
      %scan3A_59 = arith.constant 40 : i32
      %scan3A_60 = arith.addi %scan3A_58, %scan3A_59 : i32
      %scan3A_61 = arith.constant 1 : i32
      scf.for %scan3A_75 = %scan3A_58 to %scan3A_60 step %scan3A_61  : i32 {
        %mul3A_76 = arith.constant 1 : i32
        %mul3A_77 = arith.muli %scan3A_75, %mul3A_76 : i32
        %add3A = arith.constant 0 : i32
        %add3A_78 = arith.addi %add3A, %mul3A_77 : i32
        %mul3A_79 = arith.constant 2 : i32
        %mul3A_80 = arith.muli %mul3A_79, %add3A_78 : i32
        %add3A_81 = arith.constant 0 : i32
        %add3A_82 = arith.addi %add3A_81, %mul3A_80 : i32
        %dma_wait3A = arith.constant 0 : i32
        %dma_wait3A_83 = tpu.memref_slice %arg8[%add3A_82, %dma_wait3A] : memref<80x64xi32, #tpu.memory_space<vmem>> -> memref<1x64xi32, #tpu.memory_space<vmem>>
        %dma_wait3A_84 = tpu.memref_squeeze %dma_wait3A_83 : memref<1x64xi32, #tpu.memory_space<vmem>> -> memref<64xi32, #tpu.memory_space<vmem>>
        %dma_wait3A_85 = arith.constant 0 : i32
        %dma_wait3A_86 = arith.constant 0 : i32
        %dma_wait3A_87 = tpu.memref_slice %arg3[%dma_wait3A_85, %dma_wait3A_86] : memref<10240x128xf32, #tpu.memory_space<hbm>> -> memref<10240x128xf32, #tpu.memory_space<hbm>>
        tpu.wait_indirect_dma semaphore(%arg13 : memref<!tpu.dma_semaphore, #tpu.memory_space<semaphore_mem>>) src(%dma_wait3A_87 : memref<10240x128xf32, #tpu.memory_space<hbm>>) dst(%arg10 : memref<64x128xf32, #tpu.memory_space<vmem>>)
        %add3A_88 = arith.constant 1 : i32
        %add3A_89 = arith.addi %add3A_82, %add3A_88 : i32
        %dma_start3A_90 = arith.constant 0 : i32
        %dma_start3A_91 = tpu.memref_slice %arg8[%add3A_89, %dma_start3A_90] : memref<80x64xi32, #tpu.memory_space<vmem>> -> memref<1x64xi32, #tpu.memory_space<vmem>>
        %dma_start3A_92 = tpu.memref_squeeze %dma_start3A_91 : memref<1x64xi32, #tpu.memory_space<vmem>> -> memref<64xi32, #tpu.memory_space<vmem>>
        %dma_start3A_93 = arith.constant 0 : i32
        %dma_start3A_94 = arith.constant 0 : i32
        %dma_start3A_95 = tpu.memref_slice %arg3[%dma_start3A_93, %dma_start3A_94] : memref<10240x128xf32, #tpu.memory_space<hbm>> -> memref<10240x128xf32, #tpu.memory_space<hbm>>
        tpu.enqueue_indirect_dma source(%dma_start3A_95 : memref<10240x128xf32, #tpu.memory_space<hbm>>) target(%arg11 : memref<64x128xf32, #tpu.memory_space<vmem>>) offsets(%dma_start3A_92 : memref<64xi32, #tpu.memory_space<vmem>>) semaphore(%arg14 : memref<!tpu.dma_semaphore, #tpu.memory_space<semaphore_mem>>)
        %add3A_96 = arith.constant 1 : i32
        %add3A_97 = arith.addi %add3A_82, %add3A_96 : i32
        %dma_wait3A_98 = arith.constant 0 : i32
        %dma_wait3A_99 = tpu.memref_slice %arg8[%add3A_97, %dma_wait3A_98] : memref<80x64xi32, #tpu.memory_space<vmem>> -> memref<1x64xi32, #tpu.memory_space<vmem>>
        %dma_wait3A_100 = tpu.memref_squeeze %dma_wait3A_99 : memref<1x64xi32, #tpu.memory_space<vmem>> -> memref<64xi32, #tpu.memory_space<vmem>>
        %dma_wait3A_101 = arith.constant 0 : i32
        %dma_wait3A_102 = arith.constant 0 : i32
        %dma_wait3A_103 = tpu.memref_slice %arg3[%dma_wait3A_101, %dma_wait3A_102] : memref<10240x128xf32, #tpu.memory_space<hbm>> -> memref<10240x128xf32, #tpu.memory_space<hbm>>
        tpu.wait_indirect_dma semaphore(%arg14 : memref<!tpu.dma_semaphore, #tpu.memory_space<semaphore_mem>>) src(%dma_wait3A_103 : memref<10240x128xf32, #tpu.memory_space<hbm>>) dst(%arg11 : memref<64x128xf32, #tpu.memory_space<vmem>>)
        %add3A_104 = arith.constant 2 : i32
        %add3A_105 = arith.addi %add3A_82, %add3A_104 : i32
        %lt3A = arith.constant 80 : i32
        %lt3A_106 = arith.cmpi slt, %add3A_105, %lt3A : i32
        %convert_element_type3A_107 = arith.extui %lt3A_106 : i1 to i32
        %cond3A_108 = arith.constant 0 : i32
        %cond3A_109 = arith.cmpi ne, %convert_element_type3A_107, %cond3A_108 : i32
        scf.if %cond3A_109 {
          %add3A_110 = arith.constant 2 : i32
          %add3A_111 = arith.addi %add3A_82, %add3A_110 : i32
          %dma_start3A_112 = arith.constant 0 : i32
          %dma_start3A_113 = tpu.memref_slice %arg8[%add3A_111, %dma_start3A_112] : memref<80x64xi32, #tpu.memory_space<vmem>> -> memref<1x64xi32, #tpu.memory_space<vmem>>
          %dma_start3A_114 = tpu.memref_squeeze %dma_start3A_113 : memref<1x64xi32, #tpu.memory_space<vmem>> -> memref<64xi32, #tpu.memory_space<vmem>>
          %dma_start3A_115 = arith.constant 0 : i32
          %dma_start3A_116 = arith.constant 0 : i32
          %dma_start3A_117 = tpu.memref_slice %arg3[%dma_start3A_115, %dma_start3A_116] : memref<10240x128xf32, #tpu.memory_space<hbm>> -> memref<10240x128xf32, #tpu.memory_space<hbm>>
          tpu.enqueue_indirect_dma source(%dma_start3A_117 : memref<10240x128xf32, #tpu.memory_space<hbm>>) target(%arg10 : memref<64x128xf32, #tpu.memory_space<vmem>>) offsets(%dma_start3A_114 : memref<64xi32, #tpu.memory_space<vmem>>) semaphore(%arg13 : memref<!tpu.dma_semaphore, #tpu.memory_space<semaphore_mem>>)
        } else {
        }
      }
      %scan3A_62 = arith.constant 40 : i32
      "tpu.region"() ({
        %run_scoped3A = tpu.sem_alloc : memref<!tpu.dma_semaphore, #tpu.memory_space<semaphore_mem>>
        %dma_start3A_75 = arith.constant 0 : i32
        %dma_start3A_76 = arith.constant 0 : i32
        %dma_start3A_77 = tpu.memref_slice %arg4[%arg1, %dma_start3A_75, %dma_start3A_76] : memref<16x320x64xi32, #tpu.memory_space<hbm>> -> memref<1x320x64xi32, #tpu.memory_space<hbm>>
        %dma_start3A_78 = tpu.memref_squeeze %dma_start3A_77 : memref<1x320x64xi32, #tpu.memory_space<hbm>> -> memref<320x64xi32, #tpu.memory_space<hbm>>
        %dma_start3A_79 = arith.constant 240 : i32
        %dma_start3A_80 = arith.constant 0 : i32
        %dma_start3A_81 = tpu.memref_slice %dma_start3A_78[%dma_start3A_79, %dma_start3A_80] : memref<320x64xi32, #tpu.memory_space<hbm>> -> memref<80x64xi32, #tpu.memory_space<hbm>>
        %dma_start3A_82 = arith.constant 0 : i32
        %dma_start3A_83 = arith.constant 0 : i32
        %dma_start3A_84 = tpu.memref_slice %arg4[%arg1, %dma_start3A_82, %dma_start3A_83] : memref<16x320x64xi32, #tpu.memory_space<hbm>> -> memref<1x320x64xi32, #tpu.memory_space<hbm>>
        %dma_start3A_85 = tpu.memref_squeeze %dma_start3A_84 : memref<1x320x64xi32, #tpu.memory_space<hbm>> -> memref<320x64xi32, #tpu.memory_space<hbm>>
        %dma_start3A_86 = arith.constant 240 : i32
        %dma_start3A_87 = arith.constant 0 : i32
        %dma_start3A_88 = tpu.memref_slice %dma_start3A_85[%dma_start3A_86, %dma_start3A_87] : memref<320x64xi32, #tpu.memory_space<hbm>> -> memref<80x64xi32, #tpu.memory_space<hbm>>
        tpu.enqueue_dma source(%dma_start3A_88 : memref<80x64xi32, #tpu.memory_space<hbm>>) target(%arg8 : memref<80x64xi32, #tpu.memory_space<vmem>>) target_semaphore(%run_scoped3A : memref<!tpu.dma_semaphore, #tpu.memory_space<semaphore_mem>>)
        %dma_wait3A = arith.constant 0 : i32
        %dma_wait3A_89 = arith.constant 0 : i32
        %dma_wait3A_90 = tpu.memref_slice %arg4[%arg1, %dma_wait3A, %dma_wait3A_89] : memref<16x320x64xi32, #tpu.memory_space<hbm>> -> memref<1x320x64xi32, #tpu.memory_space<hbm>>
        %dma_wait3A_91 = tpu.memref_squeeze %dma_wait3A_90 : memref<1x320x64xi32, #tpu.memory_space<hbm>> -> memref<320x64xi32, #tpu.memory_space<hbm>>
        %dma_wait3A_92 = arith.constant 240 : i32
        %dma_wait3A_93 = arith.constant 0 : i32
        %dma_wait3A_94 = tpu.memref_slice %dma_wait3A_91[%dma_wait3A_92, %dma_wait3A_93] : memref<320x64xi32, #tpu.memory_space<hbm>> -> memref<80x64xi32, #tpu.memory_space<hbm>>
        %dma_wait3A_95 = arith.constant 0 : i32
        %dma_wait3A_96 = arith.constant 0 : i32
        %dma_wait3A_97 = tpu.memref_slice %arg4[%arg1, %dma_wait3A_95, %dma_wait3A_96] : memref<16x320x64xi32, #tpu.memory_space<hbm>> -> memref<1x320x64xi32, #tpu.memory_space<hbm>>
        %dma_wait3A_98 = tpu.memref_squeeze %dma_wait3A_97 : memref<1x320x64xi32, #tpu.memory_space<hbm>> -> memref<320x64xi32, #tpu.memory_space<hbm>>
        %dma_wait3A_99 = arith.constant 240 : i32
        %dma_wait3A_100 = arith.constant 0 : i32
        %dma_wait3A_101 = tpu.memref_slice %dma_wait3A_98[%dma_wait3A_99, %dma_wait3A_100] : memref<320x64xi32, #tpu.memory_space<hbm>> -> memref<80x64xi32, #tpu.memory_space<hbm>>
        tpu.wait_dma2 semaphore(%run_scoped3A : memref<!tpu.dma_semaphore, #tpu.memory_space<semaphore_mem>>) src(%dma_wait3A_101 : memref<80x64xi32, #tpu.memory_space<hbm>>) dst(%arg8 : memref<80x64xi32, #tpu.memory_space<vmem>>)
        tpu.yield
      }) : () -> ()
      "tpu.region"() ({
        %run_scoped3A = tpu.sem_alloc : memref<!tpu.dma_semaphore, #tpu.memory_space<semaphore_mem>>
        %dma_start3A_75 = arith.constant 0 : i32
        %dma_start3A_76 = arith.constant 0 : i32
        %dma_start3A_77 = tpu.memref_slice %arg5[%arg1, %dma_start3A_75, %dma_start3A_76] : memref<16x320x64xi32, #tpu.memory_space<hbm>> -> memref<1x320x64xi32, #tpu.memory_space<hbm>>
        %dma_start3A_78 = tpu.memref_squeeze %dma_start3A_77 : memref<1x320x64xi32, #tpu.memory_space<hbm>> -> memref<320x64xi32, #tpu.memory_space<hbm>>
        %dma_start3A_79 = arith.constant 240 : i32
        %dma_start3A_80 = arith.constant 0 : i32
        %dma_start3A_81 = tpu.memref_slice %dma_start3A_78[%dma_start3A_79, %dma_start3A_80] : memref<320x64xi32, #tpu.memory_space<hbm>> -> memref<80x64xi32, #tpu.memory_space<hbm>>
        %dma_start3A_82 = arith.constant 0 : i32
        %dma_start3A_83 = arith.constant 0 : i32
        %dma_start3A_84 = tpu.memref_slice %arg5[%arg1, %dma_start3A_82, %dma_start3A_83] : memref<16x320x64xi32, #tpu.memory_space<hbm>> -> memref<1x320x64xi32, #tpu.memory_space<hbm>>
        %dma_start3A_85 = tpu.memref_squeeze %dma_start3A_84 : memref<1x320x64xi32, #tpu.memory_space<hbm>> -> memref<320x64xi32, #tpu.memory_space<hbm>>
        %dma_start3A_86 = arith.constant 240 : i32
        %dma_start3A_87 = arith.constant 0 : i32
        %dma_start3A_88 = tpu.memref_slice %dma_start3A_85[%dma_start3A_86, %dma_start3A_87] : memref<320x64xi32, #tpu.memory_space<hbm>> -> memref<80x64xi32, #tpu.memory_space<hbm>>
        tpu.enqueue_dma source(%dma_start3A_88 : memref<80x64xi32, #tpu.memory_space<hbm>>) target(%arg9 : memref<80x64xi32, #tpu.memory_space<vmem>>) target_semaphore(%run_scoped3A : memref<!tpu.dma_semaphore, #tpu.memory_space<semaphore_mem>>)
        %dma_wait3A = arith.constant 0 : i32
        %dma_wait3A_89 = arith.constant 0 : i32
        %dma_wait3A_90 = tpu.memref_slice %arg5[%arg1, %dma_wait3A, %dma_wait3A_89] : memref<16x320x64xi32, #tpu.memory_space<hbm>> -> memref<1x320x64xi32, #tpu.memory_space<hbm>>
        %dma_wait3A_91 = tpu.memref_squeeze %dma_wait3A_90 : memref<1x320x64xi32, #tpu.memory_space<hbm>> -> memref<320x64xi32, #tpu.memory_space<hbm>>
        %dma_wait3A_92 = arith.constant 240 : i32
        %dma_wait3A_93 = arith.constant 0 : i32
        %dma_wait3A_94 = tpu.memref_slice %dma_wait3A_91[%dma_wait3A_92, %dma_wait3A_93] : memref<320x64xi32, #tpu.memory_space<hbm>> -> memref<80x64xi32, #tpu.memory_space<hbm>>
        %dma_wait3A_95 = arith.constant 0 : i32
        %dma_wait3A_96 = arith.constant 0 : i32
        %dma_wait3A_97 = tpu.memref_slice %arg5[%arg1, %dma_wait3A_95, %dma_wait3A_96] : memref<16x320x64xi32, #tpu.memory_space<hbm>> -> memref<1x320x64xi32, #tpu.memory_space<hbm>>
        %dma_wait3A_98 = tpu.memref_squeeze %dma_wait3A_97 : memref<1x320x64xi32, #tpu.memory_space<hbm>> -> memref<320x64xi32, #tpu.memory_space<hbm>>
        %dma_wait3A_99 = arith.constant 240 : i32
        %dma_wait3A_100 = arith.constant 0 : i32
        %dma_wait3A_101 = tpu.memref_slice %dma_wait3A_98[%dma_wait3A_99, %dma_wait3A_100] : memref<320x64xi32, #tpu.memory_space<hbm>> -> memref<80x64xi32, #tpu.memory_space<hbm>>
        tpu.wait_dma2 semaphore(%run_scoped3A : memref<!tpu.dma_semaphore, #tpu.memory_space<semaphore_mem>>) src(%dma_wait3A_101 : memref<80x64xi32, #tpu.memory_space<hbm>>) dst(%arg9 : memref<80x64xi32, #tpu.memory_space<vmem>>)
        tpu.yield
      }) : () -> ()
      %dma_start3A_63 = arith.constant 0 : i32
      %dma_start3A_64 = arith.constant 0 : i32
      %dma_start3A_65 = tpu.memref_slice %arg8[%dma_start3A_63, %dma_start3A_64] : memref<80x64xi32, #tpu.memory_space<vmem>> -> memref<1x64xi32, #tpu.memory_space<vmem>>
      %dma_start3A_66 = tpu.memref_squeeze %dma_start3A_65 : memref<1x64xi32, #tpu.memory_space<vmem>> -> memref<64xi32, #tpu.memory_space<vmem>>
      %dma_start3A_67 = arith.constant 0 : i32
      %dma_start3A_68 = arith.constant 0 : i32
      %dma_start3A_69 = tpu.memref_slice %arg3[%dma_start3A_67, %dma_start3A_68] : memref<10240x128xf32, #tpu.memory_space<hbm>> -> memref<10240x128xf32, #tpu.memory_space<hbm>>
      tpu.enqueue_indirect_dma source(%dma_start3A_69 : memref<10240x128xf32, #tpu.memory_space<hbm>>) target(%arg10 : memref<64x128xf32, #tpu.memory_space<vmem>>) offsets(%dma_start3A_66 : memref<64xi32, #tpu.memory_space<vmem>>) semaphore(%arg13 : memref<!tpu.dma_semaphore, #tpu.memory_space<semaphore_mem>>)
      %scan3A_70 = arith.constant 0 : i32
      %scan3A_71 = arith.constant 40 : i32
      %scan3A_72 = arith.addi %scan3A_70, %scan3A_71 : i32
      %scan3A_73 = arith.constant 1 : i32
      scf.for %scan3A_75 = %scan3A_70 to %scan3A_72 step %scan3A_73  : i32 {
        %mul3A_76 = arith.constant 1 : i32
        %mul3A_77 = arith.muli %scan3A_75, %mul3A_76 : i32
        %add3A = arith.constant 0 : i32
        %add3A_78 = arith.addi %add3A, %mul3A_77 : i32
        %mul3A_79 = arith.constant 2 : i32
        %mul3A_80 = arith.muli %mul3A_79, %add3A_78 : i32
        %add3A_81 = arith.constant 0 : i32
        %add3A_82 = arith.addi %add3A_81, %mul3A_80 : i32
        %dma_wait3A = arith.constant 0 : i32
        %dma_wait3A_83 = tpu.memref_slice %arg8[%add3A_82, %dma_wait3A] : memref<80x64xi32, #tpu.memory_space<vmem>> -> memref<1x64xi32, #tpu.memory_space<vmem>>
        %dma_wait3A_84 = tpu.memref_squeeze %dma_wait3A_83 : memref<1x64xi32, #tpu.memory_space<vmem>> -> memref<64xi32, #tpu.memory_space<vmem>>
        %dma_wait3A_85 = arith.constant 0 : i32
        %dma_wait3A_86 = arith.constant 0 : i32
        %dma_wait3A_87 = tpu.memref_slice %arg3[%dma_wait3A_85, %dma_wait3A_86] : memref<10240x128xf32, #tpu.memory_space<hbm>> -> memref<10240x128xf32, #tpu.memory_space<hbm>>
        tpu.wait_indirect_dma semaphore(%arg13 : memref<!tpu.dma_semaphore, #tpu.memory_space<semaphore_mem>>) src(%dma_wait3A_87 : memref<10240x128xf32, #tpu.memory_space<hbm>>) dst(%arg10 : memref<64x128xf32, #tpu.memory_space<vmem>>)
        %add3A_88 = arith.constant 1 : i32
        %add3A_89 = arith.addi %add3A_82, %add3A_88 : i32
        %dma_start3A_90 = arith.constant 0 : i32
        %dma_start3A_91 = tpu.memref_slice %arg8[%add3A_89, %dma_start3A_90] : memref<80x64xi32, #tpu.memory_space<vmem>> -> memref<1x64xi32, #tpu.memory_space<vmem>>
        %dma_start3A_92 = tpu.memref_squeeze %dma_start3A_91 : memref<1x64xi32, #tpu.memory_space<vmem>> -> memref<64xi32, #tpu.memory_space<vmem>>
        %dma_start3A_93 = arith.constant 0 : i32
        %dma_start3A_94 = arith.constant 0 : i32
        %dma_start3A_95 = tpu.memref_slice %arg3[%dma_start3A_93, %dma_start3A_94] : memref<10240x128xf32, #tpu.memory_space<hbm>> -> memref<10240x128xf32, #tpu.memory_space<hbm>>
        tpu.enqueue_indirect_dma source(%dma_start3A_95 : memref<10240x128xf32, #tpu.memory_space<hbm>>) target(%arg11 : memref<64x128xf32, #tpu.memory_space<vmem>>) offsets(%dma_start3A_92 : memref<64xi32, #tpu.memory_space<vmem>>) semaphore(%arg14 : memref<!tpu.dma_semaphore, #tpu.memory_space<semaphore_mem>>)
        %add3A_96 = arith.constant 1 : i32
        %add3A_97 = arith.addi %add3A_82, %add3A_96 : i32
        %dma_wait3A_98 = arith.constant 0 : i32
        %dma_wait3A_99 = tpu.memref_slice %arg8[%add3A_97, %dma_wait3A_98] : memref<80x64xi32, #tpu.memory_space<vmem>> -> memref<1x64xi32, #tpu.memory_space<vmem>>
        %dma_wait3A_100 = tpu.memref_squeeze %dma_wait3A_99 : memref<1x64xi32, #tpu.memory_space<vmem>> -> memref<64xi32, #tpu.memory_space<vmem>>
        %dma_wait3A_101 = arith.constant 0 : i32
        %dma_wait3A_102 = arith.constant 0 : i32
        %dma_wait3A_103 = tpu.memref_slice %arg3[%dma_wait3A_101, %dma_wait3A_102] : memref<10240x128xf32, #tpu.memory_space<hbm>> -> memref<10240x128xf32, #tpu.memory_space<hbm>>
        tpu.wait_indirect_dma semaphore(%arg14 : memref<!tpu.dma_semaphore, #tpu.memory_space<semaphore_mem>>) src(%dma_wait3A_103 : memref<10240x128xf32, #tpu.memory_space<hbm>>) dst(%arg11 : memref<64x128xf32, #tpu.memory_space<vmem>>)
        %add3A_104 = arith.constant 2 : i32
        %add3A_105 = arith.addi %add3A_82, %add3A_104 : i32
        %lt3A = arith.constant 80 : i32
        %lt3A_106 = arith.cmpi slt, %add3A_105, %lt3A : i32
        %convert_element_type3A_107 = arith.extui %lt3A_106 : i1 to i32
        %cond3A_108 = arith.constant 0 : i32
        %cond3A_109 = arith.cmpi ne, %convert_element_type3A_107, %cond3A_108 : i32
        scf.if %cond3A_109 {
          %add3A_110 = arith.constant 2 : i32
          %add3A_111 = arith.addi %add3A_82, %add3A_110 : i32
          %dma_start3A_112 = arith.constant 0 : i32
          %dma_start3A_113 = tpu.memref_slice %arg8[%add3A_111, %dma_start3A_112] : memref<80x64xi32, #tpu.memory_space<vmem>> -> memref<1x64xi32, #tpu.memory_space<vmem>>
          %dma_start3A_114 = tpu.memref_squeeze %dma_start3A_113 : memref<1x64xi32, #tpu.memory_space<vmem>> -> memref<64xi32, #tpu.memory_space<vmem>>
          %dma_start3A_115 = arith.constant 0 : i32
          %dma_start3A_116 = arith.constant 0 : i32
          %dma_start3A_117 = tpu.memref_slice %arg3[%dma_start3A_115, %dma_start3A_116] : memref<10240x128xf32, #tpu.memory_space<hbm>> -> memref<10240x128xf32, #tpu.memory_space<hbm>>
          tpu.enqueue_indirect_dma source(%dma_start3A_117 : memref<10240x128xf32, #tpu.memory_space<hbm>>) target(%arg10 : memref<64x128xf32, #tpu.memory_space<vmem>>) offsets(%dma_start3A_114 : memref<64xi32, #tpu.memory_space<vmem>>) semaphore(%arg13 : memref<!tpu.dma_semaphore, #tpu.memory_space<semaphore_mem>>)
        } else {
        }
      }
      %scan3A_74 = arith.constant 40 : i32
    } else {
    }
    %barrier3A_18 = arith.constant 0 : index
    tpu.barrier barrier_id(%barrier3A_18)
    %eq3A_19 = arith.constant 0 : i32
    %eq3A_20 = arith.cmpi eq, %arg0, %eq3A_19 : i32
    %convert_element_type3A_21 = arith.extui %eq3A_20 : i1 to i32
    %cond3A_22 = arith.constant 0 : i32
    %cond3A_23 = arith.cmpi ne, %convert_element_type3A_21, %cond3A_22 : i32
    scf.if %cond3A_23 {
      "tpu.region"() ({
        %run_scoped3A = tpu.sem_alloc : memref<!tpu.dma_semaphore, #tpu.memory_space<semaphore_mem>>
        %dma_start3A = arith.constant 0 : i32
        %dma_start3A_29 = tpu.memref_slice %arg6[%mul3A_0, %dma_start3A] : memref<10240x128xf32, #tpu.memory_space<hbm>> -> memref<640x128xf32, #tpu.memory_space<hbm>>
        %dma_start3A_30 = arith.constant 0 : i32
        %dma_start3A_31 = tpu.memref_slice %arg12[%mul3A_0, %dma_start3A_30] : memref<10240x128xf32, #tpu.memory_space<vmem_shared>> -> memref<640x128xf32, #tpu.memory_space<vmem_shared>>
        tpu.enqueue_dma source(%dma_start3A_31 : memref<640x128xf32, #tpu.memory_space<vmem_shared>>) target(%dma_start3A_29 : memref<640x128xf32, #tpu.memory_space<hbm>>) target_semaphore(%run_scoped3A : memref<!tpu.dma_semaphore, #tpu.memory_space<semaphore_mem>>)
        %dma_wait3A = arith.constant 0 : i32
        %dma_wait3A_32 = tpu.memref_slice %arg6[%mul3A_0, %dma_wait3A] : memref<10240x128xf32, #tpu.memory_space<hbm>> -> memref<640x128xf32, #tpu.memory_space<hbm>>
        %dma_wait3A_33 = arith.constant 0 : i32
        %dma_wait3A_34 = tpu.memref_slice %arg12[%mul3A_0, %dma_wait3A_33] : memref<10240x128xf32, #tpu.memory_space<vmem_shared>> -> memref<640x128xf32, #tpu.memory_space<vmem_shared>>
        tpu.wait_dma2 semaphore(%run_scoped3A : memref<!tpu.dma_semaphore, #tpu.memory_space<semaphore_mem>>) src(%dma_wait3A_34 : memref<640x128xf32, #tpu.memory_space<vmem_shared>>) dst(%dma_wait3A_32 : memref<640x128xf32, #tpu.memory_space<hbm>>)
        tpu.yield
      }) : () -> ()
    } else {
    }
    %eq3A_24 = arith.constant 1 : i32
    %eq3A_25 = arith.cmpi eq, %arg0, %eq3A_24 : i32
    %convert_element_type3A_26 = arith.extui %eq3A_25 : i1 to i32
    %cond3A_27 = arith.constant 0 : i32
    %cond3A_28 = arith.cmpi ne, %convert_element_type3A_26, %cond3A_27 : i32
    scf.if %cond3A_28 {
      "tpu.region"() ({
        %run_scoped3A = tpu.sem_alloc : memref<!tpu.dma_semaphore, #tpu.memory_space<semaphore_mem>>
        %dma_start3A = arith.constant 0 : i32
        %dma_start3A_29 = tpu.memref_slice %arg7[%mul3A_0, %dma_start3A] : memref<10240x128xf32, #tpu.memory_space<hbm>> -> memref<640x128xf32, #tpu.memory_space<hbm>>
        %dma_start3A_30 = arith.constant 0 : i32
        %dma_start3A_31 = tpu.memref_slice %arg12[%mul3A_0, %dma_start3A_30] : memref<10240x128xf32, #tpu.memory_space<vmem_shared>> -> memref<640x128xf32, #tpu.memory_space<vmem_shared>>
        tpu.enqueue_dma source(%dma_start3A_31 : memref<640x128xf32, #tpu.memory_space<vmem_shared>>) target(%dma_start3A_29 : memref<640x128xf32, #tpu.memory_space<hbm>>) target_semaphore(%run_scoped3A : memref<!tpu.dma_semaphore, #tpu.memory_space<semaphore_mem>>)
        %dma_wait3A = arith.constant 0 : i32
        %dma_wait3A_32 = tpu.memref_slice %arg7[%mul3A_0, %dma_wait3A] : memref<10240x128xf32, #tpu.memory_space<hbm>> -> memref<640x128xf32, #tpu.memory_space<hbm>>
        %dma_wait3A_33 = arith.constant 0 : i32
        %dma_wait3A_34 = tpu.memref_slice %arg12[%mul3A_0, %dma_wait3A_33] : memref<10240x128xf32, #tpu.memory_space<vmem_shared>> -> memref<640x128xf32, #tpu.memory_space<vmem_shared>>
        tpu.wait_dma2 semaphore(%run_scoped3A : memref<!tpu.dma_semaphore, #tpu.memory_space<semaphore_mem>>) src(%dma_wait3A_34 : memref<640x128xf32, #tpu.memory_space<vmem_shared>>) dst(%dma_wait3A_32 : memref<640x128xf32, #tpu.memory_space<hbm>>)
        tpu.yield
      }) : () -> ()
    } else {
    }
    return
  }
}

#map = affine_map<(d0, d1) -> (0, 0)>
#map1 = affine_map<(d0, d1) -> (0, 0, 0)>
module attributes {stable_mosaic.version = 14 : i64} {
  func.func @_agg_edge(%arg0: i32, %arg1: i32, %arg2: memref<10240x128xf32, #tpu.memory_space<hbm>>, %arg3: memref<32x160x64xi32, #tpu.memory_space<hbm>>, %arg4: memref<32x160x64xi32, #tpu.memory_space<hbm>>, %arg5: memref<640x128xf32, #tpu.memory_space<hbm>>, %arg6: memref<10240x128xf32, #tpu.memory_space<hbm>>, %arg7: memref<10240x128xf32, #tpu.memory_space<hbm>>, %arg8: memref<80x64xi32, #tpu.memory_space<vmem>>, %arg9: memref<80x64xi32, #tpu.memory_space<vmem>>, %arg10: memref<64x128xf32, #tpu.memory_space<vmem>>, %arg11: memref<64x128xf32, #tpu.memory_space<vmem>>, %arg12: memref<10240x128xf32, #tpu.memory_space<vmem_shared>>, %arg13: memref<!tpu.dma_semaphore, #tpu.memory_space<semaphore_mem>>, %arg14: memref<!tpu.dma_semaphore, #tpu.memory_space<semaphore_mem>>) attributes {dimension_semantics = [#tpu.dimension_semantics<core_parallel>, #tpu.dimension_semantics<subcore_parallel>], iteration_bounds = array<i64: 2, 16>, scalar_prefetch = 0 : i64, scratch_operands = 7 : i64, tpu.core_type = #tpu.core_type<sc_vector_subcore>, window_params = [{transform_indices = #map}, {transform_indices = #map1}, {transform_indices = #map1}, {transform_indices = #map}, {transform_indices = #map}, {transform_indices = #map}]} {
    %mul3A = arith.constant 640 : i32
    %mul3A_0 = arith.muli %arg1, %mul3A : i32
    %mul3A_1 = arith.constant 16 : i32
    %mul3A_2 = arith.muli %arg0, %mul3A_1 : i32
    %add3A = arith.addi %mul3A_2, %arg1 : i32
    %eq3A = arith.constant 0 : i32
    %eq3A_3 = arith.cmpi eq, %arg0, %eq3A : i32
    %convert_element_type3A = arith.extui %eq3A_3 : i1 to i32
    %cond3A = arith.constant 0 : i32
    %cond3A_4 = arith.cmpi ne, %convert_element_type3A, %cond3A : i32
    scf.if %cond3A_4 {
      "tpu.region"() ({
        %run_scoped3A = tpu.sem_alloc : memref<!tpu.dma_semaphore, #tpu.memory_space<semaphore_mem>>
        %dma_start3A_43 = arith.constant 0 : i32
        %dma_start3A_44 = tpu.memref_slice %arg12[%mul3A_0, %dma_start3A_43] : memref<10240x128xf32, #tpu.memory_space<vmem_shared>> -> memref<640x128xf32, #tpu.memory_space<vmem_shared>>
        %dma_start3A_45 = arith.constant 0 : i32
        %dma_start3A_46 = tpu.memref_slice %arg2[%mul3A_0, %dma_start3A_45] : memref<10240x128xf32, #tpu.memory_space<hbm>> -> memref<640x128xf32, #tpu.memory_space<hbm>>
        tpu.enqueue_dma source(%dma_start3A_46 : memref<640x128xf32, #tpu.memory_space<hbm>>) target(%dma_start3A_44 : memref<640x128xf32, #tpu.memory_space<vmem_shared>>) target_semaphore(%run_scoped3A : memref<!tpu.dma_semaphore, #tpu.memory_space<semaphore_mem>>)
        %dma_wait3A = arith.constant 0 : i32
        %dma_wait3A_47 = tpu.memref_slice %arg12[%mul3A_0, %dma_wait3A] : memref<10240x128xf32, #tpu.memory_space<vmem_shared>> -> memref<640x128xf32, #tpu.memory_space<vmem_shared>>
        %dma_wait3A_48 = arith.constant 0 : i32
        %dma_wait3A_49 = tpu.memref_slice %arg2[%mul3A_0, %dma_wait3A_48] : memref<10240x128xf32, #tpu.memory_space<hbm>> -> memref<640x128xf32, #tpu.memory_space<hbm>>
        tpu.wait_dma2 semaphore(%run_scoped3A : memref<!tpu.dma_semaphore, #tpu.memory_space<semaphore_mem>>) src(%dma_wait3A_49 : memref<640x128xf32, #tpu.memory_space<hbm>>) dst(%dma_wait3A_47 : memref<640x128xf32, #tpu.memory_space<vmem_shared>>)
        tpu.yield
      }) : () -> ()
    } else {
    }
    %eq3A_5 = arith.constant 1 : i32
    %eq3A_6 = arith.cmpi eq, %arg0, %eq3A_5 : i32
    %convert_element_type3A_7 = arith.extui %eq3A_6 : i1 to i32
    %cond3A_8 = arith.constant 0 : i32
    %cond3A_9 = arith.cmpi ne, %convert_element_type3A_7, %cond3A_8 : i32
    scf.if %cond3A_9 {
      "tpu.region"() ({
        %run_scoped3A = tpu.sem_alloc : memref<!tpu.dma_semaphore, #tpu.memory_space<semaphore_mem>>
        %dma_start3A_43 = arith.constant 0 : i32
        %dma_start3A_44 = tpu.memref_slice %arg12[%mul3A_0, %dma_start3A_43] : memref<10240x128xf32, #tpu.memory_space<vmem_shared>> -> memref<640x128xf32, #tpu.memory_space<vmem_shared>>
        tpu.enqueue_dma source(%arg5 : memref<640x128xf32, #tpu.memory_space<hbm>>) target(%dma_start3A_44 : memref<640x128xf32, #tpu.memory_space<vmem_shared>>) target_semaphore(%run_scoped3A : memref<!tpu.dma_semaphore, #tpu.memory_space<semaphore_mem>>)
        %dma_wait3A = arith.constant 0 : i32
        %dma_wait3A_45 = tpu.memref_slice %arg12[%mul3A_0, %dma_wait3A] : memref<10240x128xf32, #tpu.memory_space<vmem_shared>> -> memref<640x128xf32, #tpu.memory_space<vmem_shared>>
        tpu.wait_dma2 semaphore(%run_scoped3A : memref<!tpu.dma_semaphore, #tpu.memory_space<semaphore_mem>>) src(%arg5 : memref<640x128xf32, #tpu.memory_space<hbm>>) dst(%dma_wait3A_45 : memref<640x128xf32, #tpu.memory_space<vmem_shared>>)
        tpu.yield
      }) : () -> ()
    } else {
    }
    %barrier3A = arith.constant 0 : index
    tpu.barrier barrier_id(%barrier3A)
    "tpu.region"() ({
      %run_scoped3A = tpu.sem_alloc : memref<!tpu.dma_semaphore, #tpu.memory_space<semaphore_mem>>
      %dma_start3A_43 = arith.constant 0 : i32
      %dma_start3A_44 = arith.constant 0 : i32
      %dma_start3A_45 = tpu.memref_slice %arg3[%add3A, %dma_start3A_43, %dma_start3A_44] : memref<32x160x64xi32, #tpu.memory_space<hbm>> -> memref<1x160x64xi32, #tpu.memory_space<hbm>>
      %dma_start3A_46 = tpu.memref_squeeze %dma_start3A_45 : memref<1x160x64xi32, #tpu.memory_space<hbm>> -> memref<160x64xi32, #tpu.memory_space<hbm>>
      %dma_start3A_47 = arith.constant 0 : i32
      %dma_start3A_48 = arith.constant 0 : i32
      %dma_start3A_49 = tpu.memref_slice %dma_start3A_46[%dma_start3A_47, %dma_start3A_48] : memref<160x64xi32, #tpu.memory_space<hbm>> -> memref<80x64xi32, #tpu.memory_space<hbm>>
      %dma_start3A_50 = arith.constant 0 : i32
      %dma_start3A_51 = arith.constant 0 : i32
      %dma_start3A_52 = tpu.memref_slice %arg3[%add3A, %dma_start3A_50, %dma_start3A_51] : memref<32x160x64xi32, #tpu.memory_space<hbm>> -> memref<1x160x64xi32, #tpu.memory_space<hbm>>
      %dma_start3A_53 = tpu.memref_squeeze %dma_start3A_52 : memref<1x160x64xi32, #tpu.memory_space<hbm>> -> memref<160x64xi32, #tpu.memory_space<hbm>>
      %dma_start3A_54 = arith.constant 0 : i32
      %dma_start3A_55 = arith.constant 0 : i32
      %dma_start3A_56 = tpu.memref_slice %dma_start3A_53[%dma_start3A_54, %dma_start3A_55] : memref<160x64xi32, #tpu.memory_space<hbm>> -> memref<80x64xi32, #tpu.memory_space<hbm>>
      tpu.enqueue_dma source(%dma_start3A_56 : memref<80x64xi32, #tpu.memory_space<hbm>>) target(%arg8 : memref<80x64xi32, #tpu.memory_space<vmem>>) target_semaphore(%run_scoped3A : memref<!tpu.dma_semaphore, #tpu.memory_space<semaphore_mem>>)
      %dma_wait3A = arith.constant 0 : i32
      %dma_wait3A_57 = arith.constant 0 : i32
      %dma_wait3A_58 = tpu.memref_slice %arg3[%add3A, %dma_wait3A, %dma_wait3A_57] : memref<32x160x64xi32, #tpu.memory_space<hbm>> -> memref<1x160x64xi32, #tpu.memory_space<hbm>>
      %dma_wait3A_59 = tpu.memref_squeeze %dma_wait3A_58 : memref<1x160x64xi32, #tpu.memory_space<hbm>> -> memref<160x64xi32, #tpu.memory_space<hbm>>
      %dma_wait3A_60 = arith.constant 0 : i32
      %dma_wait3A_61 = arith.constant 0 : i32
      %dma_wait3A_62 = tpu.memref_slice %dma_wait3A_59[%dma_wait3A_60, %dma_wait3A_61] : memref<160x64xi32, #tpu.memory_space<hbm>> -> memref<80x64xi32, #tpu.memory_space<hbm>>
      %dma_wait3A_63 = arith.constant 0 : i32
      %dma_wait3A_64 = arith.constant 0 : i32
      %dma_wait3A_65 = tpu.memref_slice %arg3[%add3A, %dma_wait3A_63, %dma_wait3A_64] : memref<32x160x64xi32, #tpu.memory_space<hbm>> -> memref<1x160x64xi32, #tpu.memory_space<hbm>>
      %dma_wait3A_66 = tpu.memref_squeeze %dma_wait3A_65 : memref<1x160x64xi32, #tpu.memory_space<hbm>> -> memref<160x64xi32, #tpu.memory_space<hbm>>
      %dma_wait3A_67 = arith.constant 0 : i32
      %dma_wait3A_68 = arith.constant 0 : i32
      %dma_wait3A_69 = tpu.memref_slice %dma_wait3A_66[%dma_wait3A_67, %dma_wait3A_68] : memref<160x64xi32, #tpu.memory_space<hbm>> -> memref<80x64xi32, #tpu.memory_space<hbm>>
      tpu.wait_dma2 semaphore(%run_scoped3A : memref<!tpu.dma_semaphore, #tpu.memory_space<semaphore_mem>>) src(%dma_wait3A_69 : memref<80x64xi32, #tpu.memory_space<hbm>>) dst(%arg8 : memref<80x64xi32, #tpu.memory_space<vmem>>)
      tpu.yield
    }) : () -> ()
    "tpu.region"() ({
      %run_scoped3A = tpu.sem_alloc : memref<!tpu.dma_semaphore, #tpu.memory_space<semaphore_mem>>
      %dma_start3A_43 = arith.constant 0 : i32
      %dma_start3A_44 = arith.constant 0 : i32
      %dma_start3A_45 = tpu.memref_slice %arg4[%add3A, %dma_start3A_43, %dma_start3A_44] : memref<32x160x64xi32, #tpu.memory_space<hbm>> -> memref<1x160x64xi32, #tpu.memory_space<hbm>>
      %dma_start3A_46 = tpu.memref_squeeze %dma_start3A_45 : memref<1x160x64xi32, #tpu.memory_space<hbm>> -> memref<160x64xi32, #tpu.memory_space<hbm>>
      %dma_start3A_47 = arith.constant 0 : i32
      %dma_start3A_48 = arith.constant 0 : i32
      %dma_start3A_49 = tpu.memref_slice %dma_start3A_46[%dma_start3A_47, %dma_start3A_48] : memref<160x64xi32, #tpu.memory_space<hbm>> -> memref<80x64xi32, #tpu.memory_space<hbm>>
      %dma_start3A_50 = arith.constant 0 : i32
      %dma_start3A_51 = arith.constant 0 : i32
      %dma_start3A_52 = tpu.memref_slice %arg4[%add3A, %dma_start3A_50, %dma_start3A_51] : memref<32x160x64xi32, #tpu.memory_space<hbm>> -> memref<1x160x64xi32, #tpu.memory_space<hbm>>
      %dma_start3A_53 = tpu.memref_squeeze %dma_start3A_52 : memref<1x160x64xi32, #tpu.memory_space<hbm>> -> memref<160x64xi32, #tpu.memory_space<hbm>>
      %dma_start3A_54 = arith.constant 0 : i32
      %dma_start3A_55 = arith.constant 0 : i32
      %dma_start3A_56 = tpu.memref_slice %dma_start3A_53[%dma_start3A_54, %dma_start3A_55] : memref<160x64xi32, #tpu.memory_space<hbm>> -> memref<80x64xi32, #tpu.memory_space<hbm>>
      tpu.enqueue_dma source(%dma_start3A_56 : memref<80x64xi32, #tpu.memory_space<hbm>>) target(%arg9 : memref<80x64xi32, #tpu.memory_space<vmem>>) target_semaphore(%run_scoped3A : memref<!tpu.dma_semaphore, #tpu.memory_space<semaphore_mem>>)
      %dma_wait3A = arith.constant 0 : i32
      %dma_wait3A_57 = arith.constant 0 : i32
      %dma_wait3A_58 = tpu.memref_slice %arg4[%add3A, %dma_wait3A, %dma_wait3A_57] : memref<32x160x64xi32, #tpu.memory_space<hbm>> -> memref<1x160x64xi32, #tpu.memory_space<hbm>>
      %dma_wait3A_59 = tpu.memref_squeeze %dma_wait3A_58 : memref<1x160x64xi32, #tpu.memory_space<hbm>> -> memref<160x64xi32, #tpu.memory_space<hbm>>
      %dma_wait3A_60 = arith.constant 0 : i32
      %dma_wait3A_61 = arith.constant 0 : i32
      %dma_wait3A_62 = tpu.memref_slice %dma_wait3A_59[%dma_wait3A_60, %dma_wait3A_61] : memref<160x64xi32, #tpu.memory_space<hbm>> -> memref<80x64xi32, #tpu.memory_space<hbm>>
      %dma_wait3A_63 = arith.constant 0 : i32
      %dma_wait3A_64 = arith.constant 0 : i32
      %dma_wait3A_65 = tpu.memref_slice %arg4[%add3A, %dma_wait3A_63, %dma_wait3A_64] : memref<32x160x64xi32, #tpu.memory_space<hbm>> -> memref<1x160x64xi32, #tpu.memory_space<hbm>>
      %dma_wait3A_66 = tpu.memref_squeeze %dma_wait3A_65 : memref<1x160x64xi32, #tpu.memory_space<hbm>> -> memref<160x64xi32, #tpu.memory_space<hbm>>
      %dma_wait3A_67 = arith.constant 0 : i32
      %dma_wait3A_68 = arith.constant 0 : i32
      %dma_wait3A_69 = tpu.memref_slice %dma_wait3A_66[%dma_wait3A_67, %dma_wait3A_68] : memref<160x64xi32, #tpu.memory_space<hbm>> -> memref<80x64xi32, #tpu.memory_space<hbm>>
      tpu.wait_dma2 semaphore(%run_scoped3A : memref<!tpu.dma_semaphore, #tpu.memory_space<semaphore_mem>>) src(%dma_wait3A_69 : memref<80x64xi32, #tpu.memory_space<hbm>>) dst(%arg9 : memref<80x64xi32, #tpu.memory_space<vmem>>)
      tpu.yield
    }) : () -> ()
    %dma_start3A = arith.constant 0 : i32
    %dma_start3A_10 = arith.constant 0 : i32
    %dma_start3A_11 = tpu.memref_slice %arg8[%dma_start3A, %dma_start3A_10] : memref<80x64xi32, #tpu.memory_space<vmem>> -> memref<1x64xi32, #tpu.memory_space<vmem>>
    %dma_start3A_12 = tpu.memref_squeeze %dma_start3A_11 : memref<1x64xi32, #tpu.memory_space<vmem>> -> memref<64xi32, #tpu.memory_space<vmem>>
    %dma_start3A_13 = arith.constant 0 : i32
    %dma_start3A_14 = arith.constant 0 : i32
    %dma_start3A_15 = tpu.memref_slice %arg2[%dma_start3A_13, %dma_start3A_14] : memref<10240x128xf32, #tpu.memory_space<hbm>> -> memref<10240x128xf32, #tpu.memory_space<hbm>>
    tpu.enqueue_indirect_dma source(%dma_start3A_15 : memref<10240x128xf32, #tpu.memory_space<hbm>>) target(%arg10 : memref<64x128xf32, #tpu.memory_space<vmem>>) offsets(%dma_start3A_12 : memref<64xi32, #tpu.memory_space<vmem>>) semaphore(%arg13 : memref<!tpu.dma_semaphore, #tpu.memory_space<semaphore_mem>>)
    %scan3A = arith.constant 0 : i32
    %scan3A_16 = arith.constant 40 : i32
    %scan3A_17 = arith.addi %scan3A, %scan3A_16 : i32
    %scan3A_18 = arith.constant 1 : i32
    scf.for %scan3A_43 = %scan3A to %scan3A_17 step %scan3A_18  : i32 {
      %mul3A_44 = arith.constant 1 : i32
      %mul3A_45 = arith.muli %scan3A_43, %mul3A_44 : i32
      %add3A_46 = arith.constant 0 : i32
      %add3A_47 = arith.addi %add3A_46, %mul3A_45 : i32
      %mul3A_48 = arith.constant 2 : i32
      %mul3A_49 = arith.muli %mul3A_48, %add3A_47 : i32
      %add3A_50 = arith.constant 0 : i32
      %add3A_51 = arith.addi %add3A_50, %mul3A_49 : i32
      %dma_wait3A = arith.constant 0 : i32
      %dma_wait3A_52 = tpu.memref_slice %arg8[%add3A_51, %dma_wait3A] : memref<80x64xi32, #tpu.memory_space<vmem>> -> memref<1x64xi32, #tpu.memory_space<vmem>>
      %dma_wait3A_53 = tpu.memref_squeeze %dma_wait3A_52 : memref<1x64xi32, #tpu.memory_space<vmem>> -> memref<64xi32, #tpu.memory_space<vmem>>
      %dma_wait3A_54 = arith.constant 0 : i32
      %dma_wait3A_55 = arith.constant 0 : i32
      %dma_wait3A_56 = tpu.memref_slice %arg2[%dma_wait3A_54, %dma_wait3A_55] : memref<10240x128xf32, #tpu.memory_space<hbm>> -> memref<10240x128xf32, #tpu.memory_space<hbm>>
      tpu.wait_indirect_dma semaphore(%arg13 : memref<!tpu.dma_semaphore, #tpu.memory_space<semaphore_mem>>) src(%dma_wait3A_56 : memref<10240x128xf32, #tpu.memory_space<hbm>>) dst(%arg10 : memref<64x128xf32, #tpu.memory_space<vmem>>)
      %add3A_57 = arith.constant 1 : i32
      %add3A_58 = arith.addi %add3A_51, %add3A_57 : i32
      %dma_start3A_59 = arith.constant 0 : i32
      %dma_start3A_60 = tpu.memref_slice %arg8[%add3A_58, %dma_start3A_59] : memref<80x64xi32, #tpu.memory_space<vmem>> -> memref<1x64xi32, #tpu.memory_space<vmem>>
      %dma_start3A_61 = tpu.memref_squeeze %dma_start3A_60 : memref<1x64xi32, #tpu.memory_space<vmem>> -> memref<64xi32, #tpu.memory_space<vmem>>
      %dma_start3A_62 = arith.constant 0 : i32
      %dma_start3A_63 = arith.constant 0 : i32
      %dma_start3A_64 = tpu.memref_slice %arg2[%dma_start3A_62, %dma_start3A_63] : memref<10240x128xf32, #tpu.memory_space<hbm>> -> memref<10240x128xf32, #tpu.memory_space<hbm>>
      tpu.enqueue_indirect_dma source(%dma_start3A_64 : memref<10240x128xf32, #tpu.memory_space<hbm>>) target(%arg11 : memref<64x128xf32, #tpu.memory_space<vmem>>) offsets(%dma_start3A_61 : memref<64xi32, #tpu.memory_space<vmem>>) semaphore(%arg14 : memref<!tpu.dma_semaphore, #tpu.memory_space<semaphore_mem>>)
      %add3A_65 = arith.constant 1 : i32
      %add3A_66 = arith.addi %add3A_51, %add3A_65 : i32
      %dma_wait3A_67 = arith.constant 0 : i32
      %dma_wait3A_68 = tpu.memref_slice %arg8[%add3A_66, %dma_wait3A_67] : memref<80x64xi32, #tpu.memory_space<vmem>> -> memref<1x64xi32, #tpu.memory_space<vmem>>
      %dma_wait3A_69 = tpu.memref_squeeze %dma_wait3A_68 : memref<1x64xi32, #tpu.memory_space<vmem>> -> memref<64xi32, #tpu.memory_space<vmem>>
      %dma_wait3A_70 = arith.constant 0 : i32
      %dma_wait3A_71 = arith.constant 0 : i32
      %dma_wait3A_72 = tpu.memref_slice %arg2[%dma_wait3A_70, %dma_wait3A_71] : memref<10240x128xf32, #tpu.memory_space<hbm>> -> memref<10240x128xf32, #tpu.memory_space<hbm>>
      tpu.wait_indirect_dma semaphore(%arg14 : memref<!tpu.dma_semaphore, #tpu.memory_space<semaphore_mem>>) src(%dma_wait3A_72 : memref<10240x128xf32, #tpu.memory_space<hbm>>) dst(%arg11 : memref<64x128xf32, #tpu.memory_space<vmem>>)
      %add3A_73 = arith.constant 2 : i32
      %add3A_74 = arith.addi %add3A_51, %add3A_73 : i32
      %lt3A = arith.constant 80 : i32
      %lt3A_75 = arith.cmpi slt, %add3A_74, %lt3A : i32
      %convert_element_type3A_76 = arith.extui %lt3A_75 : i1 to i32
      %cond3A_77 = arith.constant 0 : i32
      %cond3A_78 = arith.cmpi ne, %convert_element_type3A_76, %cond3A_77 : i32
      scf.if %cond3A_78 {
        %add3A_79 = arith.constant 2 : i32
        %add3A_80 = arith.addi %add3A_51, %add3A_79 : i32
        %dma_start3A_81 = arith.constant 0 : i32
        %dma_start3A_82 = tpu.memref_slice %arg8[%add3A_80, %dma_start3A_81] : memref<80x64xi32, #tpu.memory_space<vmem>> -> memref<1x64xi32, #tpu.memory_space<vmem>>
        %dma_start3A_83 = tpu.memref_squeeze %dma_start3A_82 : memref<1x64xi32, #tpu.memory_space<vmem>> -> memref<64xi32, #tpu.memory_space<vmem>>
        %dma_start3A_84 = arith.constant 0 : i32
        %dma_start3A_85 = arith.constant 0 : i32
        %dma_start3A_86 = tpu.memref_slice %arg2[%dma_start3A_84, %dma_start3A_85] : memref<10240x128xf32, #tpu.memory_space<hbm>> -> memref<10240x128xf32, #tpu.memory_space<hbm>>
        tpu.enqueue_indirect_dma source(%dma_start3A_86 : memref<10240x128xf32, #tpu.memory_space<hbm>>) target(%arg10 : memref<64x128xf32, #tpu.memory_space<vmem>>) offsets(%dma_start3A_83 : memref<64xi32, #tpu.memory_space<vmem>>) semaphore(%arg13 : memref<!tpu.dma_semaphore, #tpu.memory_space<semaphore_mem>>)
      } else {
      }
    }
    %scan3A_19 = arith.constant 40 : i32
    "tpu.region"() ({
      %run_scoped3A = tpu.sem_alloc : memref<!tpu.dma_semaphore, #tpu.memory_space<semaphore_mem>>
      %dma_start3A_43 = arith.constant 0 : i32
      %dma_start3A_44 = arith.constant 0 : i32
      %dma_start3A_45 = tpu.memref_slice %arg3[%add3A, %dma_start3A_43, %dma_start3A_44] : memref<32x160x64xi32, #tpu.memory_space<hbm>> -> memref<1x160x64xi32, #tpu.memory_space<hbm>>
      %dma_start3A_46 = tpu.memref_squeeze %dma_start3A_45 : memref<1x160x64xi32, #tpu.memory_space<hbm>> -> memref<160x64xi32, #tpu.memory_space<hbm>>
      %dma_start3A_47 = arith.constant 80 : i32
      %dma_start3A_48 = arith.constant 0 : i32
      %dma_start3A_49 = tpu.memref_slice %dma_start3A_46[%dma_start3A_47, %dma_start3A_48] : memref<160x64xi32, #tpu.memory_space<hbm>> -> memref<80x64xi32, #tpu.memory_space<hbm>>
      %dma_start3A_50 = arith.constant 0 : i32
      %dma_start3A_51 = arith.constant 0 : i32
      %dma_start3A_52 = tpu.memref_slice %arg3[%add3A, %dma_start3A_50, %dma_start3A_51] : memref<32x160x64xi32, #tpu.memory_space<hbm>> -> memref<1x160x64xi32, #tpu.memory_space<hbm>>
      %dma_start3A_53 = tpu.memref_squeeze %dma_start3A_52 : memref<1x160x64xi32, #tpu.memory_space<hbm>> -> memref<160x64xi32, #tpu.memory_space<hbm>>
      %dma_start3A_54 = arith.constant 80 : i32
      %dma_start3A_55 = arith.constant 0 : i32
      %dma_start3A_56 = tpu.memref_slice %dma_start3A_53[%dma_start3A_54, %dma_start3A_55] : memref<160x64xi32, #tpu.memory_space<hbm>> -> memref<80x64xi32, #tpu.memory_space<hbm>>
      tpu.enqueue_dma source(%dma_start3A_56 : memref<80x64xi32, #tpu.memory_space<hbm>>) target(%arg8 : memref<80x64xi32, #tpu.memory_space<vmem>>) target_semaphore(%run_scoped3A : memref<!tpu.dma_semaphore, #tpu.memory_space<semaphore_mem>>)
      %dma_wait3A = arith.constant 0 : i32
      %dma_wait3A_57 = arith.constant 0 : i32
      %dma_wait3A_58 = tpu.memref_slice %arg3[%add3A, %dma_wait3A, %dma_wait3A_57] : memref<32x160x64xi32, #tpu.memory_space<hbm>> -> memref<1x160x64xi32, #tpu.memory_space<hbm>>
      %dma_wait3A_59 = tpu.memref_squeeze %dma_wait3A_58 : memref<1x160x64xi32, #tpu.memory_space<hbm>> -> memref<160x64xi32, #tpu.memory_space<hbm>>
      %dma_wait3A_60 = arith.constant 80 : i32
      %dma_wait3A_61 = arith.constant 0 : i32
      %dma_wait3A_62 = tpu.memref_slice %dma_wait3A_59[%dma_wait3A_60, %dma_wait3A_61] : memref<160x64xi32, #tpu.memory_space<hbm>> -> memref<80x64xi32, #tpu.memory_space<hbm>>
      %dma_wait3A_63 = arith.constant 0 : i32
      %dma_wait3A_64 = arith.constant 0 : i32
      %dma_wait3A_65 = tpu.memref_slice %arg3[%add3A, %dma_wait3A_63, %dma_wait3A_64] : memref<32x160x64xi32, #tpu.memory_space<hbm>> -> memref<1x160x64xi32, #tpu.memory_space<hbm>>
      %dma_wait3A_66 = tpu.memref_squeeze %dma_wait3A_65 : memref<1x160x64xi32, #tpu.memory_space<hbm>> -> memref<160x64xi32, #tpu.memory_space<hbm>>
      %dma_wait3A_67 = arith.constant 80 : i32
      %dma_wait3A_68 = arith.constant 0 : i32
      %dma_wait3A_69 = tpu.memref_slice %dma_wait3A_66[%dma_wait3A_67, %dma_wait3A_68] : memref<160x64xi32, #tpu.memory_space<hbm>> -> memref<80x64xi32, #tpu.memory_space<hbm>>
      tpu.wait_dma2 semaphore(%run_scoped3A : memref<!tpu.dma_semaphore, #tpu.memory_space<semaphore_mem>>) src(%dma_wait3A_69 : memref<80x64xi32, #tpu.memory_space<hbm>>) dst(%arg8 : memref<80x64xi32, #tpu.memory_space<vmem>>)
      tpu.yield
    }) : () -> ()
    "tpu.region"() ({
      %run_scoped3A = tpu.sem_alloc : memref<!tpu.dma_semaphore, #tpu.memory_space<semaphore_mem>>
      %dma_start3A_43 = arith.constant 0 : i32
      %dma_start3A_44 = arith.constant 0 : i32
      %dma_start3A_45 = tpu.memref_slice %arg4[%add3A, %dma_start3A_43, %dma_start3A_44] : memref<32x160x64xi32, #tpu.memory_space<hbm>> -> memref<1x160x64xi32, #tpu.memory_space<hbm>>
      %dma_start3A_46 = tpu.memref_squeeze %dma_start3A_45 : memref<1x160x64xi32, #tpu.memory_space<hbm>> -> memref<160x64xi32, #tpu.memory_space<hbm>>
      %dma_start3A_47 = arith.constant 80 : i32
      %dma_start3A_48 = arith.constant 0 : i32
      %dma_start3A_49 = tpu.memref_slice %dma_start3A_46[%dma_start3A_47, %dma_start3A_48] : memref<160x64xi32, #tpu.memory_space<hbm>> -> memref<80x64xi32, #tpu.memory_space<hbm>>
      %dma_start3A_50 = arith.constant 0 : i32
      %dma_start3A_51 = arith.constant 0 : i32
      %dma_start3A_52 = tpu.memref_slice %arg4[%add3A, %dma_start3A_50, %dma_start3A_51] : memref<32x160x64xi32, #tpu.memory_space<hbm>> -> memref<1x160x64xi32, #tpu.memory_space<hbm>>
      %dma_start3A_53 = tpu.memref_squeeze %dma_start3A_52 : memref<1x160x64xi32, #tpu.memory_space<hbm>> -> memref<160x64xi32, #tpu.memory_space<hbm>>
      %dma_start3A_54 = arith.constant 80 : i32
      %dma_start3A_55 = arith.constant 0 : i32
      %dma_start3A_56 = tpu.memref_slice %dma_start3A_53[%dma_start3A_54, %dma_start3A_55] : memref<160x64xi32, #tpu.memory_space<hbm>> -> memref<80x64xi32, #tpu.memory_space<hbm>>
      tpu.enqueue_dma source(%dma_start3A_56 : memref<80x64xi32, #tpu.memory_space<hbm>>) target(%arg9 : memref<80x64xi32, #tpu.memory_space<vmem>>) target_semaphore(%run_scoped3A : memref<!tpu.dma_semaphore, #tpu.memory_space<semaphore_mem>>)
      %dma_wait3A = arith.constant 0 : i32
      %dma_wait3A_57 = arith.constant 0 : i32
      %dma_wait3A_58 = tpu.memref_slice %arg4[%add3A, %dma_wait3A, %dma_wait3A_57] : memref<32x160x64xi32, #tpu.memory_space<hbm>> -> memref<1x160x64xi32, #tpu.memory_space<hbm>>
      %dma_wait3A_59 = tpu.memref_squeeze %dma_wait3A_58 : memref<1x160x64xi32, #tpu.memory_space<hbm>> -> memref<160x64xi32, #tpu.memory_space<hbm>>
      %dma_wait3A_60 = arith.constant 80 : i32
      %dma_wait3A_61 = arith.constant 0 : i32
      %dma_wait3A_62 = tpu.memref_slice %dma_wait3A_59[%dma_wait3A_60, %dma_wait3A_61] : memref<160x64xi32, #tpu.memory_space<hbm>> -> memref<80x64xi32, #tpu.memory_space<hbm>>
      %dma_wait3A_63 = arith.constant 0 : i32
      %dma_wait3A_64 = arith.constant 0 : i32
      %dma_wait3A_65 = tpu.memref_slice %arg4[%add3A, %dma_wait3A_63, %dma_wait3A_64] : memref<32x160x64xi32, #tpu.memory_space<hbm>> -> memref<1x160x64xi32, #tpu.memory_space<hbm>>
      %dma_wait3A_66 = tpu.memref_squeeze %dma_wait3A_65 : memref<1x160x64xi32, #tpu.memory_space<hbm>> -> memref<160x64xi32, #tpu.memory_space<hbm>>
      %dma_wait3A_67 = arith.constant 80 : i32
      %dma_wait3A_68 = arith.constant 0 : i32
      %dma_wait3A_69 = tpu.memref_slice %dma_wait3A_66[%dma_wait3A_67, %dma_wait3A_68] : memref<160x64xi32, #tpu.memory_space<hbm>> -> memref<80x64xi32, #tpu.memory_space<hbm>>
      tpu.wait_dma2 semaphore(%run_scoped3A : memref<!tpu.dma_semaphore, #tpu.memory_space<semaphore_mem>>) src(%dma_wait3A_69 : memref<80x64xi32, #tpu.memory_space<hbm>>) dst(%arg9 : memref<80x64xi32, #tpu.memory_space<vmem>>)
      tpu.yield
    }) : () -> ()
    %dma_start3A_20 = arith.constant 0 : i32
    %dma_start3A_21 = arith.constant 0 : i32
    %dma_start3A_22 = tpu.memref_slice %arg8[%dma_start3A_20, %dma_start3A_21] : memref<80x64xi32, #tpu.memory_space<vmem>> -> memref<1x64xi32, #tpu.memory_space<vmem>>
    %dma_start3A_23 = tpu.memref_squeeze %dma_start3A_22 : memref<1x64xi32, #tpu.memory_space<vmem>> -> memref<64xi32, #tpu.memory_space<vmem>>
    %dma_start3A_24 = arith.constant 0 : i32
    %dma_start3A_25 = arith.constant 0 : i32
    %dma_start3A_26 = tpu.memref_slice %arg2[%dma_start3A_24, %dma_start3A_25] : memref<10240x128xf32, #tpu.memory_space<hbm>> -> memref<10240x128xf32, #tpu.memory_space<hbm>>
    tpu.enqueue_indirect_dma source(%dma_start3A_26 : memref<10240x128xf32, #tpu.memory_space<hbm>>) target(%arg10 : memref<64x128xf32, #tpu.memory_space<vmem>>) offsets(%dma_start3A_23 : memref<64xi32, #tpu.memory_space<vmem>>) semaphore(%arg13 : memref<!tpu.dma_semaphore, #tpu.memory_space<semaphore_mem>>)
    %scan3A_27 = arith.constant 0 : i32
    %scan3A_28 = arith.constant 40 : i32
    %scan3A_29 = arith.addi %scan3A_27, %scan3A_28 : i32
    %scan3A_30 = arith.constant 1 : i32
    scf.for %scan3A_43 = %scan3A_27 to %scan3A_29 step %scan3A_30  : i32 {
      %mul3A_44 = arith.constant 1 : i32
      %mul3A_45 = arith.muli %scan3A_43, %mul3A_44 : i32
      %add3A_46 = arith.constant 0 : i32
      %add3A_47 = arith.addi %add3A_46, %mul3A_45 : i32
      %mul3A_48 = arith.constant 2 : i32
      %mul3A_49 = arith.muli %mul3A_48, %add3A_47 : i32
      %add3A_50 = arith.constant 0 : i32
      %add3A_51 = arith.addi %add3A_50, %mul3A_49 : i32
      %dma_wait3A = arith.constant 0 : i32
      %dma_wait3A_52 = tpu.memref_slice %arg8[%add3A_51, %dma_wait3A] : memref<80x64xi32, #tpu.memory_space<vmem>> -> memref<1x64xi32, #tpu.memory_space<vmem>>
      %dma_wait3A_53 = tpu.memref_squeeze %dma_wait3A_52 : memref<1x64xi32, #tpu.memory_space<vmem>> -> memref<64xi32, #tpu.memory_space<vmem>>
      %dma_wait3A_54 = arith.constant 0 : i32
      %dma_wait3A_55 = arith.constant 0 : i32
      %dma_wait3A_56 = tpu.memref_slice %arg2[%dma_wait3A_54, %dma_wait3A_55] : memref<10240x128xf32, #tpu.memory_space<hbm>> -> memref<10240x128xf32, #tpu.memory_space<hbm>>
      tpu.wait_indirect_dma semaphore(%arg13 : memref<!tpu.dma_semaphore, #tpu.memory_space<semaphore_mem>>) src(%dma_wait3A_56 : memref<10240x128xf32, #tpu.memory_space<hbm>>) dst(%arg10 : memref<64x128xf32, #tpu.memory_space<vmem>>)
      %add3A_57 = arith.constant 1 : i32
      %add3A_58 = arith.addi %add3A_51, %add3A_57 : i32
      %dma_start3A_59 = arith.constant 0 : i32
      %dma_start3A_60 = tpu.memref_slice %arg8[%add3A_58, %dma_start3A_59] : memref<80x64xi32, #tpu.memory_space<vmem>> -> memref<1x64xi32, #tpu.memory_space<vmem>>
      %dma_start3A_61 = tpu.memref_squeeze %dma_start3A_60 : memref<1x64xi32, #tpu.memory_space<vmem>> -> memref<64xi32, #tpu.memory_space<vmem>>
      %dma_start3A_62 = arith.constant 0 : i32
      %dma_start3A_63 = arith.constant 0 : i32
      %dma_start3A_64 = tpu.memref_slice %arg2[%dma_start3A_62, %dma_start3A_63] : memref<10240x128xf32, #tpu.memory_space<hbm>> -> memref<10240x128xf32, #tpu.memory_space<hbm>>
      tpu.enqueue_indirect_dma source(%dma_start3A_64 : memref<10240x128xf32, #tpu.memory_space<hbm>>) target(%arg11 : memref<64x128xf32, #tpu.memory_space<vmem>>) offsets(%dma_start3A_61 : memref<64xi32, #tpu.memory_space<vmem>>) semaphore(%arg14 : memref<!tpu.dma_semaphore, #tpu.memory_space<semaphore_mem>>)
      %add3A_65 = arith.constant 1 : i32
      %add3A_66 = arith.addi %add3A_51, %add3A_65 : i32
      %dma_wait3A_67 = arith.constant 0 : i32
      %dma_wait3A_68 = tpu.memref_slice %arg8[%add3A_66, %dma_wait3A_67] : memref<80x64xi32, #tpu.memory_space<vmem>> -> memref<1x64xi32, #tpu.memory_space<vmem>>
      %dma_wait3A_69 = tpu.memref_squeeze %dma_wait3A_68 : memref<1x64xi32, #tpu.memory_space<vmem>> -> memref<64xi32, #tpu.memory_space<vmem>>
      %dma_wait3A_70 = arith.constant 0 : i32
      %dma_wait3A_71 = arith.constant 0 : i32
      %dma_wait3A_72 = tpu.memref_slice %arg2[%dma_wait3A_70, %dma_wait3A_71] : memref<10240x128xf32, #tpu.memory_space<hbm>> -> memref<10240x128xf32, #tpu.memory_space<hbm>>
      tpu.wait_indirect_dma semaphore(%arg14 : memref<!tpu.dma_semaphore, #tpu.memory_space<semaphore_mem>>) src(%dma_wait3A_72 : memref<10240x128xf32, #tpu.memory_space<hbm>>) dst(%arg11 : memref<64x128xf32, #tpu.memory_space<vmem>>)
      %add3A_73 = arith.constant 2 : i32
      %add3A_74 = arith.addi %add3A_51, %add3A_73 : i32
      %lt3A = arith.constant 80 : i32
      %lt3A_75 = arith.cmpi slt, %add3A_74, %lt3A : i32
      %convert_element_type3A_76 = arith.extui %lt3A_75 : i1 to i32
      %cond3A_77 = arith.constant 0 : i32
      %cond3A_78 = arith.cmpi ne, %convert_element_type3A_76, %cond3A_77 : i32
      scf.if %cond3A_78 {
        %add3A_79 = arith.constant 2 : i32
        %add3A_80 = arith.addi %add3A_51, %add3A_79 : i32
        %dma_start3A_81 = arith.constant 0 : i32
        %dma_start3A_82 = tpu.memref_slice %arg8[%add3A_80, %dma_start3A_81] : memref<80x64xi32, #tpu.memory_space<vmem>> -> memref<1x64xi32, #tpu.memory_space<vmem>>
        %dma_start3A_83 = tpu.memref_squeeze %dma_start3A_82 : memref<1x64xi32, #tpu.memory_space<vmem>> -> memref<64xi32, #tpu.memory_space<vmem>>
        %dma_start3A_84 = arith.constant 0 : i32
        %dma_start3A_85 = arith.constant 0 : i32
        %dma_start3A_86 = tpu.memref_slice %arg2[%dma_start3A_84, %dma_start3A_85] : memref<10240x128xf32, #tpu.memory_space<hbm>> -> memref<10240x128xf32, #tpu.memory_space<hbm>>
        tpu.enqueue_indirect_dma source(%dma_start3A_86 : memref<10240x128xf32, #tpu.memory_space<hbm>>) target(%arg10 : memref<64x128xf32, #tpu.memory_space<vmem>>) offsets(%dma_start3A_83 : memref<64xi32, #tpu.memory_space<vmem>>) semaphore(%arg13 : memref<!tpu.dma_semaphore, #tpu.memory_space<semaphore_mem>>)
      } else {
      }
    }
    %scan3A_31 = arith.constant 40 : i32
    %barrier3A_32 = arith.constant 0 : index
    tpu.barrier barrier_id(%barrier3A_32)
    %eq3A_33 = arith.constant 0 : i32
    %eq3A_34 = arith.cmpi eq, %arg0, %eq3A_33 : i32
    %convert_element_type3A_35 = arith.extui %eq3A_34 : i1 to i32
    %cond3A_36 = arith.constant 0 : i32
    %cond3A_37 = arith.cmpi ne, %convert_element_type3A_35, %cond3A_36 : i32
    scf.if %cond3A_37 {
      "tpu.region"() ({
        %run_scoped3A = tpu.sem_alloc : memref<!tpu.dma_semaphore, #tpu.memory_space<semaphore_mem>>
        %dma_start3A_43 = arith.constant 0 : i32
        %dma_start3A_44 = tpu.memref_slice %arg6[%mul3A_0, %dma_start3A_43] : memref<10240x128xf32, #tpu.memory_space<hbm>> -> memref<640x128xf32, #tpu.memory_space<hbm>>
        %dma_start3A_45 = arith.constant 0 : i32
        %dma_start3A_46 = tpu.memref_slice %arg12[%mul3A_0, %dma_start3A_45] : memref<10240x128xf32, #tpu.memory_space<vmem_shared>> -> memref<640x128xf32, #tpu.memory_space<vmem_shared>>
        tpu.enqueue_dma source(%dma_start3A_46 : memref<640x128xf32, #tpu.memory_space<vmem_shared>>) target(%dma_start3A_44 : memref<640x128xf32, #tpu.memory_space<hbm>>) target_semaphore(%run_scoped3A : memref<!tpu.dma_semaphore, #tpu.memory_space<semaphore_mem>>)
        %dma_wait3A = arith.constant 0 : i32
        %dma_wait3A_47 = tpu.memref_slice %arg6[%mul3A_0, %dma_wait3A] : memref<10240x128xf32, #tpu.memory_space<hbm>> -> memref<640x128xf32, #tpu.memory_space<hbm>>
        %dma_wait3A_48 = arith.constant 0 : i32
        %dma_wait3A_49 = tpu.memref_slice %arg12[%mul3A_0, %dma_wait3A_48] : memref<10240x128xf32, #tpu.memory_space<vmem_shared>> -> memref<640x128xf32, #tpu.memory_space<vmem_shared>>
        tpu.wait_dma2 semaphore(%run_scoped3A : memref<!tpu.dma_semaphore, #tpu.memory_space<semaphore_mem>>) src(%dma_wait3A_49 : memref<640x128xf32, #tpu.memory_space<vmem_shared>>) dst(%dma_wait3A_47 : memref<640x128xf32, #tpu.memory_space<hbm>>)
        tpu.yield
      }) : () -> ()
    } else {
    }
    %eq3A_38 = arith.constant 1 : i32
    %eq3A_39 = arith.cmpi eq, %arg0, %eq3A_38 : i32
    %convert_element_type3A_40 = arith.extui %eq3A_39 : i1 to i32
    %cond3A_41 = arith.constant 0 : i32
    %cond3A_42 = arith.cmpi ne, %convert_element_type3A_40, %cond3A_41 : i32
    scf.if %cond3A_42 {
      "tpu.region"() ({
        %run_scoped3A = tpu.sem_alloc : memref<!tpu.dma_semaphore, #tpu.memory_space<semaphore_mem>>
        %dma_start3A_43 = arith.constant 0 : i32
        %dma_start3A_44 = tpu.memref_slice %arg7[%mul3A_0, %dma_start3A_43] : memref<10240x128xf32, #tpu.memory_space<hbm>> -> memref<640x128xf32, #tpu.memory_space<hbm>>
        %dma_start3A_45 = arith.constant 0 : i32
        %dma_start3A_46 = tpu.memref_slice %arg12[%mul3A_0, %dma_start3A_45] : memref<10240x128xf32, #tpu.memory_space<vmem_shared>> -> memref<640x128xf32, #tpu.memory_space<vmem_shared>>
        tpu.enqueue_dma source(%dma_start3A_46 : memref<640x128xf32, #tpu.memory_space<vmem_shared>>) target(%dma_start3A_44 : memref<640x128xf32, #tpu.memory_space<hbm>>) target_semaphore(%run_scoped3A : memref<!tpu.dma_semaphore, #tpu.memory_space<semaphore_mem>>)
        %dma_wait3A = arith.constant 0 : i32
        %dma_wait3A_47 = tpu.memref_slice %arg7[%mul3A_0, %dma_wait3A] : memref<10240x128xf32, #tpu.memory_space<hbm>> -> memref<640x128xf32, #tpu.memory_space<hbm>>
        %dma_wait3A_48 = arith.constant 0 : i32
        %dma_wait3A_49 = tpu.memref_slice %arg12[%mul3A_0, %dma_wait3A_48] : memref<10240x128xf32, #tpu.memory_space<vmem_shared>> -> memref<640x128xf32, #tpu.memory_space<vmem_shared>>
        tpu.wait_dma2 semaphore(%run_scoped3A : memref<!tpu.dma_semaphore, #tpu.memory_space<semaphore_mem>>) src(%dma_wait3A_49 : memref<640x128xf32, #tpu.memory_space<vmem_shared>>) dst(%dma_wait3A_47 : memref<640x128xf32, #tpu.memory_space<hbm>>)
        tpu.yield
      }) : () -> ()
    } else {
    }
    return
  }
}

#map = affine_map<(d0, d1) -> (0, 0)>
#map1 = affine_map<(d0, d1) -> (0, 0, 0)>
module attributes {stable_mosaic.version = 14 : i64} {
  func.func @_agg_edge(%arg0: i32, %arg1: i32, %arg2: memref<10240x128xf32, #tpu.memory_space<hbm>>, %arg3: memref<32x160x64xi32, #tpu.memory_space<hbm>>, %arg4: memref<32x160x64xi32, #tpu.memory_space<hbm>>, %arg5: memref<640x128xf32, #tpu.memory_space<hbm>>, %arg6: memref<10240x128xf32, #tpu.memory_space<hbm>>, %arg7: memref<10240x128xf32, #tpu.memory_space<hbm>>, %arg8: memref<80x64xi32, #tpu.memory_space<vmem>>, %arg9: memref<80x64xi32, #tpu.memory_space<vmem>>, %arg10: memref<64x128xf32, #tpu.memory_space<vmem>>, %arg11: memref<64x128xf32, #tpu.memory_space<vmem>>, %arg12: memref<10240x128xf32, #tpu.memory_space<vmem_shared>>, %arg13: memref<!tpu.dma_semaphore, #tpu.memory_space<semaphore_mem>>, %arg14: memref<!tpu.dma_semaphore, #tpu.memory_space<semaphore_mem>>) attributes {dimension_semantics = [#tpu.dimension_semantics<core_parallel>, #tpu.dimension_semantics<subcore_parallel>], iteration_bounds = array<i64: 2, 16>, scalar_prefetch = 0 : i64, scratch_operands = 7 : i64, tpu.core_type = #tpu.core_type<sc_vector_subcore>, window_params = [{transform_indices = #map}, {transform_indices = #map1}, {transform_indices = #map1}, {transform_indices = #map}, {transform_indices = #map}, {transform_indices = #map}]} {
    %mul3A = arith.constant 640 : i32
    %mul3A_0 = arith.muli %arg1, %mul3A : i32
    %mul3A_1 = arith.constant 16 : i32
    %mul3A_2 = arith.muli %arg0, %mul3A_1 : i32
    %add3A = arith.addi %mul3A_2, %arg1 : i32
    %eq3A = arith.constant 0 : i32
    %eq3A_3 = arith.cmpi eq, %arg0, %eq3A : i32
    %convert_element_type3A = arith.extui %eq3A_3 : i1 to i32
    %cond3A = arith.constant 0 : i32
    %cond3A_4 = arith.cmpi ne, %convert_element_type3A, %cond3A : i32
    scf.if %cond3A_4 {
      "tpu.region"() ({
        %run_scoped3A = tpu.sem_alloc : memref<!tpu.dma_semaphore, #tpu.memory_space<semaphore_mem>>
        %dma_start3A_43 = arith.constant 0 : i32
        %dma_start3A_44 = tpu.memref_slice %arg12[%mul3A_0, %dma_start3A_43] : memref<10240x128xf32, #tpu.memory_space<vmem_shared>> -> memref<640x128xf32, #tpu.memory_space<vmem_shared>>
        %dma_start3A_45 = arith.constant 0 : i32
        %dma_start3A_46 = tpu.memref_slice %arg2[%mul3A_0, %dma_start3A_45] : memref<10240x128xf32, #tpu.memory_space<hbm>> -> memref<640x128xf32, #tpu.memory_space<hbm>>
        tpu.enqueue_dma source(%dma_start3A_46 : memref<640x128xf32, #tpu.memory_space<hbm>>) target(%dma_start3A_44 : memref<640x128xf32, #tpu.memory_space<vmem_shared>>) target_semaphore(%run_scoped3A : memref<!tpu.dma_semaphore, #tpu.memory_space<semaphore_mem>>)
        %dma_wait3A = arith.constant 0 : i32
        %dma_wait3A_47 = tpu.memref_slice %arg12[%mul3A_0, %dma_wait3A] : memref<10240x128xf32, #tpu.memory_space<vmem_shared>> -> memref<640x128xf32, #tpu.memory_space<vmem_shared>>
        %dma_wait3A_48 = arith.constant 0 : i32
        %dma_wait3A_49 = tpu.memref_slice %arg2[%mul3A_0, %dma_wait3A_48] : memref<10240x128xf32, #tpu.memory_space<hbm>> -> memref<640x128xf32, #tpu.memory_space<hbm>>
        tpu.wait_dma2 semaphore(%run_scoped3A : memref<!tpu.dma_semaphore, #tpu.memory_space<semaphore_mem>>) src(%dma_wait3A_49 : memref<640x128xf32, #tpu.memory_space<hbm>>) dst(%dma_wait3A_47 : memref<640x128xf32, #tpu.memory_space<vmem_shared>>)
        tpu.yield
      }) : () -> ()
    } else {
    }
    %eq3A_5 = arith.constant 1 : i32
    %eq3A_6 = arith.cmpi eq, %arg0, %eq3A_5 : i32
    %convert_element_type3A_7 = arith.extui %eq3A_6 : i1 to i32
    %cond3A_8 = arith.constant 0 : i32
    %cond3A_9 = arith.cmpi ne, %convert_element_type3A_7, %cond3A_8 : i32
    scf.if %cond3A_9 {
      "tpu.region"() ({
        %run_scoped3A = tpu.sem_alloc : memref<!tpu.dma_semaphore, #tpu.memory_space<semaphore_mem>>
        %dma_start3A_43 = arith.constant 0 : i32
        %dma_start3A_44 = tpu.memref_slice %arg12[%mul3A_0, %dma_start3A_43] : memref<10240x128xf32, #tpu.memory_space<vmem_shared>> -> memref<640x128xf32, #tpu.memory_space<vmem_shared>>
        tpu.enqueue_dma source(%arg5 : memref<640x128xf32, #tpu.memory_space<hbm>>) target(%dma_start3A_44 : memref<640x128xf32, #tpu.memory_space<vmem_shared>>) target_semaphore(%run_scoped3A : memref<!tpu.dma_semaphore, #tpu.memory_space<semaphore_mem>>)
        %dma_wait3A = arith.constant 0 : i32
        %dma_wait3A_45 = tpu.memref_slice %arg12[%mul3A_0, %dma_wait3A] : memref<10240x128xf32, #tpu.memory_space<vmem_shared>> -> memref<640x128xf32, #tpu.memory_space<vmem_shared>>
        tpu.wait_dma2 semaphore(%run_scoped3A : memref<!tpu.dma_semaphore, #tpu.memory_space<semaphore_mem>>) src(%arg5 : memref<640x128xf32, #tpu.memory_space<hbm>>) dst(%dma_wait3A_45 : memref<640x128xf32, #tpu.memory_space<vmem_shared>>)
        tpu.yield
      }) : () -> ()
    } else {
    }
    %barrier3A = arith.constant 0 : index
    tpu.barrier barrier_id(%barrier3A)
    "tpu.region"() ({
      %run_scoped3A = tpu.sem_alloc : memref<!tpu.dma_semaphore, #tpu.memory_space<semaphore_mem>>
      %dma_start3A_43 = arith.constant 0 : i32
      %dma_start3A_44 = arith.constant 0 : i32
      %dma_start3A_45 = tpu.memref_slice %arg3[%add3A, %dma_start3A_43, %dma_start3A_44] : memref<32x160x64xi32, #tpu.memory_space<hbm>> -> memref<1x160x64xi32, #tpu.memory_space<hbm>>
      %dma_start3A_46 = tpu.memref_squeeze %dma_start3A_45 : memref<1x160x64xi32, #tpu.memory_space<hbm>> -> memref<160x64xi32, #tpu.memory_space<hbm>>
      %dma_start3A_47 = arith.constant 0 : i32
      %dma_start3A_48 = arith.constant 0 : i32
      %dma_start3A_49 = tpu.memref_slice %dma_start3A_46[%dma_start3A_47, %dma_start3A_48] : memref<160x64xi32, #tpu.memory_space<hbm>> -> memref<80x64xi32, #tpu.memory_space<hbm>>
      %dma_start3A_50 = arith.constant 0 : i32
      %dma_start3A_51 = arith.constant 0 : i32
      %dma_start3A_52 = tpu.memref_slice %arg3[%add3A, %dma_start3A_50, %dma_start3A_51] : memref<32x160x64xi32, #tpu.memory_space<hbm>> -> memref<1x160x64xi32, #tpu.memory_space<hbm>>
      %dma_start3A_53 = tpu.memref_squeeze %dma_start3A_52 : memref<1x160x64xi32, #tpu.memory_space<hbm>> -> memref<160x64xi32, #tpu.memory_space<hbm>>
      %dma_start3A_54 = arith.constant 0 : i32
      %dma_start3A_55 = arith.constant 0 : i32
      %dma_start3A_56 = tpu.memref_slice %dma_start3A_53[%dma_start3A_54, %dma_start3A_55] : memref<160x64xi32, #tpu.memory_space<hbm>> -> memref<80x64xi32, #tpu.memory_space<hbm>>
      tpu.enqueue_dma source(%dma_start3A_56 : memref<80x64xi32, #tpu.memory_space<hbm>>) target(%arg8 : memref<80x64xi32, #tpu.memory_space<vmem>>) target_semaphore(%run_scoped3A : memref<!tpu.dma_semaphore, #tpu.memory_space<semaphore_mem>>)
      %dma_wait3A = arith.constant 0 : i32
      %dma_wait3A_57 = arith.constant 0 : i32
      %dma_wait3A_58 = tpu.memref_slice %arg3[%add3A, %dma_wait3A, %dma_wait3A_57] : memref<32x160x64xi32, #tpu.memory_space<hbm>> -> memref<1x160x64xi32, #tpu.memory_space<hbm>>
      %dma_wait3A_59 = tpu.memref_squeeze %dma_wait3A_58 : memref<1x160x64xi32, #tpu.memory_space<hbm>> -> memref<160x64xi32, #tpu.memory_space<hbm>>
      %dma_wait3A_60 = arith.constant 0 : i32
      %dma_wait3A_61 = arith.constant 0 : i32
      %dma_wait3A_62 = tpu.memref_slice %dma_wait3A_59[%dma_wait3A_60, %dma_wait3A_61] : memref<160x64xi32, #tpu.memory_space<hbm>> -> memref<80x64xi32, #tpu.memory_space<hbm>>
      %dma_wait3A_63 = arith.constant 0 : i32
      %dma_wait3A_64 = arith.constant 0 : i32
      %dma_wait3A_65 = tpu.memref_slice %arg3[%add3A, %dma_wait3A_63, %dma_wait3A_64] : memref<32x160x64xi32, #tpu.memory_space<hbm>> -> memref<1x160x64xi32, #tpu.memory_space<hbm>>
      %dma_wait3A_66 = tpu.memref_squeeze %dma_wait3A_65 : memref<1x160x64xi32, #tpu.memory_space<hbm>> -> memref<160x64xi32, #tpu.memory_space<hbm>>
      %dma_wait3A_67 = arith.constant 0 : i32
      %dma_wait3A_68 = arith.constant 0 : i32
      %dma_wait3A_69 = tpu.memref_slice %dma_wait3A_66[%dma_wait3A_67, %dma_wait3A_68] : memref<160x64xi32, #tpu.memory_space<hbm>> -> memref<80x64xi32, #tpu.memory_space<hbm>>
      tpu.wait_dma2 semaphore(%run_scoped3A : memref<!tpu.dma_semaphore, #tpu.memory_space<semaphore_mem>>) src(%dma_wait3A_69 : memref<80x64xi32, #tpu.memory_space<hbm>>) dst(%arg8 : memref<80x64xi32, #tpu.memory_space<vmem>>)
      tpu.yield
    }) : () -> ()
    "tpu.region"() ({
      %run_scoped3A = tpu.sem_alloc : memref<!tpu.dma_semaphore, #tpu.memory_space<semaphore_mem>>
      %dma_start3A_43 = arith.constant 0 : i32
      %dma_start3A_44 = arith.constant 0 : i32
      %dma_start3A_45 = tpu.memref_slice %arg4[%add3A, %dma_start3A_43, %dma_start3A_44] : memref<32x160x64xi32, #tpu.memory_space<hbm>> -> memref<1x160x64xi32, #tpu.memory_space<hbm>>
      %dma_start3A_46 = tpu.memref_squeeze %dma_start3A_45 : memref<1x160x64xi32, #tpu.memory_space<hbm>> -> memref<160x64xi32, #tpu.memory_space<hbm>>
      %dma_start3A_47 = arith.constant 0 : i32
      %dma_start3A_48 = arith.constant 0 : i32
      %dma_start3A_49 = tpu.memref_slice %dma_start3A_46[%dma_start3A_47, %dma_start3A_48] : memref<160x64xi32, #tpu.memory_space<hbm>> -> memref<80x64xi32, #tpu.memory_space<hbm>>
      %dma_start3A_50 = arith.constant 0 : i32
      %dma_start3A_51 = arith.constant 0 : i32
      %dma_start3A_52 = tpu.memref_slice %arg4[%add3A, %dma_start3A_50, %dma_start3A_51] : memref<32x160x64xi32, #tpu.memory_space<hbm>> -> memref<1x160x64xi32, #tpu.memory_space<hbm>>
      %dma_start3A_53 = tpu.memref_squeeze %dma_start3A_52 : memref<1x160x64xi32, #tpu.memory_space<hbm>> -> memref<160x64xi32, #tpu.memory_space<hbm>>
      %dma_start3A_54 = arith.constant 0 : i32
      %dma_start3A_55 = arith.constant 0 : i32
      %dma_start3A_56 = tpu.memref_slice %dma_start3A_53[%dma_start3A_54, %dma_start3A_55] : memref<160x64xi32, #tpu.memory_space<hbm>> -> memref<80x64xi32, #tpu.memory_space<hbm>>
      tpu.enqueue_dma source(%dma_start3A_56 : memref<80x64xi32, #tpu.memory_space<hbm>>) target(%arg9 : memref<80x64xi32, #tpu.memory_space<vmem>>) target_semaphore(%run_scoped3A : memref<!tpu.dma_semaphore, #tpu.memory_space<semaphore_mem>>)
      %dma_wait3A = arith.constant 0 : i32
      %dma_wait3A_57 = arith.constant 0 : i32
      %dma_wait3A_58 = tpu.memref_slice %arg4[%add3A, %dma_wait3A, %dma_wait3A_57] : memref<32x160x64xi32, #tpu.memory_space<hbm>> -> memref<1x160x64xi32, #tpu.memory_space<hbm>>
      %dma_wait3A_59 = tpu.memref_squeeze %dma_wait3A_58 : memref<1x160x64xi32, #tpu.memory_space<hbm>> -> memref<160x64xi32, #tpu.memory_space<hbm>>
      %dma_wait3A_60 = arith.constant 0 : i32
      %dma_wait3A_61 = arith.constant 0 : i32
      %dma_wait3A_62 = tpu.memref_slice %dma_wait3A_59[%dma_wait3A_60, %dma_wait3A_61] : memref<160x64xi32, #tpu.memory_space<hbm>> -> memref<80x64xi32, #tpu.memory_space<hbm>>
      %dma_wait3A_63 = arith.constant 0 : i32
      %dma_wait3A_64 = arith.constant 0 : i32
      %dma_wait3A_65 = tpu.memref_slice %arg4[%add3A, %dma_wait3A_63, %dma_wait3A_64] : memref<32x160x64xi32, #tpu.memory_space<hbm>> -> memref<1x160x64xi32, #tpu.memory_space<hbm>>
      %dma_wait3A_66 = tpu.memref_squeeze %dma_wait3A_65 : memref<1x160x64xi32, #tpu.memory_space<hbm>> -> memref<160x64xi32, #tpu.memory_space<hbm>>
      %dma_wait3A_67 = arith.constant 0 : i32
      %dma_wait3A_68 = arith.constant 0 : i32
      %dma_wait3A_69 = tpu.memref_slice %dma_wait3A_66[%dma_wait3A_67, %dma_wait3A_68] : memref<160x64xi32, #tpu.memory_space<hbm>> -> memref<80x64xi32, #tpu.memory_space<hbm>>
      tpu.wait_dma2 semaphore(%run_scoped3A : memref<!tpu.dma_semaphore, #tpu.memory_space<semaphore_mem>>) src(%dma_wait3A_69 : memref<80x64xi32, #tpu.memory_space<hbm>>) dst(%arg9 : memref<80x64xi32, #tpu.memory_space<vmem>>)
      tpu.yield
    }) : () -> ()
    %dma_start3A = arith.constant 0 : i32
    %dma_start3A_10 = arith.constant 0 : i32
    %dma_start3A_11 = tpu.memref_slice %arg8[%dma_start3A, %dma_start3A_10] : memref<80x64xi32, #tpu.memory_space<vmem>> -> memref<1x64xi32, #tpu.memory_space<vmem>>
    %dma_start3A_12 = tpu.memref_squeeze %dma_start3A_11 : memref<1x64xi32, #tpu.memory_space<vmem>> -> memref<64xi32, #tpu.memory_space<vmem>>
    %dma_start3A_13 = arith.constant 0 : i32
    %dma_start3A_14 = arith.constant 0 : i32
    %dma_start3A_15 = tpu.memref_slice %arg2[%dma_start3A_13, %dma_start3A_14] : memref<10240x128xf32, #tpu.memory_space<hbm>> -> memref<10240x128xf32, #tpu.memory_space<hbm>>
    tpu.enqueue_indirect_dma source(%dma_start3A_15 : memref<10240x128xf32, #tpu.memory_space<hbm>>) target(%arg10 : memref<64x128xf32, #tpu.memory_space<vmem>>) offsets(%dma_start3A_12 : memref<64xi32, #tpu.memory_space<vmem>>) semaphore(%arg13 : memref<!tpu.dma_semaphore, #tpu.memory_space<semaphore_mem>>)
    %scan3A = arith.constant 0 : i32
    %scan3A_16 = arith.constant 40 : i32
    %scan3A_17 = arith.addi %scan3A, %scan3A_16 : i32
    %scan3A_18 = arith.constant 1 : i32
    scf.for %scan3A_43 = %scan3A to %scan3A_17 step %scan3A_18  : i32 {
      %mul3A_44 = arith.constant 1 : i32
      %mul3A_45 = arith.muli %scan3A_43, %mul3A_44 : i32
      %add3A_46 = arith.constant 0 : i32
      %add3A_47 = arith.addi %add3A_46, %mul3A_45 : i32
      %mul3A_48 = arith.constant 2 : i32
      %mul3A_49 = arith.muli %mul3A_48, %add3A_47 : i32
      %add3A_50 = arith.constant 0 : i32
      %add3A_51 = arith.addi %add3A_50, %mul3A_49 : i32
      %dma_wait3A = arith.constant 0 : i32
      %dma_wait3A_52 = tpu.memref_slice %arg8[%add3A_51, %dma_wait3A] : memref<80x64xi32, #tpu.memory_space<vmem>> -> memref<1x64xi32, #tpu.memory_space<vmem>>
      %dma_wait3A_53 = tpu.memref_squeeze %dma_wait3A_52 : memref<1x64xi32, #tpu.memory_space<vmem>> -> memref<64xi32, #tpu.memory_space<vmem>>
      %dma_wait3A_54 = arith.constant 0 : i32
      %dma_wait3A_55 = arith.constant 0 : i32
      %dma_wait3A_56 = tpu.memref_slice %arg2[%dma_wait3A_54, %dma_wait3A_55] : memref<10240x128xf32, #tpu.memory_space<hbm>> -> memref<10240x128xf32, #tpu.memory_space<hbm>>
      tpu.wait_indirect_dma semaphore(%arg13 : memref<!tpu.dma_semaphore, #tpu.memory_space<semaphore_mem>>) src(%dma_wait3A_56 : memref<10240x128xf32, #tpu.memory_space<hbm>>) dst(%arg10 : memref<64x128xf32, #tpu.memory_space<vmem>>)
      %add3A_57 = arith.constant 1 : i32
      %add3A_58 = arith.addi %add3A_51, %add3A_57 : i32
      %dma_start3A_59 = arith.constant 0 : i32
      %dma_start3A_60 = tpu.memref_slice %arg8[%add3A_58, %dma_start3A_59] : memref<80x64xi32, #tpu.memory_space<vmem>> -> memref<1x64xi32, #tpu.memory_space<vmem>>
      %dma_start3A_61 = tpu.memref_squeeze %dma_start3A_60 : memref<1x64xi32, #tpu.memory_space<vmem>> -> memref<64xi32, #tpu.memory_space<vmem>>
      %dma_start3A_62 = arith.constant 0 : i32
      %dma_start3A_63 = arith.constant 0 : i32
      %dma_start3A_64 = tpu.memref_slice %arg2[%dma_start3A_62, %dma_start3A_63] : memref<10240x128xf32, #tpu.memory_space<hbm>> -> memref<10240x128xf32, #tpu.memory_space<hbm>>
      tpu.enqueue_indirect_dma source(%dma_start3A_64 : memref<10240x128xf32, #tpu.memory_space<hbm>>) target(%arg11 : memref<64x128xf32, #tpu.memory_space<vmem>>) offsets(%dma_start3A_61 : memref<64xi32, #tpu.memory_space<vmem>>) semaphore(%arg14 : memref<!tpu.dma_semaphore, #tpu.memory_space<semaphore_mem>>)
      %add3A_65 = arith.constant 1 : i32
      %add3A_66 = arith.addi %add3A_51, %add3A_65 : i32
      %dma_wait3A_67 = arith.constant 0 : i32
      %dma_wait3A_68 = tpu.memref_slice %arg8[%add3A_66, %dma_wait3A_67] : memref<80x64xi32, #tpu.memory_space<vmem>> -> memref<1x64xi32, #tpu.memory_space<vmem>>
      %dma_wait3A_69 = tpu.memref_squeeze %dma_wait3A_68 : memref<1x64xi32, #tpu.memory_space<vmem>> -> memref<64xi32, #tpu.memory_space<vmem>>
      %dma_wait3A_70 = arith.constant 0 : i32
      %dma_wait3A_71 = arith.constant 0 : i32
      %dma_wait3A_72 = tpu.memref_slice %arg2[%dma_wait3A_70, %dma_wait3A_71] : memref<10240x128xf32, #tpu.memory_space<hbm>> -> memref<10240x128xf32, #tpu.memory_space<hbm>>
      tpu.wait_indirect_dma semaphore(%arg14 : memref<!tpu.dma_semaphore, #tpu.memory_space<semaphore_mem>>) src(%dma_wait3A_72 : memref<10240x128xf32, #tpu.memory_space<hbm>>) dst(%arg11 : memref<64x128xf32, #tpu.memory_space<vmem>>)
      %add3A_73 = arith.constant 2 : i32
      %add3A_74 = arith.addi %add3A_51, %add3A_73 : i32
      %lt3A = arith.constant 80 : i32
      %lt3A_75 = arith.cmpi slt, %add3A_74, %lt3A : i32
      %convert_element_type3A_76 = arith.extui %lt3A_75 : i1 to i32
      %cond3A_77 = arith.constant 0 : i32
      %cond3A_78 = arith.cmpi ne, %convert_element_type3A_76, %cond3A_77 : i32
      scf.if %cond3A_78 {
        %add3A_79 = arith.constant 2 : i32
        %add3A_80 = arith.addi %add3A_51, %add3A_79 : i32
        %dma_start3A_81 = arith.constant 0 : i32
        %dma_start3A_82 = tpu.memref_slice %arg8[%add3A_80, %dma_start3A_81] : memref<80x64xi32, #tpu.memory_space<vmem>> -> memref<1x64xi32, #tpu.memory_space<vmem>>
        %dma_start3A_83 = tpu.memref_squeeze %dma_start3A_82 : memref<1x64xi32, #tpu.memory_space<vmem>> -> memref<64xi32, #tpu.memory_space<vmem>>
        %dma_start3A_84 = arith.constant 0 : i32
        %dma_start3A_85 = arith.constant 0 : i32
        %dma_start3A_86 = tpu.memref_slice %arg2[%dma_start3A_84, %dma_start3A_85] : memref<10240x128xf32, #tpu.memory_space<hbm>> -> memref<10240x128xf32, #tpu.memory_space<hbm>>
        tpu.enqueue_indirect_dma source(%dma_start3A_86 : memref<10240x128xf32, #tpu.memory_space<hbm>>) target(%arg10 : memref<64x128xf32, #tpu.memory_space<vmem>>) offsets(%dma_start3A_83 : memref<64xi32, #tpu.memory_space<vmem>>) semaphore(%arg13 : memref<!tpu.dma_semaphore, #tpu.memory_space<semaphore_mem>>)
      } else {
      }
    }
    %scan3A_19 = arith.constant 40 : i32
    "tpu.region"() ({
      %run_scoped3A = tpu.sem_alloc : memref<!tpu.dma_semaphore, #tpu.memory_space<semaphore_mem>>
      %dma_start3A_43 = arith.constant 0 : i32
      %dma_start3A_44 = arith.constant 0 : i32
      %dma_start3A_45 = tpu.memref_slice %arg3[%add3A, %dma_start3A_43, %dma_start3A_44] : memref<32x160x64xi32, #tpu.memory_space<hbm>> -> memref<1x160x64xi32, #tpu.memory_space<hbm>>
      %dma_start3A_46 = tpu.memref_squeeze %dma_start3A_45 : memref<1x160x64xi32, #tpu.memory_space<hbm>> -> memref<160x64xi32, #tpu.memory_space<hbm>>
      %dma_start3A_47 = arith.constant 80 : i32
      %dma_start3A_48 = arith.constant 0 : i32
      %dma_start3A_49 = tpu.memref_slice %dma_start3A_46[%dma_start3A_47, %dma_start3A_48] : memref<160x64xi32, #tpu.memory_space<hbm>> -> memref<80x64xi32, #tpu.memory_space<hbm>>
      %dma_start3A_50 = arith.constant 0 : i32
      %dma_start3A_51 = arith.constant 0 : i32
      %dma_start3A_52 = tpu.memref_slice %arg3[%add3A, %dma_start3A_50, %dma_start3A_51] : memref<32x160x64xi32, #tpu.memory_space<hbm>> -> memref<1x160x64xi32, #tpu.memory_space<hbm>>
      %dma_start3A_53 = tpu.memref_squeeze %dma_start3A_52 : memref<1x160x64xi32, #tpu.memory_space<hbm>> -> memref<160x64xi32, #tpu.memory_space<hbm>>
      %dma_start3A_54 = arith.constant 80 : i32
      %dma_start3A_55 = arith.constant 0 : i32
      %dma_start3A_56 = tpu.memref_slice %dma_start3A_53[%dma_start3A_54, %dma_start3A_55] : memref<160x64xi32, #tpu.memory_space<hbm>> -> memref<80x64xi32, #tpu.memory_space<hbm>>
      tpu.enqueue_dma source(%dma_start3A_56 : memref<80x64xi32, #tpu.memory_space<hbm>>) target(%arg8 : memref<80x64xi32, #tpu.memory_space<vmem>>) target_semaphore(%run_scoped3A : memref<!tpu.dma_semaphore, #tpu.memory_space<semaphore_mem>>)
      %dma_wait3A = arith.constant 0 : i32
      %dma_wait3A_57 = arith.constant 0 : i32
      %dma_wait3A_58 = tpu.memref_slice %arg3[%add3A, %dma_wait3A, %dma_wait3A_57] : memref<32x160x64xi32, #tpu.memory_space<hbm>> -> memref<1x160x64xi32, #tpu.memory_space<hbm>>
      %dma_wait3A_59 = tpu.memref_squeeze %dma_wait3A_58 : memref<1x160x64xi32, #tpu.memory_space<hbm>> -> memref<160x64xi32, #tpu.memory_space<hbm>>
      %dma_wait3A_60 = arith.constant 80 : i32
      %dma_wait3A_61 = arith.constant 0 : i32
      %dma_wait3A_62 = tpu.memref_slice %dma_wait3A_59[%dma_wait3A_60, %dma_wait3A_61] : memref<160x64xi32, #tpu.memory_space<hbm>> -> memref<80x64xi32, #tpu.memory_space<hbm>>
      %dma_wait3A_63 = arith.constant 0 : i32
      %dma_wait3A_64 = arith.constant 0 : i32
      %dma_wait3A_65 = tpu.memref_slice %arg3[%add3A, %dma_wait3A_63, %dma_wait3A_64] : memref<32x160x64xi32, #tpu.memory_space<hbm>> -> memref<1x160x64xi32, #tpu.memory_space<hbm>>
      %dma_wait3A_66 = tpu.memref_squeeze %dma_wait3A_65 : memref<1x160x64xi32, #tpu.memory_space<hbm>> -> memref<160x64xi32, #tpu.memory_space<hbm>>
      %dma_wait3A_67 = arith.constant 80 : i32
      %dma_wait3A_68 = arith.constant 0 : i32
      %dma_wait3A_69 = tpu.memref_slice %dma_wait3A_66[%dma_wait3A_67, %dma_wait3A_68] : memref<160x64xi32, #tpu.memory_space<hbm>> -> memref<80x64xi32, #tpu.memory_space<hbm>>
      tpu.wait_dma2 semaphore(%run_scoped3A : memref<!tpu.dma_semaphore, #tpu.memory_space<semaphore_mem>>) src(%dma_wait3A_69 : memref<80x64xi32, #tpu.memory_space<hbm>>) dst(%arg8 : memref<80x64xi32, #tpu.memory_space<vmem>>)
      tpu.yield
    }) : () -> ()
    "tpu.region"() ({
      %run_scoped3A = tpu.sem_alloc : memref<!tpu.dma_semaphore, #tpu.memory_space<semaphore_mem>>
      %dma_start3A_43 = arith.constant 0 : i32
      %dma_start3A_44 = arith.constant 0 : i32
      %dma_start3A_45 = tpu.memref_slice %arg4[%add3A, %dma_start3A_43, %dma_start3A_44] : memref<32x160x64xi32, #tpu.memory_space<hbm>> -> memref<1x160x64xi32, #tpu.memory_space<hbm>>
      %dma_start3A_46 = tpu.memref_squeeze %dma_start3A_45 : memref<1x160x64xi32, #tpu.memory_space<hbm>> -> memref<160x64xi32, #tpu.memory_space<hbm>>
      %dma_start3A_47 = arith.constant 80 : i32
      %dma_start3A_48 = arith.constant 0 : i32
      %dma_start3A_49 = tpu.memref_slice %dma_start3A_46[%dma_start3A_47, %dma_start3A_48] : memref<160x64xi32, #tpu.memory_space<hbm>> -> memref<80x64xi32, #tpu.memory_space<hbm>>
      %dma_start3A_50 = arith.constant 0 : i32
      %dma_start3A_51 = arith.constant 0 : i32
      %dma_start3A_52 = tpu.memref_slice %arg4[%add3A, %dma_start3A_50, %dma_start3A_51] : memref<32x160x64xi32, #tpu.memory_space<hbm>> -> memref<1x160x64xi32, #tpu.memory_space<hbm>>
      %dma_start3A_53 = tpu.memref_squeeze %dma_start3A_52 : memref<1x160x64xi32, #tpu.memory_space<hbm>> -> memref<160x64xi32, #tpu.memory_space<hbm>>
      %dma_start3A_54 = arith.constant 80 : i32
      %dma_start3A_55 = arith.constant 0 : i32
      %dma_start3A_56 = tpu.memref_slice %dma_start3A_53[%dma_start3A_54, %dma_start3A_55] : memref<160x64xi32, #tpu.memory_space<hbm>> -> memref<80x64xi32, #tpu.memory_space<hbm>>
      tpu.enqueue_dma source(%dma_start3A_56 : memref<80x64xi32, #tpu.memory_space<hbm>>) target(%arg9 : memref<80x64xi32, #tpu.memory_space<vmem>>) target_semaphore(%run_scoped3A : memref<!tpu.dma_semaphore, #tpu.memory_space<semaphore_mem>>)
      %dma_wait3A = arith.constant 0 : i32
      %dma_wait3A_57 = arith.constant 0 : i32
      %dma_wait3A_58 = tpu.memref_slice %arg4[%add3A, %dma_wait3A, %dma_wait3A_57] : memref<32x160x64xi32, #tpu.memory_space<hbm>> -> memref<1x160x64xi32, #tpu.memory_space<hbm>>
      %dma_wait3A_59 = tpu.memref_squeeze %dma_wait3A_58 : memref<1x160x64xi32, #tpu.memory_space<hbm>> -> memref<160x64xi32, #tpu.memory_space<hbm>>
      %dma_wait3A_60 = arith.constant 80 : i32
      %dma_wait3A_61 = arith.constant 0 : i32
      %dma_wait3A_62 = tpu.memref_slice %dma_wait3A_59[%dma_wait3A_60, %dma_wait3A_61] : memref<160x64xi32, #tpu.memory_space<hbm>> -> memref<80x64xi32, #tpu.memory_space<hbm>>
      %dma_wait3A_63 = arith.constant 0 : i32
      %dma_wait3A_64 = arith.constant 0 : i32
      %dma_wait3A_65 = tpu.memref_slice %arg4[%add3A, %dma_wait3A_63, %dma_wait3A_64] : memref<32x160x64xi32, #tpu.memory_space<hbm>> -> memref<1x160x64xi32, #tpu.memory_space<hbm>>
      %dma_wait3A_66 = tpu.memref_squeeze %dma_wait3A_65 : memref<1x160x64xi32, #tpu.memory_space<hbm>> -> memref<160x64xi32, #tpu.memory_space<hbm>>
      %dma_wait3A_67 = arith.constant 80 : i32
      %dma_wait3A_68 = arith.constant 0 : i32
      %dma_wait3A_69 = tpu.memref_slice %dma_wait3A_66[%dma_wait3A_67, %dma_wait3A_68] : memref<160x64xi32, #tpu.memory_space<hbm>> -> memref<80x64xi32, #tpu.memory_space<hbm>>
      tpu.wait_dma2 semaphore(%run_scoped3A : memref<!tpu.dma_semaphore, #tpu.memory_space<semaphore_mem>>) src(%dma_wait3A_69 : memref<80x64xi32, #tpu.memory_space<hbm>>) dst(%arg9 : memref<80x64xi32, #tpu.memory_space<vmem>>)
      tpu.yield
    }) : () -> ()
    %dma_start3A_20 = arith.constant 0 : i32
    %dma_start3A_21 = arith.constant 0 : i32
    %dma_start3A_22 = tpu.memref_slice %arg8[%dma_start3A_20, %dma_start3A_21] : memref<80x64xi32, #tpu.memory_space<vmem>> -> memref<1x64xi32, #tpu.memory_space<vmem>>
    %dma_start3A_23 = tpu.memref_squeeze %dma_start3A_22 : memref<1x64xi32, #tpu.memory_space<vmem>> -> memref<64xi32, #tpu.memory_space<vmem>>
    %dma_start3A_24 = arith.constant 0 : i32
    %dma_start3A_25 = arith.constant 0 : i32
    %dma_start3A_26 = tpu.memref_slice %arg2[%dma_start3A_24, %dma_start3A_25] : memref<10240x128xf32, #tpu.memory_space<hbm>> -> memref<10240x128xf32, #tpu.memory_space<hbm>>
    tpu.enqueue_indirect_dma source(%dma_start3A_26 : memref<10240x128xf32, #tpu.memory_space<hbm>>) target(%arg10 : memref<64x128xf32, #tpu.memory_space<vmem>>) offsets(%dma_start3A_23 : memref<64xi32, #tpu.memory_space<vmem>>) semaphore(%arg13 : memref<!tpu.dma_semaphore, #tpu.memory_space<semaphore_mem>>)
    %scan3A_27 = arith.constant 0 : i32
    %scan3A_28 = arith.constant 40 : i32
    %scan3A_29 = arith.addi %scan3A_27, %scan3A_28 : i32
    %scan3A_30 = arith.constant 1 : i32
    scf.for %scan3A_43 = %scan3A_27 to %scan3A_29 step %scan3A_30  : i32 {
      %mul3A_44 = arith.constant 1 : i32
      %mul3A_45 = arith.muli %scan3A_43, %mul3A_44 : i32
      %add3A_46 = arith.constant 0 : i32
      %add3A_47 = arith.addi %add3A_46, %mul3A_45 : i32
      %mul3A_48 = arith.constant 2 : i32
      %mul3A_49 = arith.muli %mul3A_48, %add3A_47 : i32
      %add3A_50 = arith.constant 0 : i32
      %add3A_51 = arith.addi %add3A_50, %mul3A_49 : i32
      %dma_wait3A = arith.constant 0 : i32
      %dma_wait3A_52 = tpu.memref_slice %arg8[%add3A_51, %dma_wait3A] : memref<80x64xi32, #tpu.memory_space<vmem>> -> memref<1x64xi32, #tpu.memory_space<vmem>>
      %dma_wait3A_53 = tpu.memref_squeeze %dma_wait3A_52 : memref<1x64xi32, #tpu.memory_space<vmem>> -> memref<64xi32, #tpu.memory_space<vmem>>
      %dma_wait3A_54 = arith.constant 0 : i32
      %dma_wait3A_55 = arith.constant 0 : i32
      %dma_wait3A_56 = tpu.memref_slice %arg2[%dma_wait3A_54, %dma_wait3A_55] : memref<10240x128xf32, #tpu.memory_space<hbm>> -> memref<10240x128xf32, #tpu.memory_space<hbm>>
      tpu.wait_indirect_dma semaphore(%arg13 : memref<!tpu.dma_semaphore, #tpu.memory_space<semaphore_mem>>) src(%dma_wait3A_56 : memref<10240x128xf32, #tpu.memory_space<hbm>>) dst(%arg10 : memref<64x128xf32, #tpu.memory_space<vmem>>)
      %add3A_57 = arith.constant 1 : i32
      %add3A_58 = arith.addi %add3A_51, %add3A_57 : i32
      %dma_start3A_59 = arith.constant 0 : i32
      %dma_start3A_60 = tpu.memref_slice %arg8[%add3A_58, %dma_start3A_59] : memref<80x64xi32, #tpu.memory_space<vmem>> -> memref<1x64xi32, #tpu.memory_space<vmem>>
      %dma_start3A_61 = tpu.memref_squeeze %dma_start3A_60 : memref<1x64xi32, #tpu.memory_space<vmem>> -> memref<64xi32, #tpu.memory_space<vmem>>
      %dma_start3A_62 = arith.constant 0 : i32
      %dma_start3A_63 = arith.constant 0 : i32
      %dma_start3A_64 = tpu.memref_slice %arg2[%dma_start3A_62, %dma_start3A_63] : memref<10240x128xf32, #tpu.memory_space<hbm>> -> memref<10240x128xf32, #tpu.memory_space<hbm>>
      tpu.enqueue_indirect_dma source(%dma_start3A_64 : memref<10240x128xf32, #tpu.memory_space<hbm>>) target(%arg11 : memref<64x128xf32, #tpu.memory_space<vmem>>) offsets(%dma_start3A_61 : memref<64xi32, #tpu.memory_space<vmem>>) semaphore(%arg14 : memref<!tpu.dma_semaphore, #tpu.memory_space<semaphore_mem>>)
      %add3A_65 = arith.constant 1 : i32
      %add3A_66 = arith.addi %add3A_51, %add3A_65 : i32
      %dma_wait3A_67 = arith.constant 0 : i32
      %dma_wait3A_68 = tpu.memref_slice %arg8[%add3A_66, %dma_wait3A_67] : memref<80x64xi32, #tpu.memory_space<vmem>> -> memref<1x64xi32, #tpu.memory_space<vmem>>
      %dma_wait3A_69 = tpu.memref_squeeze %dma_wait3A_68 : memref<1x64xi32, #tpu.memory_space<vmem>> -> memref<64xi32, #tpu.memory_space<vmem>>
      %dma_wait3A_70 = arith.constant 0 : i32
      %dma_wait3A_71 = arith.constant 0 : i32
      %dma_wait3A_72 = tpu.memref_slice %arg2[%dma_wait3A_70, %dma_wait3A_71] : memref<10240x128xf32, #tpu.memory_space<hbm>> -> memref<10240x128xf32, #tpu.memory_space<hbm>>
      tpu.wait_indirect_dma semaphore(%arg14 : memref<!tpu.dma_semaphore, #tpu.memory_space<semaphore_mem>>) src(%dma_wait3A_72 : memref<10240x128xf32, #tpu.memory_space<hbm>>) dst(%arg11 : memref<64x128xf32, #tpu.memory_space<vmem>>)
      %add3A_73 = arith.constant 2 : i32
      %add3A_74 = arith.addi %add3A_51, %add3A_73 : i32
      %lt3A = arith.constant 80 : i32
      %lt3A_75 = arith.cmpi slt, %add3A_74, %lt3A : i32
      %convert_element_type3A_76 = arith.extui %lt3A_75 : i1 to i32
      %cond3A_77 = arith.constant 0 : i32
      %cond3A_78 = arith.cmpi ne, %convert_element_type3A_76, %cond3A_77 : i32
      scf.if %cond3A_78 {
        %add3A_79 = arith.constant 2 : i32
        %add3A_80 = arith.addi %add3A_51, %add3A_79 : i32
        %dma_start3A_81 = arith.constant 0 : i32
        %dma_start3A_82 = tpu.memref_slice %arg8[%add3A_80, %dma_start3A_81] : memref<80x64xi32, #tpu.memory_space<vmem>> -> memref<1x64xi32, #tpu.memory_space<vmem>>
        %dma_start3A_83 = tpu.memref_squeeze %dma_start3A_82 : memref<1x64xi32, #tpu.memory_space<vmem>> -> memref<64xi32, #tpu.memory_space<vmem>>
        %dma_start3A_84 = arith.constant 0 : i32
        %dma_start3A_85 = arith.constant 0 : i32
        %dma_start3A_86 = tpu.memref_slice %arg2[%dma_start3A_84, %dma_start3A_85] : memref<10240x128xf32, #tpu.memory_space<hbm>> -> memref<10240x128xf32, #tpu.memory_space<hbm>>
        tpu.enqueue_indirect_dma source(%dma_start3A_86 : memref<10240x128xf32, #tpu.memory_space<hbm>>) target(%arg10 : memref<64x128xf32, #tpu.memory_space<vmem>>) offsets(%dma_start3A_83 : memref<64xi32, #tpu.memory_space<vmem>>) semaphore(%arg13 : memref<!tpu.dma_semaphore, #tpu.memory_space<semaphore_mem>>)
      } else {
      }
    }
    %scan3A_31 = arith.constant 40 : i32
    %barrier3A_32 = arith.constant 0 : index
    tpu.barrier barrier_id(%barrier3A_32)
    %eq3A_33 = arith.constant 0 : i32
    %eq3A_34 = arith.cmpi eq, %arg0, %eq3A_33 : i32
    %convert_element_type3A_35 = arith.extui %eq3A_34 : i1 to i32
    %cond3A_36 = arith.constant 0 : i32
    %cond3A_37 = arith.cmpi ne, %convert_element_type3A_35, %cond3A_36 : i32
    scf.if %cond3A_37 {
      "tpu.region"() ({
        %run_scoped3A = tpu.sem_alloc : memref<!tpu.dma_semaphore, #tpu.memory_space<semaphore_mem>>
        %dma_start3A_43 = arith.constant 0 : i32
        %dma_start3A_44 = tpu.memref_slice %arg6[%mul3A_0, %dma_start3A_43] : memref<10240x128xf32, #tpu.memory_space<hbm>> -> memref<640x128xf32, #tpu.memory_space<hbm>>
        %dma_start3A_45 = arith.constant 0 : i32
        %dma_start3A_46 = tpu.memref_slice %arg12[%mul3A_0, %dma_start3A_45] : memref<10240x128xf32, #tpu.memory_space<vmem_shared>> -> memref<640x128xf32, #tpu.memory_space<vmem_shared>>
        tpu.enqueue_dma source(%dma_start3A_46 : memref<640x128xf32, #tpu.memory_space<vmem_shared>>) target(%dma_start3A_44 : memref<640x128xf32, #tpu.memory_space<hbm>>) target_semaphore(%run_scoped3A : memref<!tpu.dma_semaphore, #tpu.memory_space<semaphore_mem>>)
        %dma_wait3A = arith.constant 0 : i32
        %dma_wait3A_47 = tpu.memref_slice %arg6[%mul3A_0, %dma_wait3A] : memref<10240x128xf32, #tpu.memory_space<hbm>> -> memref<640x128xf32, #tpu.memory_space<hbm>>
        %dma_wait3A_48 = arith.constant 0 : i32
        %dma_wait3A_49 = tpu.memref_slice %arg12[%mul3A_0, %dma_wait3A_48] : memref<10240x128xf32, #tpu.memory_space<vmem_shared>> -> memref<640x128xf32, #tpu.memory_space<vmem_shared>>
        tpu.wait_dma2 semaphore(%run_scoped3A : memref<!tpu.dma_semaphore, #tpu.memory_space<semaphore_mem>>) src(%dma_wait3A_49 : memref<640x128xf32, #tpu.memory_space<vmem_shared>>) dst(%dma_wait3A_47 : memref<640x128xf32, #tpu.memory_space<hbm>>)
        tpu.yield
      }) : () -> ()
    } else {
    }
    %eq3A_38 = arith.constant 1 : i32
    %eq3A_39 = arith.cmpi eq, %arg0, %eq3A_38 : i32
    %convert_element_type3A_40 = arith.extui %eq3A_39 : i1 to i32
    %cond3A_41 = arith.constant 0 : i32
    %cond3A_42 = arith.cmpi ne, %convert_element_type3A_40, %cond3A_41 : i32
    scf.if %cond3A_42 {
      "tpu.region"() ({
        %run_scoped3A = tpu.sem_alloc : memref<!tpu.dma_semaphore, #tpu.memory_space<semaphore_mem>>
        %dma_start3A_43 = arith.constant 0 : i32
        %dma_start3A_44 = tpu.memref_slice %arg7[%mul3A_0, %dma_start3A_43] : memref<10240x128xf32, #tpu.memory_space<hbm>> -> memref<640x128xf32, #tpu.memory_space<hbm>>
        %dma_start3A_45 = arith.constant 0 : i32
        %dma_start3A_46 = tpu.memref_slice %arg12[%mul3A_0, %dma_start3A_45] : memref<10240x128xf32, #tpu.memory_space<vmem_shared>> -> memref<640x128xf32, #tpu.memory_space<vmem_shared>>
        tpu.enqueue_dma source(%dma_start3A_46 : memref<640x128xf32, #tpu.memory_space<vmem_shared>>) target(%dma_start3A_44 : memref<640x128xf32, #tpu.memory_space<hbm>>) target_semaphore(%run_scoped3A : memref<!tpu.dma_semaphore, #tpu.memory_space<semaphore_mem>>)
        %dma_wait3A = arith.constant 0 : i32
        %dma_wait3A_47 = tpu.memref_slice %arg7[%mul3A_0, %dma_wait3A] : memref<10240x128xf32, #tpu.memory_space<hbm>> -> memref<640x128xf32, #tpu.memory_space<hbm>>
        %dma_wait3A_48 = arith.constant 0 : i32
        %dma_wait3A_49 = tpu.memref_slice %arg12[%mul3A_0, %dma_wait3A_48] : memref<10240x128xf32, #tpu.memory_space<vmem_shared>> -> memref<640x128xf32, #tpu.memory_space<vmem_shared>>
        tpu.wait_dma2 semaphore(%run_scoped3A : memref<!tpu.dma_semaphore, #tpu.memory_space<semaphore_mem>>) src(%dma_wait3A_49 : memref<640x128xf32, #tpu.memory_space<vmem_shared>>) dst(%dma_wait3A_47 : memref<640x128xf32, #tpu.memory_space<hbm>>)
        tpu.yield
      }) : () -> ()
    } else {
    }
    return
  }
}

module attributes {stable_mosaic.version = 14 : i64} {
  func.func @_tc0_body(%arg0: i32, %arg1: memref<1024x128xf32, #tpu.memory_space<vmem>>, %arg2: memref<1024x128xf32, #tpu.memory_space<vmem>>, %arg3: memref<1024x128xf32, #tpu.memory_space<vmem>>, %arg4: memref<1024x16xf32, #tpu.memory_space<vmem>>, %arg5: memref<1024x128xf32, #tpu.memory_space<vmem>>) attributes {dimension_semantics = [#tpu.dimension_semantics<arbitrary>], iteration_bounds = array<i64: 10>, scalar_prefetch = 0 : i64, scratch_operands = 0 : i64, tpu.core_type = #tpu.core_type<tc>, window_params = [{transform_indices = @transform_0, window_bounds = array<i64: 1024, 128>}, {transform_indices = @transform_1, window_bounds = array<i64: 1024, 128>}, {transform_indices = @transform_2, window_bounds = array<i64: 1024, 128>}, {transform_indices = @transform_3, window_bounds = array<i64: 1024, 16>}, {transform_indices = @transform_4, window_bounds = array<i64: 1024, 128>}]} {
    %get3A = arith.constant 0 : index
    %get3A_0 = arith.constant 0 : index
    %get3A_1 = vector.load %arg1[%get3A, %get3A_0] : memref<1024x128xf32, #tpu.memory_space<vmem>>, vector<1024x1xf32>
    %get3A_2 = arith.constant 0 : index
    %get3A_3 = arith.constant 0 : index
    %get3A_4 = vector.load %arg2[%get3A_2, %get3A_3] : memref<1024x128xf32, #tpu.memory_space<vmem>>, vector<1024x1xf32>
    %add3A = arith.addf %get3A_1, %get3A_4 : vector<1024x1xf32>
    %rsqrt3A = math.rsqrt %add3A : vector<1024x1xf32>
    %broadcast_in_dim3A = vector.shape_cast %rsqrt3A : vector<1024x1xf32> to vector<1024x1xf32>
    %broadcast_in_dim3A_5 = vector.broadcast %broadcast_in_dim3A : vector<1024x1xf32> to vector<1024x16xf32>
    %swap3A = arith.constant 0 : index
    %swap3A_6 = arith.constant 0 : index
    %swap3A_7 = vector.load %arg4[%swap3A, %swap3A_6] : memref<1024x16xf32, #tpu.memory_space<vmem>>, vector<1024x16xf32>
    tpu.vector_store %arg4[%swap3A, %swap3A_6], %broadcast_in_dim3A_5 {strides = array<i32>} : memref<1024x16xf32, #tpu.memory_space<vmem>>, vector<1024x16xf32>,
    %get3A_8 = arith.constant 0 : index
    %get3A_9 = arith.constant 0 : index
    %get3A_10 = vector.load %arg3[%get3A_8, %get3A_9] : memref<1024x128xf32, #tpu.memory_space<vmem>>, vector<1024x128xf32>
    %mul3A = vector.broadcast %rsqrt3A : vector<1024x1xf32> to vector<1024x128xf32>
    %mul3A_11 = arith.mulf %get3A_10, %mul3A : vector<1024x128xf32>
    %swap3A_12 = arith.constant 0 : index
    %swap3A_13 = arith.constant 0 : index
    %swap3A_14 = vector.load %arg5[%swap3A_12, %swap3A_13] : memref<1024x128xf32, #tpu.memory_space<vmem>>, vector<1024x128xf32>
    tpu.vector_store %arg5[%swap3A_12, %swap3A_13], %mul3A_11 {strides = array<i32>} : memref<1024x128xf32, #tpu.memory_space<vmem>>, vector<1024x128xf32>,
    return
  }
  func.func @transform_0(%arg0: i32) -> (i32, i32) {
    %c0_i32 = arith.constant 0 : i32
    %c0_i32_0 = arith.constant 0 : i32
    return %arg0, %c0_i32 : i32, i32
  }
  func.func @transform_1(%arg0: i32) -> (i32, i32) {
    %c0_i32 = arith.constant 0 : i32
    %c0_i32_0 = arith.constant 0 : i32
    return %arg0, %c0_i32 : i32, i32
  }
  func.func @transform_2(%arg0: i32) -> (i32, i32) {
    %c0_i32 = arith.constant 0 : i32
    %c0_i32_0 = arith.constant 0 : i32
    return %arg0, %c0_i32 : i32, i32
  }
  func.func @transform_3(%arg0: i32) -> (i32, i32) {
    %c0_i32 = arith.constant 0 : i32
    %c0_i32_0 = arith.constant 0 : i32
    return %arg0, %c0_i32 : i32, i32
  }
  func.func @transform_4(%arg0: i32) -> (i32, i32) {
    %c0_i32 = arith.constant 0 : i32
    %c0_i32_0 = arith.constant 0 : i32
    return %arg0, %c0_i32 : i32, i32
  }
}

module attributes {stable_mosaic.version = 14 : i64} {
  func.func @_tc_aa_body(%arg0: i32, %arg1: memref<1024x16xf32, #tpu.memory_space<vmem>>, %arg2: memref<1024x128xf32, #tpu.memory_space<vmem>>, %arg3: memref<1024x128xf32, #tpu.memory_space<vmem>>, %arg4: memref<128x128xf32, #tpu.memory_space<vmem>>, %arg5: memref<1x128xf32, #tpu.memory_space<vmem>>, %arg6: memref<1024x128xf32, #tpu.memory_space<vmem>>) attributes {dimension_semantics = [#tpu.dimension_semantics<arbitrary>], iteration_bounds = array<i64: 10>, scalar_prefetch = 0 : i64, scratch_operands = 0 : i64, tpu.core_type = #tpu.core_type<tc>, window_params = [{transform_indices = @transform_0, window_bounds = array<i64: 1024, 16>}, {transform_indices = @transform_1, window_bounds = array<i64: 1024, 128>}, {transform_indices = @transform_2, window_bounds = array<i64: 1024, 128>}, {pipeline_mode = #tpu.pipeline_mode<synchronous>, transform_indices = @transform_3, window_bounds = array<i64: 128, 128>}, {pipeline_mode = #tpu.pipeline_mode<synchronous>, transform_indices = @transform_4, window_bounds = array<i64: 1, 128>}, {transform_indices = @transform_5, window_bounds = array<i64: 1024, 128>}]} {
    %get3A = arith.constant 0 : index
    %get3A_0 = arith.constant 0 : index
    %get3A_1 = vector.load %arg1[%get3A, %get3A_0] : memref<1024x16xf32, #tpu.memory_space<vmem>>, vector<1024x1xf32>
    %get3A_2 = arith.constant 0 : index
    %get3A_3 = arith.constant 0 : index
    %get3A_4 = vector.load %arg2[%get3A_2, %get3A_3] : memref<1024x128xf32, #tpu.memory_space<vmem>>, vector<1024x128xf32>
    %get3A_5 = arith.constant 0 : index
    %get3A_6 = arith.constant 0 : index
    %get3A_7 = vector.load %arg3[%get3A_5, %get3A_6] : memref<1024x128xf32, #tpu.memory_space<vmem>>, vector<1024x128xf32>
    %add3A = arith.addf %get3A_4, %get3A_7 : vector<1024x128xf32>
    %mul3A = vector.broadcast %get3A_1 : vector<1024x1xf32> to vector<1024x128xf32>
    %mul3A_8 = arith.mulf %add3A, %mul3A : vector<1024x128xf32>
    %get3A_9 = arith.constant 0 : index
    %get3A_10 = arith.constant 0 : index
    %get3A_11 = vector.load %arg4[%get3A_9, %get3A_10] : memref<128x128xf32, #tpu.memory_space<vmem>>, vector<128x128xf32>
    %dot_general3A = arith.constant dense<0.000000e+00> : vector<1024x128xf32>
    %dot_general3A_12 = tpu.matmul %mul3A_8, %get3A_11, %dot_general3A {dimension_numbers = #tpu.dot_dimension_numbers<[1], [0], [0], [1], [0, 0, 1, 1], [], []>, precision = #tpu.contract_precision<fp32>, transpose_lhs_hint = false} : vector<1024x128xf32>, vector<128x128xf32>, vector<1024x128xf32> -> vector<1024x128xf32>
    %get3A_13 = arith.constant 0 : index
    %get3A_14 = arith.constant 0 : index
    %get3A_15 = vector.load %arg5[%get3A_13, %get3A_14] : memref<1x128xf32, #tpu.memory_space<vmem>>, vector<1x128xf32>
    %add3A_16 = vector.broadcast %get3A_15 : vector<1x128xf32> to vector<1024x128xf32>
    %add3A_17 = arith.addf %dot_general3A_12, %add3A_16 : vector<1024x128xf32>
    %ge3A = arith.constant 0.000000e+00 : f32
    %ge3A_18 = vector.broadcast %ge3A : f32 to vector<1024x128xf32>
    %ge3A_19 = arith.cmpf oge, %add3A_17, %ge3A_18 : vector<1024x128xf32>
    %mul3A_20 = arith.constant 0.00999999977 : f32
    %mul3A_21 = vector.broadcast %mul3A_20 : f32 to vector<1024x128xf32>
    %mul3A_22 = arith.mulf %mul3A_21, %add3A_17 : vector<1024x128xf32>
    %select_n3A = arith.select %ge3A_19, %add3A_17, %mul3A_22 : vector<1024x128xi1>, vector<1024x128xf32>
    %mul3A_23 = vector.broadcast %get3A_1 : vector<1024x1xf32> to vector<1024x128xf32>
    %mul3A_24 = arith.mulf %select_n3A, %mul3A_23 : vector<1024x128xf32>
    %swap3A = arith.constant 0 : index
    %swap3A_25 = arith.constant 0 : index
    %swap3A_26 = vector.load %arg6[%swap3A, %swap3A_25] : memref<1024x128xf32, #tpu.memory_space<vmem>>, vector<1024x128xf32>
    tpu.vector_store %arg6[%swap3A, %swap3A_25], %mul3A_24 {strides = array<i32>} : memref<1024x128xf32, #tpu.memory_space<vmem>>, vector<1024x128xf32>,
    return
  }
  func.func @transform_0(%arg0: i32) -> (i32, i32) {
    %c0_i32 = arith.constant 0 : i32
    %c0_i32_0 = arith.constant 0 : i32
    return %arg0, %c0_i32 : i32, i32
  }
  func.func @transform_1(%arg0: i32) -> (i32, i32) {
    %c0_i32 = arith.constant 0 : i32
    %c0_i32_0 = arith.constant 0 : i32
    return %arg0, %c0_i32 : i32, i32
  }
  func.func @transform_2(%arg0: i32) -> (i32, i32) {
    %c0_i32 = arith.constant 0 : i32
    %c0_i32_0 = arith.constant 0 : i32
    return %arg0, %c0_i32 : i32, i32
  }
  func.func @transform_3(%arg0: i32) -> (i32, i32) {
    %c0_i32 = arith.constant 0 : i32
    %c0_i32_0 = arith.constant 0 : i32
    %c0_i32_1 = arith.constant 0 : i32
    return %c0_i32, %c0_i32_0 : i32, i32
  }
  func.func @transform_4(%arg0: i32) -> (i32, i32) {
    %c0_i32 = arith.constant 0 : i32
    %c0_i32_0 = arith.constant 0 : i32
    %c0_i32_1 = arith.constant 0 : i32
    return %c0_i32, %c0_i32_0 : i32, i32
  }
  func.func @transform_5(%arg0: i32) -> (i32, i32) {
    %c0_i32 = arith.constant 0 : i32
    %c0_i32_0 = arith.constant 0 : i32
    return %arg0, %c0_i32 : i32, i32
  }
}

module attributes {stable_mosaic.version = 14 : i64} {
  func.func @_tc_am_body(%arg0: i32, %arg1: memref<1024x16xf32, #tpu.memory_space<vmem>>, %arg2: memref<1024x128xf32, #tpu.memory_space<vmem>>, %arg3: memref<1024x128xf32, #tpu.memory_space<vmem>>, %arg4: memref<128x256xf32, #tpu.memory_space<vmem>>, %arg5: memref<1x256xf32, #tpu.memory_space<vmem>>, %arg6: memref<256x256xf32, #tpu.memory_space<vmem>>, %arg7: memref<1024x128xf32, #tpu.memory_space<vmem>>, %arg8: memref<1024x128xf32, #tpu.memory_space<vmem>>) attributes {dimension_semantics = [#tpu.dimension_semantics<arbitrary>], iteration_bounds = array<i64: 10>, scalar_prefetch = 0 : i64, scratch_operands = 0 : i64, tpu.core_type = #tpu.core_type<tc>, window_params = [{transform_indices = @transform_0, window_bounds = array<i64: 1024, 16>}, {transform_indices = @transform_1, window_bounds = array<i64: 1024, 128>}, {transform_indices = @transform_2, window_bounds = array<i64: 1024, 128>}, {pipeline_mode = #tpu.pipeline_mode<synchronous>, transform_indices = @transform_3, window_bounds = array<i64: 128, 256>}, {pipeline_mode = #tpu.pipeline_mode<synchronous>, transform_indices = @transform_4, window_bounds = array<i64: 1, 256>}, {pipeline_mode = #tpu.pipeline_mode<synchronous>, transform_indices = @transform_5, window_bounds = array<i64: 256, 256>}, {transform_indices = @transform_6, window_bounds = array<i64: 1024, 128>}, {transform_indices = @transform_7, window_bounds = array<i64: 1024, 128>}]} {
    %get3A = arith.constant 0 : index
    %get3A_0 = arith.constant 0 : index
    %get3A_1 = vector.load %arg1[%get3A, %get3A_0] : memref<1024x16xf32, #tpu.memory_space<vmem>>, vector<1024x1xf32>
    %get3A_2 = arith.constant 0 : index
    %get3A_3 = arith.constant 0 : index
    %get3A_4 = vector.load %arg2[%get3A_2, %get3A_3] : memref<1024x128xf32, #tpu.memory_space<vmem>>, vector<1024x128xf32>
    %get3A_5 = arith.constant 0 : index
    %get3A_6 = arith.constant 0 : index
    %get3A_7 = vector.load %arg3[%get3A_5, %get3A_6] : memref<1024x128xf32, #tpu.memory_space<vmem>>, vector<1024x128xf32>
    %add3A = arith.addf %get3A_4, %get3A_7 : vector<1024x128xf32>
    %mul3A = vector.broadcast %get3A_1 : vector<1024x1xf32> to vector<1024x128xf32>
    %mul3A_8 = arith.mulf %add3A, %mul3A : vector<1024x128xf32>
    %get3A_9 = arith.constant 0 : index
    %get3A_10 = arith.constant 0 : index
    %get3A_11 = vector.load %arg4[%get3A_9, %get3A_10] : memref<128x256xf32, #tpu.memory_space<vmem>>, vector<128x256xf32>
    %dot_general3A = arith.constant dense<0.000000e+00> : vector<1024x256xf32>
    %dot_general3A_12 = tpu.matmul %mul3A_8, %get3A_11, %dot_general3A {dimension_numbers = #tpu.dot_dimension_numbers<[1], [0], [0], [1], [0, 0, 1, 1], [], []>, precision = #tpu.contract_precision<fp32>, transpose_lhs_hint = false} : vector<1024x128xf32>, vector<128x256xf32>, vector<1024x256xf32> -> vector<1024x256xf32>
    %get3A_13 = arith.constant 0 : index
    %get3A_14 = arith.constant 0 : index
    %get3A_15 = vector.load %arg5[%get3A_13, %get3A_14] : memref<1x256xf32, #tpu.memory_space<vmem>>, vector<1x256xf32>
    %add3A_16 = vector.broadcast %get3A_15 : vector<1x256xf32> to vector<1024x256xf32>
    %add3A_17 = arith.addf %dot_general3A_12, %add3A_16 : vector<1024x256xf32>
    %ge3A = arith.constant 0.000000e+00 : f32
    %ge3A_18 = vector.broadcast %ge3A : f32 to vector<1024x256xf32>
    %ge3A_19 = arith.cmpf oge, %add3A_17, %ge3A_18 : vector<1024x256xf32>
    %mul3A_20 = arith.constant 0.00999999977 : f32
    %mul3A_21 = vector.broadcast %mul3A_20 : f32 to vector<1024x256xf32>
    %mul3A_22 = arith.mulf %mul3A_21, %add3A_17 : vector<1024x256xf32>
    %select_n3A = arith.select %ge3A_19, %add3A_17, %mul3A_22 : vector<1024x256xi1>, vector<1024x256xf32>
    %get3A_23 = arith.constant 0 : index
    %get3A_24 = arith.constant 0 : index
    %get3A_25 = vector.load %arg6[%get3A_23, %get3A_24] : memref<256x256xf32, #tpu.memory_space<vmem>>, vector<256x256xf32>
    %dot_general3A_26 = arith.constant dense<0.000000e+00> : vector<1024x256xf32>
    %dot_general3A_27 = tpu.matmul %select_n3A, %get3A_25, %dot_general3A_26 {dimension_numbers = #tpu.dot_dimension_numbers<[1], [0], [0], [1], [0, 0, 1, 1], [], []>, precision = #tpu.contract_precision<fp32>, transpose_lhs_hint = false} : vector<1024x256xf32>, vector<256x256xf32>, vector<1024x256xf32> -> vector<1024x256xf32>
    %mul3A_28 = vector.broadcast %get3A_1 : vector<1024x1xf32> to vector<1024x256xf32>
    %mul3A_29 = arith.mulf %dot_general3A_27, %mul3A_28 : vector<1024x256xf32>
    %slice3A = vector.extract_strided_slice %mul3A_29 {offsets = [0, 0], sizes = [1024, 128], strides = [1, 1]} : vector<1024x256xf32> to vector<1024x128xf32>
    %swap3A = arith.constant 0 : index
    %swap3A_30 = arith.constant 0 : index
    %swap3A_31 = vector.load %arg7[%swap3A, %swap3A_30] : memref<1024x128xf32, #tpu.memory_space<vmem>>, vector<1024x128xf32>
    tpu.vector_store %arg7[%swap3A, %swap3A_30], %slice3A {strides = array<i32>} : memref<1024x128xf32, #tpu.memory_space<vmem>>, vector<1024x128xf32>,
    %slice3A_32 = vector.extract_strided_slice %mul3A_29 {offsets = [0, 128], sizes = [1024, 128], strides = [1, 1]} : vector<1024x256xf32> to vector<1024x128xf32>
    %swap3A_33 = arith.constant 0 : index
    %swap3A_34 = arith.constant 0 : index
    %swap3A_35 = vector.load %arg8[%swap3A_33, %swap3A_34] : memref<1024x128xf32, #tpu.memory_space<vmem>>, vector<1024x128xf32>
    tpu.vector_store %arg8[%swap3A_33, %swap3A_34], %slice3A_32 {strides = array<i32>} : memref<1024x128xf32, #tpu.memory_space<vmem>>, vector<1024x128xf32>,
    return
  }
  func.func @transform_0(%arg0: i32) -> (i32, i32) {
    %c0_i32 = arith.constant 0 : i32
    %c0_i32_0 = arith.constant 0 : i32
    return %arg0, %c0_i32 : i32, i32
  }
  func.func @transform_1(%arg0: i32) -> (i32, i32) {
    %c0_i32 = arith.constant 0 : i32
    %c0_i32_0 = arith.constant 0 : i32
    return %arg0, %c0_i32 : i32, i32
  }
  func.func @transform_2(%arg0: i32) -> (i32, i32) {
    %c0_i32 = arith.constant 0 : i32
    %c0_i32_0 = arith.constant 0 : i32
    return %arg0, %c0_i32 : i32, i32
  }
  func.func @transform_3(%arg0: i32) -> (i32, i32) {
    %c0_i32 = arith.constant 0 : i32
    %c0_i32_0 = arith.constant 0 : i32
    %c0_i32_1 = arith.constant 0 : i32
    return %c0_i32, %c0_i32_0 : i32, i32
  }
  func.func @transform_4(%arg0: i32) -> (i32, i32) {
    %c0_i32 = arith.constant 0 : i32
    %c0_i32_0 = arith.constant 0 : i32
    %c0_i32_1 = arith.constant 0 : i32
    return %c0_i32, %c0_i32_0 : i32, i32
  }
  func.func @transform_5(%arg0: i32) -> (i32, i32) {
    %c0_i32 = arith.constant 0 : i32
    %c0_i32_0 = arith.constant 0 : i32
    %c0_i32_1 = arith.constant 0 : i32
    return %c0_i32, %c0_i32_0 : i32, i32
  }
  func.func @transform_6(%arg0: i32) -> (i32, i32) {
    %c0_i32 = arith.constant 0 : i32
    %c0_i32_0 = arith.constant 0 : i32
    return %arg0, %c0_i32 : i32, i32
  }
  func.func @transform_7(%arg0: i32) -> (i32, i32) {
    %c0_i32 = arith.constant 0 : i32
    %c0_i32_0 = arith.constant 0 : i32
    return %arg0, %c0_i32 : i32, i32
  }
}

module attributes {stable_mosaic.version = 14 : i64} {
  func.func @_tc_mm_body(%arg0: i32, %arg1: memref<1024x16xf32, #tpu.memory_space<vmem>>, %arg2: memref<1024x128xf32, #tpu.memory_space<vmem>>, %arg3: memref<1024x128xf32, #tpu.memory_space<vmem>>, %arg4: memref<1x256xf32, #tpu.memory_space<vmem>>, %arg5: memref<256x128xf32, #tpu.memory_space<vmem>>, %arg6: memref<1024x128xf32, #tpu.memory_space<vmem>>) attributes {dimension_semantics = [#tpu.dimension_semantics<arbitrary>], iteration_bounds = array<i64: 10>, scalar_prefetch = 0 : i64, scratch_operands = 0 : i64, tpu.core_type = #tpu.core_type<tc>, window_params = [{transform_indices = @transform_0, window_bounds = array<i64: 1024, 16>}, {transform_indices = @transform_1, window_bounds = array<i64: 1024, 128>}, {transform_indices = @transform_2, window_bounds = array<i64: 1024, 128>}, {pipeline_mode = #tpu.pipeline_mode<synchronous>, transform_indices = @transform_3, window_bounds = array<i64: 1, 256>}, {pipeline_mode = #tpu.pipeline_mode<synchronous>, transform_indices = @transform_4, window_bounds = array<i64: 256, 128>}, {transform_indices = @transform_5, window_bounds = array<i64: 1024, 128>}]} {
    %get3A = arith.constant 0 : index
    %get3A_0 = arith.constant 0 : index
    %get3A_1 = vector.load %arg1[%get3A, %get3A_0] : memref<1024x16xf32, #tpu.memory_space<vmem>>, vector<1024x1xf32>
    %get3A_2 = arith.constant 0 : index
    %get3A_3 = arith.constant 0 : index
    %get3A_4 = vector.load %arg2[%get3A_2, %get3A_3] : memref<1024x128xf32, #tpu.memory_space<vmem>>, vector<1024x128xf32>
    %get3A_5 = arith.constant 0 : index
    %get3A_6 = arith.constant 0 : index
    %get3A_7 = vector.load %arg3[%get3A_5, %get3A_6] : memref<1024x128xf32, #tpu.memory_space<vmem>>, vector<1024x128xf32>
    %concatenate3A = tpu.concatenate %get3A_4, %get3A_7 in 1 : vector<1024x128xf32>, vector<1024x128xf32> -> vector<1024x256xf32>
    %mul3A = vector.broadcast %get3A_1 : vector<1024x1xf32> to vector<1024x256xf32>
    %mul3A_8 = arith.mulf %concatenate3A, %mul3A : vector<1024x256xf32>
    %get3A_9 = arith.constant 0 : index
    %get3A_10 = arith.constant 0 : index
    %get3A_11 = vector.load %arg4[%get3A_9, %get3A_10] : memref<1x256xf32, #tpu.memory_space<vmem>>, vector<1x256xf32>
    %add3A = vector.broadcast %get3A_11 : vector<1x256xf32> to vector<1024x256xf32>
    %add3A_12 = arith.addf %mul3A_8, %add3A : vector<1024x256xf32>
    %ge3A = arith.constant 0.000000e+00 : f32
    %ge3A_13 = vector.broadcast %ge3A : f32 to vector<1024x256xf32>
    %ge3A_14 = arith.cmpf oge, %add3A_12, %ge3A_13 : vector<1024x256xf32>
    %mul3A_15 = arith.constant 0.00999999977 : f32
    %mul3A_16 = vector.broadcast %mul3A_15 : f32 to vector<1024x256xf32>
    %mul3A_17 = arith.mulf %mul3A_16, %add3A_12 : vector<1024x256xf32>
    %select_n3A = arith.select %ge3A_14, %add3A_12, %mul3A_17 : vector<1024x256xi1>, vector<1024x256xf32>
    %get3A_18 = arith.constant 0 : index
    %get3A_19 = arith.constant 0 : index
    %get3A_20 = vector.load %arg5[%get3A_18, %get3A_19] : memref<256x128xf32, #tpu.memory_space<vmem>>, vector<256x128xf32>
    %dot_general3A = arith.constant dense<0.000000e+00> : vector<1024x128xf32>
    %dot_general3A_21 = tpu.matmul %select_n3A, %get3A_20, %dot_general3A {dimension_numbers = #tpu.dot_dimension_numbers<[1], [0], [0], [1], [0, 0, 1, 1], [], []>, precision = #tpu.contract_precision<fp32>, transpose_lhs_hint = false} : vector<1024x256xf32>, vector<256x128xf32>, vector<1024x128xf32> -> vector<1024x128xf32>
    %mul3A_22 = vector.broadcast %get3A_1 : vector<1024x1xf32> to vector<1024x128xf32>
    %mul3A_23 = arith.mulf %dot_general3A_21, %mul3A_22 : vector<1024x128xf32>
    %swap3A = arith.constant 0 : index
    %swap3A_24 = arith.constant 0 : index
    %swap3A_25 = vector.load %arg6[%swap3A, %swap3A_24] : memref<1024x128xf32, #tpu.memory_space<vmem>>, vector<1024x128xf32>
    tpu.vector_store %arg6[%swap3A, %swap3A_24], %mul3A_23 {strides = array<i32>} : memref<1024x128xf32, #tpu.memory_space<vmem>>, vector<1024x128xf32>,
    return
  }
  func.func @transform_0(%arg0: i32) -> (i32, i32) {
    %c0_i32 = arith.constant 0 : i32
    %c0_i32_0 = arith.constant 0 : i32
    return %arg0, %c0_i32 : i32, i32
  }
  func.func @transform_1(%arg0: i32) -> (i32, i32) {
    %c0_i32 = arith.constant 0 : i32
    %c0_i32_0 = arith.constant 0 : i32
    return %arg0, %c0_i32 : i32, i32
  }
  func.func @transform_2(%arg0: i32) -> (i32, i32) {
    %c0_i32 = arith.constant 0 : i32
    %c0_i32_0 = arith.constant 0 : i32
    return %arg0, %c0_i32 : i32, i32
  }
  func.func @transform_3(%arg0: i32) -> (i32, i32) {
    %c0_i32 = arith.constant 0 : i32
    %c0_i32_0 = arith.constant 0 : i32
    %c0_i32_1 = arith.constant 0 : i32
    return %c0_i32, %c0_i32_0 : i32, i32
  }
  func.func @transform_4(%arg0: i32) -> (i32, i32) {
    %c0_i32 = arith.constant 0 : i32
    %c0_i32_0 = arith.constant 0 : i32
    %c0_i32_1 = arith.constant 0 : i32
    return %c0_i32, %c0_i32_0 : i32, i32
  }
  func.func @transform_5(%arg0: i32) -> (i32, i32) {
    %c0_i32 = arith.constant 0 : i32
    %c0_i32_0 = arith.constant 0 : i32
    return %arg0, %c0_i32 : i32, i32
  }
}

module attributes {stable_mosaic.version = 14 : i64} {
  func.func @_tc_ma_body(%arg0: i32, %arg1: memref<1024x16xf32, #tpu.memory_space<vmem>>, %arg2: memref<1024x128xf32, #tpu.memory_space<vmem>>, %arg3: memref<1024x128xf32, #tpu.memory_space<vmem>>, %arg4: memref<1x128xf32, #tpu.memory_space<vmem>>, %arg5: memref<1024x128xf32, #tpu.memory_space<vmem>>) attributes {dimension_semantics = [#tpu.dimension_semantics<arbitrary>], iteration_bounds = array<i64: 10>, scalar_prefetch = 0 : i64, scratch_operands = 0 : i64, tpu.core_type = #tpu.core_type<tc>, window_params = [{transform_indices = @transform_0, window_bounds = array<i64: 1024, 16>}, {transform_indices = @transform_1, window_bounds = array<i64: 1024, 128>}, {transform_indices = @transform_2, window_bounds = array<i64: 1024, 128>}, {pipeline_mode = #tpu.pipeline_mode<synchronous>, transform_indices = @transform_3, window_bounds = array<i64: 1, 128>}, {transform_indices = @transform_4, window_bounds = array<i64: 1024, 128>}]} {
    %get3A = arith.constant 0 : index
    %get3A_0 = arith.constant 0 : index
    %get3A_1 = vector.load %arg1[%get3A, %get3A_0] : memref<1024x16xf32, #tpu.memory_space<vmem>>, vector<1024x1xf32>
    %get3A_2 = arith.constant 0 : index
    %get3A_3 = arith.constant 0 : index
    %get3A_4 = vector.load %arg2[%get3A_2, %get3A_3] : memref<1024x128xf32, #tpu.memory_space<vmem>>, vector<1024x128xf32>
    %get3A_5 = arith.constant 0 : index
    %get3A_6 = arith.constant 0 : index
    %get3A_7 = vector.load %arg3[%get3A_5, %get3A_6] : memref<1024x128xf32, #tpu.memory_space<vmem>>, vector<1024x128xf32>
    %add3A = arith.addf %get3A_4, %get3A_7 : vector<1024x128xf32>
    %mul3A = vector.broadcast %get3A_1 : vector<1024x1xf32> to vector<1024x128xf32>
    %mul3A_8 = arith.mulf %add3A, %mul3A : vector<1024x128xf32>
    %get3A_9 = arith.constant 0 : index
    %get3A_10 = arith.constant 0 : index
    %get3A_11 = vector.load %arg4[%get3A_9, %get3A_10] : memref<1x128xf32, #tpu.memory_space<vmem>>, vector<1x128xf32>
    %add3A_12 = vector.broadcast %get3A_11 : vector<1x128xf32> to vector<1024x128xf32>
    %add3A_13 = arith.addf %mul3A_8, %add3A_12 : vector<1024x128xf32>
    %ge3A = arith.constant 0.000000e+00 : f32
    %ge3A_14 = vector.broadcast %ge3A : f32 to vector<1024x128xf32>
    %ge3A_15 = arith.cmpf oge, %add3A_13, %ge3A_14 : vector<1024x128xf32>
    %mul3A_16 = arith.constant 0.00999999977 : f32
    %mul3A_17 = vector.broadcast %mul3A_16 : f32 to vector<1024x128xf32>
    %mul3A_18 = arith.mulf %mul3A_17, %add3A_13 : vector<1024x128xf32>
    %select_n3A = arith.select %ge3A_15, %add3A_13, %mul3A_18 : vector<1024x128xi1>, vector<1024x128xf32>
    %mul3A_19 = vector.broadcast %get3A_1 : vector<1024x1xf32> to vector<1024x128xf32>
    %mul3A_20 = arith.mulf %select_n3A, %mul3A_19 : vector<1024x128xf32>
    %swap3A = arith.constant 0 : index
    %swap3A_21 = arith.constant 0 : index
    %swap3A_22 = vector.load %arg5[%swap3A, %swap3A_21] : memref<1024x128xf32, #tpu.memory_space<vmem>>, vector<1024x128xf32>
    tpu.vector_store %arg5[%swap3A, %swap3A_21], %mul3A_20 {strides = array<i32>} : memref<1024x128xf32, #tpu.memory_space<vmem>>, vector<1024x128xf32>,
    return
  }
  func.func @transform_0(%arg0: i32) -> (i32, i32) {
    %c0_i32 = arith.constant 0 : i32
    %c0_i32_0 = arith.constant 0 : i32
    return %arg0, %c0_i32 : i32, i32
  }
  func.func @transform_1(%arg0: i32) -> (i32, i32) {
    %c0_i32 = arith.constant 0 : i32
    %c0_i32_0 = arith.constant 0 : i32
    return %arg0, %c0_i32 : i32, i32
  }
  func.func @transform_2(%arg0: i32) -> (i32, i32) {
    %c0_i32 = arith.constant 0 : i32
    %c0_i32_0 = arith.constant 0 : i32
    return %arg0, %c0_i32 : i32, i32
  }
  func.func @transform_3(%arg0: i32) -> (i32, i32) {
    %c0_i32 = arith.constant 0 : i32
    %c0_i32_0 = arith.constant 0 : i32
    %c0_i32_1 = arith.constant 0 : i32
    return %c0_i32, %c0_i32_0 : i32, i32
  }
  func.func @transform_4(%arg0: i32) -> (i32, i32) {
    %c0_i32 = arith.constant 0 : i32
    %c0_i32_0 = arith.constant 0 : i32
    return %arg0, %c0_i32 : i32, i32
  }
}

module attributes {stable_mosaic.version = 14 : i64} {
  func.func @_tc_final_body(%arg0: i32, %arg1: memref<1024x16xf32, #tpu.memory_space<vmem>>, %arg2: memref<1024x128xf32, #tpu.memory_space<vmem>>, %arg3: memref<1024x128xf32, #tpu.memory_space<vmem>>, %arg4: memref<128x64xf32, #tpu.memory_space<vmem>>, %arg5: memref<1x64xf32, #tpu.memory_space<vmem>>, %arg6: memref<64x40xf32, #tpu.memory_space<vmem>>, %arg7: memref<1x40xf32, #tpu.memory_space<vmem>>, %arg8: memref<1024x40xf32, #tpu.memory_space<vmem>>) attributes {dimension_semantics = [#tpu.dimension_semantics<arbitrary>], iteration_bounds = array<i64: 10>, scalar_prefetch = 0 : i64, scratch_operands = 0 : i64, tpu.core_type = #tpu.core_type<tc>, window_params = [{transform_indices = @transform_0, window_bounds = array<i64: 1024, 16>}, {transform_indices = @transform_1, window_bounds = array<i64: 1024, 128>}, {transform_indices = @transform_2, window_bounds = array<i64: 1024, 128>}, {pipeline_mode = #tpu.pipeline_mode<synchronous>, transform_indices = @transform_3, window_bounds = array<i64: 128, 64>}, {pipeline_mode = #tpu.pipeline_mode<synchronous>, transform_indices = @transform_4, window_bounds = array<i64: 1, 64>}, {pipeline_mode = #tpu.pipeline_mode<synchronous>, transform_indices = @transform_5, window_bounds = array<i64: 64, 40>}, {pipeline_mode = #tpu.pipeline_mode<synchronous>, transform_indices = @transform_6, window_bounds = array<i64: 1, 40>}, {transform_indices = @transform_7, window_bounds = array<i64: 1024, 40>}]} {
    %get3A = arith.constant 0 : index
    %get3A_0 = arith.constant 0 : index
    %get3A_1 = vector.load %arg1[%get3A, %get3A_0] : memref<1024x16xf32, #tpu.memory_space<vmem>>, vector<1024x1xf32>
    %get3A_2 = arith.constant 0 : index
    %get3A_3 = arith.constant 0 : index
    %get3A_4 = vector.load %arg2[%get3A_2, %get3A_3] : memref<1024x128xf32, #tpu.memory_space<vmem>>, vector<1024x128xf32>
    %get3A_5 = arith.constant 0 : index
    %get3A_6 = arith.constant 0 : index
    %get3A_7 = vector.load %arg3[%get3A_5, %get3A_6] : memref<1024x128xf32, #tpu.memory_space<vmem>>, vector<1024x128xf32>
    %add3A = arith.addf %get3A_4, %get3A_7 : vector<1024x128xf32>
    %mul3A = vector.broadcast %get3A_1 : vector<1024x1xf32> to vector<1024x128xf32>
    %mul3A_8 = arith.mulf %add3A, %mul3A : vector<1024x128xf32>
    %get3A_9 = arith.constant 0 : index
    %get3A_10 = arith.constant 0 : index
    %get3A_11 = vector.load %arg4[%get3A_9, %get3A_10] : memref<128x64xf32, #tpu.memory_space<vmem>>, vector<128x64xf32>
    %dot_general3A = arith.constant dense<0.000000e+00> : vector<1024x64xf32>
    %dot_general3A_12 = tpu.matmul %mul3A_8, %get3A_11, %dot_general3A {dimension_numbers = #tpu.dot_dimension_numbers<[1], [0], [0], [1], [0, 0, 1, 1], [], []>, precision = #tpu.contract_precision<fp32>, transpose_lhs_hint = false} : vector<1024x128xf32>, vector<128x64xf32>, vector<1024x64xf32> -> vector<1024x64xf32>
    %get3A_13 = arith.constant 0 : index
    %get3A_14 = arith.constant 0 : index
    %get3A_15 = vector.load %arg5[%get3A_13, %get3A_14] : memref<1x64xf32, #tpu.memory_space<vmem>>, vector<1x64xf32>
    %add3A_16 = vector.broadcast %get3A_15 : vector<1x64xf32> to vector<1024x64xf32>
    %add3A_17 = arith.addf %dot_general3A_12, %add3A_16 : vector<1024x64xf32>
    %ge3A = arith.constant 0.000000e+00 : f32
    %ge3A_18 = vector.broadcast %ge3A : f32 to vector<1024x64xf32>
    %ge3A_19 = arith.cmpf oge, %add3A_17, %ge3A_18 : vector<1024x64xf32>
    %mul3A_20 = arith.constant 0.00999999977 : f32
    %mul3A_21 = vector.broadcast %mul3A_20 : f32 to vector<1024x64xf32>
    %mul3A_22 = arith.mulf %mul3A_21, %add3A_17 : vector<1024x64xf32>
    %select_n3A = arith.select %ge3A_19, %add3A_17, %mul3A_22 : vector<1024x64xi1>, vector<1024x64xf32>
    %get3A_23 = arith.constant 0 : index
    %get3A_24 = arith.constant 0 : index
    %get3A_25 = vector.load %arg6[%get3A_23, %get3A_24] : memref<64x40xf32, #tpu.memory_space<vmem>>, vector<64x40xf32>
    %dot_general3A_26 = arith.constant dense<0.000000e+00> : vector<1024x40xf32>
    %dot_general3A_27 = tpu.matmul %select_n3A, %get3A_25, %dot_general3A_26 {dimension_numbers = #tpu.dot_dimension_numbers<[1], [0], [0], [1], [0, 0, 1, 1], [], []>, precision = #tpu.contract_precision<fp32>, transpose_lhs_hint = false} : vector<1024x64xf32>, vector<64x40xf32>, vector<1024x40xf32> -> vector<1024x40xf32>
    %get3A_28 = arith.constant 0 : index
    %get3A_29 = arith.constant 0 : index
    %get3A_30 = vector.load %arg7[%get3A_28, %get3A_29] : memref<1x40xf32, #tpu.memory_space<vmem>>, vector<1x40xf32>
    %add3A_31 = vector.broadcast %get3A_30 : vector<1x40xf32> to vector<1024x40xf32>
    %add3A_32 = arith.addf %dot_general3A_27, %add3A_31 : vector<1024x40xf32>
    %swap3A = arith.constant 0 : index
    %swap3A_33 = arith.constant 0 : index
    %swap3A_34 = vector.load %arg8[%swap3A, %swap3A_33] : memref<1024x40xf32, #tpu.memory_space<vmem>>, vector<1024x40xf32>
    tpu.vector_store %arg8[%swap3A, %swap3A_33], %add3A_32 {strides = array<i32>} : memref<1024x40xf32, #tpu.memory_space<vmem>>, vector<1024x40xf32>,
    return
  }
  func.func @transform_0(%arg0: i32) -> (i32, i32) {
    %c0_i32 = arith.constant 0 : i32
    %c0_i32_0 = arith.constant 0 : i32
    return %arg0, %c0_i32 : i32, i32
  }
  func.func @transform_1(%arg0: i32) -> (i32, i32) {
    %c0_i32 = arith.constant 0 : i32
    %c0_i32_0 = arith.constant 0 : i32
    return %arg0, %c0_i32 : i32, i32
  }
  func.func @transform_2(%arg0: i32) -> (i32, i32) {
    %c0_i32 = arith.constant 0 : i32
    %c0_i32_0 = arith.constant 0 : i32
    return %arg0, %c0_i32 : i32, i32
  }
  func.func @transform_3(%arg0: i32) -> (i32, i32) {
    %c0_i32 = arith.constant 0 : i32
    %c0_i32_0 = arith.constant 0 : i32
    %c0_i32_1 = arith.constant 0 : i32
    return %c0_i32, %c0_i32_0 : i32, i32
  }
  func.func @transform_4(%arg0: i32) -> (i32, i32) {
    %c0_i32 = arith.constant 0 : i32
    %c0_i32_0 = arith.constant 0 : i32
    %c0_i32_1 = arith.constant 0 : i32
    return %c0_i32, %c0_i32_0 : i32, i32
  }
  func.func @transform_5(%arg0: i32) -> (i32, i32) {
    %c0_i32 = arith.constant 0 : i32
    %c0_i32_0 = arith.constant 0 : i32
    %c0_i32_1 = arith.constant 0 : i32
    return %c0_i32, %c0_i32_0 : i32, i32
  }
  func.func @transform_6(%arg0: i32) -> (i32, i32) {
    %c0_i32 = arith.constant 0 : i32
    %c0_i32_0 = arith.constant 0 : i32
    %c0_i32_1 = arith.constant 0 : i32
    return %c0_i32, %c0_i32_0 : i32, i32
  }
  func.func @transform_7(%arg0: i32) -> (i32, i32) {
    %c0_i32 = arith.constant 0 : i32
    %c0_i32_0 = arith.constant 0 : i32
    return %arg0, %c0_i32 : i32, i32
  }
}

</mosaic_0001>

<sc_bundles>
// kernel: kernel.16.cloned.1.call-start
scs
__scs_entry_jumppad:
0x0: {  	(pc) =	sbr.rel $0x88, $3  }
0x1: {  	(tag) =	ssettag $0x0;
	lr =	simm.s32 $0x1  }
0x2: {  	[smem:$0x3F91] =	sst lr;
	_ =	strace $0xD0000000  }
0x3: {  	_ = 	snop  }
0x4: {  	_ = 	snop  }
0x5: {  	_ = 	snop  }
0x6: {  	_ = 	snop  }
0x7: {  	_ = 	snop  }
__scs_overlays_trampoline_lowered:
0x8: {  	[smem:$0x3FA0] =	sst s0  }
0x9: {  	[smem:$0x3FA1] =	sst s1  }
0xa: {  	[smem:$0x3FA2] =	sst s2  }
0xb: {  	[smem:$0x3FA3] =	sst s3  }
0xc: {  	[smem:$0x3FA4] =	sst s4  }
0xd: {  	[smem:$0x3FA5] =	sst s5  }
0xe: {  	[smem:$0x3FA6] =	sst s6  }
0xf: {  	[smem:$0x3FA7] =	sst s7  }
0x10: {  	[smem:$0x3FA8] =	sst s8  }
0x11: {  	[smem:$0x3FA9] =	sst s9;
	s0 =	simm.s32 @!p0 $0x0  }
0x12: {  	s1 =	sld [smem:$0x3F8F];
	s0 =	simm.s32 @p0 $0x1  }
0x13: {  	[smem:$0x3FAA] =	sst s0;
	s0 =	simm.s32 @!p1 $0x0  }
0x14: {  	s2 =	sld [smem:$0x3F8E];
	s0 =	simm.s32 @p1 $0x1  }
0x15: {  	[smem:$0x3FAB] =	sst s0;
	s0 =	simm.s32 @!p2 $0x0  }
0x16: {  	s3 =	sld [smem:$0x3FDB];
	s0 =	simm.s32 @p2 $0x1  }
0x17: {  	s4 =	simm.s32 $0x1BF5;
	[smem:$0x3FAD] =	sst s0  }
0x18: {  	s0 =	sld [smem:$0x3F90];
	_ =	swait.ge [sflag:s4], $0x0  }
0x19: {  	s7 =	sld [smem:$0x3F91]  }
0x1a: {  	s8 =	sadd.s32 $0xFFFFE003, lr  }
0x1b: {  	s9 =	sadd.s32 $0xFFFFFEF7, lr;
	s5 =	simm.s32 $0xFFFFFFFF;
	p2 =	slt.u32 s8, $0xFFFFF086  }
0x1c: {  	p1 =	slt.u32 s9, $0xF7A;
	s5 =	simm.s32 @!p2 $0x0  }
0x1d: {  	s5 =	simm.s32 @p1 $0x1;
	p0 =	seq.s32 s7, s2  }
0x1e: {  	s7 =	smul.u32 @!p0 $0xF7A, s2;
	p2 =	seq.s32 @!p0 s5, $0x0  }
0x1f: {  	s9 =	smul.u32 $0xF7A, s1;
	s8 =	simm.s32 @!p0 $0x1BF5;
	p2 =	por !p2, p0  }
0x20: {  	[sflag:s8] =	ssyncset.s32 @!p0 $0xFFFFF086;
	s6 =	sadd.s32 @!p0 s3, s7;
	s7 =	simm.s32 @!p0 $0x108  }
0x21: {  	s3 =	sadd.s32 s3, s9;
	s6 =	sadd.s32 @!p0 $0x88, s6;
	s7 =	simm.s32 @p2 $0x1082  }
0x22: {  	[simem:s7], [sflag:s8] =	dma.local @!p0 [hbm:s6], $0xF7A  }
0x23: {  	s9 =	sor.u32 $0xD0000000, s2;
	s6 =	simm.s32 $0x108;
	_ =	swait.ge @!p0 [sflag:s8], $0x0  }
0x24: {  	s3 =	sadd.s32 $0x88, s3;
	s6 =	simm.s32 @!p1 $0x1082;
	[sflag:s4] =	ssyncset.s32 $0xFFFFF086  }
0x25: {  	[simem:s6], [sflag:s4] =	dma.local [hbm:s3], $0xF7A  }
0x26: {  	[smem:$0x3F91] =	sst s1;
	(tag) =	ssettag s2;
	_ =	strace s9  }
0x27: {  	s1 =	sld [smem:$0x3FA1]  }
0x28: {  	s2 =	sld [smem:$0x3FA2]  }
0x29: {  	s4 =	sld [smem:$0x3FA4]  }
0x2a: {  	p0 =	seq.s32 s5, $0x0;
	s5 =	sld [smem:$0x3FA5]  }
0x2b: {  	s6 =	sld [smem:$0x3FA6]  }
0x2c: {  	s7 =	sld [smem:$0x3FA7]  }
0x2d: {  	s3 =	simm.s32 $0x108;
	s8 =	sld [smem:$0x3FA8]  }
0x2e: {  	s3 =	simm.s32 @!p0 $0x1082;
	s9 =	sld [smem:$0x3FA9]  }
0x2f: {  	lr =	sadd.s32 s0, s3;
	s0 =	sld [smem:$0x3FA0]  }
0x30: {  	s3 =	sld [smem:$0x3FA3]  }
0x31: {  	[smem:$0x3FAC] =	sst s10  }
0x32: {  	s10 =	sld [smem:$0x3FAA];
	_ =	sdelay $0x3  }
0x33: {  	p0 =	seq.s32 s10, $0x1;
	s10 =	sld [smem:$0x3FAC];
	_ =	sdelay $0x3  }
0x34: {  	[smem:$0x3FAC] =	sst s10  }
0x35: {  	s10 =	sld [smem:$0x3FAB];
	_ =	sdelay $0x3  }
0x36: {  	p1 =	seq.s32 s10, $0x1;
	s10 =	sld [smem:$0x3FAC];
	_ =	sdelay $0x3  }
0x37: {  	[smem:$0x3FAC] =	sst s10  }
0x38: {  	s10 =	sld [smem:$0x3FAD]  }
0x39: {  	_ = 	snop;
	(pc) =	sbr.ind lr, $3  }
0x3a: {  	_ = 	snop  }
0x3b: {  	_ = 	snop  }
0x3c: {  	p2 =	seq.s32 s10, $0x1;
	s10 =	sld [smem:$0x3FAC]  }
0x3d: {  	_ =	shalt  }
0x3e: {  	_ =	shalt  }
0x3f: {  	_ =	shalt  }
0x40: {  	_ =	shalt  }
0x41: {  	_ =	shalt  }
0x42: {  	_ =	shalt  }
0x43: {  	_ =	shalt  }
0x44: {  	_ =	shalt  }
0x45: {  	_ =	shalt  }
0x46: {  	_ =	shalt  }
0x47: {  	_ =	shalt  }
0x48: {  	_ =	shalt  }
0x49: {  	_ =	shalt  }
0x4a: {  	_ =	shalt  }
0x4b: {  	_ =	shalt  }
0x4c: {  	_ =	shalt  }
0x4d: {  	_ =	shalt  }
0x4e: {  	_ =	shalt  }
0x4f: {  	_ =	shalt  }
0x50: {  	_ =	shalt  }
0x51: {  	_ =	shalt  }
0x52: {  	_ =	shalt  }
0x53: {  	_ =	shalt  }
0x54: {  	_ =	shalt  }
0x55: {  	_ =	shalt  }
0x56: {  	_ =	shalt  }
0x57: {  	_ =	shalt  }
0x58: {  	_ =	shalt  }
0x59: {  	_ =	shalt  }
0x5a: {  	_ =	shalt  }
0x5b: {  	_ =	shalt  }
0x5c: {  	_ =	shalt  }
0x5d: {  	_ =	shalt  }
0x5e: {  	_ =	shalt  }
0x5f: {  	_ =	shalt  }
0x60: {  	_ =	shalt  }
0x61: {  	_ =	shalt  }
0x62: {  	_ =	shalt  }
0x63: {  	_ =	shalt  }
0x64: {  	_ =	shalt  }
0x65: {  	_ =	shalt  }
0x66: {  	_ =	shalt  }
0x67: {  	_ =	shalt  }
0x68: {  	_ =	shalt  }
0x69: {  	_ =	shalt  }
0x6a: {  	_ =	shalt  }
0x6b: {  	_ =	shalt  }
0x6c: {  	_ =	shalt  }
0x6d: {  	_ =	shalt  }
0x6e: {  	_ =	shalt  }
0x6f: {  	_ =	shalt  }
0x70: {  	_ =	shalt  }
0x71: {  	_ =	shalt  }
0x72: {  	_ =	shalt  }
0x73: {  	_ =	shalt  }
0x74: {  	_ =	shalt  }
0x75: {  	_ =	shalt  }
0x76: {  	_ =	shalt  }
0x77: {  	_ =	shalt  }
0x78: {  	_ =	shalt  }
0x79: {  	_ =	shalt  }
0x7a: {  	_ =	shalt  }
0x7b: {  	_ =	shalt  }
0x7c: {  	_ =	shalt  }
0x7d: {  	_ =	shalt  }
0x7e: {  	_ =	shalt  }
0x7f: {  	_ =	shalt  }
0x80: {  	_ =	shalt  }
0x81: {  	_ =	shalt  }
0x82: {  	_ =	shalt  }
0x83: {  	_ =	shalt  }
0x84: {  	_ =	shalt  }
0x85: {  	_ =	shalt  }
0x86: {  	_ =	shalt  }
0x87: {  	_ =	shalt  }
.Lfunc_end0:
.L_simem_size_0:
called_computation_lowered:
.L_overlay_start_0:
0x88: {  	s2 =	sld [smem:$0x3FD9]  }
0x89: {  	s3 =	sld [smem:$0x3FFE];
	_ =	sdelay $0x1  }
0x8a: {  	s1 =	srdreg.scid  }
0x8b: {  	s0 =	sand.u32 $0x1, s1  }
0x8c: {  	s17 =	sshll.u32 s0, $0xA;
	s2 =	sadd.s32 s3, s2  }
0x8d: {  	s2 =	sadd.s32 s2, s17  }
0x8e: {  	[smem:$0x3FB8] =	sst s2  }
0x8f: {  	_ = 	snop  }
0x90: {  	s2 =	sld [smem:$0x3FD0];
	(tm) =	ssettm $0x1  }
0x91: {  	s18 =	sld [smem:$0x3FFB];
	_ =	sdelay $0x3  }
0x92: {  	_ =	strace s18  }
0x93: {  	s3 =	sld [smem:$0x3FFC];
	_ =	sdelay $0x3  }
0x94: {  	_ =	strace s3  }
0x95: {  	s3 =	sld [smem:$0x3FFD];
	_ =	sdelay $0x3  }
0x96: {  	_ =	strace s3  }
0x97: {  	_ =	strace $0x8FFFFFFF  }
0x98: {  	s19 =	sld [smem:$0x3FDB];
	_ =	sdelay $0x1  }
0x99: {  	s4 =	simm.s32 $_scs_section_size  }
0x9a: {  	s5 =	simm.s32 $_size__tile_overlayer_lowered;
	s6 =	simm.s32 $_tile_overlayer_lowered  }
0x9b: {  	s22 =	simm.s32 $0x1BFF;
	s21 =	sshll.u32 s6, $0x1;
	s3 =	sadd.s32 s4, s19  }
0x9c: {  	s7 =	simm.s32 $0x0;
	s20 =	sshll.u32 s5, $0x1;
	s5 =	sadd.s32 s21, s3  }
0x9d: {  	[timem:s7], [sflag:s22] =	dma.local [hbm:s5], s20  }
0x9e: {  	_ =	swait.ge [sflag:s22], s20  }
0x9f: {  	s4 =	ssub.s32 $0x0, s20;
	[sflag:s22] =	ssyncset.done $0x0  }
0xa0: {  	[sflag:s22] =	ssyncadd.s32 s4;
	_ =	sdelay $0x1  }
0xa1: {  	s23 =	simm.s32 $0x1B8B  }
0xa2: {  	_ =	swait.ge [sflag:s23], $0x1  }
0xa3: {  	[sflag:s23] =	ssyncset.done $0x0  }
0xa4: {  	s25 =	simm.s32 $0x1B8E;
	s24 =	sld [smem:$0x3FFE];
	[sflag:s23] =	ssyncadd.s32 $0xFFFFFFFF  }
0xa5: {  	s26 =	simm.s32 $execute0_lowered;
	[smem:$0x3FD2] =	sst s25  }
0xa6: {  	s5 =	sshll.u32 s26, $0x1;
	_ =	strace $0x80000046;
	[dreg:$0x1] =	wrdreg $0xFFFFFFFF  }
0xa7: {  	s28 =	simm.s32 $_size_execute0_lowered;
	s3 =	sadd.s32 s3, s5;
	[dreg:$0x0] =	wrdreg $0x0  }
0xa8: {  	s5 =	sshll.u32 s28, $0x1;
	[dreg:$0x2] =	wrdreg s3  }
0xa9: {  	[dreg:$0x3] =	wrdreg s5  }
0xaa: {  	[dreg:$0x4] =	wrdreg $0xC0  }
0xab: {  	_ =	task [dreg:s7], $0x5FFFF  }
0xac: {  	[dreg:$0x1] =	wrdreg $0xFFFFFFFF  }
0xad: {  	[dreg:$0x0] =	wrdreg $0x60  }
0xae: {  	[dreg:$0x2] =	wrdreg s24  }
0xaf: {  	[dreg:$0x3] =	wrdreg s2  }
0xb0: {  	[dreg:$0x4] =	wrdreg $0x48000  }
0xb1: {  	[dreg:$0x5] =	wrdreg $0x9  }
0xb2: {  	_ =	task.clear_ibuf [dreg:s7], $0x6FFFF;
	_ =	strace $0x90000046  }
0xb3: {  	s29 =	simm.s32 $0x9;
	_ =	strace $0x80000048  }
0xb4: {  	_ =	swait.ge [sflag:s29], $0x1  }
0xb5: {  	[sflag:s29] =	ssyncadd.s32 $0xFFFFFFFF  }
0xb6: {  	_ =	strace $0x90000048  }
0xb7: {  	_ =	sfence  }
0xb8: {  	s30 =	sld [smem:$0x0];
	_ =	sdelay $0x2  }
0xb9: {  	s31 =	sshll.u32 s1, $0xD;
	s1 =	sshrl.u32 s1, $0x2  }
0xba: {  	s3 =	sand.u32 $0x4000, s31;
	s1 =	sadd.s32 s1, s30  }
0xbb: {  	s0 =	sor.u32 s3, s0;
	s1 =	sshll.u32 s1, $0x11  }
0xbc: {  	s0 =	sor.u32 s1, s0  }
0xbd: {  	s0 =	sadd.s32 $0x8F2B, s0  }
0xbe: {  	[sflag:s0] =	ssyncadd.remote.s32 $0x1  }
0xbf: {  	_ =	sfence.sel $0xFFFF  }
0xc0: {  	[dreg:$0x0] =	wrdreg $0xFFFFFFFF;
	(pc) =	sbr.abs _section_cstart, $3  }
0xc1: {  	[dreg:$0x1] =	wrdreg $0xFFFFFFFF  }
0xc2: {  	_ =	task.clear_ibuf [dreg:s7], $0x2FFFF;
	_ =	strace $0x9FFFFFFF  }
0xc3: {  	(tm) =	ssettm $0x7FFFFFFF  }
tec
execute0_lowered:
.L_overlay_start_1:
0x0: {  	(tag) =	ssettag $0x1  }
0x1: {  	s16 =	rddreg [dreg:$0x0]  }
0x2: {  	s1 =	rddreg [dreg:$0x1]  }
0x3: {  	s0 =	srdreg.scid;
	s3 =	rddreg [dreg:$0x2]  }
0x4: {  	s2 =	stileid.u32;
	s4 =	simm.s32 $0x0;
	s19 =	simm.s32 $0x1C000  }
0x5: {  	s21 =	simm.s32 $0x40;
	s22 =	simm.s32 $0x2800;
	s23 =	simm.s32 $0x1  }
0x6: {  	s15 =	sand.u32 $0x1, s0;
	s0 =	rddreg [dreg:$0x3];
	s6 =	smul.u32 $0x50000, s2  }
0x7: {  	s24 =	simm.s32 $0x0;
	[smem:$0x7FF] =	sst s4;
	s20 =	smul.u32 $0x2800, s2  }
0x8: {  	s5 =	sshll.u32 s15, $0x4;
	_ =	strace $0x80000047;
	s7 =	ssub.s32 $0x2, s15  }
0x9: {  	p0 =	seq.s32 s15, $0x0;
	s5 =	sor.u32 s2, s5;
	s6 =	sshrl.u32 s6, $0x2  }
0xa: {  	s8 =	sshrl.u32 s7, $0x1;
	s19 =	simm.s32 @!p0 $0x44000;
	s5 =	smul.u32 $0xA00, s5  }
0xb: {  	p0 =	sne.s32 s15, $0x0;
	s18 =	ssub.s32 s7, s8;
	s31 =	sadd.s32 s19, s16  }
0xc: {  	s19 =	sshll.u32 @p0 s2, $0x6;
	s17 =	sadd.s32 s5, s16;
	s5 =	sadd.s32 s6, s3  }
0xd: {  	s16 =	smax.u32 s18, $0x1;
	s18 =	sor.u32 @p0 $0x1C02, s19;
	s6 =	sadd.s32 $0x2000, s5  }
0xe: {  	s7 =	sadd.s32 $0x4000, s5;
	s8 =	sadd.s32 $0x6000, s5;
	s9 =	sadd.s32 $0x8000, s5  }
0xf: {  	s10 =	sadd.s32 $0xA000, s5;
	s11 =	sadd.s32 $0xC000, s5;
	s12 =	sadd.s32 $0xE000, s5  }
0x10: {  	s13 =	sadd.s32 $0x10000, s5;
	s14 =	sadd.s32 $0x12000, s5;
	s15 =	sadd.s32 $0x8000, s17  }
0x11: {  	v0 =	vimm.f32 $1.000000000e+00;
	s17 =	sadd.s32 s31, s20;
	s19 =	sshrl.u32 @p0 s5, $0x3;
	s20 =	simm.s32 $0x2  }
.LBB2_1:
0x12: {  	s25 =	simm.s32 $0x0;
	s26 =	simm.s32 $0x200  }
.LBB2_2:
0x13: {  	p1 =	sne.s32 s26, $0x7E00;
	[tilespmem:s25+$0x2870] =	vst v0  }
0x14: {  	[tilespmem:s25+$0x2800] =	vst v0  }
0x15: {  	[tilespmem:s25+$0x2810] =	vst v0  }
.Ltmp0:
0x16: {  	[tilespmem:s25+$0x2820] =	vst v0;
	(pc) =	sbr.rel @p1 .LBB2_2-.Ltmp0, $4  }
0x17: {  	[tilespmem:s25+$0x2830] =	vst v0  }
0x18: {  	[tilespmem:s25+$0x2840] =	vst v0  }
0x19: {  	[tilespmem:s25+$0x2850] =	vst v0  }
0x1a: {  	[tilespmem:s25+$0x2860] =	vst v0;
	s25 =	sshra.s32 s26, $0x2;
	s26 =	sadd.s32 $0x200, s26  }
0x1b: {  	[tilespmem:s25+$0x2870] =	vst v0  }
0x1c: {  	[tilespmem:s25+$0x2800] =	vst v0  }
0x1d: {  	[tilespmem:s25+$0x2810] =	vst v0  }
0x1e: {  	[tilespmem:s25+$0x2820] =	vst v0  }
0x1f: {  	[tilespmem:s25+$0x2830] =	vst v0  }
0x20: {  	[tilespmem:s25+$0x2840] =	vst v0  }
0x21: {  	[tilespmem:s25+$0x2850] =	vst v0  }
0x22: {  	[tilespmem:s25+$0x2860] =	vst v0;
	s25 =	simm.s32 @p0 $0x2  }
0x23: {  	[spmem:s19], [sflag:s18] =	dma.local @p0 [hbm:s1], $0x2800  }
0x24: {  	_ =	swait.ge @p0 [sflag:s25], $0x2800  }
0x25: {  	[sflag:s25] =	ssyncset.done @p0 $0x0  }
0x26: {  	s26 =	simm.s32 @!p0 $0x2;
	[sflag:s25] =	ssyncadd.s32 @p0 $0xFFFFD800;
	s25 =	simm.s32 @!p0 $0x2800  }
0x27: {  	[spmem:s5] =	stream.linear.scatter @!p0 [tilespmem:s25], [sflag:$0x2], $0x2000, $0x38;
	[tilespmem:$0x18800] =	vst v63  }
0x28: {  	_ =	swait.ge @!p0 [sflag:s26], $0x2000  }
0x29: {  	[sflag:s26] =	ssyncset.done @!p0 $0x0  }
0x2a: {  	[sflag:s26] =	ssyncadd.s32 @!p0 $0xFFFFE000  }
0x2b: {  	[spmem:s6] =	stream.linear.scatter @!p0 [tilespmem:s25], [sflag:$0x2], $0x2000, $0x38;
	[tilespmem:$0x18800] =	vst v63  }
0x2c: {  	_ =	swait.ge @!p0 [sflag:s26], $0x2000  }
0x2d: {  	[sflag:s26] =	ssyncset.done @!p0 $0x0  }
0x2e: {  	[sflag:s26] =	ssyncadd.s32 @!p0 $0xFFFFE000  }
0x2f: {  	[spmem:s7] =	stream.linear.scatter @!p0 [tilespmem:s25], [sflag:$0x2], $0x2000, $0x38;
	[tilespmem:$0x18800] =	vst v63  }
0x30: {  	_ =	swait.ge @!p0 [sflag:s26], $0x2000  }
0x31: {  	[sflag:s26] =	ssyncset.done @!p0 $0x0  }
0x32: {  	[sflag:s26] =	ssyncadd.s32 @!p0 $0xFFFFE000  }
0x33: {  	[spmem:s8] =	stream.linear.scatter @!p0 [tilespmem:s25], [sflag:$0x2], $0x2000, $0x38;
	[tilespmem:$0x18800] =	vst v63  }
0x34: {  	_ =	swait.ge @!p0 [sflag:s26], $0x2000  }
0x35: {  	[sflag:s26] =	ssyncset.done @!p0 $0x0  }
0x36: {  	[sflag:s26] =	ssyncadd.s32 @!p0 $0xFFFFE000  }
0x37: {  	[spmem:s9] =	stream.linear.scatter @!p0 [tilespmem:s25], [sflag:$0x2], $0x2000, $0x38;
	[tilespmem:$0x18800] =	vst v63  }
0x38: {  	_ =	swait.ge @!p0 [sflag:s26], $0x2000  }
0x39: {  	[sflag:s26] =	ssyncset.done @!p0 $0x0  }
0x3a: {  	[sflag:s26] =	ssyncadd.s32 @!p0 $0xFFFFE000  }
0x3b: {  	[spmem:s10] =	stream.linear.scatter @!p0 [tilespmem:s25], [sflag:$0x2], $0x2000, $0x38;
	[tilespmem:$0x18800] =	vst v63  }
0x3c: {  	_ =	swait.ge @!p0 [sflag:s26], $0x2000  }
0x3d: {  	[sflag:s26] =	ssyncset.done @!p0 $0x0  }
0x3e: {  	[sflag:s26] =	ssyncadd.s32 @!p0 $0xFFFFE000  }
0x3f: {  	[spmem:s11] =	stream.linear.scatter @!p0 [tilespmem:s25], [sflag:$0x2], $0x2000, $0x38;
	[tilespmem:$0x18800] =	vst v63  }
0x40: {  	_ =	swait.ge @!p0 [sflag:s26], $0x2000  }
0x41: {  	[sflag:s26] =	ssyncset.done @!p0 $0x0  }
0x42: {  	[sflag:s26] =	ssyncadd.s32 @!p0 $0xFFFFE000  }
0x43: {  	[spmem:s12] =	stream.linear.scatter @!p0 [tilespmem:s25], [sflag:$0x2], $0x2000, $0x38;
	[tilespmem:$0x18800] =	vst v63  }
0x44: {  	_ =	swait.ge @!p0 [sflag:s26], $0x2000  }
0x45: {  	[sflag:s26] =	ssyncset.done @!p0 $0x0  }
0x46: {  	[sflag:s26] =	ssyncadd.s32 @!p0 $0xFFFFE000  }
0x47: {  	[spmem:s13] =	stream.linear.scatter @!p0 [tilespmem:s25], [sflag:$0x2], $0x2000, $0x38;
	[tilespmem:$0x18800] =	vst v63  }
0x48: {  	_ =	swait.ge @!p0 [sflag:s26], $0x2000  }
0x49: {  	[sflag:s26] =	ssyncset.done @!p0 $0x0  }
0x4a: {  	[sflag:s26] =	ssyncadd.s32 @!p0 $0xFFFFE000  }
0x4b: {  	[spmem:s14] =	stream.linear.scatter @!p0 [tilespmem:s25], [sflag:$0x2], $0x2000, $0x38;
	[tilespmem:$0x18800] =	vst v63  }
0x4c: {  	_ =	swait.ge @!p0 [sflag:s26], $0x2000  }
0x4d: {  	[sflag:s26] =	ssyncset.done @!p0 $0x0  }
0x4e: {  	[sflag:s26] =	ssyncadd.s32 @!p0 $0xFFFFE000  }
0x4f: {  	[bflag:$0x0] =	sbarrier.arrive $0xFFFF  }
0x50: {  	[tilespmem:s4], [sflag:$0x2] =	stream.linear.gather [hbm4b:s15+s4], $0x2800, $0x38;
	[tilespmem:$0x18800] =	vst v63  }
0x51: {  	_ =	swait.ge [sflag:s20], $0x2800  }
0x52: {  	[sflag:s20] =	ssyncset.done $0x0  }
0x53: {  	[sflag:s20] =	ssyncadd.s32 $0xFFFFD800  }
0x54: {  	[spmem:s3] =	stream.indirect.scatter.add.f32 [tilespmem:s22], [sflag:$0x1], $0x80, s4, s21, $0xb8;
	[tilespmem:$0x18800] =	vst v63  }
0x55: {  	s31 =	simm.s32 $0x80  }
0x56: {  	[spmem:s3] =	stream.indirect.scatter.add.f32 [tilespmem:s22], [sflag:$0x1], $0x80, s31, s21, $0xb8;
	[tilespmem:$0x18800] =	vst v63  }
0x57: {  	_ =	swait.ge [sflag:s23], $0x2000  }
0x58: {  	s25 =	simm.s32 $0x400;
	[sflag:s23] =	ssyncset.done $0x0  }
.LBB2_4:
0x59: {  	s26 =	sshra.s32 s25, $0x2;
	[sflag:s23] =	ssyncadd.s32 $0xFFFFE000;
	p1 =	sne.s32 s25, $0x9E00  }
0x5a: {  	[spmem:s3] =	stream.indirect.scatter.add.f32 [tilespmem:s22], [sflag:$0x1], $0x80, s26, s21, $0xb8;
	[tilespmem:$0x18800] =	vst v63  }
.Ltmp1:
0x5b: {  	_ = 	snop;
	(pc) =	sbr.rel @p1 .LBB2_4-.Ltmp1, $4  }
0x5c: {  	_ = 	snop  }
0x5d: {  	s25 =	sadd.s32 $0x200, s25  }
0x5e: {  	_ =	swait.ge [sflag:s23], $0x2000  }
0x5f: {  	[sflag:s23] =	ssyncset.done $0x0  }
0x60: {  	[sflag:s23] =	ssyncadd.s32 $0xFFFFE000  }
0x61: {  	_ =	swait.ge [sflag:s23], $0x2000  }
0x62: {  	[sflag:s23] =	ssyncset.done $0x0  }
0x63: {  	s25 =	sadd.s32 $0x500, s15;
	[sflag:s23] =	ssyncadd.s32 $0xFFFFE000  }
0x64: {  	[tilespmem:s4], [sflag:$0x2] =	stream.linear.gather [hbm4b:s25+s4], $0x2800, $0x38;
	[tilespmem:$0x18800] =	vst v63  }
0x65: {  	_ =	swait.ge [sflag:s20], $0x2800  }
0x66: {  	[sflag:s20] =	ssyncset.done $0x0  }
0x67: {  	[sflag:s20] =	ssyncadd.s32 $0xFFFFD800  }
0x68: {  	[spmem:s3] =	stream.indirect.scatter.add.f32 [tilespmem:s22], [sflag:$0x1], $0x80, s4, s21, $0xb8;
	[tilespmem:$0x18800] =	vst v63  }
0x69: {  	s31 =	simm.s32 $0x80  }
0x6a: {  	[spmem:s3] =	stream.indirect.scatter.add.f32 [tilespmem:s22], [sflag:$0x1], $0x80, s31, s21, $0xb8;
	[tilespmem:$0x18800] =	vst v63  }
0x6b: {  	_ =	swait.ge [sflag:s23], $0x2000  }
0x6c: {  	s25 =	simm.s32 $0x400;
	[sflag:s23] =	ssyncset.done $0x0  }
.LBB2_6:
0x6d: {  	s26 =	sshra.s32 s25, $0x2;
	[sflag:s23] =	ssyncadd.s32 $0xFFFFE000;
	p1 =	sne.s32 s25, $0x9E00  }
0x6e: {  	[spmem:s3] =	stream.indirect.scatter.add.f32 [tilespmem:s22], [sflag:$0x1], $0x80, s26, s21, $0xb8;
	[tilespmem:$0x18800] =	vst v63  }
.Ltmp2:
0x6f: {  	_ = 	snop;
	(pc) =	sbr.rel @p1 .LBB2_6-.Ltmp2, $4  }
0x70: {  	_ = 	snop  }
0x71: {  	s25 =	sadd.s32 $0x200, s25  }
0x72: {  	_ =	swait.ge [sflag:s23], $0x2000  }
0x73: {  	[sflag:s23] =	ssyncset.done $0x0  }
0x74: {  	[sflag:s23] =	ssyncadd.s32 $0xFFFFE000  }
0x75: {  	_ =	swait.ge [sflag:s23], $0x2000  }
0x76: {  	s25 =	sshll.u32 s2, $0x6;
	s24 =	sadd.s32 $0x1, s24;
	[sflag:s23] =	ssyncset.done $0x0  }
0x77: {  	s26 =	sshrl.u32 s5, $0x3;
	p1 =	sne.s32 s24, s16;
	[sflag:s23] =	ssyncadd.s32 $0xFFFFE000  }
.Ltmp3:
0x78: {  	s25 =	sor.u32 $0x1C02, s25;
	[bflag:$0x0] =	sbarrier.arrive $0xFFFF;
	(pc) =	sbr.rel @p1 .LBB2_1-.Ltmp3, $4  }
0x79: {  	[hbm:s17], [sflag:s25] =	dma.local [spmem:s26], $0x2800  }
0x7a: {  	_ =	swait.ge [sflag:s20], $0x2800  }
0x7b: {  	[sflag:s20] =	ssyncset.done $0x0  }
0x7c: {  	[sflag:s20] =	ssyncadd.s32 $0xFFFFD800  }
0x7d: {  	_ =	sfence.sel $0x180000  }
0x7e: {  	[bflag:$0x0] =	sbarrier.arrive $0xFFFF  }
0x7f: {  	p0 =	sne.s32 s2, $0x0;
	_ =	strace $0x90000047  }
0x80: {  	s0 =	sadd.s32 @!p0 $0x100000, s0;
	[bflag:$0x2] =	sbarrier.arrive $0xFFFF  }
0x81: {  	[sflag:s0] =	ssyncadd.tile.s32 @!p0 $0x1;
	_ =	shalt  }
.Lfunc_end2:
_tile_overlayer_lowered:
.L_overlay_start_2:
0x82: {  	(tag) =	ssettag $0x2  }
0x83: {  	s0 =	rddreg [dreg:$0x0];
	s2 =	stileid.u32  }
0x84: {  	s1 =	rddreg [dreg:$0x1];
	p0 =	sne.s32 s2, $0x0  }
0x85: {  	s3 =	rddreg [dreg:$0x2];
	[bflag:$0x3] =	sbarrier.arrive $0xFFFF;
	s2 =	simm.s32 @!p0 $0x1C02  }
0x86: {  	[timem:s3], [sflag:s2] =	dma.local @!p0 [hbm:s0], s1  }
0x87: {  	s0 =	simm.s32 @!p0 $0x2  }
0x88: {  	_ =	swait.ge @!p0 [sflag:s0], s1  }
0x89: {  	s1 =	ssub.s32 @!p0 $0x0, s1;
	[sflag:s0] =	ssyncset.done @!p0 $0x0  }
0x8a: {  	[sflag:s0] =	ssyncadd.s32 @!p0 s1  }
0x8b: {  	[bflag:$0x3] =	sbarrier.arrive $0xFFFF  }
0x8c: {  	_ =	shalt  }

// kernel: kernel.19.cloned.1.call-start
scs
__scs_entry_jumppad:
0x0: {  	(pc) =	sbr.rel $0x88, $3  }
0x1: {  	(tag) =	ssettag $0x0;
	lr =	simm.s32 $0x1  }
0x2: {  	[smem:$0x3F91] =	sst lr;
	_ =	strace $0xD0000000  }
0x3: {  	_ = 	snop  }
0x4: {  	_ = 	snop  }
0x5: {  	_ = 	snop  }
0x6: {  	_ = 	snop  }
0x7: {  	_ = 	snop  }
__scs_overlays_trampoline_lowered:
0x8: {  	[smem:$0x3FA0] =	sst s0  }
0x9: {  	[smem:$0x3FA1] =	sst s1  }
0xa: {  	[smem:$0x3FA2] =	sst s2  }
0xb: {  	[smem:$0x3FA3] =	sst s3  }
0xc: {  	[smem:$0x3FA4] =	sst s4  }
0xd: {  	[smem:$0x3FA5] =	sst s5  }
0xe: {  	[smem:$0x3FA6] =	sst s6  }
0xf: {  	[smem:$0x3FA7] =	sst s7  }
0x10: {  	[smem:$0x3FA8] =	sst s8  }
0x11: {  	[smem:$0x3FA9] =	sst s9;
	s0 =	simm.s32 @!p0 $0x0  }
0x12: {  	s1 =	sld [smem:$0x3F8F];
	s0 =	simm.s32 @p0 $0x1  }
0x13: {  	[smem:$0x3FAA] =	sst s0;
	s0 =	simm.s32 @!p1 $0x0  }
0x14: {  	s2 =	sld [smem:$0x3F8E];
	s0 =	simm.s32 @p1 $0x1  }
0x15: {  	[smem:$0x3FAB] =	sst s0;
	s0 =	simm.s32 @!p2 $0x0  }
0x16: {  	s3 =	sld [smem:$0x3FDB];
	s0 =	simm.s32 @p2 $0x1  }
0x17: {  	s4 =	simm.s32 $0x1BF5;
	[smem:$0x3FAD] =	sst s0  }
0x18: {  	s0 =	sld [smem:$0x3F90];
	_ =	swait.ge [sflag:s4], $0x0  }
0x19: {  	s7 =	sld [smem:$0x3F91]  }
0x1a: {  	s8 =	sadd.s32 $0xFFFFE003, lr  }
0x1b: {  	s9 =	sadd.s32 $0xFFFFFEF7, lr;
	s5 =	simm.s32 $0xFFFFFFFF;
	p2 =	slt.u32 s8, $0xFFFFF086  }
0x1c: {  	p1 =	slt.u32 s9, $0xF7A;
	s5 =	simm.s32 @!p2 $0x0  }
0x1d: {  	s5 =	simm.s32 @p1 $0x1;
	p0 =	seq.s32 s7, s2  }
0x1e: {  	s7 =	smul.u32 @!p0 $0xF7A, s2;
	p2 =	seq.s32 @!p0 s5, $0x0  }
0x1f: {  	s9 =	smul.u32 $0xF7A, s1;
	s8 =	simm.s32 @!p0 $0x1BF5;
	p2 =	por !p2, p0  }
0x20: {  	[sflag:s8] =	ssyncset.s32 @!p0 $0xFFFFF086;
	s6 =	sadd.s32 @!p0 s3, s7;
	s7 =	simm.s32 @!p0 $0x108  }
0x21: {  	s3 =	sadd.s32 s3, s9;
	s6 =	sadd.s32 @!p0 $0x88, s6;
	s7 =	simm.s32 @p2 $0x1082  }
0x22: {  	[simem:s7], [sflag:s8] =	dma.local @!p0 [hbm:s6], $0xF7A  }
0x23: {  	s9 =	sor.u32 $0xD0000000, s2;
	s6 =	simm.s32 $0x108;
	_ =	swait.ge @!p0 [sflag:s8], $0x0  }
0x24: {  	s3 =	sadd.s32 $0x88, s3;
	s6 =	simm.s32 @!p1 $0x1082;
	[sflag:s4] =	ssyncset.s32 $0xFFFFF086  }
0x25: {  	[simem:s6], [sflag:s4] =	dma.local [hbm:s3], $0xF7A  }
0x26: {  	[smem:$0x3F91] =	sst s1;
	(tag) =	ssettag s2;
	_ =	strace s9  }
0x27: {  	s1 =	sld [smem:$0x3FA1]  }
0x28: {  	s2 =	sld [smem:$0x3FA2]  }
0x29: {  	s4 =	sld [smem:$0x3FA4]  }
0x2a: {  	p0 =	seq.s32 s5, $0x0;
	s5 =	sld [smem:$0x3FA5]  }
0x2b: {  	s6 =	sld [smem:$0x3FA6]  }
0x2c: {  	s7 =	sld [smem:$0x3FA7]  }
0x2d: {  	s3 =	simm.s32 $0x108;
	s8 =	sld [smem:$0x3FA8]  }
0x2e: {  	s3 =	simm.s32 @!p0 $0x1082;
	s9 =	sld [smem:$0x3FA9]  }
0x2f: {  	lr =	sadd.s32 s0, s3;
	s0 =	sld [smem:$0x3FA0]  }
0x30: {  	s3 =	sld [smem:$0x3FA3]  }
0x31: {  	[smem:$0x3FAC] =	sst s10  }
0x32: {  	s10 =	sld [smem:$0x3FAA];
	_ =	sdelay $0x3  }
0x33: {  	p0 =	seq.s32 s10, $0x1;
	s10 =	sld [smem:$0x3FAC];
	_ =	sdelay $0x3  }
0x34: {  	[smem:$0x3FAC] =	sst s10  }
0x35: {  	s10 =	sld [smem:$0x3FAB];
	_ =	sdelay $0x3  }
0x36: {  	p1 =	seq.s32 s10, $0x1;
	s10 =	sld [smem:$0x3FAC];
	_ =	sdelay $0x3  }
0x37: {  	[smem:$0x3FAC] =	sst s10  }
0x38: {  	s10 =	sld [smem:$0x3FAD]  }
0x39: {  	_ = 	snop;
	(pc) =	sbr.ind lr, $3  }
0x3a: {  	_ = 	snop  }
0x3b: {  	_ = 	snop  }
0x3c: {  	p2 =	seq.s32 s10, $0x1;
	s10 =	sld [smem:$0x3FAC]  }
0x3d: {  	_ =	shalt  }
0x3e: {  	_ =	shalt  }
0x3f: {  	_ =	shalt  }
0x40: {  	_ =	shalt  }
0x41: {  	_ =	shalt  }
0x42: {  	_ =	shalt  }
0x43: {  	_ =	shalt  }
0x44: {  	_ =	shalt  }
0x45: {  	_ =	shalt  }
0x46: {  	_ =	shalt  }
0x47: {  	_ =	shalt  }
0x48: {  	_ =	shalt  }
0x49: {  	_ =	shalt  }
0x4a: {  	_ =	shalt  }
0x4b: {  	_ =	shalt  }
0x4c: {  	_ =	shalt  }
0x4d: {  	_ =	shalt  }
0x4e: {  	_ =	shalt  }
0x4f: {  	_ =	shalt  }
0x50: {  	_ =	shalt  }
0x51: {  	_ =	shalt  }
0x52: {  	_ =	shalt  }
0x53: {  	_ =	shalt  }
0x54: {  	_ =	shalt  }
0x55: {  	_ =	shalt  }
0x56: {  	_ =	shalt  }
0x57: {  	_ =	shalt  }
0x58: {  	_ =	shalt  }
0x59: {  	_ =	shalt  }
0x5a: {  	_ =	shalt  }
0x5b: {  	_ =	shalt  }
0x5c: {  	_ =	shalt  }
0x5d: {  	_ =	shalt  }
0x5e: {  	_ =	shalt  }
0x5f: {  	_ =	shalt  }
0x60: {  	_ =	shalt  }
0x61: {  	_ =	shalt  }
0x62: {  	_ =	shalt  }
0x63: {  	_ =	shalt  }
0x64: {  	_ =	shalt  }
0x65: {  	_ =	shalt  }
0x66: {  	_ =	shalt  }
0x67: {  	_ =	shalt  }
0x68: {  	_ =	shalt  }
0x69: {  	_ =	shalt  }
0x6a: {  	_ =	shalt  }
0x6b: {  	_ =	shalt  }
0x6c: {  	_ =	shalt  }
0x6d: {  	_ =	shalt  }
0x6e: {  	_ =	shalt  }
0x6f: {  	_ =	shalt  }
0x70: {  	_ =	shalt  }
0x71: {  	_ =	shalt  }
0x72: {  	_ =	shalt  }
0x73: {  	_ =	shalt  }
0x74: {  	_ =	shalt  }
0x75: {  	_ =	shalt  }
0x76: {  	_ =	shalt  }
0x77: {  	_ =	shalt  }
0x78: {  	_ =	shalt  }
0x79: {  	_ =	shalt  }
0x7a: {  	_ =	shalt  }
0x7b: {  	_ =	shalt  }
0x7c: {  	_ =	shalt  }
0x7d: {  	_ =	shalt  }
0x7e: {  	_ =	shalt  }
0x7f: {  	_ =	shalt  }
0x80: {  	_ =	shalt  }
0x81: {  	_ =	shalt  }
0x82: {  	_ =	shalt  }
0x83: {  	_ =	shalt  }
0x84: {  	_ =	shalt  }
0x85: {  	_ =	shalt  }
0x86: {  	_ =	shalt  }
0x87: {  	_ =	shalt  }
.Lfunc_end0:
.L_simem_size_0:
called_computation.1_lowered:
.L_overlay_start_0:
0x88: {  	s2 =	sld [smem:$0x3FD9]  }
0x89: {  	s3 =	sld [smem:$0x3FFE];
	_ =	sdelay $0x1  }
0x8a: {  	s1 =	srdreg.scid  }
0x8b: {  	s0 =	sand.u32 $0x1, s1  }
0x8c: {  	s17 =	sshll.u32 s0, $0xA;
	s2 =	sadd.s32 s3, s2  }
0x8d: {  	s2 =	sadd.s32 s2, s17  }
0x8e: {  	[smem:$0x3FB8] =	sst s2  }
0x8f: {  	_ = 	snop  }
0x90: {  	s2 =	sld [smem:$0x3FD0];
	(tm) =	ssettm $0x1  }
0x91: {  	s18 =	sld [smem:$0x3FFB];
	_ =	sdelay $0x3  }
0x92: {  	_ =	strace s18  }
0x93: {  	s3 =	sld [smem:$0x3FFC];
	_ =	sdelay $0x3  }
0x94: {  	_ =	strace s3  }
0x95: {  	s3 =	sld [smem:$0x3FFD];
	_ =	sdelay $0x3  }
0x96: {  	_ =	strace s3  }
0x97: {  	_ =	strace $0x8FFFFFFF  }
0x98: {  	s19 =	sld [smem:$0x3FDB];
	_ =	sdelay $0x1  }
0x99: {  	s4 =	simm.s32 $_scs_section_size  }
0x9a: {  	s5 =	simm.s32 $_size__tile_overlayer_lowered;
	s6 =	simm.s32 $_tile_overlayer_lowered  }
0x9b: {  	s22 =	simm.s32 $0x1BFF;
	s21 =	sshll.u32 s6, $0x1;
	s3 =	sadd.s32 s4, s19  }
0x9c: {  	s7 =	simm.s32 $0x0;
	s20 =	sshll.u32 s5, $0x1;
	s5 =	sadd.s32 s21, s3  }
0x9d: {  	[timem:s7], [sflag:s22] =	dma.local [hbm:s5], s20  }
0x9e: {  	_ =	swait.ge [sflag:s22], s20  }
0x9f: {  	s4 =	ssub.s32 $0x0, s20;
	[sflag:s22] =	ssyncset.done $0x0  }
0xa0: {  	[sflag:s22] =	ssyncadd.s32 s4;
	_ =	sdelay $0x1  }
0xa1: {  	s23 =	simm.s32 $0x1B8B  }
0xa2: {  	_ =	swait.ge [sflag:s23], $0x1  }
0xa3: {  	[sflag:s23] =	ssyncset.done $0x0  }
0xa4: {  	s25 =	simm.s32 $0x1B8E;
	s24 =	sld [smem:$0x3FFE];
	[sflag:s23] =	ssyncadd.s32 $0xFFFFFFFF  }
0xa5: {  	s26 =	simm.s32 $execute0_lowered;
	[smem:$0x3FD2] =	sst s25  }
0xa6: {  	s5 =	sshll.u32 s26, $0x1;
	_ =	strace $0x80000049;
	[dreg:$0x1] =	wrdreg $0xFFFFFFFF  }
0xa7: {  	s28 =	simm.s32 $_size_execute0_lowered;
	s3 =	sadd.s32 s3, s5;
	[dreg:$0x0] =	wrdreg $0x0  }
0xa8: {  	s5 =	sshll.u32 s28, $0x1;
	[dreg:$0x2] =	wrdreg s3  }
0xa9: {  	[dreg:$0x3] =	wrdreg s5  }
0xaa: {  	[dreg:$0x4] =	wrdreg $0xC0  }
0xab: {  	_ =	task [dreg:s7], $0x5FFFF  }
0xac: {  	[dreg:$0x1] =	wrdreg $0xFFFFFFFF  }
0xad: {  	[dreg:$0x0] =	wrdreg $0x60  }
0xae: {  	[dreg:$0x2] =	wrdreg s24  }
0xaf: {  	[dreg:$0x3] =	wrdreg s2  }
0xb0: {  	[dreg:$0x4] =	wrdreg $0x90000  }
0xb1: {  	[dreg:$0x5] =	wrdreg $0x9  }
0xb2: {  	_ =	task.clear_ibuf [dreg:s7], $0x6FFFF;
	_ =	strace $0x90000049  }
0xb3: {  	s29 =	simm.s32 $0x9;
	_ =	strace $0x8000004B  }
0xb4: {  	_ =	swait.ge [sflag:s29], $0x1  }
0xb5: {  	[sflag:s29] =	ssyncadd.s32 $0xFFFFFFFF  }
0xb6: {  	_ =	strace $0x9000004B  }
0xb7: {  	_ =	sfence  }
0xb8: {  	s30 =	sld [smem:$0x0];
	_ =	sdelay $0x2  }
0xb9: {  	s31 =	sshll.u32 s1, $0xD;
	s1 =	sshrl.u32 s1, $0x2  }
0xba: {  	s3 =	sand.u32 $0x4000, s31;
	s1 =	sadd.s32 s1, s30  }
0xbb: {  	s0 =	sor.u32 s3, s0;
	s1 =	sshll.u32 s1, $0x11  }
0xbc: {  	s0 =	sor.u32 s1, s0  }
0xbd: {  	s0 =	sadd.s32 $0x8F2B, s0  }
0xbe: {  	[sflag:s0] =	ssyncadd.remote.s32 $0x1  }
0xbf: {  	_ =	sfence.sel $0xFFFF  }
0xc0: {  	[dreg:$0x0] =	wrdreg $0xFFFFFFFF;
	(pc) =	sbr.abs _section_cstart, $3  }
0xc1: {  	[dreg:$0x1] =	wrdreg $0xFFFFFFFF  }
0xc2: {  	_ =	task.clear_ibuf [dreg:s7], $0x2FFFF;
	_ =	strace $0x9FFFFFFF  }
0xc3: {  	(tm) =	ssettm $0x7FFFFFFF  }
tec
execute0_lowered:
.L_overlay_start_1:
0x0: {  	(tag) =	ssettag $0x1  }
0x1: {  	s8 =	rddreg [dreg:$0x0]  }
0x2: {  	s0 =	srdreg.scid;
	s9 =	rddreg [dreg:$0x1]  }
0x3: {  	s4 =	rddreg [dreg:$0x2];
	s1 =	stileid.u32  }
0x4: {  	s2 =	simm.s32 $0x0;
	s14 =	simm.s32 $0x44000;
	s15 =	simm.s32 $0x1  }
0x5: {  	s16 =	simm.s32 $0x7000;
	s17 =	simm.s32 $0x2;
	s18 =	simm.s32 $0x2780  }
0x6: {  	s10 =	sand.u32 $0x1, s0;
	s0 =	rddreg [dreg:$0x3];
	s6 =	smul.u32 $0x50000, s1  }
0x7: {  	s21 =	simm.s32 $0x0;
	[smem:$0x7FF] =	sst s2;
	s12 =	smul.u32 $0x2800, s1  }
0x8: {  	s31 =	sshll.u32 s1, $0x6;
	s3 =	sshll.u32 s10, $0x4;
	_ =	strace $0x8000004A  }
0x9: {  	s30 =	ssub.s32 $0x2, s10;
	p0 =	seq.s32 s10, $0x0;
	s3 =	sor.u32 s1, s3  }
0xa: {  	s11 =	sshrl.u32 s30, $0x1;
	s6 =	sshrl.u32 s6, $0x2;
	s14 =	simm.s32 @!p0 $0x6C000  }
0xb: {  	p0 =	sne.s32 s10, $0x0;
	s5 =	smul.u32 $0xA00, s3;
	s3 =	sadd.s32 $0x1C000, s8  }
0xc: {  	s11 =	ssub.s32 s30, s11;
	s13 =	sadd.s32 s6, s4;
	s4 =	sadd.s32 s3, s12  }
0xd: {  	s10 =	sshrl.u32 s13, $0x3;
	s13 =	simm.s32 $0x40;
	s7 =	sadd.s32 s5, s8  }
0xe: {  	s8 =	sadd.s32 s14, s8;
	s4 =	smov.u32 @p0 s9;
	s9 =	sor.u32 $0x1C03, s31  }
0xf: {  	s14 =	simm.s32 $0x5000;
	s5 =	sadd.s32 $0x94000, s7;
	s6 =	sadd.s32 $0x8000, s7  }
0x10: {  	s7 =	smax.u32 s11, $0x1;
	s8 =	sadd.s32 s8, s12;
	s11 =	simm.s32 $0x3  }
0x11: {  	s12 =	simm.s32 $0x2800;
	s19 =	sadd.s32 $0x500, s5;
	s20 =	sadd.s32 $0x500, s6  }
.LBB2_1:
0x12: {  	[spmem:s10], [sflag:s9] =	dma.local [hbm:s4], $0x2800  }
0x13: {  	_ =	swait.ge [sflag:s11], $0x2800  }
0x14: {  	[sflag:s11] =	ssyncset.done $0x0  }
0x15: {  	[sflag:s11] =	ssyncadd.s32 $0xFFFFD800  }
0x16: {  	[bflag:$0x0] =	sbarrier.arrive $0xFFFF  }
0x17: {  	[tilespmem:s2], [sflag:$0x3] =	stream.linear.gather [hbm4b:s5+s2], $0x2800, $0x38;
	[tilespmem:$0x1D000] =	vst v63  }
0x18: {  	_ =	swait.ge [sflag:s11], $0x2800  }
0x19: {  	[sflag:s11] =	ssyncset.done $0x0  }
0x1a: {  	[sflag:s11] =	ssyncadd.s32 $0xFFFFD800  }
0x1b: {  	[tilespmem:s12], [sflag:$0x3] =	stream.linear.gather [hbm4b:s6+s2], $0x2800, $0x38;
	[tilespmem:$0x1D000] =	vst v63  }
0x1c: {  	_ =	swait.ge [sflag:s11], $0x2800  }
0x1d: {  	[sflag:s11] =	ssyncset.done $0x0  }
0x1e: {  	[sflag:s11] =	ssyncadd.s32 $0xFFFFD800  }
0x1f: {  	[tilespmem:s14], [sflag:$0x1] =	stream.indirect.gather [hbm4b:s3+s13], $0x80, s2, s13, $0xb8;
	[tilespmem:$0x1D000] =	vst v63  }
0x20: {  	_ =	swait.ge [sflag:s15], $0x2000  }
0x21: {  	[sflag:s15] =	ssyncset.done $0x0  }
0x22: {  	s22 =	simm.s32 $0x80;
	[sflag:s15] =	ssyncadd.s32 $0xFFFFE000  }
0x23: {  	[tilespmem:s16], [sflag:$0x2] =	stream.indirect.gather [hbm4b:s3+s13], $0x80, s22, s13, $0xb8;
	[tilespmem:$0x1D000] =	vst v63  }
0x24: {  	_ =	swait.ge [sflag:s17], $0x2000  }
0x25: {  	[sflag:s17] =	ssyncset.done $0x0  }
0x26: {  	s23 =	simm.s32 $0x100;
	s22 =	simm.s32 $0xFFFF6800;
	[sflag:s17] =	ssyncadd.s32 $0xFFFFE000  }
.LBB2_2:
0x27: {  	[tilespmem:s14], [sflag:$0x1] =	stream.indirect.gather [hbm4b:s3+s13], $0x80, s23, s13, $0xb8;
	[tilespmem:$0x1D000] =	vst v63  }
0x28: {  	s23 =	smov.u32 s22  }
0x29: {  	p0 =	sne.s32 s22, $0xFFFFFC00;
	s22 =	sadd.s32 $0x400, s22;
	_ =	swait.ge [sflag:s15], $0x2000  }
0x2a: {  	s23 =	sshra.s32 s23, $0x2;
	[sflag:s15] =	ssyncset.done $0x0  }
.Ltmp0:
0x2b: {  	s24 =	sadd.s32 $0x2780, s23;
	[sflag:s15] =	ssyncadd.s32 $0xFFFFE000;
	(pc) =	sbr.rel @p0 .LBB2_2-.Ltmp0, $4  }
0x2c: {  	[tilespmem:s16], [sflag:$0x2] =	stream.indirect.gather [hbm4b:s3+s13], $0x80, s24, s13, $0xb8;
	[tilespmem:$0x1D000] =	vst v63  }
0x2d: {  	_ =	swait.ge [sflag:s17], $0x2000  }
0x2e: {  	[sflag:s17] =	ssyncset.done $0x0  }
0x2f: {  	s23 =	sadd.s32 $0x2800, s23;
	[sflag:s17] =	ssyncadd.s32 $0xFFFFE000  }
0x30: {  	[tilespmem:s14], [sflag:$0x1] =	stream.indirect.gather [hbm4b:s3+s13], $0x80, s23, s13, $0xb8;
	[tilespmem:$0x1D000] =	vst v63  }
0x31: {  	_ =	swait.ge [sflag:s15], $0x2000  }
0x32: {  	[sflag:s15] =	ssyncset.done $0x0  }
0x33: {  	[sflag:s15] =	ssyncadd.s32 $0xFFFFE000  }
0x34: {  	[tilespmem:s16], [sflag:$0x2] =	stream.indirect.gather [hbm4b:s3+s13], $0x80, s18, s13, $0xb8;
	[tilespmem:$0x1D000] =	vst v63  }
0x35: {  	_ =	swait.ge [sflag:s17], $0x2000  }
0x36: {  	[sflag:s17] =	ssyncset.done $0x0  }
0x37: {  	[sflag:s17] =	ssyncadd.s32 $0xFFFFE000  }
0x38: {  	[tilespmem:s2], [sflag:$0x3] =	stream.linear.gather [hbm4b:s19+s2], $0x2800, $0x38;
	[tilespmem:$0x1D000] =	vst v63  }
0x39: {  	_ =	swait.ge [sflag:s11], $0x2800  }
0x3a: {  	[sflag:s11] =	ssyncset.done $0x0  }
0x3b: {  	[sflag:s11] =	ssyncadd.s32 $0xFFFFD800  }
0x3c: {  	[tilespmem:s12], [sflag:$0x3] =	stream.linear.gather [hbm4b:s20+s2], $0x2800, $0x38;
	[tilespmem:$0x1D000] =	vst v63  }
0x3d: {  	_ =	swait.ge [sflag:s11], $0x2800  }
0x3e: {  	[sflag:s11] =	ssyncset.done $0x0  }
0x3f: {  	[sflag:s11] =	ssyncadd.s32 $0xFFFFD800  }
0x40: {  	[tilespmem:s14], [sflag:$0x1] =	stream.indirect.gather [hbm4b:s3+s13], $0x80, s2, s13, $0xb8;
	[tilespmem:$0x1D000] =	vst v63  }
0x41: {  	_ =	swait.ge [sflag:s15], $0x2000  }
0x42: {  	[sflag:s15] =	ssyncset.done $0x0  }
0x43: {  	s22 =	simm.s32 $0x80;
	[sflag:s15] =	ssyncadd.s32 $0xFFFFE000  }
0x44: {  	[tilespmem:s16], [sflag:$0x2] =	stream.indirect.gather [hbm4b:s3+s13], $0x80, s22, s13, $0xb8;
	[tilespmem:$0x1D000] =	vst v63  }
0x45: {  	_ =	swait.ge [sflag:s17], $0x2000  }
0x46: {  	[sflag:s17] =	ssyncset.done $0x0  }
0x47: {  	s23 =	simm.s32 $0x100;
	s22 =	simm.s32 $0xFFFF6800;
	[sflag:s17] =	ssyncadd.s32 $0xFFFFE000  }
.LBB2_4:
0x48: {  	[tilespmem:s14], [sflag:$0x1] =	stream.indirect.gather [hbm4b:s3+s13], $0x80, s23, s13, $0xb8;
	[tilespmem:$0x1D000] =	vst v63  }
0x49: {  	s23 =	smov.u32 s22  }
0x4a: {  	p0 =	sne.s32 s22, $0xFFFFFC00;
	s22 =	sadd.s32 $0x400, s22;
	_ =	swait.ge [sflag:s15], $0x2000  }
0x4b: {  	s23 =	sshra.s32 s23, $0x2;
	[sflag:s15] =	ssyncset.done $0x0  }
.Ltmp1:
0x4c: {  	s24 =	sadd.s32 $0x2780, s23;
	[sflag:s15] =	ssyncadd.s32 $0xFFFFE000;
	(pc) =	sbr.rel @p0 .LBB2_4-.Ltmp1, $4  }
0x4d: {  	[tilespmem:s16], [sflag:$0x2] =	stream.indirect.gather [hbm4b:s3+s13], $0x80, s24, s13, $0xb8;
	[tilespmem:$0x1D000] =	vst v63  }
0x4e: {  	_ =	swait.ge [sflag:s17], $0x2000  }
0x4f: {  	[sflag:s17] =	ssyncset.done $0x0  }
0x50: {  	s23 =	sadd.s32 $0x2800, s23;
	[sflag:s17] =	ssyncadd.s32 $0xFFFFE000  }
0x51: {  	[tilespmem:s14], [sflag:$0x1] =	stream.indirect.gather [hbm4b:s3+s13], $0x80, s23, s13, $0xb8;
	[tilespmem:$0x1D000] =	vst v63  }
0x52: {  	_ =	swait.ge [sflag:s15], $0x2000  }
0x53: {  	[sflag:s15] =	ssyncset.done $0x0  }
0x54: {  	[sflag:s15] =	ssyncadd.s32 $0xFFFFE000  }
0x55: {  	[tilespmem:s16], [sflag:$0x2] =	stream.indirect.gather [hbm4b:s3+s13], $0x80, s18, s13, $0xb8;
	[tilespmem:$0x1D000] =	vst v63  }
0x56: {  	_ =	swait.ge [sflag:s17], $0x2000  }
0x57: {  	s21 =	sadd.s32 $0x1, s21;
	[sflag:s17] =	ssyncset.done $0x0  }
0x58: {  	p0 =	sne.s32 s21, s7;
	[sflag:s17] =	ssyncadd.s32 $0xFFFFE000  }
.Ltmp2:
0x59: {  	[bflag:$0x0] =	sbarrier.arrive $0xFFFF;
	(pc) =	sbr.rel @p0 .LBB2_1-.Ltmp2, $4  }
0x5a: {  	[hbm:s8], [sflag:s9] =	dma.local [spmem:s10], $0x2800  }
0x5b: {  	_ =	swait.ge [sflag:s11], $0x2800  }
0x5c: {  	[sflag:s11] =	ssyncset.done $0x0  }
0x5d: {  	[sflag:s11] =	ssyncadd.s32 $0xFFFFD800  }
0x5e: {  	_ =	sfence.sel $0x180000  }
0x5f: {  	[bflag:$0x0] =	sbarrier.arrive $0xFFFF  }
0x60: {  	p0 =	sne.s32 s1, $0x0;
	_ =	strace $0x9000004A  }
0x61: {  	s0 =	sadd.s32 @!p0 $0x100000, s0;
	[bflag:$0x2] =	sbarrier.arrive $0xFFFF  }
0x62: {  	[sflag:s0] =	ssyncadd.tile.s32 @!p0 $0x1;
	_ =	shalt  }
.Lfunc_end2:
_tile_overlayer_lowered:
.L_overlay_start_2:
0x63: {  	(tag) =	ssettag $0x2  }
0x64: {  	s0 =	rddreg [dreg:$0x0];
	s2 =	stileid.u32  }
0x65: {  	s1 =	rddreg [dreg:$0x1];
	p0 =	sne.s32 s2, $0x0  }
0x66: {  	s3 =	rddreg [dreg:$0x2];
	[bflag:$0x3] =	sbarrier.arrive $0xFFFF;
	s2 =	simm.s32 @!p0 $0x1C03  }
0x67: {  	[timem:s3], [sflag:s2] =	dma.local @!p0 [hbm:s0], s1  }
0x68: {  	s0 =	simm.s32 @!p0 $0x3  }
0x69: {  	_ =	swait.ge @!p0 [sflag:s0], s1  }
0x6a: {  	s1 =	ssub.s32 @!p0 $0x0, s1;
	[sflag:s0] =	ssyncset.done @!p0 $0x0  }
0x6b: {  	[sflag:s0] =	ssyncadd.s32 @!p0 s1  }
0x6c: {  	[bflag:$0x3] =	sbarrier.arrive $0xFFFF  }
0x6d: {  	_ =	shalt  }

// kernel: kernel.22.cloned.1.call-start
scs
__scs_entry_jumppad:
0x0: {  	(pc) =	sbr.rel $0x88, $3  }
0x1: {  	(tag) =	ssettag $0x0;
	lr =	simm.s32 $0x1  }
0x2: {  	[smem:$0x3F91] =	sst lr;
	_ =	strace $0xD0000000  }
0x3: {  	_ = 	snop  }
0x4: {  	_ = 	snop  }
0x5: {  	_ = 	snop  }
0x6: {  	_ = 	snop  }
0x7: {  	_ = 	snop  }
__scs_overlays_trampoline_lowered:
0x8: {  	[smem:$0x3FA0] =	sst s0  }
0x9: {  	[smem:$0x3FA1] =	sst s1  }
0xa: {  	[smem:$0x3FA2] =	sst s2  }
0xb: {  	[smem:$0x3FA3] =	sst s3  }
0xc: {  	[smem:$0x3FA4] =	sst s4  }
0xd: {  	[smem:$0x3FA5] =	sst s5  }
0xe: {  	[smem:$0x3FA6] =	sst s6  }
0xf: {  	[smem:$0x3FA7] =	sst s7  }
0x10: {  	[smem:$0x3FA8] =	sst s8  }
0x11: {  	[smem:$0x3FA9] =	sst s9;
	s0 =	simm.s32 @!p0 $0x0  }
0x12: {  	s1 =	sld [smem:$0x3F8F];
	s0 =	simm.s32 @p0 $0x1  }
0x13: {  	[smem:$0x3FAA] =	sst s0;
	s0 =	simm.s32 @!p1 $0x0  }
0x14: {  	s2 =	sld [smem:$0x3F8E];
	s0 =	simm.s32 @p1 $0x1  }
0x15: {  	[smem:$0x3FAB] =	sst s0;
	s0 =	simm.s32 @!p2 $0x0  }
0x16: {  	s3 =	sld [smem:$0x3FDB];
	s0 =	simm.s32 @p2 $0x1  }
0x17: {  	s4 =	simm.s32 $0x1BF5;
	[smem:$0x3FAD] =	sst s0  }
0x18: {  	s0 =	sld [smem:$0x3F90];
	_ =	swait.ge [sflag:s4], $0x0  }
0x19: {  	s7 =	sld [smem:$0x3F91]  }
0x1a: {  	s8 =	sadd.s32 $0xFFFFE003, lr  }
0x1b: {  	s9 =	sadd.s32 $0xFFFFFEF7, lr;
	s5 =	simm.s32 $0xFFFFFFFF;
	p2 =	slt.u32 s8, $0xFFFFF086  }
0x1c: {  	p1 =	slt.u32 s9, $0xF7A;
	s5 =	simm.s32 @!p2 $0x0  }
0x1d: {  	s5 =	simm.s32 @p1 $0x1;
	p0 =	seq.s32 s7, s2  }
0x1e: {  	s7 =	smul.u32 @!p0 $0xF7A, s2;
	p2 =	seq.s32 @!p0 s5, $0x0  }
0x1f: {  	s9 =	smul.u32 $0xF7A, s1;
	s8 =	simm.s32 @!p0 $0x1BF5;
	p2 =	por !p2, p0  }
0x20: {  	[sflag:s8] =	ssyncset.s32 @!p0 $0xFFFFF086;
	s6 =	sadd.s32 @!p0 s3, s7;
	s7 =	simm.s32 @!p0 $0x108  }
0x21: {  	s3 =	sadd.s32 s3, s9;
	s6 =	sadd.s32 @!p0 $0x88, s6;
	s7 =	simm.s32 @p2 $0x1082  }
0x22: {  	[simem:s7], [sflag:s8] =	dma.local @!p0 [hbm:s6], $0xF7A  }
0x23: {  	s9 =	sor.u32 $0xD0000000, s2;
	s6 =	simm.s32 $0x108;
	_ =	swait.ge @!p0 [sflag:s8], $0x0  }
0x24: {  	s3 =	sadd.s32 $0x88, s3;
	s6 =	simm.s32 @!p1 $0x1082;
	[sflag:s4] =	ssyncset.s32 $0xFFFFF086  }
0x25: {  	[simem:s6], [sflag:s4] =	dma.local [hbm:s3], $0xF7A  }
0x26: {  	[smem:$0x3F91] =	sst s1;
	(tag) =	ssettag s2;
	_ =	strace s9  }
0x27: {  	s1 =	sld [smem:$0x3FA1]  }
0x28: {  	s2 =	sld [smem:$0x3FA2]  }
0x29: {  	s4 =	sld [smem:$0x3FA4]  }
0x2a: {  	p0 =	seq.s32 s5, $0x0;
	s5 =	sld [smem:$0x3FA5]  }
0x2b: {  	s6 =	sld [smem:$0x3FA6]  }
0x2c: {  	s7 =	sld [smem:$0x3FA7]  }
0x2d: {  	s3 =	simm.s32 $0x108;
	s8 =	sld [smem:$0x3FA8]  }
0x2e: {  	s3 =	simm.s32 @!p0 $0x1082;
	s9 =	sld [smem:$0x3FA9]  }
0x2f: {  	lr =	sadd.s32 s0, s3;
	s0 =	sld [smem:$0x3FA0]  }
0x30: {  	s3 =	sld [smem:$0x3FA3]  }
0x31: {  	[smem:$0x3FAC] =	sst s10  }
0x32: {  	s10 =	sld [smem:$0x3FAA];
	_ =	sdelay $0x3  }
0x33: {  	p0 =	seq.s32 s10, $0x1;
	s10 =	sld [smem:$0x3FAC];
	_ =	sdelay $0x3  }
0x34: {  	[smem:$0x3FAC] =	sst s10  }
0x35: {  	s10 =	sld [smem:$0x3FAB];
	_ =	sdelay $0x3  }
0x36: {  	p1 =	seq.s32 s10, $0x1;
	s10 =	sld [smem:$0x3FAC];
	_ =	sdelay $0x3  }
0x37: {  	[smem:$0x3FAC] =	sst s10  }
0x38: {  	s10 =	sld [smem:$0x3FAD]  }
0x39: {  	_ = 	snop;
	(pc) =	sbr.ind lr, $3  }
0x3a: {  	_ = 	snop  }
0x3b: {  	_ = 	snop  }
0x3c: {  	p2 =	seq.s32 s10, $0x1;
	s10 =	sld [smem:$0x3FAC]  }
0x3d: {  	_ =	shalt  }
0x3e: {  	_ =	shalt  }
0x3f: {  	_ =	shalt  }
0x40: {  	_ =	shalt  }
0x41: {  	_ =	shalt  }
0x42: {  	_ =	shalt  }
0x43: {  	_ =	shalt  }
0x44: {  	_ =	shalt  }
0x45: {  	_ =	shalt  }
0x46: {  	_ =	shalt  }
0x47: {  	_ =	shalt  }
0x48: {  	_ =	shalt  }
0x49: {  	_ =	shalt  }
0x4a: {  	_ =	shalt  }
0x4b: {  	_ =	shalt  }
0x4c: {  	_ =	shalt  }
0x4d: {  	_ =	shalt  }
0x4e: {  	_ =	shalt  }
0x4f: {  	_ =	shalt  }
0x50: {  	_ =	shalt  }
0x51: {  	_ =	shalt  }
0x52: {  	_ =	shalt  }
0x53: {  	_ =	shalt  }
0x54: {  	_ =	shalt  }
0x55: {  	_ =	shalt  }
0x56: {  	_ =	shalt  }
0x57: {  	_ =	shalt  }
0x58: {  	_ =	shalt  }
0x59: {  	_ =	shalt  }
0x5a: {  	_ =	shalt  }
0x5b: {  	_ =	shalt  }
0x5c: {  	_ =	shalt  }
0x5d: {  	_ =	shalt  }
0x5e: {  	_ =	shalt  }
0x5f: {  	_ =	shalt  }
0x60: {  	_ =	shalt  }
0x61: {  	_ =	shalt  }
0x62: {  	_ =	shalt  }
0x63: {  	_ =	shalt  }
0x64: {  	_ =	shalt  }
0x65: {  	_ =	shalt  }
0x66: {  	_ =	shalt  }
0x67: {  	_ =	shalt  }
0x68: {  	_ =	shalt  }
0x69: {  	_ =	shalt  }
0x6a: {  	_ =	shalt  }
0x6b: {  	_ =	shalt  }
0x6c: {  	_ =	shalt  }
0x6d: {  	_ =	shalt  }
0x6e: {  	_ =	shalt  }
0x6f: {  	_ =	shalt  }
0x70: {  	_ =	shalt  }
0x71: {  	_ =	shalt  }
0x72: {  	_ =	shalt  }
0x73: {  	_ =	shalt  }
0x74: {  	_ =	shalt  }
0x75: {  	_ =	shalt  }
0x76: {  	_ =	shalt  }
0x77: {  	_ =	shalt  }
0x78: {  	_ =	shalt  }
0x79: {  	_ =	shalt  }
0x7a: {  	_ =	shalt  }
0x7b: {  	_ =	shalt  }
0x7c: {  	_ =	shalt  }
0x7d: {  	_ =	shalt  }
0x7e: {  	_ =	shalt  }
0x7f: {  	_ =	shalt  }
0x80: {  	_ =	shalt  }
0x81: {  	_ =	shalt  }
0x82: {  	_ =	shalt  }
0x83: {  	_ =	shalt  }
0x84: {  	_ =	shalt  }
0x85: {  	_ =	shalt  }
0x86: {  	_ =	shalt  }
0x87: {  	_ =	shalt  }
.Lfunc_end0:
.L_simem_size_0:
called_computation.2_lowered:
.L_overlay_start_0:
0x88: {  	s2 =	sld [smem:$0x3FD9]  }
0x89: {  	s3 =	sld [smem:$0x3FFE];
	_ =	sdelay $0x1  }
0x8a: {  	s1 =	srdreg.scid  }
0x8b: {  	s0 =	sand.u32 $0x1, s1  }
0x8c: {  	s17 =	sshll.u32 s0, $0xA;
	s2 =	sadd.s32 s3, s2  }
0x8d: {  	s2 =	sadd.s32 s2, s17  }
0x8e: {  	[smem:$0x3FB8] =	sst s2  }
0x8f: {  	_ = 	snop  }
0x90: {  	s2 =	sld [smem:$0x3FD0];
	(tm) =	ssettm $0x1  }
0x91: {  	s18 =	sld [smem:$0x3FFB];
	_ =	sdelay $0x3  }
0x92: {  	_ =	strace s18  }
0x93: {  	s3 =	sld [smem:$0x3FFC];
	_ =	sdelay $0x3  }
0x94: {  	_ =	strace s3  }
0x95: {  	s3 =	sld [smem:$0x3FFD];
	_ =	sdelay $0x3  }
0x96: {  	_ =	strace s3  }
0x97: {  	_ =	strace $0x8FFFFFFF  }
0x98: {  	s19 =	sld [smem:$0x3FDB];
	_ =	sdelay $0x1  }
0x99: {  	s4 =	simm.s32 $_scs_section_size  }
0x9a: {  	s5 =	simm.s32 $_size__tile_overlayer_lowered;
	s6 =	simm.s32 $_tile_overlayer_lowered  }
0x9b: {  	s22 =	simm.s32 $0x1BFF;
	s21 =	sshll.u32 s6, $0x1;
	s3 =	sadd.s32 s4, s19  }
0x9c: {  	s7 =	simm.s32 $0x0;
	s20 =	sshll.u32 s5, $0x1;
	s5 =	sadd.s32 s21, s3  }
0x9d: {  	[timem:s7], [sflag:s22] =	dma.local [hbm:s5], s20  }
0x9e: {  	_ =	swait.ge [sflag:s22], s20  }
0x9f: {  	s4 =	ssub.s32 $0x0, s20;
	[sflag:s22] =	ssyncset.done $0x0  }
0xa0: {  	[sflag:s22] =	ssyncadd.s32 s4;
	_ =	sdelay $0x1  }
0xa1: {  	s23 =	simm.s32 $0x1B8B  }
0xa2: {  	_ =	swait.ge [sflag:s23], $0x1  }
0xa3: {  	[sflag:s23] =	ssyncset.done $0x0  }
0xa4: {  	s25 =	simm.s32 $0x1B8E;
	s24 =	sld [smem:$0x3FFE];
	[sflag:s23] =	ssyncadd.s32 $0xFFFFFFFF  }
0xa5: {  	s26 =	simm.s32 $execute0_lowered;
	[smem:$0x3FD2] =	sst s25  }
0xa6: {  	s5 =	sshll.u32 s26, $0x1;
	_ =	strace $0x8000004C;
	[dreg:$0x1] =	wrdreg $0xFFFFFFFF  }
0xa7: {  	s28 =	simm.s32 $_size_execute0_lowered;
	s3 =	sadd.s32 s3, s5;
	[dreg:$0x0] =	wrdreg $0x0  }
0xa8: {  	s5 =	sshll.u32 s28, $0x1;
	[dreg:$0x2] =	wrdreg s3  }
0xa9: {  	[dreg:$0x3] =	wrdreg s5  }
0xaa: {  	[dreg:$0x4] =	wrdreg $0xC0  }
0xab: {  	_ =	task [dreg:s7], $0x5FFFF  }
0xac: {  	[dreg:$0x1] =	wrdreg $0xFFFFFFFF  }
0xad: {  	[dreg:$0x0] =	wrdreg $0x60  }
0xae: {  	[dreg:$0x2] =	wrdreg s24  }
0xaf: {  	[dreg:$0x3] =	wrdreg s2  }
0xb0: {  	[dreg:$0x4] =	wrdreg $0x90000  }
0xb1: {  	[dreg:$0x5] =	wrdreg $0x9  }
0xb2: {  	_ =	task.clear_ibuf [dreg:s7], $0x6FFFF;
	_ =	strace $0x9000004C  }
0xb3: {  	s29 =	simm.s32 $0x9;
	_ =	strace $0x8000004E  }
0xb4: {  	_ =	swait.ge [sflag:s29], $0x1  }
0xb5: {  	[sflag:s29] =	ssyncadd.s32 $0xFFFFFFFF  }
0xb6: {  	_ =	strace $0x9000004E  }
0xb7: {  	_ =	sfence  }
0xb8: {  	s30 =	sld [smem:$0x0];
	_ =	sdelay $0x2  }
0xb9: {  	s31 =	sshll.u32 s1, $0xD;
	s1 =	sshrl.u32 s1, $0x2  }
0xba: {  	s3 =	sand.u32 $0x4000, s31;
	s1 =	sadd.s32 s1, s30  }
0xbb: {  	s0 =	sor.u32 s3, s0;
	s1 =	sshll.u32 s1, $0x11  }
0xbc: {  	s0 =	sor.u32 s1, s0  }
0xbd: {  	s0 =	sadd.s32 $0x8F2B, s0  }
0xbe: {  	[sflag:s0] =	ssyncadd.remote.s32 $0x1  }
0xbf: {  	_ =	sfence.sel $0xFFFF  }
0xc0: {  	[dreg:$0x0] =	wrdreg $0xFFFFFFFF;
	(pc) =	sbr.abs _section_cstart, $3  }
0xc1: {  	[dreg:$0x1] =	wrdreg $0xFFFFFFFF  }
0xc2: {  	_ =	task.clear_ibuf [dreg:s7], $0x2FFFF;
	_ =	strace $0x9FFFFFFF  }
0xc3: {  	(tm) =	ssettm $0x7FFFFFFF  }
tec
execute0_lowered:
.L_overlay_start_1:
0x0: {  	(tag) =	ssettag $0x1  }
0x1: {  	s8 =	rddreg [dreg:$0x0]  }
0x2: {  	s0 =	srdreg.scid;
	s9 =	rddreg [dreg:$0x1]  }
0x3: {  	s4 =	rddreg [dreg:$0x2];
	s1 =	stileid.u32  }
0x4: {  	s2 =	simm.s32 $0x0;
	s14 =	simm.s32 $0x44000;
	s15 =	simm.s32 $0x1  }
0x5: {  	s16 =	simm.s32 $0x7000;
	s17 =	simm.s32 $0x2;
	s18 =	simm.s32 $0x2780  }
0x6: {  	s10 =	sand.u32 $0x1, s0;
	s0 =	rddreg [dreg:$0x3];
	s6 =	smul.u32 $0x50000, s1  }
0x7: {  	s21 =	simm.s32 $0x0;
	[smem:$0x7FF] =	sst s2;
	s12 =	smul.u32 $0x2800, s1  }
0x8: {  	s31 =	sshll.u32 s1, $0x6;
	s3 =	sshll.u32 s10, $0x4;
	_ =	strace $0x8000004D  }
0x9: {  	s30 =	ssub.s32 $0x2, s10;
	p0 =	seq.s32 s10, $0x0;
	s3 =	sor.u32 s1, s3  }
0xa: {  	s11 =	sshrl.u32 s30, $0x1;
	s6 =	sshrl.u32 s6, $0x2;
	s14 =	simm.s32 @!p0 $0x6C000  }
0xb: {  	p0 =	sne.s32 s10, $0x0;
	s5 =	smul.u32 $0xA00, s3;
	s3 =	sadd.s32 $0x1C000, s8  }
0xc: {  	s11 =	ssub.s32 s30, s11;
	s13 =	sadd.s32 s6, s4;
	s4 =	sadd.s32 s3, s12  }
0xd: {  	s10 =	sshrl.u32 s13, $0x3;
	s13 =	simm.s32 $0x40;
	s7 =	sadd.s32 s5, s8  }
0xe: {  	s8 =	sadd.s32 s14, s8;
	s4 =	smov.u32 @p0 s9;
	s9 =	sor.u32 $0x1C03, s31  }
0xf: {  	s14 =	simm.s32 $0x5000;
	s5 =	sadd.s32 $0x94000, s7;
	s6 =	sadd.s32 $0x8000, s7  }
0x10: {  	s7 =	smax.u32 s11, $0x1;
	s8 =	sadd.s32 s8, s12;
	s11 =	simm.s32 $0x3  }
0x11: {  	s12 =	simm.s32 $0x2800;
	s19 =	sadd.s32 $0x500, s5;
	s20 =	sadd.s32 $0x500, s6  }
.LBB2_1:
0x12: {  	[spmem:s10], [sflag:s9] =	dma.local [hbm:s4], $0x2800  }
0x13: {  	_ =	swait.ge [sflag:s11], $0x2800  }
0x14: {  	[sflag:s11] =	ssyncset.done $0x0  }
0x15: {  	[sflag:s11] =	ssyncadd.s32 $0xFFFFD800  }
0x16: {  	[bflag:$0x0] =	sbarrier.arrive $0xFFFF  }
0x17: {  	[tilespmem:s2], [sflag:$0x3] =	stream.linear.gather [hbm4b:s5+s2], $0x2800, $0x38;
	[tilespmem:$0x1D000] =	vst v63  }
0x18: {  	_ =	swait.ge [sflag:s11], $0x2800  }
0x19: {  	[sflag:s11] =	ssyncset.done $0x0  }
0x1a: {  	[sflag:s11] =	ssyncadd.s32 $0xFFFFD800  }
0x1b: {  	[tilespmem:s12], [sflag:$0x3] =	stream.linear.gather [hbm4b:s6+s2], $0x2800, $0x38;
	[tilespmem:$0x1D000] =	vst v63  }
0x1c: {  	_ =	swait.ge [sflag:s11], $0x2800  }
0x1d: {  	[sflag:s11] =	ssyncset.done $0x0  }
0x1e: {  	[sflag:s11] =	ssyncadd.s32 $0xFFFFD800  }
0x1f: {  	[tilespmem:s14], [sflag:$0x1] =	stream.indirect.gather [hbm4b:s3+s13], $0x80, s2, s13, $0xb8;
	[tilespmem:$0x1D000] =	vst v63  }
0x20: {  	_ =	swait.ge [sflag:s15], $0x2000  }
0x21: {  	[sflag:s15] =	ssyncset.done $0x0  }
0x22: {  	s22 =	simm.s32 $0x80;
	[sflag:s15] =	ssyncadd.s32 $0xFFFFE000  }
0x23: {  	[tilespmem:s16], [sflag:$0x2] =	stream.indirect.gather [hbm4b:s3+s13], $0x80, s22, s13, $0xb8;
	[tilespmem:$0x1D000] =	vst v63  }
0x24: {  	_ =	swait.ge [sflag:s17], $0x2000  }
0x25: {  	[sflag:s17] =	ssyncset.done $0x0  }
0x26: {  	s23 =	simm.s32 $0x100;
	s22 =	simm.s32 $0xFFFF6800;
	[sflag:s17] =	ssyncadd.s32 $0xFFFFE000  }
.LBB2_2:
0x27: {  	[tilespmem:s14], [sflag:$0x1] =	stream.indirect.gather [hbm4b:s3+s13], $0x80, s23, s13, $0xb8;
	[tilespmem:$0x1D000] =	vst v63  }
0x28: {  	s23 =	smov.u32 s22  }
0x29: {  	p0 =	sne.s32 s22, $0xFFFFFC00;
	s22 =	sadd.s32 $0x400, s22;
	_ =	swait.ge [sflag:s15], $0x2000  }
0x2a: {  	s23 =	sshra.s32 s23, $0x2;
	[sflag:s15] =	ssyncset.done $0x0  }
.Ltmp0:
0x2b: {  	s24 =	sadd.s32 $0x2780, s23;
	[sflag:s15] =	ssyncadd.s32 $0xFFFFE000;
	(pc) =	sbr.rel @p0 .LBB2_2-.Ltmp0, $4  }
0x2c: {  	[tilespmem:s16], [sflag:$0x2] =	stream.indirect.gather [hbm4b:s3+s13], $0x80, s24, s13, $0xb8;
	[tilespmem:$0x1D000] =	vst v63  }
0x2d: {  	_ =	swait.ge [sflag:s17], $0x2000  }
0x2e: {  	[sflag:s17] =	ssyncset.done $0x0  }
0x2f: {  	s23 =	sadd.s32 $0x2800, s23;
	[sflag:s17] =	ssyncadd.s32 $0xFFFFE000  }
0x30: {  	[tilespmem:s14], [sflag:$0x1] =	stream.indirect.gather [hbm4b:s3+s13], $0x80, s23, s13, $0xb8;
	[tilespmem:$0x1D000] =	vst v63  }
0x31: {  	_ =	swait.ge [sflag:s15], $0x2000  }
0x32: {  	[sflag:s15] =	ssyncset.done $0x0  }
0x33: {  	[sflag:s15] =	ssyncadd.s32 $0xFFFFE000  }
0x34: {  	[tilespmem:s16], [sflag:$0x2] =	stream.indirect.gather [hbm4b:s3+s13], $0x80, s18, s13, $0xb8;
	[tilespmem:$0x1D000] =	vst v63  }
0x35: {  	_ =	swait.ge [sflag:s17], $0x2000  }
0x36: {  	[sflag:s17] =	ssyncset.done $0x0  }
0x37: {  	[sflag:s17] =	ssyncadd.s32 $0xFFFFE000  }
0x38: {  	[tilespmem:s2], [sflag:$0x3] =	stream.linear.gather [hbm4b:s19+s2], $0x2800, $0x38;
	[tilespmem:$0x1D000] =	vst v63  }
0x39: {  	_ =	swait.ge [sflag:s11], $0x2800  }
0x3a: {  	[sflag:s11] =	ssyncset.done $0x0  }
0x3b: {  	[sflag:s11] =	ssyncadd.s32 $0xFFFFD800  }
0x3c: {  	[tilespmem:s12], [sflag:$0x3] =	stream.linear.gather [hbm4b:s20+s2], $0x2800, $0x38;
	[tilespmem:$0x1D000] =	vst v63  }
0x3d: {  	_ =	swait.ge [sflag:s11], $0x2800  }
0x3e: {  	[sflag:s11] =	ssyncset.done $0x0  }
0x3f: {  	[sflag:s11] =	ssyncadd.s32 $0xFFFFD800  }
0x40: {  	[tilespmem:s14], [sflag:$0x1] =	stream.indirect.gather [hbm4b:s3+s13], $0x80, s2, s13, $0xb8;
	[tilespmem:$0x1D000] =	vst v63  }
0x41: {  	_ =	swait.ge [sflag:s15], $0x2000  }
0x42: {  	[sflag:s15] =	ssyncset.done $0x0  }
0x43: {  	s22 =	simm.s32 $0x80;
	[sflag:s15] =	ssyncadd.s32 $0xFFFFE000  }
0x44: {  	[tilespmem:s16], [sflag:$0x2] =	stream.indirect.gather [hbm4b:s3+s13], $0x80, s22, s13, $0xb8;
	[tilespmem:$0x1D000] =	vst v63  }
0x45: {  	_ =	swait.ge [sflag:s17], $0x2000  }
0x46: {  	[sflag:s17] =	ssyncset.done $0x0  }
0x47: {  	s23 =	simm.s32 $0x100;
	s22 =	simm.s32 $0xFFFF6800;
	[sflag:s17] =	ssyncadd.s32 $0xFFFFE000  }
.LBB2_4:
0x48: {  	[tilespmem:s14], [sflag:$0x1] =	stream.indirect.gather [hbm4b:s3+s13], $0x80, s23, s13, $0xb8;
	[tilespmem:$0x1D000] =	vst v63  }
0x49: {  	s23 =	smov.u32 s22  }
0x4a: {  	p0 =	sne.s32 s22, $0xFFFFFC00;
	s22 =	sadd.s32 $0x400, s22;
	_ =	swait.ge [sflag:s15], $0x2000  }
0x4b: {  	s23 =	sshra.s32 s23, $0x2;
	[sflag:s15] =	ssyncset.done $0x0  }
.Ltmp1:
0x4c: {  	s24 =	sadd.s32 $0x2780, s23;
	[sflag:s15] =	ssyncadd.s32 $0xFFFFE000;
	(pc) =	sbr.rel @p0 .LBB2_4-.Ltmp1, $4  }
0x4d: {  	[tilespmem:s16], [sflag:$0x2] =	stream.indirect.gather [hbm4b:s3+s13], $0x80, s24, s13, $0xb8;
	[tilespmem:$0x1D000] =	vst v63  }
0x4e: {  	_ =	swait.ge [sflag:s17], $0x2000  }
0x4f: {  	[sflag:s17] =	ssyncset.done $0x0  }
0x50: {  	s23 =	sadd.s32 $0x2800, s23;
	[sflag:s17] =	ssyncadd.s32 $0xFFFFE000  }
0x51: {  	[tilespmem:s14], [sflag:$0x1] =	stream.indirect.gather [hbm4b:s3+s13], $0x80, s23, s13, $0xb8;
	[tilespmem:$0x1D000] =	vst v63  }
0x52: {  	_ =	swait.ge [sflag:s15], $0x2000  }
0x53: {  	[sflag:s15] =	ssyncset.done $0x0  }
0x54: {  	[sflag:s15] =	ssyncadd.s32 $0xFFFFE000  }
0x55: {  	[tilespmem:s16], [sflag:$0x2] =	stream.indirect.gather [hbm4b:s3+s13], $0x80, s18, s13, $0xb8;
	[tilespmem:$0x1D000] =	vst v63  }
0x56: {  	_ =	swait.ge [sflag:s17], $0x2000  }
0x57: {  	s21 =	sadd.s32 $0x1, s21;
	[sflag:s17] =	ssyncset.done $0x0  }
0x58: {  	p0 =	sne.s32 s21, s7;
	[sflag:s17] =	ssyncadd.s32 $0xFFFFE000  }
.Ltmp2:
0x59: {  	[bflag:$0x0] =	sbarrier.arrive $0xFFFF;
	(pc) =	sbr.rel @p0 .LBB2_1-.Ltmp2, $4  }
0x5a: {  	[hbm:s8], [sflag:s9] =	dma.local [spmem:s10], $0x2800  }
0x5b: {  	_ =	swait.ge [sflag:s11], $0x2800  }
0x5c: {  	[sflag:s11] =	ssyncset.done $0x0  }
0x5d: {  	[sflag:s11] =	ssyncadd.s32 $0xFFFFD800  }
0x5e: {  	_ =	sfence.sel $0x180000  }
0x5f: {  	[bflag:$0x0] =	sbarrier.arrive $0xFFFF  }
0x60: {  	p0 =	sne.s32 s1, $0x0;
	_ =	strace $0x9000004D  }
0x61: {  	s0 =	sadd.s32 @!p0 $0x100000, s0;
	[bflag:$0x2] =	sbarrier.arrive $0xFFFF  }
0x62: {  	[sflag:s0] =	ssyncadd.tile.s32 @!p0 $0x1;
	_ =	shalt  }
.Lfunc_end2:
_tile_overlayer_lowered:
.L_overlay_start_2:
0x63: {  	(tag) =	ssettag $0x2  }
0x64: {  	s0 =	rddreg [dreg:$0x0];
	s2 =	stileid.u32  }
0x65: {  	s1 =	rddreg [dreg:$0x1];
	p0 =	sne.s32 s2, $0x0  }
0x66: {  	s3 =	rddreg [dreg:$0x2];
	[bflag:$0x3] =	sbarrier.arrive $0xFFFF;
	s2 =	simm.s32 @!p0 $0x1C03  }
0x67: {  	[timem:s3], [sflag:s2] =	dma.local @!p0 [hbm:s0], s1  }
0x68: {  	s0 =	simm.s32 @!p0 $0x3  }
0x69: {  	_ =	swait.ge @!p0 [sflag:s0], s1  }
0x6a: {  	s1 =	ssub.s32 @!p0 $0x0, s1;
	[sflag:s0] =	ssyncset.done @!p0 $0x0  }
0x6b: {  	[sflag:s0] =	ssyncadd.s32 @!p0 s1  }
0x6c: {  	[bflag:$0x3] =	sbarrier.arrive $0xFFFF  }
0x6d: {  	_ =	shalt  }

// kernel: kernel.25.cloned.1.call-start
scs
__scs_entry_jumppad:
0x0: {  	(pc) =	sbr.rel $0x88, $3  }
0x1: {  	(tag) =	ssettag $0x0;
	lr =	simm.s32 $0x1  }
0x2: {  	[smem:$0x3F91] =	sst lr;
	_ =	strace $0xD0000000  }
0x3: {  	_ = 	snop  }
0x4: {  	_ = 	snop  }
0x5: {  	_ = 	snop  }
0x6: {  	_ = 	snop  }
0x7: {  	_ = 	snop  }
__scs_overlays_trampoline_lowered:
0x8: {  	[smem:$0x3FA0] =	sst s0  }
0x9: {  	[smem:$0x3FA1] =	sst s1  }
0xa: {  	[smem:$0x3FA2] =	sst s2  }
0xb: {  	[smem:$0x3FA3] =	sst s3  }
0xc: {  	[smem:$0x3FA4] =	sst s4  }
0xd: {  	[smem:$0x3FA5] =	sst s5  }
0xe: {  	[smem:$0x3FA6] =	sst s6  }
0xf: {  	[smem:$0x3FA7] =	sst s7  }
0x10: {  	[smem:$0x3FA8] =	sst s8  }
0x11: {  	[smem:$0x3FA9] =	sst s9;
	s0 =	simm.s32 @!p0 $0x0  }
0x12: {  	s1 =	sld [smem:$0x3F8F];
	s0 =	simm.s32 @p0 $0x1  }
0x13: {  	[smem:$0x3FAA] =	sst s0;
	s0 =	simm.s32 @!p1 $0x0  }
0x14: {  	s2 =	sld [smem:$0x3F8E];
	s0 =	simm.s32 @p1 $0x1  }
0x15: {  	[smem:$0x3FAB] =	sst s0;
	s0 =	simm.s32 @!p2 $0x0  }
0x16: {  	s3 =	sld [smem:$0x3FDB];
	s0 =	simm.s32 @p2 $0x1  }
0x17: {  	s4 =	simm.s32 $0x1BF5;
	[smem:$0x3FAD] =	sst s0  }
0x18: {  	s0 =	sld [smem:$0x3F90];
	_ =	swait.ge [sflag:s4], $0x0  }
0x19: {  	s7 =	sld [smem:$0x3F91]  }
0x1a: {  	s8 =	sadd.s32 $0xFFFFE003, lr  }
0x1b: {  	s9 =	sadd.s32 $0xFFFFFEF7, lr;
	s5 =	simm.s32 $0xFFFFFFFF;
	p2 =	slt.u32 s8, $0xFFFFF086  }
0x1c: {  	p1 =	slt.u32 s9, $0xF7A;
	s5 =	simm.s32 @!p2 $0x0  }
0x1d: {  	s5 =	simm.s32 @p1 $0x1;
	p0 =	seq.s32 s7, s2  }
0x1e: {  	s7 =	smul.u32 @!p0 $0xF7A, s2;
	p2 =	seq.s32 @!p0 s5, $0x0  }
0x1f: {  	s9 =	smul.u32 $0xF7A, s1;
	s8 =	simm.s32 @!p0 $0x1BF5;
	p2 =	por !p2, p0  }
0x20: {  	[sflag:s8] =	ssyncset.s32 @!p0 $0xFFFFF086;
	s6 =	sadd.s32 @!p0 s3, s7;
	s7 =	simm.s32 @!p0 $0x108  }
0x21: {  	s3 =	sadd.s32 s3, s9;
	s6 =	sadd.s32 @!p0 $0x88, s6;
	s7 =	simm.s32 @p2 $0x1082  }
0x22: {  	[simem:s7], [sflag:s8] =	dma.local @!p0 [hbm:s6], $0xF7A  }
0x23: {  	s9 =	sor.u32 $0xD0000000, s2;
	s6 =	simm.s32 $0x108;
	_ =	swait.ge @!p0 [sflag:s8], $0x0  }
0x24: {  	s3 =	sadd.s32 $0x88, s3;
	s6 =	simm.s32 @!p1 $0x1082;
	[sflag:s4] =	ssyncset.s32 $0xFFFFF086  }
0x25: {  	[simem:s6], [sflag:s4] =	dma.local [hbm:s3], $0xF7A  }
0x26: {  	[smem:$0x3F91] =	sst s1;
	(tag) =	ssettag s2;
	_ =	strace s9  }
0x27: {  	s1 =	sld [smem:$0x3FA1]  }
0x28: {  	s2 =	sld [smem:$0x3FA2]  }
0x29: {  	s4 =	sld [smem:$0x3FA4]  }
0x2a: {  	p0 =	seq.s32 s5, $0x0;
	s5 =	sld [smem:$0x3FA5]  }
0x2b: {  	s6 =	sld [smem:$0x3FA6]  }
0x2c: {  	s7 =	sld [smem:$0x3FA7]  }
0x2d: {  	s3 =	simm.s32 $0x108;
	s8 =	sld [smem:$0x3FA8]  }
0x2e: {  	s3 =	simm.s32 @!p0 $0x1082;
	s9 =	sld [smem:$0x3FA9]  }
0x2f: {  	lr =	sadd.s32 s0, s3;
	s0 =	sld [smem:$0x3FA0]  }
0x30: {  	s3 =	sld [smem:$0x3FA3]  }
0x31: {  	[smem:$0x3FAC] =	sst s10  }
0x32: {  	s10 =	sld [smem:$0x3FAA];
	_ =	sdelay $0x3  }
0x33: {  	p0 =	seq.s32 s10, $0x1;
	s10 =	sld [smem:$0x3FAC];
	_ =	sdelay $0x3  }
0x34: {  	[smem:$0x3FAC] =	sst s10  }
0x35: {  	s10 =	sld [smem:$0x3FAB];
	_ =	sdelay $0x3  }
0x36: {  	p1 =	seq.s32 s10, $0x1;
	s10 =	sld [smem:$0x3FAC];
	_ =	sdelay $0x3  }
0x37: {  	[smem:$0x3FAC] =	sst s10  }
0x38: {  	s10 =	sld [smem:$0x3FAD]  }
0x39: {  	_ = 	snop;
	(pc) =	sbr.ind lr, $3  }
0x3a: {  	_ = 	snop  }
0x3b: {  	_ = 	snop  }
0x3c: {  	p2 =	seq.s32 s10, $0x1;
	s10 =	sld [smem:$0x3FAC]  }
0x3d: {  	_ =	shalt  }
0x3e: {  	_ =	shalt  }
0x3f: {  	_ =	shalt  }
0x40: {  	_ =	shalt  }
0x41: {  	_ =	shalt  }
0x42: {  	_ =	shalt  }
0x43: {  	_ =	shalt  }
0x44: {  	_ =	shalt  }
0x45: {  	_ =	shalt  }
0x46: {  	_ =	shalt  }
0x47: {  	_ =	shalt  }
0x48: {  	_ =	shalt  }
0x49: {  	_ =	shalt  }
0x4a: {  	_ =	shalt  }
0x4b: {  	_ =	shalt  }
0x4c: {  	_ =	shalt  }
0x4d: {  	_ =	shalt  }
0x4e: {  	_ =	shalt  }
0x4f: {  	_ =	shalt  }
0x50: {  	_ =	shalt  }
0x51: {  	_ =	shalt  }
0x52: {  	_ =	shalt  }
0x53: {  	_ =	shalt  }
0x54: {  	_ =	shalt  }
0x55: {  	_ =	shalt  }
0x56: {  	_ =	shalt  }
0x57: {  	_ =	shalt  }
0x58: {  	_ =	shalt  }
0x59: {  	_ =	shalt  }
0x5a: {  	_ =	shalt  }
0x5b: {  	_ =	shalt  }
0x5c: {  	_ =	shalt  }
0x5d: {  	_ =	shalt  }
0x5e: {  	_ =	shalt  }
0x5f: {  	_ =	shalt  }
0x60: {  	_ =	shalt  }
0x61: {  	_ =	shalt  }
0x62: {  	_ =	shalt  }
0x63: {  	_ =	shalt  }
0x64: {  	_ =	shalt  }
0x65: {  	_ =	shalt  }
0x66: {  	_ =	shalt  }
0x67: {  	_ =	shalt  }
0x68: {  	_ =	shalt  }
0x69: {  	_ =	shalt  }
0x6a: {  	_ =	shalt  }
0x6b: {  	_ =	shalt  }
0x6c: {  	_ =	shalt  }
0x6d: {  	_ =	shalt  }
0x6e: {  	_ =	shalt  }
0x6f: {  	_ =	shalt  }
0x70: {  	_ =	shalt  }
0x71: {  	_ =	shalt  }
0x72: {  	_ =	shalt  }
0x73: {  	_ =	shalt  }
0x74: {  	_ =	shalt  }
0x75: {  	_ =	shalt  }
0x76: {  	_ =	shalt  }
0x77: {  	_ =	shalt  }
0x78: {  	_ =	shalt  }
0x79: {  	_ =	shalt  }
0x7a: {  	_ =	shalt  }
0x7b: {  	_ =	shalt  }
0x7c: {  	_ =	shalt  }
0x7d: {  	_ =	shalt  }
0x7e: {  	_ =	shalt  }
0x7f: {  	_ =	shalt  }
0x80: {  	_ =	shalt  }
0x81: {  	_ =	shalt  }
0x82: {  	_ =	shalt  }
0x83: {  	_ =	shalt  }
0x84: {  	_ =	shalt  }
0x85: {  	_ =	shalt  }
0x86: {  	_ =	shalt  }
0x87: {  	_ =	shalt  }
.Lfunc_end0:
.L_simem_size_0:
called_computation.3_lowered:
.L_overlay_start_0:
0x88: {  	s2 =	sld [smem:$0x3FD9]  }
0x89: {  	s3 =	sld [smem:$0x3FFE];
	_ =	sdelay $0x1  }
0x8a: {  	s1 =	srdreg.scid  }
0x8b: {  	s0 =	sand.u32 $0x1, s1  }
0x8c: {  	s17 =	sshll.u32 s0, $0xA;
	s2 =	sadd.s32 s3, s2  }
0x8d: {  	s2 =	sadd.s32 s2, s17  }
0x8e: {  	[smem:$0x3FB8] =	sst s2  }
0x8f: {  	_ = 	snop  }
0x90: {  	s2 =	sld [smem:$0x3FD0];
	(tm) =	ssettm $0x1  }
0x91: {  	s18 =	sld [smem:$0x3FFB];
	_ =	sdelay $0x3  }
0x92: {  	_ =	strace s18  }
0x93: {  	s3 =	sld [smem:$0x3FFC];
	_ =	sdelay $0x3  }
0x94: {  	_ =	strace s3  }
0x95: {  	s3 =	sld [smem:$0x3FFD];
	_ =	sdelay $0x3  }
0x96: {  	_ =	strace s3  }
0x97: {  	_ =	strace $0x8FFFFFFF  }
0x98: {  	s19 =	sld [smem:$0x3FDB];
	_ =	sdelay $0x1  }
0x99: {  	s4 =	simm.s32 $_scs_section_size  }
0x9a: {  	s5 =	simm.s32 $_size__tile_overlayer_lowered;
	s6 =	simm.s32 $_tile_overlayer_lowered  }
0x9b: {  	s22 =	simm.s32 $0x1BFF;
	s21 =	sshll.u32 s6, $0x1;
	s3 =	sadd.s32 s4, s19  }
0x9c: {  	s7 =	simm.s32 $0x0;
	s20 =	sshll.u32 s5, $0x1;
	s5 =	sadd.s32 s21, s3  }
0x9d: {  	[timem:s7], [sflag:s22] =	dma.local [hbm:s5], s20  }
0x9e: {  	_ =	swait.ge [sflag:s22], s20  }
0x9f: {  	s4 =	ssub.s32 $0x0, s20;
	[sflag:s22] =	ssyncset.done $0x0  }
0xa0: {  	[sflag:s22] =	ssyncadd.s32 s4;
	_ =	sdelay $0x1  }
0xa1: {  	s23 =	simm.s32 $0x1B8B  }
0xa2: {  	_ =	swait.ge [sflag:s23], $0x1  }
0xa3: {  	[sflag:s23] =	ssyncset.done $0x0  }
0xa4: {  	s25 =	simm.s32 $0x1B8E;
	s24 =	sld [smem:$0x3FFE];
	[sflag:s23] =	ssyncadd.s32 $0xFFFFFFFF  }
0xa5: {  	s26 =	simm.s32 $execute0_lowered;
	[smem:$0x3FD2] =	sst s25  }
0xa6: {  	s5 =	sshll.u32 s26, $0x1;
	_ =	strace $0x8000004F;
	[dreg:$0x1] =	wrdreg $0xFFFFFFFF  }
0xa7: {  	s28 =	simm.s32 $_size_execute0_lowered;
	s3 =	sadd.s32 s3, s5;
	[dreg:$0x0] =	wrdreg $0x0  }
0xa8: {  	s5 =	sshll.u32 s28, $0x1;
	[dreg:$0x2] =	wrdreg s3  }
0xa9: {  	[dreg:$0x3] =	wrdreg s5  }
0xaa: {  	[dreg:$0x4] =	wrdreg $0xC0  }
0xab: {  	_ =	task [dreg:s7], $0x5FFFF  }
0xac: {  	[dreg:$0x1] =	wrdreg $0xFFFFFFFF  }
0xad: {  	[dreg:$0x0] =	wrdreg $0x60  }
0xae: {  	[dreg:$0x2] =	wrdreg s24  }
0xaf: {  	[dreg:$0x3] =	wrdreg s2  }
0xb0: {  	[dreg:$0x4] =	wrdreg $0x90000  }
0xb1: {  	[dreg:$0x5] =	wrdreg $0x9  }
0xb2: {  	_ =	task.clear_ibuf [dreg:s7], $0x6FFFF;
	_ =	strace $0x9000004F  }
0xb3: {  	s29 =	simm.s32 $0x9;
	_ =	strace $0x80000051  }
0xb4: {  	_ =	swait.ge [sflag:s29], $0x1  }
0xb5: {  	[sflag:s29] =	ssyncadd.s32 $0xFFFFFFFF  }
0xb6: {  	_ =	strace $0x90000051  }
0xb7: {  	_ =	sfence  }
0xb8: {  	s30 =	sld [smem:$0x0];
	_ =	sdelay $0x2  }
0xb9: {  	s31 =	sshll.u32 s1, $0xD;
	s1 =	sshrl.u32 s1, $0x2  }
0xba: {  	s3 =	sand.u32 $0x4000, s31;
	s1 =	sadd.s32 s1, s30  }
0xbb: {  	s0 =	sor.u32 s3, s0;
	s1 =	sshll.u32 s1, $0x11  }
0xbc: {  	s0 =	sor.u32 s1, s0  }
0xbd: {  	s0 =	sadd.s32 $0x8F2B, s0  }
0xbe: {  	[sflag:s0] =	ssyncadd.remote.s32 $0x1  }
0xbf: {  	_ =	sfence.sel $0xFFFF  }
0xc0: {  	[dreg:$0x0] =	wrdreg $0xFFFFFFFF;
	(pc) =	sbr.abs _section_cstart, $3  }
0xc1: {  	[dreg:$0x1] =	wrdreg $0xFFFFFFFF  }
0xc2: {  	_ =	task.clear_ibuf [dreg:s7], $0x2FFFF;
	_ =	strace $0x9FFFFFFF  }
0xc3: {  	(tm) =	ssettm $0x7FFFFFFF  }
tec
execute0_lowered:
.L_overlay_start_1:
0x0: {  	(tag) =	ssettag $0x1  }
0x1: {  	s8 =	rddreg [dreg:$0x0]  }
0x2: {  	s0 =	srdreg.scid;
	s9 =	rddreg [dreg:$0x1]  }
0x3: {  	s4 =	rddreg [dreg:$0x2];
	s1 =	stileid.u32  }
0x4: {  	s2 =	simm.s32 $0x0;
	s14 =	simm.s32 $0x44000;
	s15 =	simm.s32 $0x1  }
0x5: {  	s16 =	simm.s32 $0x7000;
	s17 =	simm.s32 $0x2;
	s18 =	simm.s32 $0x2780  }
0x6: {  	s10 =	sand.u32 $0x1, s0;
	s0 =	rddreg [dreg:$0x3];
	s6 =	smul.u32 $0x50000, s1  }
0x7: {  	s21 =	simm.s32 $0x0;
	[smem:$0x7FF] =	sst s2;
	s12 =	smul.u32 $0x2800, s1  }
0x8: {  	s31 =	sshll.u32 s1, $0x6;
	s3 =	sshll.u32 s10, $0x4;
	_ =	strace $0x80000050  }
0x9: {  	s30 =	ssub.s32 $0x2, s10;
	p0 =	seq.s32 s10, $0x0;
	s3 =	sor.u32 s1, s3  }
0xa: {  	s11 =	sshrl.u32 s30, $0x1;
	s6 =	sshrl.u32 s6, $0x2;
	s14 =	simm.s32 @!p0 $0x6C000  }
0xb: {  	p0 =	sne.s32 s10, $0x0;
	s5 =	smul.u32 $0xA00, s3;
	s3 =	sadd.s32 $0x1C000, s8  }
0xc: {  	s11 =	ssub.s32 s30, s11;
	s13 =	sadd.s32 s6, s4;
	s4 =	sadd.s32 s3, s12  }
0xd: {  	s10 =	sshrl.u32 s13, $0x3;
	s13 =	simm.s32 $0x40;
	s7 =	sadd.s32 s5, s8  }
0xe: {  	s8 =	sadd.s32 s14, s8;
	s4 =	smov.u32 @p0 s9;
	s9 =	sor.u32 $0x1C03, s31  }
0xf: {  	s14 =	simm.s32 $0x5000;
	s5 =	sadd.s32 $0x94000, s7;
	s6 =	sadd.s32 $0x8000, s7  }
0x10: {  	s7 =	smax.u32 s11, $0x1;
	s8 =	sadd.s32 s8, s12;
	s11 =	simm.s32 $0x3  }
0x11: {  	s12 =	simm.s32 $0x2800;
	s19 =	sadd.s32 $0x500, s5;
	s20 =	sadd.s32 $0x500, s6  }
.LBB2_1:
0x12: {  	[spmem:s10], [sflag:s9] =	dma.local [hbm:s4], $0x2800  }
0x13: {  	_ =	swait.ge [sflag:s11], $0x2800  }
0x14: {  	[sflag:s11] =	ssyncset.done $0x0  }
0x15: {  	[sflag:s11] =	ssyncadd.s32 $0xFFFFD800  }
0x16: {  	[bflag:$0x0] =	sbarrier.arrive $0xFFFF  }
0x17: {  	[tilespmem:s2], [sflag:$0x3] =	stream.linear.gather [hbm4b:s5+s2], $0x2800, $0x38;
	[tilespmem:$0x1D000] =	vst v63  }
0x18: {  	_ =	swait.ge [sflag:s11], $0x2800  }
0x19: {  	[sflag:s11] =	ssyncset.done $0x0  }
0x1a: {  	[sflag:s11] =	ssyncadd.s32 $0xFFFFD800  }
0x1b: {  	[tilespmem:s12], [sflag:$0x3] =	stream.linear.gather [hbm4b:s6+s2], $0x2800, $0x38;
	[tilespmem:$0x1D000] =	vst v63  }
0x1c: {  	_ =	swait.ge [sflag:s11], $0x2800  }
0x1d: {  	[sflag:s11] =	ssyncset.done $0x0  }
0x1e: {  	[sflag:s11] =	ssyncadd.s32 $0xFFFFD800  }
0x1f: {  	[tilespmem:s14], [sflag:$0x1] =	stream.indirect.gather [hbm4b:s3+s13], $0x80, s2, s13, $0xb8;
	[tilespmem:$0x1D000] =	vst v63  }
0x20: {  	_ =	swait.ge [sflag:s15], $0x2000  }
0x21: {  	[sflag:s15] =	ssyncset.done $0x0  }
0x22: {  	s22 =	simm.s32 $0x80;
	[sflag:s15] =	ssyncadd.s32 $0xFFFFE000  }
0x23: {  	[tilespmem:s16], [sflag:$0x2] =	stream.indirect.gather [hbm4b:s3+s13], $0x80, s22, s13, $0xb8;
	[tilespmem:$0x1D000] =	vst v63  }
0x24: {  	_ =	swait.ge [sflag:s17], $0x2000  }
0x25: {  	[sflag:s17] =	ssyncset.done $0x0  }
0x26: {  	s23 =	simm.s32 $0x100;
	s22 =	simm.s32 $0xFFFF6800;
	[sflag:s17] =	ssyncadd.s32 $0xFFFFE000  }
.LBB2_2:
0x27: {  	[tilespmem:s14], [sflag:$0x1] =	stream.indirect.gather [hbm4b:s3+s13], $0x80, s23, s13, $0xb8;
	[tilespmem:$0x1D000] =	vst v63  }
0x28: {  	s23 =	smov.u32 s22  }
0x29: {  	p0 =	sne.s32 s22, $0xFFFFFC00;
	s22 =	sadd.s32 $0x400, s22;
	_ =	swait.ge [sflag:s15], $0x2000  }
0x2a: {  	s23 =	sshra.s32 s23, $0x2;
	[sflag:s15] =	ssyncset.done $0x0  }
.Ltmp0:
0x2b: {  	s24 =	sadd.s32 $0x2780, s23;
	[sflag:s15] =	ssyncadd.s32 $0xFFFFE000;
	(pc) =	sbr.rel @p0 .LBB2_2-.Ltmp0, $4  }
0x2c: {  	[tilespmem:s16], [sflag:$0x2] =	stream.indirect.gather [hbm4b:s3+s13], $0x80, s24, s13, $0xb8;
	[tilespmem:$0x1D000] =	vst v63  }
0x2d: {  	_ =	swait.ge [sflag:s17], $0x2000  }
0x2e: {  	[sflag:s17] =	ssyncset.done $0x0  }
0x2f: {  	s23 =	sadd.s32 $0x2800, s23;
	[sflag:s17] =	ssyncadd.s32 $0xFFFFE000  }
0x30: {  	[tilespmem:s14], [sflag:$0x1] =	stream.indirect.gather [hbm4b:s3+s13], $0x80, s23, s13, $0xb8;
	[tilespmem:$0x1D000] =	vst v63  }
0x31: {  	_ =	swait.ge [sflag:s15], $0x2000  }
0x32: {  	[sflag:s15] =	ssyncset.done $0x0  }
0x33: {  	[sflag:s15] =	ssyncadd.s32 $0xFFFFE000  }
0x34: {  	[tilespmem:s16], [sflag:$0x2] =	stream.indirect.gather [hbm4b:s3+s13], $0x80, s18, s13, $0xb8;
	[tilespmem:$0x1D000] =	vst v63  }
0x35: {  	_ =	swait.ge [sflag:s17], $0x2000  }
0x36: {  	[sflag:s17] =	ssyncset.done $0x0  }
0x37: {  	[sflag:s17] =	ssyncadd.s32 $0xFFFFE000  }
0x38: {  	[tilespmem:s2], [sflag:$0x3] =	stream.linear.gather [hbm4b:s19+s2], $0x2800, $0x38;
	[tilespmem:$0x1D000] =	vst v63  }
0x39: {  	_ =	swait.ge [sflag:s11], $0x2800  }
0x3a: {  	[sflag:s11] =	ssyncset.done $0x0  }
0x3b: {  	[sflag:s11] =	ssyncadd.s32 $0xFFFFD800  }
0x3c: {  	[tilespmem:s12], [sflag:$0x3] =	stream.linear.gather [hbm4b:s20+s2], $0x2800, $0x38;
	[tilespmem:$0x1D000] =	vst v63  }
0x3d: {  	_ =	swait.ge [sflag:s11], $0x2800  }
0x3e: {  	[sflag:s11] =	ssyncset.done $0x0  }
0x3f: {  	[sflag:s11] =	ssyncadd.s32 $0xFFFFD800  }
0x40: {  	[tilespmem:s14], [sflag:$0x1] =	stream.indirect.gather [hbm4b:s3+s13], $0x80, s2, s13, $0xb8;
	[tilespmem:$0x1D000] =	vst v63  }
0x41: {  	_ =	swait.ge [sflag:s15], $0x2000  }
0x42: {  	[sflag:s15] =	ssyncset.done $0x0  }
0x43: {  	s22 =	simm.s32 $0x80;
	[sflag:s15] =	ssyncadd.s32 $0xFFFFE000  }
0x44: {  	[tilespmem:s16], [sflag:$0x2] =	stream.indirect.gather [hbm4b:s3+s13], $0x80, s22, s13, $0xb8;
	[tilespmem:$0x1D000] =	vst v63  }
0x45: {  	_ =	swait.ge [sflag:s17], $0x2000  }
0x46: {  	[sflag:s17] =	ssyncset.done $0x0  }
0x47: {  	s23 =	simm.s32 $0x100;
	s22 =	simm.s32 $0xFFFF6800;
	[sflag:s17] =	ssyncadd.s32 $0xFFFFE000  }
.LBB2_4:
0x48: {  	[tilespmem:s14], [sflag:$0x1] =	stream.indirect.gather [hbm4b:s3+s13], $0x80, s23, s13, $0xb8;
	[tilespmem:$0x1D000] =	vst v63  }
0x49: {  	s23 =	smov.u32 s22  }
0x4a: {  	p0 =	sne.s32 s22, $0xFFFFFC00;
	s22 =	sadd.s32 $0x400, s22;
	_ =	swait.ge [sflag:s15], $0x2000  }
0x4b: {  	s23 =	sshra.s32 s23, $0x2;
	[sflag:s15] =	ssyncset.done $0x0  }
.Ltmp1:
0x4c: {  	s24 =	sadd.s32 $0x2780, s23;
	[sflag:s15] =	ssyncadd.s32 $0xFFFFE000;
	(pc) =	sbr.rel @p0 .LBB2_4-.Ltmp1, $4  }
0x4d: {  	[tilespmem:s16], [sflag:$0x2] =	stream.indirect.gather [hbm4b:s3+s13], $0x80, s24, s13, $0xb8;
	[tilespmem:$0x1D000] =	vst v63  }
0x4e: {  	_ =	swait.ge [sflag:s17], $0x2000  }
0x4f: {  	[sflag:s17] =	ssyncset.done $0x0  }
0x50: {  	s23 =	sadd.s32 $0x2800, s23;
	[sflag:s17] =	ssyncadd.s32 $0xFFFFE000  }
0x51: {  	[tilespmem:s14], [sflag:$0x1] =	stream.indirect.gather [hbm4b:s3+s13], $0x80, s23, s13, $0xb8;
	[tilespmem:$0x1D000] =	vst v63  }
0x52: {  	_ =	swait.ge [sflag:s15], $0x2000  }
0x53: {  	[sflag:s15] =	ssyncset.done $0x0  }
0x54: {  	[sflag:s15] =	ssyncadd.s32 $0xFFFFE000  }
0x55: {  	[tilespmem:s16], [sflag:$0x2] =	stream.indirect.gather [hbm4b:s3+s13], $0x80, s18, s13, $0xb8;
	[tilespmem:$0x1D000] =	vst v63  }
0x56: {  	_ =	swait.ge [sflag:s17], $0x2000  }
0x57: {  	s21 =	sadd.s32 $0x1, s21;
	[sflag:s17] =	ssyncset.done $0x0  }
0x58: {  	p0 =	sne.s32 s21, s7;
	[sflag:s17] =	ssyncadd.s32 $0xFFFFE000  }
.Ltmp2:
0x59: {  	[bflag:$0x0] =	sbarrier.arrive $0xFFFF;
	(pc) =	sbr.rel @p0 .LBB2_1-.Ltmp2, $4  }
0x5a: {  	[hbm:s8], [sflag:s9] =	dma.local [spmem:s10], $0x2800  }
0x5b: {  	_ =	swait.ge [sflag:s11], $0x2800  }
0x5c: {  	[sflag:s11] =	ssyncset.done $0x0  }
0x5d: {  	[sflag:s11] =	ssyncadd.s32 $0xFFFFD800  }
0x5e: {  	_ =	sfence.sel $0x180000  }
0x5f: {  	[bflag:$0x0] =	sbarrier.arrive $0xFFFF  }
0x60: {  	p0 =	sne.s32 s1, $0x0;
	_ =	strace $0x90000050  }
0x61: {  	s0 =	sadd.s32 @!p0 $0x100000, s0;
	[bflag:$0x2] =	sbarrier.arrive $0xFFFF  }
0x62: {  	[sflag:s0] =	ssyncadd.tile.s32 @!p0 $0x1;
	_ =	shalt  }
.Lfunc_end2:
_tile_overlayer_lowered:
.L_overlay_start_2:
0x63: {  	(tag) =	ssettag $0x2  }
0x64: {  	s0 =	rddreg [dreg:$0x0];
	s2 =	stileid.u32  }
0x65: {  	s1 =	rddreg [dreg:$0x1];
	p0 =	sne.s32 s2, $0x0  }
0x66: {  	s3 =	rddreg [dreg:$0x2];
	[bflag:$0x3] =	sbarrier.arrive $0xFFFF;
	s2 =	simm.s32 @!p0 $0x1C03  }
0x67: {  	[timem:s3], [sflag:s2] =	dma.local @!p0 [hbm:s0], s1  }
0x68: {  	s0 =	simm.s32 @!p0 $0x3  }
0x69: {  	_ =	swait.ge @!p0 [sflag:s0], s1  }
0x6a: {  	s1 =	ssub.s32 @!p0 $0x0, s1;
	[sflag:s0] =	ssyncset.done @!p0 $0x0  }
0x6b: {  	[sflag:s0] =	ssyncadd.s32 @!p0 s1  }
0x6c: {  	[bflag:$0x3] =	sbarrier.arrive $0xFFFF  }
0x6d: {  	_ =	shalt  }

// kernel: kernel.28.cloned.1.call-start
scs
__scs_entry_jumppad:
0x0: {  	(pc) =	sbr.rel $0x88, $3  }
0x1: {  	(tag) =	ssettag $0x0;
	lr =	simm.s32 $0x1  }
0x2: {  	[smem:$0x3F91] =	sst lr;
	_ =	strace $0xD0000000  }
0x3: {  	_ = 	snop  }
0x4: {  	_ = 	snop  }
0x5: {  	_ = 	snop  }
0x6: {  	_ = 	snop  }
0x7: {  	_ = 	snop  }
__scs_overlays_trampoline_lowered:
0x8: {  	[smem:$0x3FA0] =	sst s0  }
0x9: {  	[smem:$0x3FA1] =	sst s1  }
0xa: {  	[smem:$0x3FA2] =	sst s2  }
0xb: {  	[smem:$0x3FA3] =	sst s3  }
0xc: {  	[smem:$0x3FA4] =	sst s4  }
0xd: {  	[smem:$0x3FA5] =	sst s5  }
0xe: {  	[smem:$0x3FA6] =	sst s6  }
0xf: {  	[smem:$0x3FA7] =	sst s7  }
0x10: {  	[smem:$0x3FA8] =	sst s8  }
0x11: {  	[smem:$0x3FA9] =	sst s9;
	s0 =	simm.s32 @!p0 $0x0  }
0x12: {  	s1 =	sld [smem:$0x3F8F];
	s0 =	simm.s32 @p0 $0x1  }
0x13: {  	[smem:$0x3FAA] =	sst s0;
	s0 =	simm.s32 @!p1 $0x0  }
0x14: {  	s2 =	sld [smem:$0x3F8E];
	s0 =	simm.s32 @p1 $0x1  }
0x15: {  	[smem:$0x3FAB] =	sst s0;
	s0 =	simm.s32 @!p2 $0x0  }
0x16: {  	s3 =	sld [smem:$0x3FDB];
	s0 =	simm.s32 @p2 $0x1  }
0x17: {  	s4 =	simm.s32 $0x1BF5;
	[smem:$0x3FAD] =	sst s0  }
0x18: {  	s0 =	sld [smem:$0x3F90];
	_ =	swait.ge [sflag:s4], $0x0  }
0x19: {  	s7 =	sld [smem:$0x3F91]  }
0x1a: {  	s8 =	sadd.s32 $0xFFFFE003, lr  }
0x1b: {  	s9 =	sadd.s32 $0xFFFFFEF7, lr;
	s5 =	simm.s32 $0xFFFFFFFF;
	p2 =	slt.u32 s8, $0xFFFFF086  }
0x1c: {  	p1 =	slt.u32 s9, $0xF7A;
	s5 =	simm.s32 @!p2 $0x0  }
0x1d: {  	s5 =	simm.s32 @p1 $0x1;
	p0 =	seq.s32 s7, s2  }
0x1e: {  	s7 =	smul.u32 @!p0 $0xF7A, s2;
	p2 =	seq.s32 @!p0 s5, $0x0  }
0x1f: {  	s9 =	smul.u32 $0xF7A, s1;
	s8 =	simm.s32 @!p0 $0x1BF5;
	p2 =	por !p2, p0  }
0x20: {  	[sflag:s8] =	ssyncset.s32 @!p0 $0xFFFFF086;
	s6 =	sadd.s32 @!p0 s3, s7;
	s7 =	simm.s32 @!p0 $0x108  }
0x21: {  	s3 =	sadd.s32 s3, s9;
	s6 =	sadd.s32 @!p0 $0x88, s6;
	s7 =	simm.s32 @p2 $0x1082  }
0x22: {  	[simem:s7], [sflag:s8] =	dma.local @!p0 [hbm:s6], $0xF7A  }
0x23: {  	s9 =	sor.u32 $0xD0000000, s2;
	s6 =	simm.s32 $0x108;
	_ =	swait.ge @!p0 [sflag:s8], $0x0  }
0x24: {  	s3 =	sadd.s32 $0x88, s3;
	s6 =	simm.s32 @!p1 $0x1082;
	[sflag:s4] =	ssyncset.s32 $0xFFFFF086  }
0x25: {  	[simem:s6], [sflag:s4] =	dma.local [hbm:s3], $0xF7A  }
0x26: {  	[smem:$0x3F91] =	sst s1;
	(tag) =	ssettag s2;
	_ =	strace s9  }
0x27: {  	s1 =	sld [smem:$0x3FA1]  }
0x28: {  	s2 =	sld [smem:$0x3FA2]  }
0x29: {  	s4 =	sld [smem:$0x3FA4]  }
0x2a: {  	p0 =	seq.s32 s5, $0x0;
	s5 =	sld [smem:$0x3FA5]  }
0x2b: {  	s6 =	sld [smem:$0x3FA6]  }
0x2c: {  	s7 =	sld [smem:$0x3FA7]  }
0x2d: {  	s3 =	simm.s32 $0x108;
	s8 =	sld [smem:$0x3FA8]  }
0x2e: {  	s3 =	simm.s32 @!p0 $0x1082;
	s9 =	sld [smem:$0x3FA9]  }
0x2f: {  	lr =	sadd.s32 s0, s3;
	s0 =	sld [smem:$0x3FA0]  }
0x30: {  	s3 =	sld [smem:$0x3FA3]  }
0x31: {  	[smem:$0x3FAC] =	sst s10  }
0x32: {  	s10 =	sld [smem:$0x3FAA];
	_ =	sdelay $0x3  }
0x33: {  	p0 =	seq.s32 s10, $0x1;
	s10 =	sld [smem:$0x3FAC];
	_ =	sdelay $0x3  }
0x34: {  	[smem:$0x3FAC] =	sst s10  }
0x35: {  	s10 =	sld [smem:$0x3FAB];
	_ =	sdelay $0x3  }
0x36: {  	p1 =	seq.s32 s10, $0x1;
	s10 =	sld [smem:$0x3FAC];
	_ =	sdelay $0x3  }
0x37: {  	[smem:$0x3FAC] =	sst s10  }
0x38: {  	s10 =	sld [smem:$0x3FAD]  }
0x39: {  	_ = 	snop;
	(pc) =	sbr.ind lr, $3  }
0x3a: {  	_ = 	snop  }
0x3b: {  	_ = 	snop  }
0x3c: {  	p2 =	seq.s32 s10, $0x1;
	s10 =	sld [smem:$0x3FAC]  }
0x3d: {  	_ =	shalt  }
0x3e: {  	_ =	shalt  }
0x3f: {  	_ =	shalt  }
0x40: {  	_ =	shalt  }
0x41: {  	_ =	shalt  }
0x42: {  	_ =	shalt  }
0x43: {  	_ =	shalt  }
0x44: {  	_ =	shalt  }
0x45: {  	_ =	shalt  }
0x46: {  	_ =	shalt  }
0x47: {  	_ =	shalt  }
0x48: {  	_ =	shalt  }
0x49: {  	_ =	shalt  }
0x4a: {  	_ =	shalt  }
0x4b: {  	_ =	shalt  }
0x4c: {  	_ =	shalt  }
0x4d: {  	_ =	shalt  }
0x4e: {  	_ =	shalt  }
0x4f: {  	_ =	shalt  }
0x50: {  	_ =	shalt  }
0x51: {  	_ =	shalt  }
0x52: {  	_ =	shalt  }
0x53: {  	_ =	shalt  }
0x54: {  	_ =	shalt  }
0x55: {  	_ =	shalt  }
0x56: {  	_ =	shalt  }
0x57: {  	_ =	shalt  }
0x58: {  	_ =	shalt  }
0x59: {  	_ =	shalt  }
0x5a: {  	_ =	shalt  }
0x5b: {  	_ =	shalt  }
0x5c: {  	_ =	shalt  }
0x5d: {  	_ =	shalt  }
0x5e: {  	_ =	shalt  }
0x5f: {  	_ =	shalt  }
0x60: {  	_ =	shalt  }
0x61: {  	_ =	shalt  }
0x62: {  	_ =	shalt  }
0x63: {  	_ =	shalt  }
0x64: {  	_ =	shalt  }
0x65: {  	_ =	shalt  }
0x66: {  	_ =	shalt  }
0x67: {  	_ =	shalt  }
0x68: {  	_ =	shalt  }
0x69: {  	_ =	shalt  }
0x6a: {  	_ =	shalt  }
0x6b: {  	_ =	shalt  }
0x6c: {  	_ =	shalt  }
0x6d: {  	_ =	shalt  }
0x6e: {  	_ =	shalt  }
0x6f: {  	_ =	shalt  }
0x70: {  	_ =	shalt  }
0x71: {  	_ =	shalt  }
0x72: {  	_ =	shalt  }
0x73: {  	_ =	shalt  }
0x74: {  	_ =	shalt  }
0x75: {  	_ =	shalt  }
0x76: {  	_ =	shalt  }
0x77: {  	_ =	shalt  }
0x78: {  	_ =	shalt  }
0x79: {  	_ =	shalt  }
0x7a: {  	_ =	shalt  }
0x7b: {  	_ =	shalt  }
0x7c: {  	_ =	shalt  }
0x7d: {  	_ =	shalt  }
0x7e: {  	_ =	shalt  }
0x7f: {  	_ =	shalt  }
0x80: {  	_ =	shalt  }
0x81: {  	_ =	shalt  }
0x82: {  	_ =	shalt  }
0x83: {  	_ =	shalt  }
0x84: {  	_ =	shalt  }
0x85: {  	_ =	shalt  }
0x86: {  	_ =	shalt  }
0x87: {  	_ =	shalt  }
.Lfunc_end0:
.L_simem_size_0:
called_computation.4_lowered:
.L_overlay_start_0:
0x88: {  	s2 =	sld [smem:$0x3FD9]  }
0x89: {  	s3 =	sld [smem:$0x3FFE];
	_ =	sdelay $0x1  }
0x8a: {  	s1 =	srdreg.scid  }
0x8b: {  	s0 =	sand.u32 $0x1, s1  }
0x8c: {  	s16 =	sshll.u32 s0, $0xA;
	s2 =	sadd.s32 s3, s2  }
0x8d: {  	s2 =	sadd.s32 s2, s16  }
0x8e: {  	[smem:$0x3FB8] =	sst s2  }
0x8f: {  	_ = 	snop  }
0x90: {  	(tm) =	ssettm $0x1  }
0x91: {  	s17 =	sld [smem:$0x3FFB];
	_ =	sdelay $0x3  }
0x92: {  	_ =	strace s17  }
0x93: {  	s2 =	sld [smem:$0x3FFC];
	_ =	sdelay $0x3  }
0x94: {  	_ =	strace s2  }
0x95: {  	s2 =	sld [smem:$0x3FFD];
	_ =	sdelay $0x3  }
0x96: {  	_ =	strace s2  }
0x97: {  	_ =	strace $0x8FFFFFFF  }
0x98: {  	s18 =	sld [smem:$0x3FDB];
	_ =	sdelay $0x1  }
0x99: {  	s19 =	simm.s32 $_scs_section_size  }
0x9a: {  	s4 =	simm.s32 $_size__tile_overlayer_lowered;
	s5 =	simm.s32 $_tile_overlayer_lowered  }
0x9b: {  	s22 =	simm.s32 $0x1BFF;
	s21 =	sshll.u32 s5, $0x1;
	s2 =	sadd.s32 s19, s18  }
0x9c: {  	s6 =	simm.s32 $0x0;
	s20 =	sshll.u32 s4, $0x1;
	s4 =	sadd.s32 s21, s2  }
0x9d: {  	[timem:s6], [sflag:s22] =	dma.local [hbm:s4], s20  }
0x9e: {  	_ =	swait.ge [sflag:s22], s20  }
0x9f: {  	s3 =	ssub.s32 $0x0, s20;
	[sflag:s22] =	ssyncset.done $0x0  }
0xa0: {  	[sflag:s22] =	ssyncadd.s32 s3;
	_ =	sdelay $0x1  }
0xa1: {  	s23 =	simm.s32 $0x1B8B  }
0xa2: {  	_ =	swait.ge [sflag:s23], $0x1  }
0xa3: {  	[sflag:s23] =	ssyncset.done $0x0  }
0xa4: {  	s25 =	simm.s32 $0x1B8E;
	s24 =	sld [smem:$0x3FFE];
	[sflag:s23] =	ssyncadd.s32 $0xFFFFFFFF  }
0xa5: {  	s26 =	simm.s32 $execute0_lowered;
	[smem:$0x3FD2] =	sst s25  }
0xa6: {  	s4 =	sshll.u32 s26, $0x1;
	_ =	strace $0x80000052;
	[dreg:$0x1] =	wrdreg $0xFFFFFFFF  }
0xa7: {  	s28 =	simm.s32 $_size_execute0_lowered;
	s2 =	sadd.s32 s2, s4;
	[dreg:$0x0] =	wrdreg $0x0  }
0xa8: {  	s4 =	sshll.u32 s28, $0x1;
	[dreg:$0x2] =	wrdreg s2  }
0xa9: {  	[dreg:$0x3] =	wrdreg s4  }
0xaa: {  	[dreg:$0x4] =	wrdreg $0xC0  }
0xab: {  	_ =	task [dreg:s6], $0x5FFFF  }
0xac: {  	[dreg:$0x1] =	wrdreg $0xFFFFFFFF  }
0xad: {  	[dreg:$0x0] =	wrdreg $0x60  }
0xae: {  	[dreg:$0x2] =	wrdreg s24  }
0xaf: {  	[dreg:$0x3] =	wrdreg $0x90000  }
0xb0: {  	[dreg:$0x4] =	wrdreg $0x9  }
0xb1: {  	_ =	task.clear_ibuf [dreg:s6], $0x5FFFF;
	_ =	strace $0x90000052  }
0xb2: {  	s29 =	simm.s32 $0x9;
	_ =	strace $0x80000054  }
0xb3: {  	_ =	swait.ge [sflag:s29], $0x1  }
0xb4: {  	[sflag:s29] =	ssyncadd.s32 $0xFFFFFFFF  }
0xb5: {  	_ =	strace $0x90000054  }
0xb6: {  	_ =	sfence  }
0xb7: {  	s30 =	sld [smem:$0x0];
	_ =	sdelay $0x2  }
0xb8: {  	s31 =	sshll.u32 s1, $0xD;
	s1 =	sshrl.u32 s1, $0x2  }
0xb9: {  	s3 =	sand.u32 $0x4000, s31;
	s1 =	sadd.s32 s1, s30  }
0xba: {  	s0 =	sor.u32 s3, s0;
	s1 =	sshll.u32 s1, $0x11  }
0xbb: {  	s0 =	sor.u32 s1, s0  }
0xbc: {  	s0 =	sadd.s32 $0x8F2B, s0  }
0xbd: {  	[sflag:s0] =	ssyncadd.remote.s32 $0x1  }
0xbe: {  	_ =	sfence.sel $0xFFFF  }
0xbf: {  	[dreg:$0x0] =	wrdreg $0xFFFFFFFF;
	(pc) =	sbr.abs _section_cstart, $3  }
0xc0: {  	[dreg:$0x1] =	wrdreg $0xFFFFFFFF  }
0xc1: {  	_ =	task.clear_ibuf [dreg:s6], $0x2FFFF;
	_ =	strace $0x9FFFFFFF  }
0xc2: {  	(tm) =	ssettm $0x7FFFFFFF  }
0xc3: {  	_ =	shalt  }
tec
execute0_lowered:
.L_overlay_start_1:
0x0: {  	(tag) =	ssettag $0x1  }
0x1: {  	s7 =	rddreg [dreg:$0x0]  }
0x2: {  	s8 =	rddreg [dreg:$0x1]  }
0x3: {  	s0 =	rddreg [dreg:$0x2];
	s2 =	simm.s32 $0x0  }
0x4: {  	s1 =	stileid.u32;
	s6 =	srdreg.scid;
	s16 =	simm.s32 $0x3  }
0x5: {  	s17 =	simm.s32 $0x2800;
	s18 =	simm.s32 $0x40;
	s19 =	simm.s32 $0x5000  }
0x6: {  	s20 =	simm.s32 $0x1;
	s21 =	simm.s32 $0x7000;
	s22 =	simm.s32 $0x2  }
0x7: {  	s23 =	simm.s32 $0x2780;
	s26 =	simm.s32 $0x0;
	s5 =	smul.u32 $0x1400, s1  }
0x8: {  	[smem:$0x7FF] =	sst s2;
	s3 =	sadd.s32 $0x1C000, s7;
	s11 =	smul.u32 $0x50000, s1  }
0x9: {  	s4 =	sadd.s32 $0x44000, s7;
	s14 =	sand.u32 $0x1, s6;
	s6 =	smul.u32 $0x2800, s1  }
0xa: {  	_ =	strace $0x80000053;
	s9 =	ssub.s32 $0x2, s14;
	p0 =	seq.s32 s14, $0x0  }
0xb: {  	s10 =	sadd.s32 s5, s7;
	s5 =	sadd.s32 $0x6C000, s7;
	s12 =	sshrl.u32 s9, $0x1  }
.Ltmp0:
0xc: {  	s7 =	sadd.s32 $0xD0000, s7;
	s31 =	sshrl.u32 s11, $0x2;
	(pc) =	sbr.rel .LBB2_1-.Ltmp0, $4  }
0xd: {  	s11 =	sadd.s32 s3, s6;
	s13 =	ssub.s32 s9, s12;
	s15 =	sadd.s32 s31, s8  }
0xe: {  	s8 =	sadd.s32 s4, s6;
	s9 =	sadd.s32 $0xA8000, s10;
	s12 =	sshll.u32 s1, $0x6  }
0xf: {  	s10 =	sadd.s32 $0xBC000, s10;
	s13 =	smax.u32 s13, $0x1;
	s14 =	sor.u32 $0x1C03, s12  }
0x10: {  	s15 =	sshrl.u32 s15, $0x3;
	s24 =	sadd.s32 $0x500, s9;
	s25 =	sadd.s32 $0x500, s10  }
.LBB2_19:
0x11: {  	[tilespmem:s19], [sflag:$0x1] =	stream.indirect.gather [hbm4b:s3+s18], $0x80, s29, s18, $0xb8;
	[tilespmem:$0x1D000] =	vst v63  }
0x12: {  	_ =	swait.ge [sflag:s20], $0x2000  }
0x13: {  	[sflag:s20] =	ssyncset.done $0x0  }
0x14: {  	s29 =	smov.u32 s5;
	s28 =	smov.u32 s14;
	[sflag:s20] =	ssyncadd.s32 $0xFFFFE000  }
0x15: {  	[tilespmem:s21], [sflag:$0x2] =	stream.indirect.gather [hbm4b:s3+s18], $0x80, s23, s18, $0xb8;
	[tilespmem:$0x1D000] =	vst v63  }
.LBB2_20:
0x16: {  	_ =	swait.ge [sflag:s22], $0x2000  }
0x17: {  	s26 =	sadd.s32 $0x1, s26;
	[sflag:s22] =	ssyncset.done $0x0  }
0x18: {  	p1 =	sne.s32 s26, s13;
	[sflag:s22] =	ssyncadd.s32 $0xFFFFE000  }
.Ltmp1:
0x19: {  	s29 =	sadd.s32 s29, s6;
	[bflag:$0x0] =	sbarrier.arrive $0xFFFF;
	(pc) =	sbr.rel @!p1 .LBB2_21-.Ltmp1, $4  }
0x1a: {  	[hbm:s29], [sflag:s28] =	dma.local [spmem:s15], $0x2800  }
0x1b: {  	_ =	swait.ge [sflag:s16], $0x2800  }
0x1c: {  	[sflag:s16] =	ssyncset.done $0x0  }
0x1d: {  	[sflag:s16] =	ssyncadd.s32 $0xFFFFD800  }
.LBB2_1:
.Ltmp2:
0x1e: {  	(pc) =	sbr.rel @!p0 .LBB2_2-.Ltmp2, $1  }
0x1f: {  	_ =	sdelay $0x3  }
0x20: {  	[spmem:s15], [sflag:s14] =	dma.local [hbm:s11], $0x2800  }
0x21: {  	_ =	swait.ge [sflag:s16], $0x2800  }
0x22: {  	[sflag:s16] =	ssyncset.done $0x0  }
0x23: {  	[sflag:s16] =	ssyncadd.s32 $0xFFFFD800  }
0x24: {  	[bflag:$0x0] =	sbarrier.arrive $0xFFFF  }
0x25: {  	[tilespmem:s2], [sflag:$0x3] =	stream.linear.gather [hbm4b:s9+s2], $0x2800, $0x38;
	[tilespmem:$0x1D000] =	vst v63  }
0x26: {  	_ =	swait.ge [sflag:s16], $0x2800  }
0x27: {  	[sflag:s16] =	ssyncset.done $0x0  }
0x28: {  	[sflag:s16] =	ssyncadd.s32 $0xFFFFD800  }
0x29: {  	[tilespmem:s17], [sflag:$0x3] =	stream.linear.gather [hbm4b:s10+s2], $0x2800, $0x38;
	[tilespmem:$0x1D000] =	vst v63  }
0x2a: {  	_ =	swait.ge [sflag:s16], $0x2800  }
0x2b: {  	[sflag:s16] =	ssyncset.done $0x0  }
0x2c: {  	[sflag:s16] =	ssyncadd.s32 $0xFFFFD800  }
0x2d: {  	[tilespmem:s19], [sflag:$0x1] =	stream.indirect.gather [hbm4b:s3+s18], $0x80, s2, s18, $0xb8;
	[tilespmem:$0x1D000] =	vst v63  }
0x2e: {  	_ =	swait.ge [sflag:s20], $0x2000  }
0x2f: {  	[sflag:s20] =	ssyncset.done $0x0  }
0x30: {  	s28 =	simm.s32 $0x80;
	[sflag:s20] =	ssyncadd.s32 $0xFFFFE000  }
0x31: {  	[tilespmem:s21], [sflag:$0x2] =	stream.indirect.gather [hbm4b:s3+s18], $0x80, s28, s18, $0xb8;
	[tilespmem:$0x1D000] =	vst v63  }
0x32: {  	_ =	swait.ge [sflag:s22], $0x2000  }
0x33: {  	[sflag:s22] =	ssyncset.done $0x0  }
0x34: {  	s29 =	simm.s32 $0x100;
	s28 =	simm.s32 $0xFFFF6800;
	[sflag:s22] =	ssyncadd.s32 $0xFFFFE000  }
.LBB2_12:
0x35: {  	[tilespmem:s19], [sflag:$0x1] =	stream.indirect.gather [hbm4b:s3+s18], $0x80, s29, s18, $0xb8;
	[tilespmem:$0x1D000] =	vst v63  }
0x36: {  	s29 =	smov.u32 s28  }
0x37: {  	p1 =	sne.s32 s28, $0xFFFFFC00;
	s28 =	sadd.s32 $0x400, s28;
	_ =	swait.ge [sflag:s20], $0x2000  }
0x38: {  	s29 =	sshra.s32 s29, $0x2;
	[sflag:s20] =	ssyncset.done $0x0  }
.Ltmp3:
0x39: {  	s30 =	sadd.s32 $0x2780, s29;
	[sflag:s20] =	ssyncadd.s32 $0xFFFFE000;
	(pc) =	sbr.rel @p1 .LBB2_12-.Ltmp3, $4  }
0x3a: {  	[tilespmem:s21], [sflag:$0x2] =	stream.indirect.gather [hbm4b:s3+s18], $0x80, s30, s18, $0xb8;
	[tilespmem:$0x1D000] =	vst v63  }
0x3b: {  	_ =	swait.ge [sflag:s22], $0x2000  }
0x3c: {  	[sflag:s22] =	ssyncset.done $0x0  }
0x3d: {  	s29 =	sadd.s32 $0x2800, s29;
	[sflag:s22] =	ssyncadd.s32 $0xFFFFE000  }
0x3e: {  	[tilespmem:s19], [sflag:$0x1] =	stream.indirect.gather [hbm4b:s3+s18], $0x80, s29, s18, $0xb8;
	[tilespmem:$0x1D000] =	vst v63  }
0x3f: {  	_ =	swait.ge [sflag:s20], $0x2000  }
0x40: {  	[sflag:s20] =	ssyncset.done $0x0  }
0x41: {  	[sflag:s20] =	ssyncadd.s32 $0xFFFFE000  }
0x42: {  	[tilespmem:s21], [sflag:$0x2] =	stream.indirect.gather [hbm4b:s3+s18], $0x80, s23, s18, $0xb8;
	[tilespmem:$0x1D000] =	vst v63  }
0x43: {  	_ =	swait.ge [sflag:s22], $0x2000  }
0x44: {  	[sflag:s22] =	ssyncset.done $0x0  }
0x45: {  	[sflag:s22] =	ssyncadd.s32 $0xFFFFE000  }
0x46: {  	[tilespmem:s2], [sflag:$0x3] =	stream.linear.gather [hbm4b:s24+s2], $0x2800, $0x38;
	[tilespmem:$0x1D000] =	vst v63  }
0x47: {  	_ =	swait.ge [sflag:s16], $0x2800  }
0x48: {  	[sflag:s16] =	ssyncset.done $0x0  }
0x49: {  	[sflag:s16] =	ssyncadd.s32 $0xFFFFD800  }
0x4a: {  	[tilespmem:s17], [sflag:$0x3] =	stream.linear.gather [hbm4b:s25+s2], $0x2800, $0x38;
	[tilespmem:$0x1D000] =	vst v63  }
0x4b: {  	_ =	swait.ge [sflag:s16], $0x2800  }
0x4c: {  	[sflag:s16] =	ssyncset.done $0x0  }
0x4d: {  	[sflag:s16] =	ssyncadd.s32 $0xFFFFD800  }
0x4e: {  	[tilespmem:s19], [sflag:$0x1] =	stream.indirect.gather [hbm4b:s3+s18], $0x80, s2, s18, $0xb8;
	[tilespmem:$0x1D000] =	vst v63  }
0x4f: {  	_ =	swait.ge [sflag:s20], $0x2000  }
0x50: {  	[sflag:s20] =	ssyncset.done $0x0  }
0x51: {  	s28 =	simm.s32 $0x80;
	[sflag:s20] =	ssyncadd.s32 $0xFFFFE000  }
0x52: {  	[tilespmem:s21], [sflag:$0x2] =	stream.indirect.gather [hbm4b:s3+s18], $0x80, s28, s18, $0xb8;
	[tilespmem:$0x1D000] =	vst v63  }
0x53: {  	_ =	swait.ge [sflag:s22], $0x2000  }
0x54: {  	[sflag:s22] =	ssyncset.done $0x0  }
0x55: {  	s29 =	simm.s32 $0x100;
	s28 =	simm.s32 $0xFFFF6800;
	[sflag:s22] =	ssyncadd.s32 $0xFFFFE000  }
.LBB2_14:
0x56: {  	[tilespmem:s19], [sflag:$0x1] =	stream.indirect.gather [hbm4b:s3+s18], $0x80, s29, s18, $0xb8;
	[tilespmem:$0x1D000] =	vst v63  }
0x57: {  	s29 =	smov.u32 s28  }
0x58: {  	p1 =	sne.s32 s28, $0xFFFFFC00;
	s28 =	sadd.s32 $0x400, s28;
	_ =	swait.ge [sflag:s20], $0x2000  }
0x59: {  	s29 =	sshra.s32 s29, $0x2;
	[sflag:s20] =	ssyncset.done $0x0  }
.Ltmp4:
0x5a: {  	s30 =	sadd.s32 $0x2780, s29;
	[sflag:s20] =	ssyncadd.s32 $0xFFFFE000;
	(pc) =	sbr.rel @p1 .LBB2_14-.Ltmp4, $4  }
0x5b: {  	[tilespmem:s21], [sflag:$0x2] =	stream.indirect.gather [hbm4b:s3+s18], $0x80, s30, s18, $0xb8;
	[tilespmem:$0x1D000] =	vst v63  }
0x5c: {  	_ =	swait.ge [sflag:s22], $0x2000  }
0x5d: {  	[sflag:s22] =	ssyncset.done $0x0  }
0x5e: {  	s29 =	sadd.s32 $0x2800, s29;
	[sflag:s22] =	ssyncadd.s32 $0xFFFFE000  }
0x5f: {  	[tilespmem:s19], [sflag:$0x1] =	stream.indirect.gather [hbm4b:s3+s18], $0x80, s29, s18, $0xb8;
	[tilespmem:$0x1D000] =	vst v63  }
0x60: {  	_ =	swait.ge [sflag:s20], $0x2000  }
0x61: {  	[sflag:s20] =	ssyncset.done $0x0  }
0x62: {  	[sflag:s20] =	ssyncadd.s32 $0xFFFFE000  }
0x63: {  	[tilespmem:s21], [sflag:$0x2] =	stream.indirect.gather [hbm4b:s3+s18], $0x80, s23, s18, $0xb8;
	[tilespmem:$0x1D000] =	vst v63  }
0x64: {  	_ =	swait.ge [sflag:s22], $0x2000  }
0x65: {  	[sflag:s22] =	ssyncset.done $0x0  }
0x66: {  	s28 =	sadd.s32 $0xA00, s9;
	[sflag:s22] =	ssyncadd.s32 $0xFFFFE000  }
0x67: {  	[tilespmem:s2], [sflag:$0x3] =	stream.linear.gather [hbm4b:s28+s2], $0x2800, $0x38;
	[tilespmem:$0x1D000] =	vst v63  }
0x68: {  	_ =	swait.ge [sflag:s16], $0x2800  }
0x69: {  	[sflag:s16] =	ssyncset.done $0x0  }
0x6a: {  	s28 =	sadd.s32 $0xA00, s10;
	[sflag:s16] =	ssyncadd.s32 $0xFFFFD800  }
0x6b: {  	[tilespmem:s17], [sflag:$0x3] =	stream.linear.gather [hbm4b:s28+s2], $0x2800, $0x38;
	[tilespmem:$0x1D000] =	vst v63  }
0x6c: {  	_ =	swait.ge [sflag:s16], $0x2800  }
0x6d: {  	[sflag:s16] =	ssyncset.done $0x0  }
0x6e: {  	[sflag:s16] =	ssyncadd.s32 $0xFFFFD800  }
0x6f: {  	[tilespmem:s19], [sflag:$0x1] =	stream.indirect.gather [hbm4b:s3+s18], $0x80, s2, s18, $0xb8;
	[tilespmem:$0x1D000] =	vst v63  }
0x70: {  	_ =	swait.ge [sflag:s20], $0x2000  }
0x71: {  	[sflag:s20] =	ssyncset.done $0x0  }
0x72: {  	s28 =	simm.s32 $0x80;
	[sflag:s20] =	ssyncadd.s32 $0xFFFFE000  }
0x73: {  	[tilespmem:s21], [sflag:$0x2] =	stream.indirect.gather [hbm4b:s3+s18], $0x80, s28, s18, $0xb8;
	[tilespmem:$0x1D000] =	vst v63  }
0x74: {  	_ =	swait.ge [sflag:s22], $0x2000  }
0x75: {  	[sflag:s22] =	ssyncset.done $0x0  }
0x76: {  	s29 =	simm.s32 $0x100;
	s28 =	simm.s32 $0xFFFF6800;
	[sflag:s22] =	ssyncadd.s32 $0xFFFFE000  }
.LBB2_16:
0x77: {  	[tilespmem:s19], [sflag:$0x1] =	stream.indirect.gather [hbm4b:s3+s18], $0x80, s29, s18, $0xb8;
	[tilespmem:$0x1D000] =	vst v63  }
0x78: {  	s29 =	smov.u32 s28  }
0x79: {  	p1 =	sne.s32 s28, $0xFFFFFC00;
	s28 =	sadd.s32 $0x400, s28;
	_ =	swait.ge [sflag:s20], $0x2000  }
0x7a: {  	s29 =	sshra.s32 s29, $0x2;
	[sflag:s20] =	ssyncset.done $0x0  }
.Ltmp5:
0x7b: {  	s30 =	sadd.s32 $0x2780, s29;
	[sflag:s20] =	ssyncadd.s32 $0xFFFFE000;
	(pc) =	sbr.rel @p1 .LBB2_16-.Ltmp5, $4  }
0x7c: {  	[tilespmem:s21], [sflag:$0x2] =	stream.indirect.gather [hbm4b:s3+s18], $0x80, s30, s18, $0xb8;
	[tilespmem:$0x1D000] =	vst v63  }
0x7d: {  	_ =	swait.ge [sflag:s22], $0x2000  }
0x7e: {  	[sflag:s22] =	ssyncset.done $0x0  }
0x7f: {  	s29 =	sadd.s32 $0x2800, s29;
	[sflag:s22] =	ssyncadd.s32 $0xFFFFE000  }
0x80: {  	[tilespmem:s19], [sflag:$0x1] =	stream.indirect.gather [hbm4b:s3+s18], $0x80, s29, s18, $0xb8;
	[tilespmem:$0x1D000] =	vst v63  }
0x81: {  	_ =	swait.ge [sflag:s20], $0x2000  }
0x82: {  	[sflag:s20] =	ssyncset.done $0x0  }
0x83: {  	[sflag:s20] =	ssyncadd.s32 $0xFFFFE000  }
0x84: {  	[tilespmem:s21], [sflag:$0x2] =	stream.indirect.gather [hbm4b:s3+s18], $0x80, s23, s18, $0xb8;
	[tilespmem:$0x1D000] =	vst v63  }
0x85: {  	_ =	swait.ge [sflag:s22], $0x2000  }
0x86: {  	[sflag:s22] =	ssyncset.done $0x0  }
0x87: {  	s28 =	sadd.s32 $0xF00, s9;
	[sflag:s22] =	ssyncadd.s32 $0xFFFFE000  }
0x88: {  	[tilespmem:s2], [sflag:$0x3] =	stream.linear.gather [hbm4b:s28+s2], $0x2800, $0x38;
	[tilespmem:$0x1D000] =	vst v63  }
0x89: {  	_ =	swait.ge [sflag:s16], $0x2800  }
0x8a: {  	[sflag:s16] =	ssyncset.done $0x0  }
0x8b: {  	s28 =	sadd.s32 $0xF00, s10;
	[sflag:s16] =	ssyncadd.s32 $0xFFFFD800  }
0x8c: {  	[tilespmem:s17], [sflag:$0x3] =	stream.linear.gather [hbm4b:s28+s2], $0x2800, $0x38;
	[tilespmem:$0x1D000] =	vst v63  }
0x8d: {  	_ =	swait.ge [sflag:s16], $0x2800  }
0x8e: {  	[sflag:s16] =	ssyncset.done $0x0  }
0x8f: {  	[sflag:s16] =	ssyncadd.s32 $0xFFFFD800  }
0x90: {  	[tilespmem:s19], [sflag:$0x1] =	stream.indirect.gather [hbm4b:s3+s18], $0x80, s2, s18, $0xb8;
	[tilespmem:$0x1D000] =	vst v63  }
0x91: {  	_ =	swait.ge [sflag:s20], $0x2000  }
0x92: {  	[sflag:s20] =	ssyncset.done $0x0  }
0x93: {  	s28 =	simm.s32 $0x80;
	[sflag:s20] =	ssyncadd.s32 $0xFFFFE000  }
0x94: {  	[tilespmem:s21], [sflag:$0x2] =	stream.indirect.gather [hbm4b:s3+s18], $0x80, s28, s18, $0xb8;
	[tilespmem:$0x1D000] =	vst v63  }
0x95: {  	_ =	swait.ge [sflag:s22], $0x2000  }
0x96: {  	[sflag:s22] =	ssyncset.done $0x0  }
0x97: {  	s29 =	simm.s32 $0x100;
	s28 =	simm.s32 $0xFFFF6800;
	[sflag:s22] =	ssyncadd.s32 $0xFFFFE000  }
.LBB2_18:
0x98: {  	[tilespmem:s19], [sflag:$0x1] =	stream.indirect.gather [hbm4b:s3+s18], $0x80, s29, s18, $0xb8;
	[tilespmem:$0x1D000] =	vst v63  }
0x99: {  	s29 =	smov.u32 s28  }
0x9a: {  	p1 =	sne.s32 s28, $0xFFFFFC00;
	s28 =	sadd.s32 $0x400, s28;
	_ =	swait.ge [sflag:s20], $0x2000  }
0x9b: {  	s29 =	sshra.s32 s29, $0x2;
	[sflag:s20] =	ssyncset.done $0x0  }
.Ltmp6:
0x9c: {  	s30 =	sadd.s32 $0x2780, s29;
	[sflag:s20] =	ssyncadd.s32 $0xFFFFE000;
	(pc) =	sbr.rel @p1 .LBB2_18-.Ltmp6, $4  }
0x9d: {  	[tilespmem:s21], [sflag:$0x2] =	stream.indirect.gather [hbm4b:s3+s18], $0x80, s30, s18, $0xb8;
	[tilespmem:$0x1D000] =	vst v63  }
0x9e: {  	_ =	swait.ge [sflag:s22], $0x2000  }
0x9f: {  	[sflag:s22] =	ssyncset.done $0x0  }
0xa0: {  	s29 =	sadd.s32 $0x2800, s29;
	[sflag:s22] =	ssyncadd.s32 $0xFFFFE000  }
.Ltmp7:
0xa1: {  	_ = 	snop;
	(pc) =	sbr.rel .LBB2_19-.Ltmp7, $1  }
0xa2: {  	_ =	sdelay $0x3  }
.LBB2_2:
0xa3: {  	s28 =	sor.u32 $0x1C03, s12  }
0xa4: {  	[spmem:s15], [sflag:s28] =	dma.local [hbm:s8], $0x2800  }
0xa5: {  	_ =	swait.ge [sflag:s16], $0x2800  }
0xa6: {  	[sflag:s16] =	ssyncset.done $0x0  }
0xa7: {  	[sflag:s16] =	ssyncadd.s32 $0xFFFFD800  }
0xa8: {  	[bflag:$0x0] =	sbarrier.arrive $0xFFFF  }
0xa9: {  	[tilespmem:s2], [sflag:$0x3] =	stream.linear.gather [hbm4b:s9+s2], $0x2800, $0x38;
	[tilespmem:$0x1D000] =	vst v63  }
0xaa: {  	_ =	swait.ge [sflag:s16], $0x2800  }
0xab: {  	[sflag:s16] =	ssyncset.done $0x0  }
0xac: {  	[sflag:s16] =	ssyncadd.s32 $0xFFFFD800  }
0xad: {  	[tilespmem:s17], [sflag:$0x3] =	stream.linear.gather [hbm4b:s10+s2], $0x2800, $0x38;
	[tilespmem:$0x1D000] =	vst v63  }
0xae: {  	_ =	swait.ge [sflag:s16], $0x2800  }
0xaf: {  	[sflag:s16] =	ssyncset.done $0x0  }
0xb0: {  	[sflag:s16] =	ssyncadd.s32 $0xFFFFD800  }
0xb1: {  	[tilespmem:s19], [sflag:$0x1] =	stream.indirect.gather [hbm4b:s4+s18], $0x80, s2, s18, $0xb8;
	[tilespmem:$0x1D000] =	vst v63  }
0xb2: {  	_ =	swait.ge [sflag:s20], $0x2000  }
0xb3: {  	[sflag:s20] =	ssyncset.done $0x0  }
0xb4: {  	s29 =	simm.s32 $0x80;
	[sflag:s20] =	ssyncadd.s32 $0xFFFFE000  }
0xb5: {  	[tilespmem:s21], [sflag:$0x2] =	stream.indirect.gather [hbm4b:s4+s18], $0x80, s29, s18, $0xb8;
	[tilespmem:$0x1D000] =	vst v63  }
0xb6: {  	_ =	swait.ge [sflag:s22], $0x2000  }
0xb7: {  	[sflag:s22] =	ssyncset.done $0x0  }
0xb8: {  	s30 =	simm.s32 $0x100;
	s29 =	simm.s32 $0xFFFF6800;
	[sflag:s22] =	ssyncadd.s32 $0xFFFFE000  }
.LBB2_3:
0xb9: {  	[tilespmem:s19], [sflag:$0x1] =	stream.indirect.gather [hbm4b:s4+s18], $0x80, s30, s18, $0xb8;
	[tilespmem:$0x1D000] =	vst v63  }
0xba: {  	s30 =	smov.u32 s29  }
0xbb: {  	p1 =	sne.s32 s29, $0xFFFFFC00;
	s29 =	sadd.s32 $0x400, s29;
	_ =	swait.ge [sflag:s20], $0x2000  }
0xbc: {  	s30 =	sshra.s32 s30, $0x2;
	[sflag:s20] =	ssyncset.done $0x0  }
.Ltmp8:
0xbd: {  	s31 =	sadd.s32 $0x2780, s30;
	[sflag:s20] =	ssyncadd.s32 $0xFFFFE000;
	(pc) =	sbr.rel @p1 .LBB2_3-.Ltmp8, $4  }
0xbe: {  	[tilespmem:s21], [sflag:$0x2] =	stream.indirect.gather [hbm4b:s4+s18], $0x80, s31, s18, $0xb8;
	[tilespmem:$0x1D000] =	vst v63  }
0xbf: {  	_ =	swait.ge [sflag:s22], $0x2000  }
0xc0: {  	[sflag:s22] =	ssyncset.done $0x0  }
0xc1: {  	s30 =	sadd.s32 $0x2800, s30;
	[sflag:s22] =	ssyncadd.s32 $0xFFFFE000  }
0xc2: {  	[tilespmem:s19], [sflag:$0x1] =	stream.indirect.gather [hbm4b:s4+s18], $0x80, s30, s18, $0xb8;
	[tilespmem:$0x1D000] =	vst v63  }
0xc3: {  	_ =	swait.ge [sflag:s20], $0x2000  }
0xc4: {  	[sflag:s20] =	ssyncset.done $0x0  }
0xc5: {  	[sflag:s20] =	ssyncadd.s32 $0xFFFFE000  }
0xc6: {  	[tilespmem:s21], [sflag:$0x2] =	stream.indirect.gather [hbm4b:s4+s18], $0x80, s23, s18, $0xb8;
	[tilespmem:$0x1D000] =	vst v63  }
0xc7: {  	_ =	swait.ge [sflag:s22], $0x2000  }
0xc8: {  	[sflag:s22] =	ssyncset.done $0x0  }
0xc9: {  	[sflag:s22] =	ssyncadd.s32 $0xFFFFE000  }
0xca: {  	[tilespmem:s2], [sflag:$0x3] =	stream.linear.gather [hbm4b:s24+s2], $0x2800, $0x38;
	[tilespmem:$0x1D000] =	vst v63  }
0xcb: {  	_ =	swait.ge [sflag:s16], $0x2800  }
0xcc: {  	[sflag:s16] =	ssyncset.done $0x0  }
0xcd: {  	[sflag:s16] =	ssyncadd.s32 $0xFFFFD800  }
0xce: {  	[tilespmem:s17], [sflag:$0x3] =	stream.linear.gather [hbm4b:s25+s2], $0x2800, $0x38;
	[tilespmem:$0x1D000] =	vst v63  }
0xcf: {  	_ =	swait.ge [sflag:s16], $0x2800  }
0xd0: {  	[sflag:s16] =	ssyncset.done $0x0  }
0xd1: {  	[sflag:s16] =	ssyncadd.s32 $0xFFFFD800  }
0xd2: {  	[tilespmem:s19], [sflag:$0x1] =	stream.indirect.gather [hbm4b:s4+s18], $0x80, s2, s18, $0xb8;
	[tilespmem:$0x1D000] =	vst v63  }
0xd3: {  	_ =	swait.ge [sflag:s20], $0x2000  }
0xd4: {  	[sflag:s20] =	ssyncset.done $0x0  }
0xd5: {  	s29 =	simm.s32 $0x80;
	[sflag:s20] =	ssyncadd.s32 $0xFFFFE000  }
0xd6: {  	[tilespmem:s21], [sflag:$0x2] =	stream.indirect.gather [hbm4b:s4+s18], $0x80, s29, s18, $0xb8;
	[tilespmem:$0x1D000] =	vst v63  }
0xd7: {  	_ =	swait.ge [sflag:s22], $0x2000  }
0xd8: {  	[sflag:s22] =	ssyncset.done $0x0  }
0xd9: {  	s30 =	simm.s32 $0x100;
	s29 =	simm.s32 $0xFFFF6800;
	[sflag:s22] =	ssyncadd.s32 $0xFFFFE000  }
.LBB2_5:
0xda: {  	[tilespmem:s19], [sflag:$0x1] =	stream.indirect.gather [hbm4b:s4+s18], $0x80, s30, s18, $0xb8;
	[tilespmem:$0x1D000] =	vst v63  }
0xdb: {  	s30 =	smov.u32 s29  }
0xdc: {  	p1 =	sne.s32 s29, $0xFFFFFC00;
	s29 =	sadd.s32 $0x400, s29;
	_ =	swait.ge [sflag:s20], $0x2000  }
0xdd: {  	s30 =	sshra.s32 s30, $0x2;
	[sflag:s20] =	ssyncset.done $0x0  }
.Ltmp9:
0xde: {  	s31 =	sadd.s32 $0x2780, s30;
	[sflag:s20] =	ssyncadd.s32 $0xFFFFE000;
	(pc) =	sbr.rel @p1 .LBB2_5-.Ltmp9, $4  }
0xdf: {  	[tilespmem:s21], [sflag:$0x2] =	stream.indirect.gather [hbm4b:s4+s18], $0x80, s31, s18, $0xb8;
	[tilespmem:$0x1D000] =	vst v63  }
0xe0: {  	_ =	swait.ge [sflag:s22], $0x2000  }
0xe1: {  	[sflag:s22] =	ssyncset.done $0x0  }
0xe2: {  	s30 =	sadd.s32 $0x2800, s30;
	[sflag:s22] =	ssyncadd.s32 $0xFFFFE000  }
0xe3: {  	[tilespmem:s19], [sflag:$0x1] =	stream.indirect.gather [hbm4b:s4+s18], $0x80, s30, s18, $0xb8;
	[tilespmem:$0x1D000] =	vst v63  }
0xe4: {  	_ =	swait.ge [sflag:s20], $0x2000  }
0xe5: {  	[sflag:s20] =	ssyncset.done $0x0  }
0xe6: {  	[sflag:s20] =	ssyncadd.s32 $0xFFFFE000  }
0xe7: {  	[tilespmem:s21], [sflag:$0x2] =	stream.indirect.gather [hbm4b:s4+s18], $0x80, s23, s18, $0xb8;
	[tilespmem:$0x1D000] =	vst v63  }
0xe8: {  	_ =	swait.ge [sflag:s22], $0x2000  }
0xe9: {  	[sflag:s22] =	ssyncset.done $0x0  }
0xea: {  	s29 =	sadd.s32 $0xA00, s9;
	[sflag:s22] =	ssyncadd.s32 $0xFFFFE000  }
0xeb: {  	[tilespmem:s2], [sflag:$0x3] =	stream.linear.gather [hbm4b:s29+s2], $0x2800, $0x38;
	[tilespmem:$0x1D000] =	vst v63  }
0xec: {  	_ =	swait.ge [sflag:s16], $0x2800  }
0xed: {  	[sflag:s16] =	ssyncset.done $0x0  }
0xee: {  	s29 =	sadd.s32 $0xA00, s10;
	[sflag:s16] =	ssyncadd.s32 $0xFFFFD800  }
0xef: {  	[tilespmem:s17], [sflag:$0x3] =	stream.linear.gather [hbm4b:s29+s2], $0x2800, $0x38;
	[tilespmem:$0x1D000] =	vst v63  }
0xf0: {  	_ =	swait.ge [sflag:s16], $0x2800  }
0xf1: {  	[sflag:s16] =	ssyncset.done $0x0  }
0xf2: {  	[sflag:s16] =	ssyncadd.s32 $0xFFFFD800  }
0xf3: {  	[tilespmem:s19], [sflag:$0x1] =	stream.indirect.gather [hbm4b:s4+s18], $0x80, s2, s18, $0xb8;
	[tilespmem:$0x1D000] =	vst v63  }
0xf4: {  	_ =	swait.ge [sflag:s20], $0x2000  }
0xf5: {  	[sflag:s20] =	ssyncset.done $0x0  }
0xf6: {  	s29 =	simm.s32 $0x80;
	[sflag:s20] =	ssyncadd.s32 $0xFFFFE000  }
0xf7: {  	[tilespmem:s21], [sflag:$0x2] =	stream.indirect.gather [hbm4b:s4+s18], $0x80, s29, s18, $0xb8;
	[tilespmem:$0x1D000] =	vst v63  }
0xf8: {  	_ =	swait.ge [sflag:s22], $0x2000  }
0xf9: {  	[sflag:s22] =	ssyncset.done $0x0  }
0xfa: {  	s30 =	simm.s32 $0x100;
	s29 =	simm.s32 $0xFFFF6800;
	[sflag:s22] =	ssyncadd.s32 $0xFFFFE000  }
.LBB2_7:
0xfb: {  	[tilespmem:s19], [sflag:$0x1] =	stream.indirect.gather [hbm4b:s4+s18], $0x80, s30, s18, $0xb8;
	[tilespmem:$0x1D000] =	vst v63  }
0xfc: {  	s30 =	smov.u32 s29  }
0xfd: {  	p1 =	sne.s32 s29, $0xFFFFFC00;
	s29 =	sadd.s32 $0x400, s29;
	_ =	swait.ge [sflag:s20], $0x2000  }
0xfe: {  	s30 =	sshra.s32 s30, $0x2;
	[sflag:s20] =	ssyncset.done $0x0  }
.Ltmp10:
0xff: {  	s31 =	sadd.s32 $0x2780, s30;
	[sflag:s20] =	ssyncadd.s32 $0xFFFFE000;
	(pc) =	sbr.rel @p1 .LBB2_7-.Ltmp10, $4  }
0x100: {  	[tilespmem:s21], [sflag:$0x2] =	stream.indirect.gather [hbm4b:s4+s18], $0x80, s31, s18, $0xb8;
	[tilespmem:$0x1D000] =	vst v63  }
0x101: {  	_ =	swait.ge [sflag:s22], $0x2000  }
0x102: {  	[sflag:s22] =	ssyncset.done $0x0  }
0x103: {  	s30 =	sadd.s32 $0x2800, s30;
	[sflag:s22] =	ssyncadd.s32 $0xFFFFE000  }
0x104: {  	[tilespmem:s19], [sflag:$0x1] =	stream.indirect.gather [hbm4b:s4+s18], $0x80, s30, s18, $0xb8;
	[tilespmem:$0x1D000] =	vst v63  }
0x105: {  	_ =	swait.ge [sflag:s20], $0x2000  }
0x106: {  	[sflag:s20] =	ssyncset.done $0x0  }
0x107: {  	[sflag:s20] =	ssyncadd.s32 $0xFFFFE000  }
0x108: {  	[tilespmem:s21], [sflag:$0x2] =	stream.indirect.gather [hbm4b:s4+s18], $0x80, s23, s18, $0xb8;
	[tilespmem:$0x1D000] =	vst v63  }
0x109: {  	_ =	swait.ge [sflag:s22], $0x2000  }
0x10a: {  	[sflag:s22] =	ssyncset.done $0x0  }
0x10b: {  	s29 =	sadd.s32 $0xF00, s9;
	[sflag:s22] =	ssyncadd.s32 $0xFFFFE000  }
0x10c: {  	[tilespmem:s2], [sflag:$0x3] =	stream.linear.gather [hbm4b:s29+s2], $0x2800, $0x38;
	[tilespmem:$0x1D000] =	vst v63  }
0x10d: {  	_ =	swait.ge [sflag:s16], $0x2800  }
0x10e: {  	[sflag:s16] =	ssyncset.done $0x0  }
0x10f: {  	s29 =	sadd.s32 $0xF00, s10;
	[sflag:s16] =	ssyncadd.s32 $0xFFFFD800  }
0x110: {  	[tilespmem:s17], [sflag:$0x3] =	stream.linear.gather [hbm4b:s29+s2], $0x2800, $0x38;
	[tilespmem:$0x1D000] =	vst v63  }
0x111: {  	_ =	swait.ge [sflag:s16], $0x2800  }
0x112: {  	[sflag:s16] =	ssyncset.done $0x0  }
0x113: {  	[sflag:s16] =	ssyncadd.s32 $0xFFFFD800  }
0x114: {  	[tilespmem:s19], [sflag:$0x1] =	stream.indirect.gather [hbm4b:s4+s18], $0x80, s2, s18, $0xb8;
	[tilespmem:$0x1D000] =	vst v63  }
0x115: {  	_ =	swait.ge [sflag:s20], $0x2000  }
0x116: {  	[sflag:s20] =	ssyncset.done $0x0  }
0x117: {  	s29 =	simm.s32 $0x80;
	[sflag:s20] =	ssyncadd.s32 $0xFFFFE000  }
0x118: {  	[tilespmem:s21], [sflag:$0x2] =	stream.indirect.gather [hbm4b:s4+s18], $0x80, s29, s18, $0xb8;
	[tilespmem:$0x1D000] =	vst v63  }
0x119: {  	_ =	swait.ge [sflag:s22], $0x2000  }
0x11a: {  	[sflag:s22] =	ssyncset.done $0x0  }
0x11b: {  	s30 =	simm.s32 $0x100;
	s29 =	simm.s32 $0xFFFF6800;
	[sflag:s22] =	ssyncadd.s32 $0xFFFFE000  }
.LBB2_9:
0x11c: {  	[tilespmem:s19], [sflag:$0x1] =	stream.indirect.gather [hbm4b:s4+s18], $0x80, s30, s18, $0xb8;
	[tilespmem:$0x1D000] =	vst v63  }
0x11d: {  	s30 =	smov.u32 s29  }
0x11e: {  	p1 =	sne.s32 s29, $0xFFFFFC00;
	s29 =	sadd.s32 $0x400, s29;
	_ =	swait.ge [sflag:s20], $0x2000  }
0x11f: {  	s30 =	sshra.s32 s30, $0x2;
	[sflag:s20] =	ssyncset.done $0x0  }
.Ltmp11:
0x120: {  	s31 =	sadd.s32 $0x2780, s30;
	[sflag:s20] =	ssyncadd.s32 $0xFFFFE000;
	(pc) =	sbr.rel @p1 .LBB2_9-.Ltmp11, $4  }
0x121: {  	[tilespmem:s21], [sflag:$0x2] =	stream.indirect.gather [hbm4b:s4+s18], $0x80, s31, s18, $0xb8;
	[tilespmem:$0x1D000] =	vst v63  }
0x122: {  	_ =	swait.ge [sflag:s22], $0x2000  }
0x123: {  	[sflag:s22] =	ssyncset.done $0x0  }
0x124: {  	s30 =	sadd.s32 $0x2800, s30;
	[sflag:s22] =	ssyncadd.s32 $0xFFFFE000  }
0x125: {  	[tilespmem:s19], [sflag:$0x1] =	stream.indirect.gather [hbm4b:s4+s18], $0x80, s30, s18, $0xb8;
	[tilespmem:$0x1D000] =	vst v63  }
.Ltmp12:
0x126: {  	_ = 	snop;
	(pc) =	sbr.rel .LBB2_20-.Ltmp12, $4  }
0x127: {  	_ =	swait.ge [sflag:s20], $0x2000  }
0x128: {  	[sflag:s20] =	ssyncset.done $0x0  }
0x129: {  	s29 =	smov.u32 s7;
	[sflag:s20] =	ssyncadd.s32 $0xFFFFE000  }
0x12a: {  	[tilespmem:s21], [sflag:$0x2] =	stream.indirect.gather [hbm4b:s4+s18], $0x80, s23, s18, $0xb8;
	[tilespmem:$0x1D000] =	vst v63  }
.LBB2_21:
0x12b: {  	_ =	sfence.sel $0x180000  }
0x12c: {  	[bflag:$0x0] =	sbarrier.arrive $0xFFFF  }
0x12d: {  	p0 =	sne.s32 s1, $0x0;
	_ =	strace $0x90000053  }
0x12e: {  	s0 =	sadd.s32 @!p0 $0x100000, s0;
	[bflag:$0x2] =	sbarrier.arrive $0xFFFF  }
0x12f: {  	[sflag:s0] =	ssyncadd.tile.s32 @!p0 $0x1;
	_ =	shalt  }
.Lfunc_end2:
_tile_overlayer_lowered:
.L_overlay_start_2:
0x130: {  	(tag) =	ssettag $0x2  }
0x131: {  	s0 =	rddreg [dreg:$0x0];
	s2 =	stileid.u32  }
0x132: {  	s1 =	rddreg [dreg:$0x1];
	p0 =	sne.s32 s2, $0x0  }
0x133: {  	s3 =	rddreg [dreg:$0x2];
	[bflag:$0x3] =	sbarrier.arrive $0xFFFF;
	s2 =	simm.s32 @!p0 $0x1C03  }
0x134: {  	[timem:s3], [sflag:s2] =	dma.local @!p0 [hbm:s0], s1  }
0x135: {  	s0 =	simm.s32 @!p0 $0x3  }
0x136: {  	_ =	swait.ge @!p0 [sflag:s0], s1  }
0x137: {  	s1 =	ssub.s32 @!p0 $0x0, s1;
	[sflag:s0] =	ssyncset.done @!p0 $0x0  }
0x138: {  	[sflag:s0] =	ssyncadd.s32 @!p0 s1  }
0x139: {  	[bflag:$0x3] =	sbarrier.arrive $0xFFFF  }
0x13a: {  	_ =	shalt  }

// kernel: kernel.31.cloned.1.call-start
scs
__scs_entry_jumppad:
0x0: {  	(pc) =	sbr.rel $0x88, $3  }
0x1: {  	(tag) =	ssettag $0x0;
	lr =	simm.s32 $0x1  }
0x2: {  	[smem:$0x3F91] =	sst lr;
	_ =	strace $0xD0000000  }
0x3: {  	_ = 	snop  }
0x4: {  	_ = 	snop  }
0x5: {  	_ = 	snop  }
0x6: {  	_ = 	snop  }
0x7: {  	_ = 	snop  }
__scs_overlays_trampoline_lowered:
0x8: {  	[smem:$0x3FA0] =	sst s0  }
0x9: {  	[smem:$0x3FA1] =	sst s1  }
0xa: {  	[smem:$0x3FA2] =	sst s2  }
0xb: {  	[smem:$0x3FA3] =	sst s3  }
0xc: {  	[smem:$0x3FA4] =	sst s4  }
0xd: {  	[smem:$0x3FA5] =	sst s5  }
0xe: {  	[smem:$0x3FA6] =	sst s6  }
0xf: {  	[smem:$0x3FA7] =	sst s7  }
0x10: {  	[smem:$0x3FA8] =	sst s8  }
0x11: {  	[smem:$0x3FA9] =	sst s9;
	s0 =	simm.s32 @!p0 $0x0  }
0x12: {  	s1 =	sld [smem:$0x3F8F];
	s0 =	simm.s32 @p0 $0x1  }
0x13: {  	[smem:$0x3FAA] =	sst s0;
	s0 =	simm.s32 @!p1 $0x0  }
0x14: {  	s2 =	sld [smem:$0x3F8E];
	s0 =	simm.s32 @p1 $0x1  }
0x15: {  	[smem:$0x3FAB] =	sst s0;
	s0 =	simm.s32 @!p2 $0x0  }
0x16: {  	s3 =	sld [smem:$0x3FDB];
	s0 =	simm.s32 @p2 $0x1  }
0x17: {  	s4 =	simm.s32 $0x1BF5;
	[smem:$0x3FAD] =	sst s0  }
0x18: {  	s0 =	sld [smem:$0x3F90];
	_ =	swait.ge [sflag:s4], $0x0  }
0x19: {  	s7 =	sld [smem:$0x3F91]  }
0x1a: {  	s8 =	sadd.s32 $0xFFFFE003, lr  }
0x1b: {  	s9 =	sadd.s32 $0xFFFFFEF7, lr;
	s5 =	simm.s32 $0xFFFFFFFF;
	p2 =	slt.u32 s8, $0xFFFFF086  }
0x1c: {  	p1 =	slt.u32 s9, $0xF7A;
	s5 =	simm.s32 @!p2 $0x0  }
0x1d: {  	s5 =	simm.s32 @p1 $0x1;
	p0 =	seq.s32 s7, s2  }
0x1e: {  	s7 =	smul.u32 @!p0 $0xF7A, s2;
	p2 =	seq.s32 @!p0 s5, $0x0  }
0x1f: {  	s9 =	smul.u32 $0xF7A, s1;
	s8 =	simm.s32 @!p0 $0x1BF5;
	p2 =	por !p2, p0  }
0x20: {  	[sflag:s8] =	ssyncset.s32 @!p0 $0xFFFFF086;
	s6 =	sadd.s32 @!p0 s3, s7;
	s7 =	simm.s32 @!p0 $0x108  }
0x21: {  	s3 =	sadd.s32 s3, s9;
	s6 =	sadd.s32 @!p0 $0x88, s6;
	s7 =	simm.s32 @p2 $0x1082  }
0x22: {  	[simem:s7], [sflag:s8] =	dma.local @!p0 [hbm:s6], $0xF7A  }
0x23: {  	s9 =	sor.u32 $0xD0000000, s2;
	s6 =	simm.s32 $0x108;
	_ =	swait.ge @!p0 [sflag:s8], $0x0  }
0x24: {  	s3 =	sadd.s32 $0x88, s3;
	s6 =	simm.s32 @!p1 $0x1082;
	[sflag:s4] =	ssyncset.s32 $0xFFFFF086  }
0x25: {  	[simem:s6], [sflag:s4] =	dma.local [hbm:s3], $0xF7A  }
0x26: {  	[smem:$0x3F91] =	sst s1;
	(tag) =	ssettag s2;
	_ =	strace s9  }
0x27: {  	s1 =	sld [smem:$0x3FA1]  }
0x28: {  	s2 =	sld [smem:$0x3FA2]  }
0x29: {  	s4 =	sld [smem:$0x3FA4]  }
0x2a: {  	p0 =	seq.s32 s5, $0x0;
	s5 =	sld [smem:$0x3FA5]  }
0x2b: {  	s6 =	sld [smem:$0x3FA6]  }
0x2c: {  	s7 =	sld [smem:$0x3FA7]  }
0x2d: {  	s3 =	simm.s32 $0x108;
	s8 =	sld [smem:$0x3FA8]  }
0x2e: {  	s3 =	simm.s32 @!p0 $0x1082;
	s9 =	sld [smem:$0x3FA9]  }
0x2f: {  	lr =	sadd.s32 s0, s3;
	s0 =	sld [smem:$0x3FA0]  }
0x30: {  	s3 =	sld [smem:$0x3FA3]  }
0x31: {  	[smem:$0x3FAC] =	sst s10  }
0x32: {  	s10 =	sld [smem:$0x3FAA];
	_ =	sdelay $0x3  }
0x33: {  	p0 =	seq.s32 s10, $0x1;
	s10 =	sld [smem:$0x3FAC];
	_ =	sdelay $0x3  }
0x34: {  	[smem:$0x3FAC] =	sst s10  }
0x35: {  	s10 =	sld [smem:$0x3FAB];
	_ =	sdelay $0x3  }
0x36: {  	p1 =	seq.s32 s10, $0x1;
	s10 =	sld [smem:$0x3FAC];
	_ =	sdelay $0x3  }
0x37: {  	[smem:$0x3FAC] =	sst s10  }
0x38: {  	s10 =	sld [smem:$0x3FAD]  }
0x39: {  	_ = 	snop;
	(pc) =	sbr.ind lr, $3  }
0x3a: {  	_ = 	snop  }
0x3b: {  	_ = 	snop  }
0x3c: {  	p2 =	seq.s32 s10, $0x1;
	s10 =	sld [smem:$0x3FAC]  }
0x3d: {  	_ =	shalt  }
0x3e: {  	_ =	shalt  }
0x3f: {  	_ =	shalt  }
0x40: {  	_ =	shalt  }
0x41: {  	_ =	shalt  }
0x42: {  	_ =	shalt  }
0x43: {  	_ =	shalt  }
0x44: {  	_ =	shalt  }
0x45: {  	_ =	shalt  }
0x46: {  	_ =	shalt  }
0x47: {  	_ =	shalt  }
0x48: {  	_ =	shalt  }
0x49: {  	_ =	shalt  }
0x4a: {  	_ =	shalt  }
0x4b: {  	_ =	shalt  }
0x4c: {  	_ =	shalt  }
0x4d: {  	_ =	shalt  }
0x4e: {  	_ =	shalt  }
0x4f: {  	_ =	shalt  }
0x50: {  	_ =	shalt  }
0x51: {  	_ =	shalt  }
0x52: {  	_ =	shalt  }
0x53: {  	_ =	shalt  }
0x54: {  	_ =	shalt  }
0x55: {  	_ =	shalt  }
0x56: {  	_ =	shalt  }
0x57: {  	_ =	shalt  }
0x58: {  	_ =	shalt  }
0x59: {  	_ =	shalt  }
0x5a: {  	_ =	shalt  }
0x5b: {  	_ =	shalt  }
0x5c: {  	_ =	shalt  }
0x5d: {  	_ =	shalt  }
0x5e: {  	_ =	shalt  }
0x5f: {  	_ =	shalt  }
0x60: {  	_ =	shalt  }
0x61: {  	_ =	shalt  }
0x62: {  	_ =	shalt  }
0x63: {  	_ =	shalt  }
0x64: {  	_ =	shalt  }
0x65: {  	_ =	shalt  }
0x66: {  	_ =	shalt  }
0x67: {  	_ =	shalt  }
0x68: {  	_ =	shalt  }
0x69: {  	_ =	shalt  }
0x6a: {  	_ =	shalt  }
0x6b: {  	_ =	shalt  }
0x6c: {  	_ =	shalt  }
0x6d: {  	_ =	shalt  }
0x6e: {  	_ =	shalt  }
0x6f: {  	_ =	shalt  }
0x70: {  	_ =	shalt  }
0x71: {  	_ =	shalt  }
0x72: {  	_ =	shalt  }
0x73: {  	_ =	shalt  }
0x74: {  	_ =	shalt  }
0x75: {  	_ =	shalt  }
0x76: {  	_ =	shalt  }
0x77: {  	_ =	shalt  }
0x78: {  	_ =	shalt  }
0x79: {  	_ =	shalt  }
0x7a: {  	_ =	shalt  }
0x7b: {  	_ =	shalt  }
0x7c: {  	_ =	shalt  }
0x7d: {  	_ =	shalt  }
0x7e: {  	_ =	shalt  }
0x7f: {  	_ =	shalt  }
0x80: {  	_ =	shalt  }
0x81: {  	_ =	shalt  }
0x82: {  	_ =	shalt  }
0x83: {  	_ =	shalt  }
0x84: {  	_ =	shalt  }
0x85: {  	_ =	shalt  }
0x86: {  	_ =	shalt  }
0x87: {  	_ =	shalt  }
.Lfunc_end0:
.L_simem_size_0:
called_computation.5_lowered:
.L_overlay_start_0:
0x88: {  	s2 =	sld [smem:$0x3FD9]  }
0x89: {  	s3 =	sld [smem:$0x3FFE];
	_ =	sdelay $0x1  }
0x8a: {  	s1 =	srdreg.scid  }
0x8b: {  	s0 =	sand.u32 $0x1, s1  }
0x8c: {  	s17 =	sshll.u32 s0, $0xA;
	s2 =	sadd.s32 s3, s2  }
0x8d: {  	s2 =	sadd.s32 s2, s17  }
0x8e: {  	[smem:$0x3FB8] =	sst s2  }
0x8f: {  	_ = 	snop  }
0x90: {  	s2 =	sld [smem:$0x3FD0];
	(tm) =	ssettm $0x1  }
0x91: {  	s18 =	sld [smem:$0x3FFB];
	_ =	sdelay $0x3  }
0x92: {  	_ =	strace s18  }
0x93: {  	s3 =	sld [smem:$0x3FFC];
	_ =	sdelay $0x3  }
0x94: {  	_ =	strace s3  }
0x95: {  	s3 =	sld [smem:$0x3FFD];
	_ =	sdelay $0x3  }
0x96: {  	_ =	strace s3  }
0x97: {  	_ =	strace $0x8FFFFFFF  }
0x98: {  	s19 =	sld [smem:$0x3FDB];
	_ =	sdelay $0x1  }
0x99: {  	s4 =	simm.s32 $_scs_section_size  }
0x9a: {  	s5 =	simm.s32 $_size__tile_overlayer_lowered;
	s6 =	simm.s32 $_tile_overlayer_lowered  }
0x9b: {  	s22 =	simm.s32 $0x1BFF;
	s21 =	sshll.u32 s6, $0x1;
	s3 =	sadd.s32 s4, s19  }
0x9c: {  	s7 =	simm.s32 $0x0;
	s20 =	sshll.u32 s5, $0x1;
	s5 =	sadd.s32 s21, s3  }
0x9d: {  	[timem:s7], [sflag:s22] =	dma.local [hbm:s5], s20  }
0x9e: {  	_ =	swait.ge [sflag:s22], s20  }
0x9f: {  	s4 =	ssub.s32 $0x0, s20;
	[sflag:s22] =	ssyncset.done $0x0  }
0xa0: {  	[sflag:s22] =	ssyncadd.s32 s4;
	_ =	sdelay $0x1  }
0xa1: {  	s23 =	simm.s32 $0x1B8B  }
0xa2: {  	_ =	swait.ge [sflag:s23], $0x1  }
0xa3: {  	[sflag:s23] =	ssyncset.done $0x0  }
0xa4: {  	s25 =	simm.s32 $0x1B8E;
	s24 =	sld [smem:$0x3FFE];
	[sflag:s23] =	ssyncadd.s32 $0xFFFFFFFF  }
0xa5: {  	s26 =	simm.s32 $execute0_lowered;
	[smem:$0x3FD2] =	sst s25  }
0xa6: {  	s5 =	sshll.u32 s26, $0x1;
	_ =	strace $0x80000055;
	[dreg:$0x1] =	wrdreg $0xFFFFFFFF  }
0xa7: {  	s28 =	simm.s32 $_size_execute0_lowered;
	s3 =	sadd.s32 s3, s5;
	[dreg:$0x0] =	wrdreg $0x0  }
0xa8: {  	s5 =	sshll.u32 s28, $0x1;
	[dreg:$0x2] =	wrdreg s3  }
0xa9: {  	[dreg:$0x3] =	wrdreg s5  }
0xaa: {  	[dreg:$0x4] =	wrdreg $0xC0  }
0xab: {  	_ =	task [dreg:s7], $0x5FFFF  }
0xac: {  	[dreg:$0x1] =	wrdreg $0xFFFFFFFF  }
0xad: {  	[dreg:$0x0] =	wrdreg $0x60  }
0xae: {  	[dreg:$0x2] =	wrdreg s24  }
0xaf: {  	[dreg:$0x3] =	wrdreg s2  }
0xb0: {  	[dreg:$0x4] =	wrdreg $0x90000  }
0xb1: {  	[dreg:$0x5] =	wrdreg $0x9  }
0xb2: {  	_ =	task.clear_ibuf [dreg:s7], $0x6FFFF;
	_ =	strace $0x90000055  }
0xb3: {  	s29 =	simm.s32 $0x9;
	_ =	strace $0x80000057  }
0xb4: {  	_ =	swait.ge [sflag:s29], $0x1  }
0xb5: {  	[sflag:s29] =	ssyncadd.s32 $0xFFFFFFFF  }
0xb6: {  	_ =	strace $0x90000057  }
0xb7: {  	_ =	sfence  }
0xb8: {  	s30 =	sld [smem:$0x0];
	_ =	sdelay $0x2  }
0xb9: {  	s31 =	sshll.u32 s1, $0xD;
	s1 =	sshrl.u32 s1, $0x2  }
0xba: {  	s3 =	sand.u32 $0x4000, s31;
	s1 =	sadd.s32 s1, s30  }
0xbb: {  	s0 =	sor.u32 s3, s0;
	s1 =	sshll.u32 s1, $0x11  }
0xbc: {  	s0 =	sor.u32 s1, s0  }
0xbd: {  	s0 =	sadd.s32 $0x8F2B, s0  }
0xbe: {  	[sflag:s0] =	ssyncadd.remote.s32 $0x1  }
0xbf: {  	_ =	sfence.sel $0xFFFF  }
0xc0: {  	[dreg:$0x0] =	wrdreg $0xFFFFFFFF;
	(pc) =	sbr.abs _section_cstart, $3  }
0xc1: {  	[dreg:$0x1] =	wrdreg $0xFFFFFFFF  }
0xc2: {  	_ =	task.clear_ibuf [dreg:s7], $0x2FFFF;
	_ =	strace $0x9FFFFFFF  }
0xc3: {  	(tm) =	ssettm $0x7FFFFFFF  }
tec
execute0_lowered:
.L_overlay_start_1:
0x0: {  	(tag) =	ssettag $0x1  }
0x1: {  	s8 =	rddreg [dreg:$0x0]  }
0x2: {  	s0 =	srdreg.scid;
	s9 =	rddreg [dreg:$0x1]  }
0x3: {  	s4 =	rddreg [dreg:$0x2];
	s1 =	stileid.u32  }
0x4: {  	s2 =	simm.s32 $0x0;
	s14 =	simm.s32 $0x44000;
	s15 =	simm.s32 $0x1  }
0x5: {  	s16 =	simm.s32 $0x7000;
	s17 =	simm.s32 $0x2;
	s18 =	simm.s32 $0x2780  }
0x6: {  	s10 =	sand.u32 $0x1, s0;
	s0 =	rddreg [dreg:$0x3];
	s6 =	smul.u32 $0x50000, s1  }
0x7: {  	s21 =	simm.s32 $0x0;
	[smem:$0x7FF] =	sst s2;
	s12 =	smul.u32 $0x2800, s1  }
0x8: {  	s31 =	sshll.u32 s1, $0x6;
	s3 =	sshll.u32 s10, $0x4;
	_ =	strace $0x80000056  }
0x9: {  	s30 =	ssub.s32 $0x2, s10;
	p0 =	seq.s32 s10, $0x0;
	s3 =	sor.u32 s1, s3  }
0xa: {  	s11 =	sshrl.u32 s30, $0x1;
	s6 =	sshrl.u32 s6, $0x2;
	s14 =	simm.s32 @!p0 $0x6C000  }
0xb: {  	p0 =	sne.s32 s10, $0x0;
	s5 =	smul.u32 $0xA00, s3;
	s3 =	sadd.s32 $0x1C000, s8  }
0xc: {  	s11 =	ssub.s32 s30, s11;
	s13 =	sadd.s32 s6, s4;
	s4 =	sadd.s32 s3, s12  }
0xd: {  	s10 =	sshrl.u32 s13, $0x3;
	s13 =	simm.s32 $0x40;
	s7 =	sadd.s32 s5, s8  }
0xe: {  	s8 =	sadd.s32 s14, s8;
	s4 =	smov.u32 @p0 s9;
	s9 =	sor.u32 $0x1C03, s31  }
0xf: {  	s14 =	simm.s32 $0x5000;
	s5 =	sadd.s32 $0x94000, s7;
	s6 =	sadd.s32 $0x8000, s7  }
0x10: {  	s7 =	smax.u32 s11, $0x1;
	s8 =	sadd.s32 s8, s12;
	s11 =	simm.s32 $0x3  }
0x11: {  	s12 =	simm.s32 $0x2800;
	s19 =	sadd.s32 $0x500, s5;
	s20 =	sadd.s32 $0x500, s6  }
.LBB2_1:
0x12: {  	[spmem:s10], [sflag:s9] =	dma.local [hbm:s4], $0x2800  }
0x13: {  	_ =	swait.ge [sflag:s11], $0x2800  }
0x14: {  	[sflag:s11] =	ssyncset.done $0x0  }
0x15: {  	[sflag:s11] =	ssyncadd.s32 $0xFFFFD800  }
0x16: {  	[bflag:$0x0] =	sbarrier.arrive $0xFFFF  }
0x17: {  	[tilespmem:s2], [sflag:$0x3] =	stream.linear.gather [hbm4b:s5+s2], $0x2800, $0x38;
	[tilespmem:$0x1D000] =	vst v63  }
0x18: {  	_ =	swait.ge [sflag:s11], $0x2800  }
0x19: {  	[sflag:s11] =	ssyncset.done $0x0  }
0x1a: {  	[sflag:s11] =	ssyncadd.s32 $0xFFFFD800  }
0x1b: {  	[tilespmem:s12], [sflag:$0x3] =	stream.linear.gather [hbm4b:s6+s2], $0x2800, $0x38;
	[tilespmem:$0x1D000] =	vst v63  }
0x1c: {  	_ =	swait.ge [sflag:s11], $0x2800  }
0x1d: {  	[sflag:s11] =	ssyncset.done $0x0  }
0x1e: {  	[sflag:s11] =	ssyncadd.s32 $0xFFFFD800  }
0x1f: {  	[tilespmem:s14], [sflag:$0x1] =	stream.indirect.gather [hbm4b:s3+s13], $0x80, s2, s13, $0xb8;
	[tilespmem:$0x1D000] =	vst v63  }
0x20: {  	_ =	swait.ge [sflag:s15], $0x2000  }
0x21: {  	[sflag:s15] =	ssyncset.done $0x0  }
0x22: {  	s22 =	simm.s32 $0x80;
	[sflag:s15] =	ssyncadd.s32 $0xFFFFE000  }
0x23: {  	[tilespmem:s16], [sflag:$0x2] =	stream.indirect.gather [hbm4b:s3+s13], $0x80, s22, s13, $0xb8;
	[tilespmem:$0x1D000] =	vst v63  }
0x24: {  	_ =	swait.ge [sflag:s17], $0x2000  }
0x25: {  	[sflag:s17] =	ssyncset.done $0x0  }
0x26: {  	s23 =	simm.s32 $0x100;
	s22 =	simm.s32 $0xFFFF6800;
	[sflag:s17] =	ssyncadd.s32 $0xFFFFE000  }
.LBB2_2:
0x27: {  	[tilespmem:s14], [sflag:$0x1] =	stream.indirect.gather [hbm4b:s3+s13], $0x80, s23, s13, $0xb8;
	[tilespmem:$0x1D000] =	vst v63  }
0x28: {  	s23 =	smov.u32 s22  }
0x29: {  	p0 =	sne.s32 s22, $0xFFFFFC00;
	s22 =	sadd.s32 $0x400, s22;
	_ =	swait.ge [sflag:s15], $0x2000  }
0x2a: {  	s23 =	sshra.s32 s23, $0x2;
	[sflag:s15] =	ssyncset.done $0x0  }
.Ltmp0:
0x2b: {  	s24 =	sadd.s32 $0x2780, s23;
	[sflag:s15] =	ssyncadd.s32 $0xFFFFE000;
	(pc) =	sbr.rel @p0 .LBB2_2-.Ltmp0, $4  }
0x2c: {  	[tilespmem:s16], [sflag:$0x2] =	stream.indirect.gather [hbm4b:s3+s13], $0x80, s24, s13, $0xb8;
	[tilespmem:$0x1D000] =	vst v63  }
0x2d: {  	_ =	swait.ge [sflag:s17], $0x2000  }
0x2e: {  	[sflag:s17] =	ssyncset.done $0x0  }
0x2f: {  	s23 =	sadd.s32 $0x2800, s23;
	[sflag:s17] =	ssyncadd.s32 $0xFFFFE000  }
0x30: {  	[tilespmem:s14], [sflag:$0x1] =	stream.indirect.gather [hbm4b:s3+s13], $0x80, s23, s13, $0xb8;
	[tilespmem:$0x1D000] =	vst v63  }
0x31: {  	_ =	swait.ge [sflag:s15], $0x2000  }
0x32: {  	[sflag:s15] =	ssyncset.done $0x0  }
0x33: {  	[sflag:s15] =	ssyncadd.s32 $0xFFFFE000  }
0x34: {  	[tilespmem:s16], [sflag:$0x2] =	stream.indirect.gather [hbm4b:s3+s13], $0x80, s18, s13, $0xb8;
	[tilespmem:$0x1D000] =	vst v63  }
0x35: {  	_ =	swait.ge [sflag:s17], $0x2000  }
0x36: {  	[sflag:s17] =	ssyncset.done $0x0  }
0x37: {  	[sflag:s17] =	ssyncadd.s32 $0xFFFFE000  }
0x38: {  	[tilespmem:s2], [sflag:$0x3] =	stream.linear.gather [hbm4b:s19+s2], $0x2800, $0x38;
	[tilespmem:$0x1D000] =	vst v63  }
0x39: {  	_ =	swait.ge [sflag:s11], $0x2800  }
0x3a: {  	[sflag:s11] =	ssyncset.done $0x0  }
0x3b: {  	[sflag:s11] =	ssyncadd.s32 $0xFFFFD800  }
0x3c: {  	[tilespmem:s12], [sflag:$0x3] =	stream.linear.gather [hbm4b:s20+s2], $0x2800, $0x38;
	[tilespmem:$0x1D000] =	vst v63  }
0x3d: {  	_ =	swait.ge [sflag:s11], $0x2800  }
0x3e: {  	[sflag:s11] =	ssyncset.done $0x0  }
0x3f: {  	[sflag:s11] =	ssyncadd.s32 $0xFFFFD800  }
0x40: {  	[tilespmem:s14], [sflag:$0x1] =	stream.indirect.gather [hbm4b:s3+s13], $0x80, s2, s13, $0xb8;
	[tilespmem:$0x1D000] =	vst v63  }
0x41: {  	_ =	swait.ge [sflag:s15], $0x2000  }
0x42: {  	[sflag:s15] =	ssyncset.done $0x0  }
0x43: {  	s22 =	simm.s32 $0x80;
	[sflag:s15] =	ssyncadd.s32 $0xFFFFE000  }
0x44: {  	[tilespmem:s16], [sflag:$0x2] =	stream.indirect.gather [hbm4b:s3+s13], $0x80, s22, s13, $0xb8;
	[tilespmem:$0x1D000] =	vst v63  }
0x45: {  	_ =	swait.ge [sflag:s17], $0x2000  }
0x46: {  	[sflag:s17] =	ssyncset.done $0x0  }
0x47: {  	s23 =	simm.s32 $0x100;
	s22 =	simm.s32 $0xFFFF6800;
	[sflag:s17] =	ssyncadd.s32 $0xFFFFE000  }
.LBB2_4:
0x48: {  	[tilespmem:s14], [sflag:$0x1] =	stream.indirect.gather [hbm4b:s3+s13], $0x80, s23, s13, $0xb8;
	[tilespmem:$0x1D000] =	vst v63  }
0x49: {  	s23 =	smov.u32 s22  }
0x4a: {  	p0 =	sne.s32 s22, $0xFFFFFC00;
	s22 =	sadd.s32 $0x400, s22;
	_ =	swait.ge [sflag:s15], $0x2000  }
0x4b: {  	s23 =	sshra.s32 s23, $0x2;
	[sflag:s15] =	ssyncset.done $0x0  }
.Ltmp1:
0x4c: {  	s24 =	sadd.s32 $0x2780, s23;
	[sflag:s15] =	ssyncadd.s32 $0xFFFFE000;
	(pc) =	sbr.rel @p0 .LBB2_4-.Ltmp1, $4  }
0x4d: {  	[tilespmem:s16], [sflag:$0x2] =	stream.indirect.gather [hbm4b:s3+s13], $0x80, s24, s13, $0xb8;
	[tilespmem:$0x1D000] =	vst v63  }
0x4e: {  	_ =	swait.ge [sflag:s17], $0x2000  }
0x4f: {  	[sflag:s17] =	ssyncset.done $0x0  }
0x50: {  	s23 =	sadd.s32 $0x2800, s23;
	[sflag:s17] =	ssyncadd.s32 $0xFFFFE000  }
0x51: {  	[tilespmem:s14], [sflag:$0x1] =	stream.indirect.gather [hbm4b:s3+s13], $0x80, s23, s13, $0xb8;
	[tilespmem:$0x1D000] =	vst v63  }
0x52: {  	_ =	swait.ge [sflag:s15], $0x2000  }
0x53: {  	[sflag:s15] =	ssyncset.done $0x0  }
0x54: {  	[sflag:s15] =	ssyncadd.s32 $0xFFFFE000  }
0x55: {  	[tilespmem:s16], [sflag:$0x2] =	stream.indirect.gather [hbm4b:s3+s13], $0x80, s18, s13, $0xb8;
	[tilespmem:$0x1D000] =	vst v63  }
0x56: {  	_ =	swait.ge [sflag:s17], $0x2000  }
0x57: {  	s21 =	sadd.s32 $0x1, s21;
	[sflag:s17] =	ssyncset.done $0x0  }
0x58: {  	p0 =	sne.s32 s21, s7;
	[sflag:s17] =	ssyncadd.s32 $0xFFFFE000  }
.Ltmp2:
0x59: {  	[bflag:$0x0] =	sbarrier.arrive $0xFFFF;
	(pc) =	sbr.rel @p0 .LBB2_1-.Ltmp2, $4  }
0x5a: {  	[hbm:s8], [sflag:s9] =	dma.local [spmem:s10], $0x2800  }
0x5b: {  	_ =	swait.ge [sflag:s11], $0x2800  }
0x5c: {  	[sflag:s11] =	ssyncset.done $0x0  }
0x5d: {  	[sflag:s11] =	ssyncadd.s32 $0xFFFFD800  }
0x5e: {  	_ =	sfence.sel $0x180000  }
0x5f: {  	[bflag:$0x0] =	sbarrier.arrive $0xFFFF  }
0x60: {  	p0 =	sne.s32 s1, $0x0;
	_ =	strace $0x90000056  }
0x61: {  	s0 =	sadd.s32 @!p0 $0x100000, s0;
	[bflag:$0x2] =	sbarrier.arrive $0xFFFF  }
0x62: {  	[sflag:s0] =	ssyncadd.tile.s32 @!p0 $0x1;
	_ =	shalt  }
.Lfunc_end2:
_tile_overlayer_lowered:
.L_overlay_start_2:
0x63: {  	(tag) =	ssettag $0x2  }
0x64: {  	s0 =	rddreg [dreg:$0x0];
	s2 =	stileid.u32  }
0x65: {  	s1 =	rddreg [dreg:$0x1];
	p0 =	sne.s32 s2, $0x0  }
0x66: {  	s3 =	rddreg [dreg:$0x2];
	[bflag:$0x3] =	sbarrier.arrive $0xFFFF;
	s2 =	simm.s32 @!p0 $0x1C03  }
0x67: {  	[timem:s3], [sflag:s2] =	dma.local @!p0 [hbm:s0], s1  }
0x68: {  	s0 =	simm.s32 @!p0 $0x3  }
0x69: {  	_ =	swait.ge @!p0 [sflag:s0], s1  }
0x6a: {  	s1 =	ssub.s32 @!p0 $0x0, s1;
	[sflag:s0] =	ssyncset.done @!p0 $0x0  }
0x6b: {  	[sflag:s0] =	ssyncadd.s32 @!p0 s1  }
0x6c: {  	[bflag:$0x3] =	sbarrier.arrive $0xFFFF  }
0x6d: {  	_ =	shalt  }

// kernel: kernel.34.cloned.1.call-start
scs
__scs_entry_jumppad:
0x0: {  	(pc) =	sbr.rel $0x88, $3  }
0x1: {  	(tag) =	ssettag $0x0;
	lr =	simm.s32 $0x1  }
0x2: {  	[smem:$0x3F91] =	sst lr;
	_ =	strace $0xD0000000  }
0x3: {  	_ = 	snop  }
0x4: {  	_ = 	snop  }
0x5: {  	_ = 	snop  }
0x6: {  	_ = 	snop  }
0x7: {  	_ = 	snop  }
__scs_overlays_trampoline_lowered:
0x8: {  	[smem:$0x3FA0] =	sst s0  }
0x9: {  	[smem:$0x3FA1] =	sst s1  }
0xa: {  	[smem:$0x3FA2] =	sst s2  }
0xb: {  	[smem:$0x3FA3] =	sst s3  }
0xc: {  	[smem:$0x3FA4] =	sst s4  }
0xd: {  	[smem:$0x3FA5] =	sst s5  }
0xe: {  	[smem:$0x3FA6] =	sst s6  }
0xf: {  	[smem:$0x3FA7] =	sst s7  }
0x10: {  	[smem:$0x3FA8] =	sst s8  }
0x11: {  	[smem:$0x3FA9] =	sst s9;
	s0 =	simm.s32 @!p0 $0x0  }
0x12: {  	s1 =	sld [smem:$0x3F8F];
	s0 =	simm.s32 @p0 $0x1  }
0x13: {  	[smem:$0x3FAA] =	sst s0;
	s0 =	simm.s32 @!p1 $0x0  }
0x14: {  	s2 =	sld [smem:$0x3F8E];
	s0 =	simm.s32 @p1 $0x1  }
0x15: {  	[smem:$0x3FAB] =	sst s0;
	s0 =	simm.s32 @!p2 $0x0  }
0x16: {  	s3 =	sld [smem:$0x3FDB];
	s0 =	simm.s32 @p2 $0x1  }
0x17: {  	s4 =	simm.s32 $0x1BF5;
	[smem:$0x3FAD] =	sst s0  }
0x18: {  	s0 =	sld [smem:$0x3F90];
	_ =	swait.ge [sflag:s4], $0x0  }
0x19: {  	s7 =	sld [smem:$0x3F91]  }
0x1a: {  	s8 =	sadd.s32 $0xFFFFE003, lr  }
0x1b: {  	s9 =	sadd.s32 $0xFFFFFEF7, lr;
	s5 =	simm.s32 $0xFFFFFFFF;
	p2 =	slt.u32 s8, $0xFFFFF086  }
0x1c: {  	p1 =	slt.u32 s9, $0xF7A;
	s5 =	simm.s32 @!p2 $0x0  }
0x1d: {  	s5 =	simm.s32 @p1 $0x1;
	p0 =	seq.s32 s7, s2  }
0x1e: {  	s7 =	smul.u32 @!p0 $0xF7A, s2;
	p2 =	seq.s32 @!p0 s5, $0x0  }
0x1f: {  	s9 =	smul.u32 $0xF7A, s1;
	s8 =	simm.s32 @!p0 $0x1BF5;
	p2 =	por !p2, p0  }
0x20: {  	[sflag:s8] =	ssyncset.s32 @!p0 $0xFFFFF086;
	s6 =	sadd.s32 @!p0 s3, s7;
	s7 =	simm.s32 @!p0 $0x108  }
0x21: {  	s3 =	sadd.s32 s3, s9;
	s6 =	sadd.s32 @!p0 $0x88, s6;
	s7 =	simm.s32 @p2 $0x1082  }
0x22: {  	[simem:s7], [sflag:s8] =	dma.local @!p0 [hbm:s6], $0xF7A  }
0x23: {  	s9 =	sor.u32 $0xD0000000, s2;
	s6 =	simm.s32 $0x108;
	_ =	swait.ge @!p0 [sflag:s8], $0x0  }
0x24: {  	s3 =	sadd.s32 $0x88, s3;
	s6 =	simm.s32 @!p1 $0x1082;
	[sflag:s4] =	ssyncset.s32 $0xFFFFF086  }
0x25: {  	[simem:s6], [sflag:s4] =	dma.local [hbm:s3], $0xF7A  }
0x26: {  	[smem:$0x3F91] =	sst s1;
	(tag) =	ssettag s2;
	_ =	strace s9  }
0x27: {  	s1 =	sld [smem:$0x3FA1]  }
0x28: {  	s2 =	sld [smem:$0x3FA2]  }
0x29: {  	s4 =	sld [smem:$0x3FA4]  }
0x2a: {  	p0 =	seq.s32 s5, $0x0;
	s5 =	sld [smem:$0x3FA5]  }
0x2b: {  	s6 =	sld [smem:$0x3FA6]  }
0x2c: {  	s7 =	sld [smem:$0x3FA7]  }
0x2d: {  	s3 =	simm.s32 $0x108;
	s8 =	sld [smem:$0x3FA8]  }
0x2e: {  	s3 =	simm.s32 @!p0 $0x1082;
	s9 =	sld [smem:$0x3FA9]  }
0x2f: {  	lr =	sadd.s32 s0, s3;
	s0 =	sld [smem:$0x3FA0]  }
0x30: {  	s3 =	sld [smem:$0x3FA3]  }
0x31: {  	[smem:$0x3FAC] =	sst s10  }
0x32: {  	s10 =	sld [smem:$0x3FAA];
	_ =	sdelay $0x3  }
0x33: {  	p0 =	seq.s32 s10, $0x1;
	s10 =	sld [smem:$0x3FAC];
	_ =	sdelay $0x3  }
0x34: {  	[smem:$0x3FAC] =	sst s10  }
0x35: {  	s10 =	sld [smem:$0x3FAB];
	_ =	sdelay $0x3  }
0x36: {  	p1 =	seq.s32 s10, $0x1;
	s10 =	sld [smem:$0x3FAC];
	_ =	sdelay $0x3  }
0x37: {  	[smem:$0x3FAC] =	sst s10  }
0x38: {  	s10 =	sld [smem:$0x3FAD]  }
0x39: {  	_ = 	snop;
	(pc) =	sbr.ind lr, $3  }
0x3a: {  	_ = 	snop  }
0x3b: {  	_ = 	snop  }
0x3c: {  	p2 =	seq.s32 s10, $0x1;
	s10 =	sld [smem:$0x3FAC]  }
0x3d: {  	_ =	shalt  }
0x3e: {  	_ =	shalt  }
0x3f: {  	_ =	shalt  }
0x40: {  	_ =	shalt  }
0x41: {  	_ =	shalt  }
0x42: {  	_ =	shalt  }
0x43: {  	_ =	shalt  }
0x44: {  	_ =	shalt  }
0x45: {  	_ =	shalt  }
0x46: {  	_ =	shalt  }
0x47: {  	_ =	shalt  }
0x48: {  	_ =	shalt  }
0x49: {  	_ =	shalt  }
0x4a: {  	_ =	shalt  }
0x4b: {  	_ =	shalt  }
0x4c: {  	_ =	shalt  }
0x4d: {  	_ =	shalt  }
0x4e: {  	_ =	shalt  }
0x4f: {  	_ =	shalt  }
0x50: {  	_ =	shalt  }
0x51: {  	_ =	shalt  }
0x52: {  	_ =	shalt  }
0x53: {  	_ =	shalt  }
0x54: {  	_ =	shalt  }
0x55: {  	_ =	shalt  }
0x56: {  	_ =	shalt  }
0x57: {  	_ =	shalt  }
0x58: {  	_ =	shalt  }
0x59: {  	_ =	shalt  }
0x5a: {  	_ =	shalt  }
0x5b: {  	_ =	shalt  }
0x5c: {  	_ =	shalt  }
0x5d: {  	_ =	shalt  }
0x5e: {  	_ =	shalt  }
0x5f: {  	_ =	shalt  }
0x60: {  	_ =	shalt  }
0x61: {  	_ =	shalt  }
0x62: {  	_ =	shalt  }
0x63: {  	_ =	shalt  }
0x64: {  	_ =	shalt  }
0x65: {  	_ =	shalt  }
0x66: {  	_ =	shalt  }
0x67: {  	_ =	shalt  }
0x68: {  	_ =	shalt  }
0x69: {  	_ =	shalt  }
0x6a: {  	_ =	shalt  }
0x6b: {  	_ =	shalt  }
0x6c: {  	_ =	shalt  }
0x6d: {  	_ =	shalt  }
0x6e: {  	_ =	shalt  }
0x6f: {  	_ =	shalt  }
0x70: {  	_ =	shalt  }
0x71: {  	_ =	shalt  }
0x72: {  	_ =	shalt  }
0x73: {  	_ =	shalt  }
0x74: {  	_ =	shalt  }
0x75: {  	_ =	shalt  }
0x76: {  	_ =	shalt  }
0x77: {  	_ =	shalt  }
0x78: {  	_ =	shalt  }
0x79: {  	_ =	shalt  }
0x7a: {  	_ =	shalt  }
0x7b: {  	_ =	shalt  }
0x7c: {  	_ =	shalt  }
0x7d: {  	_ =	shalt  }
0x7e: {  	_ =	shalt  }
0x7f: {  	_ =	shalt  }
0x80: {  	_ =	shalt  }
0x81: {  	_ =	shalt  }
0x82: {  	_ =	shalt  }
0x83: {  	_ =	shalt  }
0x84: {  	_ =	shalt  }
0x85: {  	_ =	shalt  }
0x86: {  	_ =	shalt  }
0x87: {  	_ =	shalt  }
.Lfunc_end0:
.L_simem_size_0:
called_computation.6_lowered:
.L_overlay_start_0:
0x88: {  	s2 =	sld [smem:$0x3FD9]  }
0x89: {  	s3 =	sld [smem:$0x3FFE];
	_ =	sdelay $0x1  }
0x8a: {  	s1 =	srdreg.scid  }
0x8b: {  	s0 =	sand.u32 $0x1, s1  }
0x8c: {  	s17 =	sshll.u32 s0, $0xA;
	s2 =	sadd.s32 s3, s2  }
0x8d: {  	s2 =	sadd.s32 s2, s17  }
0x8e: {  	[smem:$0x3FB8] =	sst s2  }
0x8f: {  	_ = 	snop  }
0x90: {  	s2 =	sld [smem:$0x3FD0];
	(tm) =	ssettm $0x1  }
0x91: {  	s18 =	sld [smem:$0x3FFB];
	_ =	sdelay $0x3  }
0x92: {  	_ =	strace s18  }
0x93: {  	s3 =	sld [smem:$0x3FFC];
	_ =	sdelay $0x3  }
0x94: {  	_ =	strace s3  }
0x95: {  	s3 =	sld [smem:$0x3FFD];
	_ =	sdelay $0x3  }
0x96: {  	_ =	strace s3  }
0x97: {  	_ =	strace $0x8FFFFFFF  }
0x98: {  	s19 =	sld [smem:$0x3FDB];
	_ =	sdelay $0x1  }
0x99: {  	s4 =	simm.s32 $_scs_section_size  }
0x9a: {  	s5 =	simm.s32 $_size__tile_overlayer_lowered;
	s6 =	simm.s32 $_tile_overlayer_lowered  }
0x9b: {  	s22 =	simm.s32 $0x1BFF;
	s21 =	sshll.u32 s6, $0x1;
	s3 =	sadd.s32 s4, s19  }
0x9c: {  	s7 =	simm.s32 $0x0;
	s20 =	sshll.u32 s5, $0x1;
	s5 =	sadd.s32 s21, s3  }
0x9d: {  	[timem:s7], [sflag:s22] =	dma.local [hbm:s5], s20  }
0x9e: {  	_ =	swait.ge [sflag:s22], s20  }
0x9f: {  	s4 =	ssub.s32 $0x0, s20;
	[sflag:s22] =	ssyncset.done $0x0  }
0xa0: {  	[sflag:s22] =	ssyncadd.s32 s4;
	_ =	sdelay $0x1  }
0xa1: {  	s23 =	simm.s32 $0x1B8B  }
0xa2: {  	_ =	swait.ge [sflag:s23], $0x1  }
0xa3: {  	[sflag:s23] =	ssyncset.done $0x0  }
0xa4: {  	s25 =	simm.s32 $0x1B8E;
	s24 =	sld [smem:$0x3FFE];
	[sflag:s23] =	ssyncadd.s32 $0xFFFFFFFF  }
0xa5: {  	s26 =	simm.s32 $execute0_lowered;
	[smem:$0x3FD2] =	sst s25  }
0xa6: {  	s5 =	sshll.u32 s26, $0x1;
	_ =	strace $0x80000058;
	[dreg:$0x1] =	wrdreg $0xFFFFFFFF  }
0xa7: {  	s28 =	simm.s32 $_size_execute0_lowered;
	s3 =	sadd.s32 s3, s5;
	[dreg:$0x0] =	wrdreg $0x0  }
0xa8: {  	s5 =	sshll.u32 s28, $0x1;
	[dreg:$0x2] =	wrdreg s3  }
0xa9: {  	[dreg:$0x3] =	wrdreg s5  }
0xaa: {  	[dreg:$0x4] =	wrdreg $0xC0  }
0xab: {  	_ =	task [dreg:s7], $0x5FFFF  }
0xac: {  	[dreg:$0x1] =	wrdreg $0xFFFFFFFF  }
0xad: {  	[dreg:$0x0] =	wrdreg $0x60  }
0xae: {  	[dreg:$0x2] =	wrdreg s24  }
0xaf: {  	[dreg:$0x3] =	wrdreg s2  }
0xb0: {  	[dreg:$0x4] =	wrdreg $0x90000  }
0xb1: {  	[dreg:$0x5] =	wrdreg $0x9  }
0xb2: {  	_ =	task.clear_ibuf [dreg:s7], $0x6FFFF;
	_ =	strace $0x90000058  }
0xb3: {  	s29 =	simm.s32 $0x9;
	_ =	strace $0x8000005A  }
0xb4: {  	_ =	swait.ge [sflag:s29], $0x1  }
0xb5: {  	[sflag:s29] =	ssyncadd.s32 $0xFFFFFFFF  }
0xb6: {  	_ =	strace $0x9000005A  }
0xb7: {  	_ =	sfence  }
0xb8: {  	s30 =	sld [smem:$0x0];
	_ =	sdelay $0x2  }
0xb9: {  	s31 =	sshll.u32 s1, $0xD;
	s1 =	sshrl.u32 s1, $0x2  }
0xba: {  	s3 =	sand.u32 $0x4000, s31;
	s1 =	sadd.s32 s1, s30  }
0xbb: {  	s0 =	sor.u32 s3, s0;
	s1 =	sshll.u32 s1, $0x11  }
0xbc: {  	s0 =	sor.u32 s1, s0  }
0xbd: {  	s0 =	sadd.s32 $0x8F2B, s0  }
0xbe: {  	[sflag:s0] =	ssyncadd.remote.s32 $0x1  }
0xbf: {  	_ =	sfence.sel $0xFFFF  }
0xc0: {  	[dreg:$0x0] =	wrdreg $0xFFFFFFFF;
	(pc) =	sbr.abs _section_cstart, $3  }
0xc1: {  	[dreg:$0x1] =	wrdreg $0xFFFFFFFF  }
0xc2: {  	_ =	task.clear_ibuf [dreg:s7], $0x2FFFF;
	_ =	strace $0x9FFFFFFF  }
0xc3: {  	(tm) =	ssettm $0x7FFFFFFF  }
tec
execute0_lowered:
.L_overlay_start_1:
0x0: {  	(tag) =	ssettag $0x1  }
0x1: {  	s8 =	rddreg [dreg:$0x0]  }
0x2: {  	s0 =	srdreg.scid;
	s9 =	rddreg [dreg:$0x1]  }
0x3: {  	s4 =	rddreg [dreg:$0x2];
	s1 =	stileid.u32  }
0x4: {  	s2 =	simm.s32 $0x0;
	s14 =	simm.s32 $0x44000;
	s15 =	simm.s32 $0x1  }
0x5: {  	s16 =	simm.s32 $0x7000;
	s17 =	simm.s32 $0x2;
	s18 =	simm.s32 $0x2780  }
0x6: {  	s10 =	sand.u32 $0x1, s0;
	s0 =	rddreg [dreg:$0x3];
	s6 =	smul.u32 $0x50000, s1  }
0x7: {  	s21 =	simm.s32 $0x0;
	[smem:$0x7FF] =	sst s2;
	s12 =	smul.u32 $0x2800, s1  }
0x8: {  	s31 =	sshll.u32 s1, $0x6;
	s3 =	sshll.u32 s10, $0x4;
	_ =	strace $0x80000059  }
0x9: {  	s30 =	ssub.s32 $0x2, s10;
	p0 =	seq.s32 s10, $0x0;
	s3 =	sor.u32 s1, s3  }
0xa: {  	s11 =	sshrl.u32 s30, $0x1;
	s6 =	sshrl.u32 s6, $0x2;
	s14 =	simm.s32 @!p0 $0x6C000  }
0xb: {  	p0 =	sne.s32 s10, $0x0;
	s5 =	smul.u32 $0xA00, s3;
	s3 =	sadd.s32 $0x1C000, s8  }
0xc: {  	s11 =	ssub.s32 s30, s11;
	s13 =	sadd.s32 s6, s4;
	s4 =	sadd.s32 s3, s12  }
0xd: {  	s10 =	sshrl.u32 s13, $0x3;
	s13 =	simm.s32 $0x40;
	s7 =	sadd.s32 s5, s8  }
0xe: {  	s8 =	sadd.s32 s14, s8;
	s4 =	smov.u32 @p0 s9;
	s9 =	sor.u32 $0x1C03, s31  }
0xf: {  	s14 =	simm.s32 $0x5000;
	s5 =	sadd.s32 $0x94000, s7;
	s6 =	sadd.s32 $0x8000, s7  }
0x10: {  	s7 =	smax.u32 s11, $0x1;
	s8 =	sadd.s32 s8, s12;
	s11 =	simm.s32 $0x3  }
0x11: {  	s12 =	simm.s32 $0x2800;
	s19 =	sadd.s32 $0x500, s5;
	s20 =	sadd.s32 $0x500, s6  }
.LBB2_1:
0x12: {  	[spmem:s10], [sflag:s9] =	dma.local [hbm:s4], $0x2800  }
0x13: {  	_ =	swait.ge [sflag:s11], $0x2800  }
0x14: {  	[sflag:s11] =	ssyncset.done $0x0  }
0x15: {  	[sflag:s11] =	ssyncadd.s32 $0xFFFFD800  }
0x16: {  	[bflag:$0x0] =	sbarrier.arrive $0xFFFF  }
0x17: {  	[tilespmem:s2], [sflag:$0x3] =	stream.linear.gather [hbm4b:s5+s2], $0x2800, $0x38;
	[tilespmem:$0x1D000] =	vst v63  }
0x18: {  	_ =	swait.ge [sflag:s11], $0x2800  }
0x19: {  	[sflag:s11] =	ssyncset.done $0x0  }
0x1a: {  	[sflag:s11] =	ssyncadd.s32 $0xFFFFD800  }
0x1b: {  	[tilespmem:s12], [sflag:$0x3] =	stream.linear.gather [hbm4b:s6+s2], $0x2800, $0x38;
	[tilespmem:$0x1D000] =	vst v63  }
0x1c: {  	_ =	swait.ge [sflag:s11], $0x2800  }
0x1d: {  	[sflag:s11] =	ssyncset.done $0x0  }
0x1e: {  	[sflag:s11] =	ssyncadd.s32 $0xFFFFD800  }
0x1f: {  	[tilespmem:s14], [sflag:$0x1] =	stream.indirect.gather [hbm4b:s3+s13], $0x80, s2, s13, $0xb8;
	[tilespmem:$0x1D000] =	vst v63  }
0x20: {  	_ =	swait.ge [sflag:s15], $0x2000  }
0x21: {  	[sflag:s15] =	ssyncset.done $0x0  }
0x22: {  	s22 =	simm.s32 $0x80;
	[sflag:s15] =	ssyncadd.s32 $0xFFFFE000  }
0x23: {  	[tilespmem:s16], [sflag:$0x2] =	stream.indirect.gather [hbm4b:s3+s13], $0x80, s22, s13, $0xb8;
	[tilespmem:$0x1D000] =	vst v63  }
0x24: {  	_ =	swait.ge [sflag:s17], $0x2000  }
0x25: {  	[sflag:s17] =	ssyncset.done $0x0  }
0x26: {  	s23 =	simm.s32 $0x100;
	s22 =	simm.s32 $0xFFFF6800;
	[sflag:s17] =	ssyncadd.s32 $0xFFFFE000  }
.LBB2_2:
0x27: {  	[tilespmem:s14], [sflag:$0x1] =	stream.indirect.gather [hbm4b:s3+s13], $0x80, s23, s13, $0xb8;
	[tilespmem:$0x1D000] =	vst v63  }
0x28: {  	s23 =	smov.u32 s22  }
0x29: {  	p0 =	sne.s32 s22, $0xFFFFFC00;
	s22 =	sadd.s32 $0x400, s22;
	_ =	swait.ge [sflag:s15], $0x2000  }
0x2a: {  	s23 =	sshra.s32 s23, $0x2;
	[sflag:s15] =	ssyncset.done $0x0  }
.Ltmp0:
0x2b: {  	s24 =	sadd.s32 $0x2780, s23;
	[sflag:s15] =	ssyncadd.s32 $0xFFFFE000;
	(pc) =	sbr.rel @p0 .LBB2_2-.Ltmp0, $4  }
0x2c: {  	[tilespmem:s16], [sflag:$0x2] =	stream.indirect.gather [hbm4b:s3+s13], $0x80, s24, s13, $0xb8;
	[tilespmem:$0x1D000] =	vst v63  }
0x2d: {  	_ =	swait.ge [sflag:s17], $0x2000  }
0x2e: {  	[sflag:s17] =	ssyncset.done $0x0  }
0x2f: {  	s23 =	sadd.s32 $0x2800, s23;
	[sflag:s17] =	ssyncadd.s32 $0xFFFFE000  }
0x30: {  	[tilespmem:s14], [sflag:$0x1] =	stream.indirect.gather [hbm4b:s3+s13], $0x80, s23, s13, $0xb8;
	[tilespmem:$0x1D000] =	vst v63  }
0x31: {  	_ =	swait.ge [sflag:s15], $0x2000  }
0x32: {  	[sflag:s15] =	ssyncset.done $0x0  }
0x33: {  	[sflag:s15] =	ssyncadd.s32 $0xFFFFE000  }
0x34: {  	[tilespmem:s16], [sflag:$0x2] =	stream.indirect.gather [hbm4b:s3+s13], $0x80, s18, s13, $0xb8;
	[tilespmem:$0x1D000] =	vst v63  }
0x35: {  	_ =	swait.ge [sflag:s17], $0x2000  }
0x36: {  	[sflag:s17] =	ssyncset.done $0x0  }
0x37: {  	[sflag:s17] =	ssyncadd.s32 $0xFFFFE000  }
0x38: {  	[tilespmem:s2], [sflag:$0x3] =	stream.linear.gather [hbm4b:s19+s2], $0x2800, $0x38;
	[tilespmem:$0x1D000] =	vst v63  }
0x39: {  	_ =	swait.ge [sflag:s11], $0x2800  }
0x3a: {  	[sflag:s11] =	ssyncset.done $0x0  }
0x3b: {  	[sflag:s11] =	ssyncadd.s32 $0xFFFFD800  }
0x3c: {  	[tilespmem:s12], [sflag:$0x3] =	stream.linear.gather [hbm4b:s20+s2], $0x2800, $0x38;
	[tilespmem:$0x1D000] =	vst v63  }
0x3d: {  	_ =	swait.ge [sflag:s11], $0x2800  }
0x3e: {  	[sflag:s11] =	ssyncset.done $0x0  }
0x3f: {  	[sflag:s11] =	ssyncadd.s32 $0xFFFFD800  }
0x40: {  	[tilespmem:s14], [sflag:$0x1] =	stream.indirect.gather [hbm4b:s3+s13], $0x80, s2, s13, $0xb8;
	[tilespmem:$0x1D000] =	vst v63  }
0x41: {  	_ =	swait.ge [sflag:s15], $0x2000  }
0x42: {  	[sflag:s15] =	ssyncset.done $0x0  }
0x43: {  	s22 =	simm.s32 $0x80;
	[sflag:s15] =	ssyncadd.s32 $0xFFFFE000  }
0x44: {  	[tilespmem:s16], [sflag:$0x2] =	stream.indirect.gather [hbm4b:s3+s13], $0x80, s22, s13, $0xb8;
	[tilespmem:$0x1D000] =	vst v63  }
0x45: {  	_ =	swait.ge [sflag:s17], $0x2000  }
0x46: {  	[sflag:s17] =	ssyncset.done $0x0  }
0x47: {  	s23 =	simm.s32 $0x100;
	s22 =	simm.s32 $0xFFFF6800;
	[sflag:s17] =	ssyncadd.s32 $0xFFFFE000  }
.LBB2_4:
0x48: {  	[tilespmem:s14], [sflag:$0x1] =	stream.indirect.gather [hbm4b:s3+s13], $0x80, s23, s13, $0xb8;
	[tilespmem:$0x1D000] =	vst v63  }
0x49: {  	s23 =	smov.u32 s22  }
0x4a: {  	p0 =	sne.s32 s22, $0xFFFFFC00;
	s22 =	sadd.s32 $0x400, s22;
	_ =	swait.ge [sflag:s15], $0x2000  }
0x4b: {  	s23 =	sshra.s32 s23, $0x2;
	[sflag:s15] =	ssyncset.done $0x0  }
.Ltmp1:
0x4c: {  	s24 =	sadd.s32 $0x2780, s23;
	[sflag:s15] =	ssyncadd.s32 $0xFFFFE000;
	(pc) =	sbr.rel @p0 .LBB2_4-.Ltmp1, $4  }
0x4d: {  	[tilespmem:s16], [sflag:$0x2] =	stream.indirect.gather [hbm4b:s3+s13], $0x80, s24, s13, $0xb8;
	[tilespmem:$0x1D000] =	vst v63  }
0x4e: {  	_ =	swait.ge [sflag:s17], $0x2000  }
0x4f: {  	[sflag:s17] =	ssyncset.done $0x0  }
0x50: {  	s23 =	sadd.s32 $0x2800, s23;
	[sflag:s17] =	ssyncadd.s32 $0xFFFFE000  }
0x51: {  	[tilespmem:s14], [sflag:$0x1] =	stream.indirect.gather [hbm4b:s3+s13], $0x80, s23, s13, $0xb8;
	[tilespmem:$0x1D000] =	vst v63  }
0x52: {  	_ =	swait.ge [sflag:s15], $0x2000  }
0x53: {  	[sflag:s15] =	ssyncset.done $0x0  }
0x54: {  	[sflag:s15] =	ssyncadd.s32 $0xFFFFE000  }
0x55: {  	[tilespmem:s16], [sflag:$0x2] =	stream.indirect.gather [hbm4b:s3+s13], $0x80, s18, s13, $0xb8;
	[tilespmem:$0x1D000] =	vst v63  }
0x56: {  	_ =	swait.ge [sflag:s17], $0x2000  }
0x57: {  	s21 =	sadd.s32 $0x1, s21;
	[sflag:s17] =	ssyncset.done $0x0  }
0x58: {  	p0 =	sne.s32 s21, s7;
	[sflag:s17] =	ssyncadd.s32 $0xFFFFE000  }
.Ltmp2:
0x59: {  	[bflag:$0x0] =	sbarrier.arrive $0xFFFF;
	(pc) =	sbr.rel @p0 .LBB2_1-.Ltmp2, $4  }
0x5a: {  	[hbm:s8], [sflag:s9] =	dma.local [spmem:s10], $0x2800  }
0x5b: {  	_ =	swait.ge [sflag:s11], $0x2800  }
0x5c: {  	[sflag:s11] =	ssyncset.done $0x0  }
0x5d: {  	[sflag:s11] =	ssyncadd.s32 $0xFFFFD800  }
0x5e: {  	_ =	sfence.sel $0x180000  }
0x5f: {  	[bflag:$0x0] =	sbarrier.arrive $0xFFFF  }
0x60: {  	p0 =	sne.s32 s1, $0x0;
	_ =	strace $0x90000059  }
0x61: {  	s0 =	sadd.s32 @!p0 $0x100000, s0;
	[bflag:$0x2] =	sbarrier.arrive $0xFFFF  }
0x62: {  	[sflag:s0] =	ssyncadd.tile.s32 @!p0 $0x1;
	_ =	shalt  }
.Lfunc_end2:
_tile_overlayer_lowered:
.L_overlay_start_2:
0x63: {  	(tag) =	ssettag $0x2  }
0x64: {  	s0 =	rddreg [dreg:$0x0];
	s2 =	stileid.u32  }
0x65: {  	s1 =	rddreg [dreg:$0x1];
	p0 =	sne.s32 s2, $0x0  }
0x66: {  	s3 =	rddreg [dreg:$0x2];
	[bflag:$0x3] =	sbarrier.arrive $0xFFFF;
	s2 =	simm.s32 @!p0 $0x1C03  }
0x67: {  	[timem:s3], [sflag:s2] =	dma.local @!p0 [hbm:s0], s1  }
0x68: {  	s0 =	simm.s32 @!p0 $0x3  }
0x69: {  	_ =	swait.ge @!p0 [sflag:s0], s1  }
0x6a: {  	s1 =	ssub.s32 @!p0 $0x0, s1;
	[sflag:s0] =	ssyncset.done @!p0 $0x0  }
0x6b: {  	[sflag:s0] =	ssyncadd.s32 @!p0 s1  }
0x6c: {  	[bflag:$0x3] =	sbarrier.arrive $0xFFFF  }
0x6d: {  	_ =	shalt  }

</sc_bundles>
